<compile_context>
chip_gen: v7x
topology: tpu7x:2x2x1
jax: 0.10.2.dev20260603
libtpu: 0.0.44.dev20260713+nightly
codegen_flags: <defaults>
</compile_context>

<pallas_src>
import functools

import jax
import jax.numpy as jnp
from jax import lax
from jax.experimental import pallas as pl
from jax.experimental.pallas import tpu as pltpu
from jax.experimental.pallas import tpu_sc as plsc

F = 100
E = 64
NE = 100
ROWS = F * NE
L = 16
NC = 2
NS = 16
NW = NC * NS

C = 8
CF = C * F
NVE = CF // L
G = 80
NG = CF // G
RU = 4


def _scale_table_body(w_ref, o_ref):
    w = w_ref[...]
    norm = jnp.sqrt(jnp.sum(w * w, axis=1, keepdims=True))
    scale = jnp.where(norm > 1.0, 1.0 / (norm + 1e-7), 1.0) * (1.0 / F)
    o_ref[...] = w * scale


def _scale_table(weight):
    return pl.pallas_call(
        _scale_table_body,
        grid=(10,),
        in_specs=[pl.BlockSpec((ROWS // 10, E), lambda i: (i, 0))],
        out_specs=pl.BlockSpec((ROWS // 10, E), lambda i: (i, 0)),
        out_shape=jax.ShapeDtypeStruct((ROWS, E), jnp.float32),
    )(weight)


def _make_sc_kernel(n_tok):
    tpw = n_tok // NW
    chunks = tpw // C
    mesh = plsc.VectorSubcoreMesh(core_axis_name="c", subcore_axis_name="s")

    @functools.partial(
        pl.kernel,
        mesh=mesh,
        compiler_params=pltpu.CompilerParams(use_tc_tiling_on_sc=False,
                                             needs_layout_passes=False),
        out_type=jax.ShapeDtypeStruct((n_tok, E), jnp.float32),
        scratch_types=[
            pltpu.VMEM((2, CF), jnp.float32),
            pltpu.VMEM((2, CF), jnp.int32),
            pltpu.VMEM((CF,), jnp.int32),
            pltpu.VMEM((2, CF, E), jnp.bfloat16),
            pltpu.VMEM((2, C, E), jnp.float32),
            pltpu.VMEM_SHARED((ROWS, E), jnp.bfloat16),
            pltpu.SemaphoreType.DMA,
            pltpu.SemaphoreType.DMA,
            pltpu.SemaphoreType.DMA,
            pltpu.SemaphoreType.DMA,
            pltpu.SemaphoreType.DMA,
            pltpu.SemaphoreType.DMA,
        ],
    )
    def sc_gather(x_hbm, table_hbm, out_hbm, x_v, idx_v, off_v, rows_v,
                  out_v, table_sh, semr0, semr1, semx0, semx1, semo0, semo1):
        wid = lax.axis_index("c") * NS + lax.axis_index("s")
        base_tok = wid * tpw
        semr = (semr0, semr1)
        semx = (semx0, semx1)
        semo = (semo0, semo1)

        @pl.when(lax.axis_index("s") == 0)
        def _stage():
            pltpu.sync_copy(table_hbm, table_sh)

        plsc.subcore_barrier()

        def _off_body(v, carry):
            j = lax.iota(jnp.int32, L) + v * L
            off_v[pl.ds(v * L, L)] = (j % F) * NE
            return carry

        lax.fori_loop(0, NVE, _off_body, 0)

        def _x_copy(g, b):
            return pltpu.make_async_copy(
                x_hbm.at[pl.ds((base_tok + g * C) * F, CF)],
                x_v.at[b], semx[b])

        def _out_copy(g, b):
            return pltpu.make_async_copy(
                out_v.at[b], out_hbm.at[pl.ds(base_tok + g * C, C)], semo[b])

        def _gathers(b):
            return [
                pltpu.make_async_copy(
                    table_sh.at[idx_v.at[b, pl.ds(i * G, G)]],
                    rows_v.at[b, pl.ds(i * G, G)],
                    semr[b],
                )
                for i in range(NG)
            ]

        def _prep(g, b):
            def _idx_body(v, c2):
                xe = x_v[b, pl.ds(v * L, L)]
                xi = jnp.clip((xe + 50.0).astype(jnp.int32), 0, NE - 1)
                idx_v[b, pl.ds(v * L, L)] = xi + off_v[pl.ds(v * L, L)]
                return c2

            lax.fori_loop(0, NVE, _idx_body, 0)
            for cp in _gathers(b):
                cp.start()

        def _pair(i, carry):
            for b in (0, 1):
                g = i * 2 + b
                nb = 1 - b

                @pl.when(g + 1 < chunks)
                def _():
                    _x_copy(g + 1, nb).wait()
                    _prep(g + 1, nb)

                @pl.when(g + 2 < chunks)
                def _():
                    _x_copy(g + 2, b).start()

                for cp in _gathers(b):
                    cp.wait()

                @pl.when(g >= 2)
                def _():
                    _out_copy(g - 2, b).wait()

                for t in range(C):
                    def _red(q, acc):
                        r0 = t * F + q * RU
                        for u in range(0, RU, 2):
                            h0 = (rows_v[b, r0 + u, pl.ds(0, 2 * L)]
                                  + rows_v[b, r0 + u + 1, pl.ds(0, 2 * L)])
                            h1 = (rows_v[b, r0 + u, pl.ds(2 * L, 2 * L)]
                                  + rows_v[b, r0 + u + 1, pl.ds(2 * L, 2 * L)])
                            a0, a1 = plsc.unpack(
                                h0, format=plsc.PackFormat.INTERLEAVED)
                            a2, a3 = plsc.unpack(
                                h1, format=plsc.PackFormat.INTERLEAVED)
                            acc = (acc[0] + a0, acc[1] + a1,
                                   acc[2] + a2, acc[3] + a3)
                        return acc

                    z = jnp.zeros((L,), jnp.float32)
                    acc = lax.fori_loop(0, F // RU, _red, (z, z, z, z))
                    for c in range(E // L):
                        out_v[b, t, pl.ds(c * L, L)] = acc[c]

                _out_copy(g, b).start()
            return carry

        _x_copy(0, 0).start()
        _x_copy(0, 0).wait()
        _prep(0, 0)
        _x_copy(1, 1).start()
        lax.fori_loop(0, chunks // 2, _pair, 0)
        _out_copy(chunks - 2, 0).wait()
        _out_copy(chunks - 1, 1).wait()

    return sc_gather


def kernel(x, weight):
    b, s, f = x.shape
    n_tok = b * s
    scaled = _scale_table(weight)
    stored = (scaled.reshape(ROWS, 2, 2, L).transpose(0, 1, 3, 2)
              .reshape(ROWS, E).astype(jnp.bfloat16))
    out = _make_sc_kernel(n_tok)(x.reshape(n_tok * f), stored)
    return out.reshape(b, s, E)

# --- scband reference (transcript-rebuilt; emitter-appended) ---
"""Pipeline reference for scband-embedding-encoder-523986010385 (READ-ONLY COPY).

The authoritative reference and input builder live on the scoring server;
editing this copy changes nothing except your own understanding.
"""

import jax, jax.numpy as jnp
import numpy as np

NUM_FEATURES = 100
EM_SIZE = 64
NUM_EMBS = 100
MIN_MAX = (-2, 2)


def setup_inputs(seed: int = 0) -> dict:
    key = jax.random.key(seed)
    k1, k2 = jax.random.split(key)
    x = jax.random.normal(k1, (1024, 50, NUM_FEATURES), dtype=jnp.float32)
    # nn.Embedding weight init: uniform(-0.1, 0.1)
    weight = jax.random.uniform(k2, (NUM_EMBS * NUM_FEATURES, EM_SIZE), minval=-0.1, maxval=0.1, dtype=jnp.float32)
    return {"x": x, "weight": weight}


def reference(x, weight):
    width = MIN_MAX[1] - MIN_MAX[0]
    split_size = width / NUM_EMBS  # 0.04
    # discretize: (x - min // split_size).int().clamp(0, num_embs-1)
    offset = MIN_MAX[0] // split_size  # -2 // 0.04 = -50.0 (python floor division)
    x_idxs = jnp.clip((x - offset).astype(jnp.int32), 0, NUM_EMBS - 1)
    # per-feature offset into the flat table
    x_idxs = x_idxs + jnp.arange(x.shape[-1], dtype=jnp.int32).reshape(1, 1, -1) * NUM_EMBS
    # embedding lookup (gather)
    emb = jnp.take(weight, x_idxs, axis=0)  # [B, S, F, E]
    # nn.Embedding(max_norm=True) -> max_norm=1.0: renorm rows whose L2 norm > 1
    norms = jnp.linalg.norm(emb, axis=-1, keepdims=True)
    scale = jnp.where(norms > 1.0, 1.0 / (norms + 1e-7), 1.0)
    emb = emb * scale
    # mean over feature axis
    return emb.mean(axis=-2)

if __name__ == "__main__":
    import jax
    _d = setup_inputs()
    print(jax.jit(kernel)(*tuple(_d.values())))

</pallas_src>

<mosaic_0001>
#map = affine_map<(d0, d1) -> (0)>
#map1 = affine_map<(d0, d1) -> (0, 0)>
module attributes {stable_mosaic.version = 14 : i64} {
  func.func @sc_gather(%arg0: i32, %arg1: i32, %arg2: memref<5120000xf32, #tpu.memory_space<hbm>>, %arg3: memref<10000x64xbf16, #tpu.memory_space<hbm>>, %arg4: memref<51200x64xf32, #tpu.memory_space<hbm>>, %arg5: memref<2x800xf32, #tpu.memory_space<vmem>>, %arg6: memref<2x800xi32, #tpu.memory_space<vmem>>, %arg7: memref<800xi32, #tpu.memory_space<vmem>>, %arg8: memref<2x800x64xbf16, #tpu.memory_space<vmem>>, %arg9: memref<2x8x64xf32, #tpu.memory_space<vmem>>, %arg10: memref<10000x64xbf16, #tpu.memory_space<vmem_shared>>, %arg11: memref<!tpu.dma_semaphore, #tpu.memory_space<semaphore_mem>>, %arg12: memref<!tpu.dma_semaphore, #tpu.memory_space<semaphore_mem>>, %arg13: memref<!tpu.dma_semaphore, #tpu.memory_space<semaphore_mem>>, %arg14: memref<!tpu.dma_semaphore, #tpu.memory_space<semaphore_mem>>, %arg15: memref<!tpu.dma_semaphore, #tpu.memory_space<semaphore_mem>>, %arg16: memref<!tpu.dma_semaphore, #tpu.memory_space<semaphore_mem>>) attributes {dimension_semantics = [#tpu.dimension_semantics<core_parallel>, #tpu.dimension_semantics<subcore_parallel>], iteration_bounds = array<i64: 2, 16>, scalar_prefetch = 0 : i64, scratch_operands = 12 : i64, tpu.core_type = #tpu.core_type<sc_vector_subcore>, window_params = [{transform_indices = #map}, {transform_indices = #map1}, {transform_indices = #map1}]} {
    %mul3A = arith.constant 16 : i32
    %mul3A_0 = arith.muli %arg0, %mul3A : i32
    %add3A = arith.addi %mul3A_0, %arg1 : i32
    %mul3A_1 = arith.constant 1600 : i32
    %mul3A_2 = arith.muli %add3A, %mul3A_1 : i32
    %eq3A = arith.constant 0 : i32
    %eq3A_3 = arith.cmpi eq, %arg1, %eq3A : i32
    %convert_element_type3A = arith.extui %eq3A_3 : i1 to i32
    %cond3A = arith.constant 0 : i32
    %cond3A_4 = arith.cmpi ne, %convert_element_type3A, %cond3A : i32
    scf.if %cond3A_4 {
      "tpu.region"() ({
        %run_scoped3A = tpu.sem_alloc : memref<!tpu.dma_semaphore, #tpu.memory_space<semaphore_mem>>
        tpu.enqueue_dma source(%arg3 : memref<10000x64xbf16, #tpu.memory_space<hbm>>) target(%arg10 : memref<10000x64xbf16, #tpu.memory_space<vmem_shared>>) target_semaphore(%run_scoped3A : memref<!tpu.dma_semaphore, #tpu.memory_space<semaphore_mem>>)
        tpu.wait_dma2 semaphore(%run_scoped3A : memref<!tpu.dma_semaphore, #tpu.memory_space<semaphore_mem>>) src(%arg3 : memref<10000x64xbf16, #tpu.memory_space<hbm>>) dst(%arg10 : memref<10000x64xbf16, #tpu.memory_space<vmem_shared>>)
        tpu.yield
      }) : () -> ()
    } else {
    }
    %barrier3A = arith.constant 0 : index
    tpu.barrier barrier_id(%barrier3A)
    %scan3A = arith.constant 0 : i32
    %scan3A_5 = arith.constant 0 : i32
    %scan3A_6 = arith.constant 50 : i32
    %scan3A_7 = arith.addi %scan3A_5, %scan3A_6 : i32
    %scan3A_8 = arith.constant 1 : i32
    scf.for %scan3A_209 = %scan3A_5 to %scan3A_7 step %scan3A_8  : i32 {
      %iota3A = tpu.iota {dimensions = array<i32: 0>} : vector<16xi32>
      %mul3A_210 = arith.constant 16 : i32
      %mul3A_211 = arith.muli %scan3A_209, %mul3A_210 : i32
      %add3A_212 = vector.broadcast %mul3A_211 : i32 to vector<16xi32>
      %add3A_213 = arith.addi %iota3A, %add3A_212 : vector<16xi32>
      %jit3A = arith.constant 100 : i32
      %eq3A_214 = arith.constant 0 : i32
      %eq3A_215 = arith.cmpi eq, %jit3A, %eq3A_214 : i32
      %jit3A_216 = arith.constant 1 : i32
      %select_n3A = arith.select %eq3A_215, %jit3A_216, %jit3A : i32
      %rem3A = vector.broadcast %select_n3A : i32 to vector<16xi32>
      %rem3A_217 = arith.remsi %add3A_213, %rem3A : vector<16xi32>
      %ne3A = arith.constant 0 : i32
      %ne3A_218 = vector.broadcast %ne3A : i32 to vector<16xi32>
      %ne3A_219 = arith.cmpi ne, %rem3A_217, %ne3A_218 : vector<16xi32>
      %lt3A = arith.constant 0 : i32
      %lt3A_220 = vector.broadcast %lt3A : i32 to vector<16xi32>
      %lt3A_221 = arith.cmpi slt, %rem3A_217, %lt3A_220 : vector<16xi32>
      %lt3A_222 = arith.constant 0 : i32
      %lt3A_223 = arith.cmpi slt, %select_n3A, %lt3A_222 : i32
      %ne3A_224 = vector.broadcast %lt3A_223 : i1 to vector<16xi1>
      %ne3A_225 = vector.broadcast %ne3A_224 : vector<16xi1> to vector<16xi1>
      %ne3A_226 = arith.xori %lt3A_221, %ne3A_225 : vector<16xi1>
      %and3A = arith.andi %ne3A_226, %ne3A_219 : vector<16xi1>
      %add3A_227 = vector.broadcast %select_n3A : i32 to vector<16xi32>
      %add3A_228 = arith.addi %rem3A_217, %add3A_227 : vector<16xi32>
      %select_n3A_229 = arith.select %and3A, %add3A_228, %rem3A_217 : vector<16xi1>, vector<16xi32>
      %mul3A_230 = arith.constant 100 : i32
      %mul3A_231 = vector.broadcast %mul3A_230 : i32 to vector<16xi32>
      %mul3A_232 = arith.muli %select_n3A_229, %mul3A_231 : vector<16xi32>
      %mul3A_233 = arith.constant 16 : i32
      %mul3A_234 = arith.muli %scan3A_209, %mul3A_233 : i32
      %swap3A = arith.index_cast %mul3A_234 : i32 to index
      %swap3A_235 = tpu.vector_load %arg7[%swap3A] {strides = array<i32>} : memref<800xi32, #tpu.memory_space<vmem>>, vector<16xi32>,
      tpu.vector_store %arg7[%swap3A], %mul3A_232 {strides = array<i32>} : memref<800xi32, #tpu.memory_space<vmem>>, vector<16xi32>,
    }
    %scan3A_9 = arith.constant 50 : i32
    %add3A_10 = arith.constant 0 : i32
    %add3A_11 = arith.addi %mul3A_2, %add3A_10 : i32
    %mul3A_12 = arith.constant 100 : i32
    %mul3A_13 = arith.muli %add3A_11, %mul3A_12 : i32
    %dma_start3A = arith.constant 0 : i32
    %dma_start3A_14 = arith.constant 0 : i32
    %dma_start3A_15 = tpu.memref_slice %arg5[%dma_start3A, %dma_start3A_14] : memref<2x800xf32, #tpu.memory_space<vmem>> -> memref<1x800xf32, #tpu.memory_space<vmem>>
    %dma_start3A_16 = tpu.memref_squeeze %dma_start3A_15 : memref<1x800xf32, #tpu.memory_space<vmem>> -> memref<800xf32, #tpu.memory_space<vmem>>
    %dma_start3A_17 = tpu.memref_slice %arg2[%mul3A_13] : memref<5120000xf32, #tpu.memory_space<hbm>> -> memref<800xf32, #tpu.memory_space<hbm>>
    %dma_start3A_18 = arith.constant 0 : i32
    %dma_start3A_19 = tpu.memref_slice %arg5[%dma_start3A, %dma_start3A_18] : memref<2x800xf32, #tpu.memory_space<vmem>> -> memref<1x800xf32, #tpu.memory_space<vmem>>
    %dma_start3A_20 = tpu.memref_squeeze %dma_start3A_19 : memref<1x800xf32, #tpu.memory_space<vmem>> -> memref<800xf32, #tpu.memory_space<vmem>>
    %dma_start3A_21 = tpu.memref_slice %arg2[%mul3A_13] : memref<5120000xf32, #tpu.memory_space<hbm>> -> memref<800xf32, #tpu.memory_space<hbm>>
    tpu.enqueue_dma source(%dma_start3A_21 : memref<800xf32, #tpu.memory_space<hbm>>) target(%dma_start3A_20 : memref<800xf32, #tpu.memory_space<vmem>>) target_semaphore(%arg13 : memref<!tpu.dma_semaphore, #tpu.memory_space<semaphore_mem>>)
    %add3A_22 = arith.constant 0 : i32
    %add3A_23 = arith.addi %mul3A_2, %add3A_22 : i32
    %mul3A_24 = arith.constant 100 : i32
    %mul3A_25 = arith.muli %add3A_23, %mul3A_24 : i32
    %dma_wait3A = arith.constant 0 : i32
    %dma_wait3A_26 = arith.constant 0 : i32
    %dma_wait3A_27 = tpu.memref_slice %arg5[%dma_wait3A, %dma_wait3A_26] : memref<2x800xf32, #tpu.memory_space<vmem>> -> memref<1x800xf32, #tpu.memory_space<vmem>>
    %dma_wait3A_28 = tpu.memref_squeeze %dma_wait3A_27 : memref<1x800xf32, #tpu.memory_space<vmem>> -> memref<800xf32, #tpu.memory_space<vmem>>
    %dma_wait3A_29 = tpu.memref_slice %arg2[%mul3A_25] : memref<5120000xf32, #tpu.memory_space<hbm>> -> memref<800xf32, #tpu.memory_space<hbm>>
    %dma_wait3A_30 = arith.constant 0 : i32
    %dma_wait3A_31 = tpu.memref_slice %arg5[%dma_wait3A, %dma_wait3A_30] : memref<2x800xf32, #tpu.memory_space<vmem>> -> memref<1x800xf32, #tpu.memory_space<vmem>>
    %dma_wait3A_32 = tpu.memref_squeeze %dma_wait3A_31 : memref<1x800xf32, #tpu.memory_space<vmem>> -> memref<800xf32, #tpu.memory_space<vmem>>
    %dma_wait3A_33 = tpu.memref_slice %arg2[%mul3A_25] : memref<5120000xf32, #tpu.memory_space<hbm>> -> memref<800xf32, #tpu.memory_space<hbm>>
    tpu.wait_dma2 semaphore(%arg13 : memref<!tpu.dma_semaphore, #tpu.memory_space<semaphore_mem>>) src(%dma_wait3A_33 : memref<800xf32, #tpu.memory_space<hbm>>) dst(%dma_wait3A_32 : memref<800xf32, #tpu.memory_space<vmem>>)
    %scan3A_34 = arith.constant 0 : i32
    %scan3A_35 = arith.constant 0 : i32
    %scan3A_36 = arith.constant 50 : i32
    %scan3A_37 = arith.addi %scan3A_35, %scan3A_36 : i32
    %scan3A_38 = arith.constant 1 : i32
    scf.for %scan3A_209 = %scan3A_35 to %scan3A_37 step %scan3A_38  : i32 {
      %mul3A_210 = arith.constant 16 : i32
      %mul3A_211 = arith.muli %scan3A_209, %mul3A_210 : i32
      %get3A = arith.constant 0 : i32
      %get3A_212 = arith.index_cast %get3A : i32 to index
      %get3A_213 = arith.index_cast %mul3A_211 : i32 to index
      %get3A_214 = tpu.vector_load %arg5[%get3A_212, %get3A_213] {strides = array<i32>} : memref<2x800xf32, #tpu.memory_space<vmem>>, vector<16xf32>,
      %add3A_215 = arith.constant 5.000000e+01 : f32
      %add3A_216 = vector.broadcast %add3A_215 : f32 to vector<16xf32>
      %add3A_217 = arith.addf %get3A_214, %add3A_216 : vector<16xf32>
      %convert_element_type3A_218 = arith.fptosi %add3A_217 : vector<16xf32> to vector<16xi32>
      %jit3A = arith.constant 0 : i32
      %jit3A_219 = arith.constant 99 : i32
      %max3A = vector.broadcast %jit3A : i32 to vector<16xi32>
      %max3A_220 = arith.maxsi %max3A, %convert_element_type3A_218 : vector<16xi32>
      %min3A = vector.broadcast %jit3A_219 : i32 to vector<16xi32>
      %min3A_221 = arith.minsi %min3A, %max3A_220 : vector<16xi32>
      %mul3A_222 = arith.constant 16 : i32
      %mul3A_223 = arith.muli %scan3A_209, %mul3A_222 : i32
      %get3A_224 = arith.index_cast %mul3A_223 : i32 to index
      %get3A_225 = tpu.vector_load %arg7[%get3A_224] {strides = array<i32>} : memref<800xi32, #tpu.memory_space<vmem>>, vector<16xi32>,
      %add3A_226 = arith.addi %min3A_221, %get3A_225 : vector<16xi32>
      %mul3A_227 = arith.constant 16 : i32
      %mul3A_228 = arith.muli %scan3A_209, %mul3A_227 : i32
      %swap3A = arith.constant 0 : i32
      %swap3A_229 = arith.index_cast %swap3A : i32 to index
      %swap3A_230 = arith.index_cast %mul3A_228 : i32 to index
      %swap3A_231 = tpu.vector_load %arg6[%swap3A_229, %swap3A_230] {strides = array<i32>} : memref<2x800xi32, #tpu.memory_space<vmem>>, vector<16xi32>,
      tpu.vector_store %arg6[%swap3A_229, %swap3A_230], %add3A_226 {strides = array<i32>} : memref<2x800xi32, #tpu.memory_space<vmem>>, vector<16xi32>,
    }
    %scan3A_39 = arith.constant 50 : i32
    %dma_start3A_40 = arith.constant 0 : i32
    %dma_start3A_41 = arith.constant 0 : i32
    %dma_start3A_42 = arith.constant 0 : i32
    %dma_start3A_43 = arith.constant 0 : i32
    %dma_start3A_44 = tpu.memref_slice %arg8[%dma_start3A_41, %dma_start3A_42, %dma_start3A_43] : memref<2x800x64xbf16, #tpu.memory_space<vmem>> -> memref<1x80x64xbf16, #tpu.memory_space<vmem>>
    %dma_start3A_45 = tpu.memref_squeeze %dma_start3A_44 : memref<1x80x64xbf16, #tpu.memory_space<vmem>> -> memref<80x64xbf16, #tpu.memory_space<vmem>>
    %dma_start3A_46 = arith.constant 0 : i32
    %dma_start3A_47 = tpu.memref_slice %arg6[%dma_start3A_40, %dma_start3A_46] : memref<2x800xi32, #tpu.memory_space<vmem>> -> memref<1x80xi32, #tpu.memory_space<vmem>>
    %dma_start3A_48 = tpu.memref_squeeze %dma_start3A_47 : memref<1x80xi32, #tpu.memory_space<vmem>> -> memref<80xi32, #tpu.memory_space<vmem>>
    %dma_start3A_49 = arith.constant 0 : i32
    %dma_start3A_50 = arith.constant 0 : i32
    %dma_start3A_51 = tpu.memref_slice %arg10[%dma_start3A_49, %dma_start3A_50] : memref<10000x64xbf16, #tpu.memory_space<vmem_shared>> -> memref<10000x64xbf16, #tpu.memory_space<vmem_shared>>
    tpu.enqueue_indirect_dma source(%dma_start3A_51 : memref<10000x64xbf16, #tpu.memory_space<vmem_shared>>) target(%dma_start3A_45 : memref<80x64xbf16, #tpu.memory_space<vmem>>) offsets(%dma_start3A_48 : memref<80xi32, #tpu.memory_space<vmem>>) semaphore(%arg11 : memref<!tpu.dma_semaphore, #tpu.memory_space<semaphore_mem>>)
    %dma_start3A_52 = arith.constant 0 : i32
    %dma_start3A_53 = arith.constant 0 : i32
    %dma_start3A_54 = arith.constant 80 : i32
    %dma_start3A_55 = arith.constant 0 : i32
    %dma_start3A_56 = tpu.memref_slice %arg8[%dma_start3A_53, %dma_start3A_54, %dma_start3A_55] : memref<2x800x64xbf16, #tpu.memory_space<vmem>> -> memref<1x80x64xbf16, #tpu.memory_space<vmem>>
    %dma_start3A_57 = tpu.memref_squeeze %dma_start3A_56 : memref<1x80x64xbf16, #tpu.memory_space<vmem>> -> memref<80x64xbf16, #tpu.memory_space<vmem>>
    %dma_start3A_58 = arith.constant 80 : i32
    %dma_start3A_59 = tpu.memref_slice %arg6[%dma_start3A_52, %dma_start3A_58] : memref<2x800xi32, #tpu.memory_space<vmem>> -> memref<1x80xi32, #tpu.memory_space<vmem>>
    %dma_start3A_60 = tpu.memref_squeeze %dma_start3A_59 : memref<1x80xi32, #tpu.memory_space<vmem>> -> memref<80xi32, #tpu.memory_space<vmem>>
    %dma_start3A_61 = arith.constant 0 : i32
    %dma_start3A_62 = arith.constant 0 : i32
    %dma_start3A_63 = tpu.memref_slice %arg10[%dma_start3A_61, %dma_start3A_62] : memref<10000x64xbf16, #tpu.memory_space<vmem_shared>> -> memref<10000x64xbf16, #tpu.memory_space<vmem_shared>>
    tpu.enqueue_indirect_dma source(%dma_start3A_63 : memref<10000x64xbf16, #tpu.memory_space<vmem_shared>>) target(%dma_start3A_57 : memref<80x64xbf16, #tpu.memory_space<vmem>>) offsets(%dma_start3A_60 : memref<80xi32, #tpu.memory_space<vmem>>) semaphore(%arg11 : memref<!tpu.dma_semaphore, #tpu.memory_space<semaphore_mem>>)
    %dma_start3A_64 = arith.constant 0 : i32
    %dma_start3A_65 = arith.constant 0 : i32
    %dma_start3A_66 = arith.constant 160 : i32
    %dma_start3A_67 = arith.constant 0 : i32
    %dma_start3A_68 = tpu.memref_slice %arg8[%dma_start3A_65, %dma_start3A_66, %dma_start3A_67] : memref<2x800x64xbf16, #tpu.memory_space<vmem>> -> memref<1x80x64xbf16, #tpu.memory_space<vmem>>
    %dma_start3A_69 = tpu.memref_squeeze %dma_start3A_68 : memref<1x80x64xbf16, #tpu.memory_space<vmem>> -> memref<80x64xbf16, #tpu.memory_space<vmem>>
    %dma_start3A_70 = arith.constant 160 : i32
    %dma_start3A_71 = tpu.memref_slice %arg6[%dma_start3A_64, %dma_start3A_70] : memref<2x800xi32, #tpu.memory_space<vmem>> -> memref<1x80xi32, #tpu.memory_space<vmem>>
    %dma_start3A_72 = tpu.memref_squeeze %dma_start3A_71 : memref<1x80xi32, #tpu.memory_space<vmem>> -> memref<80xi32, #tpu.memory_space<vmem>>
    %dma_start3A_73 = arith.constant 0 : i32
    %dma_start3A_74 = arith.constant 0 : i32
    %dma_start3A_75 = tpu.memref_slice %arg10[%dma_start3A_73, %dma_start3A_74] : memref<10000x64xbf16, #tpu.memory_space<vmem_shared>> -> memref<10000x64xbf16, #tpu.memory_space<vmem_shared>>
    tpu.enqueue_indirect_dma source(%dma_start3A_75 : memref<10000x64xbf16, #tpu.memory_space<vmem_shared>>) target(%dma_start3A_69 : memref<80x64xbf16, #tpu.memory_space<vmem>>) offsets(%dma_start3A_72 : memref<80xi32, #tpu.memory_space<vmem>>) semaphore(%arg11 : memref<!tpu.dma_semaphore, #tpu.memory_space<semaphore_mem>>)
    %dma_start3A_76 = arith.constant 0 : i32
    %dma_start3A_77 = arith.constant 0 : i32
    %dma_start3A_78 = arith.constant 240 : i32
    %dma_start3A_79 = arith.constant 0 : i32
    %dma_start3A_80 = tpu.memref_slice %arg8[%dma_start3A_77, %dma_start3A_78, %dma_start3A_79] : memref<2x800x64xbf16, #tpu.memory_space<vmem>> -> memref<1x80x64xbf16, #tpu.memory_space<vmem>>
    %dma_start3A_81 = tpu.memref_squeeze %dma_start3A_80 : memref<1x80x64xbf16, #tpu.memory_space<vmem>> -> memref<80x64xbf16, #tpu.memory_space<vmem>>
    %dma_start3A_82 = arith.constant 240 : i32
    %dma_start3A_83 = tpu.memref_slice %arg6[%dma_start3A_76, %dma_start3A_82] : memref<2x800xi32, #tpu.memory_space<vmem>> -> memref<1x80xi32, #tpu.memory_space<vmem>>
    %dma_start3A_84 = tpu.memref_squeeze %dma_start3A_83 : memref<1x80xi32, #tpu.memory_space<vmem>> -> memref<80xi32, #tpu.memory_space<vmem>>
    %dma_start3A_85 = arith.constant 0 : i32
    %dma_start3A_86 = arith.constant 0 : i32
    %dma_start3A_87 = tpu.memref_slice %arg10[%dma_start3A_85, %dma_start3A_86] : memref<10000x64xbf16, #tpu.memory_space<vmem_shared>> -> memref<10000x64xbf16, #tpu.memory_space<vmem_shared>>
    tpu.enqueue_indirect_dma source(%dma_start3A_87 : memref<10000x64xbf16, #tpu.memory_space<vmem_shared>>) target(%dma_start3A_81 : memref<80x64xbf16, #tpu.memory_space<vmem>>) offsets(%dma_start3A_84 : memref<80xi32, #tpu.memory_space<vmem>>) semaphore(%arg11 : memref<!tpu.dma_semaphore, #tpu.memory_space<semaphore_mem>>)
    %dma_start3A_88 = arith.constant 0 : i32
    %dma_start3A_89 = arith.constant 0 : i32
    %dma_start3A_90 = arith.constant 320 : i32
    %dma_start3A_91 = arith.constant 0 : i32
    %dma_start3A_92 = tpu.memref_slice %arg8[%dma_start3A_89, %dma_start3A_90, %dma_start3A_91] : memref<2x800x64xbf16, #tpu.memory_space<vmem>> -> memref<1x80x64xbf16, #tpu.memory_space<vmem>>
    %dma_start3A_93 = tpu.memref_squeeze %dma_start3A_92 : memref<1x80x64xbf16, #tpu.memory_space<vmem>> -> memref<80x64xbf16, #tpu.memory_space<vmem>>
    %dma_start3A_94 = arith.constant 320 : i32
    %dma_start3A_95 = tpu.memref_slice %arg6[%dma_start3A_88, %dma_start3A_94] : memref<2x800xi32, #tpu.memory_space<vmem>> -> memref<1x80xi32, #tpu.memory_space<vmem>>
    %dma_start3A_96 = tpu.memref_squeeze %dma_start3A_95 : memref<1x80xi32, #tpu.memory_space<vmem>> -> memref<80xi32, #tpu.memory_space<vmem>>
    %dma_start3A_97 = arith.constant 0 : i32
    %dma_start3A_98 = arith.constant 0 : i32
    %dma_start3A_99 = tpu.memref_slice %arg10[%dma_start3A_97, %dma_start3A_98] : memref<10000x64xbf16, #tpu.memory_space<vmem_shared>> -> memref<10000x64xbf16, #tpu.memory_space<vmem_shared>>
    tpu.enqueue_indirect_dma source(%dma_start3A_99 : memref<10000x64xbf16, #tpu.memory_space<vmem_shared>>) target(%dma_start3A_93 : memref<80x64xbf16, #tpu.memory_space<vmem>>) offsets(%dma_start3A_96 : memref<80xi32, #tpu.memory_space<vmem>>) semaphore(%arg11 : memref<!tpu.dma_semaphore, #tpu.memory_space<semaphore_mem>>)
    %dma_start3A_100 = arith.constant 0 : i32
    %dma_start3A_101 = arith.constant 0 : i32
    %dma_start3A_102 = arith.constant 400 : i32
    %dma_start3A_103 = arith.constant 0 : i32
    %dma_start3A_104 = tpu.memref_slice %arg8[%dma_start3A_101, %dma_start3A_102, %dma_start3A_103] : memref<2x800x64xbf16, #tpu.memory_space<vmem>> -> memref<1x80x64xbf16, #tpu.memory_space<vmem>>
    %dma_start3A_105 = tpu.memref_squeeze %dma_start3A_104 : memref<1x80x64xbf16, #tpu.memory_space<vmem>> -> memref<80x64xbf16, #tpu.memory_space<vmem>>
    %dma_start3A_106 = arith.constant 400 : i32
    %dma_start3A_107 = tpu.memref_slice %arg6[%dma_start3A_100, %dma_start3A_106] : memref<2x800xi32, #tpu.memory_space<vmem>> -> memref<1x80xi32, #tpu.memory_space<vmem>>
    %dma_start3A_108 = tpu.memref_squeeze %dma_start3A_107 : memref<1x80xi32, #tpu.memory_space<vmem>> -> memref<80xi32, #tpu.memory_space<vmem>>
    %dma_start3A_109 = arith.constant 0 : i32
    %dma_start3A_110 = arith.constant 0 : i32
    %dma_start3A_111 = tpu.memref_slice %arg10[%dma_start3A_109, %dma_start3A_110] : memref<10000x64xbf16, #tpu.memory_space<vmem_shared>> -> memref<10000x64xbf16, #tpu.memory_space<vmem_shared>>
    tpu.enqueue_indirect_dma source(%dma_start3A_111 : memref<10000x64xbf16, #tpu.memory_space<vmem_shared>>) target(%dma_start3A_105 : memref<80x64xbf16, #tpu.memory_space<vmem>>) offsets(%dma_start3A_108 : memref<80xi32, #tpu.memory_space<vmem>>) semaphore(%arg11 : memref<!tpu.dma_semaphore, #tpu.memory_space<semaphore_mem>>)
    %dma_start3A_112 = arith.constant 0 : i32
    %dma_start3A_113 = arith.constant 0 : i32
    %dma_start3A_114 = arith.constant 480 : i32
    %dma_start3A_115 = arith.constant 0 : i32
    %dma_start3A_116 = tpu.memref_slice %arg8[%dma_start3A_113, %dma_start3A_114, %dma_start3A_115] : memref<2x800x64xbf16, #tpu.memory_space<vmem>> -> memref<1x80x64xbf16, #tpu.memory_space<vmem>>
    %dma_start3A_117 = tpu.memref_squeeze %dma_start3A_116 : memref<1x80x64xbf16, #tpu.memory_space<vmem>> -> memref<80x64xbf16, #tpu.memory_space<vmem>>
    %dma_start3A_118 = arith.constant 480 : i32
    %dma_start3A_119 = tpu.memref_slice %arg6[%dma_start3A_112, %dma_start3A_118] : memref<2x800xi32, #tpu.memory_space<vmem>> -> memref<1x80xi32, #tpu.memory_space<vmem>>
    %dma_start3A_120 = tpu.memref_squeeze %dma_start3A_119 : memref<1x80xi32, #tpu.memory_space<vmem>> -> memref<80xi32, #tpu.memory_space<vmem>>
    %dma_start3A_121 = arith.constant 0 : i32
    %dma_start3A_122 = arith.constant 0 : i32
    %dma_start3A_123 = tpu.memref_slice %arg10[%dma_start3A_121, %dma_start3A_122] : memref<10000x64xbf16, #tpu.memory_space<vmem_shared>> -> memref<10000x64xbf16, #tpu.memory_space<vmem_shared>>
    tpu.enqueue_indirect_dma source(%dma_start3A_123 : memref<10000x64xbf16, #tpu.memory_space<vmem_shared>>) target(%dma_start3A_117 : memref<80x64xbf16, #tpu.memory_space<vmem>>) offsets(%dma_start3A_120 : memref<80xi32, #tpu.memory_space<vmem>>) semaphore(%arg11 : memref<!tpu.dma_semaphore, #tpu.memory_space<semaphore_mem>>)
    %dma_start3A_124 = arith.constant 0 : i32
    %dma_start3A_125 = arith.constant 0 : i32
    %dma_start3A_126 = arith.constant 560 : i32
    %dma_start3A_127 = arith.constant 0 : i32
    %dma_start3A_128 = tpu.memref_slice %arg8[%dma_start3A_125, %dma_start3A_126, %dma_start3A_127] : memref<2x800x64xbf16, #tpu.memory_space<vmem>> -> memref<1x80x64xbf16, #tpu.memory_space<vmem>>
    %dma_start3A_129 = tpu.memref_squeeze %dma_start3A_128 : memref<1x80x64xbf16, #tpu.memory_space<vmem>> -> memref<80x64xbf16, #tpu.memory_space<vmem>>
    %dma_start3A_130 = arith.constant 560 : i32
    %dma_start3A_131 = tpu.memref_slice %arg6[%dma_start3A_124, %dma_start3A_130] : memref<2x800xi32, #tpu.memory_space<vmem>> -> memref<1x80xi32, #tpu.memory_space<vmem>>
    %dma_start3A_132 = tpu.memref_squeeze %dma_start3A_131 : memref<1x80xi32, #tpu.memory_space<vmem>> -> memref<80xi32, #tpu.memory_space<vmem>>
    %dma_start3A_133 = arith.constant 0 : i32
    %dma_start3A_134 = arith.constant 0 : i32
    %dma_start3A_135 = tpu.memref_slice %arg10[%dma_start3A_133, %dma_start3A_134] : memref<10000x64xbf16, #tpu.memory_space<vmem_shared>> -> memref<10000x64xbf16, #tpu.memory_space<vmem_shared>>
    tpu.enqueue_indirect_dma source(%dma_start3A_135 : memref<10000x64xbf16, #tpu.memory_space<vmem_shared>>) target(%dma_start3A_129 : memref<80x64xbf16, #tpu.memory_space<vmem>>) offsets(%dma_start3A_132 : memref<80xi32, #tpu.memory_space<vmem>>) semaphore(%arg11 : memref<!tpu.dma_semaphore, #tpu.memory_space<semaphore_mem>>)
    %dma_start3A_136 = arith.constant 0 : i32
    %dma_start3A_137 = arith.constant 0 : i32
    %dma_start3A_138 = arith.constant 640 : i32
    %dma_start3A_139 = arith.constant 0 : i32
    %dma_start3A_140 = tpu.memref_slice %arg8[%dma_start3A_137, %dma_start3A_138, %dma_start3A_139] : memref<2x800x64xbf16, #tpu.memory_space<vmem>> -> memref<1x80x64xbf16, #tpu.memory_space<vmem>>
    %dma_start3A_141 = tpu.memref_squeeze %dma_start3A_140 : memref<1x80x64xbf16, #tpu.memory_space<vmem>> -> memref<80x64xbf16, #tpu.memory_space<vmem>>
    %dma_start3A_142 = arith.constant 640 : i32
    %dma_start3A_143 = tpu.memref_slice %arg6[%dma_start3A_136, %dma_start3A_142] : memref<2x800xi32, #tpu.memory_space<vmem>> -> memref<1x80xi32, #tpu.memory_space<vmem>>
    %dma_start3A_144 = tpu.memref_squeeze %dma_start3A_143 : memref<1x80xi32, #tpu.memory_space<vmem>> -> memref<80xi32, #tpu.memory_space<vmem>>
    %dma_start3A_145 = arith.constant 0 : i32
    %dma_start3A_146 = arith.constant 0 : i32
    %dma_start3A_147 = tpu.memref_slice %arg10[%dma_start3A_145, %dma_start3A_146] : memref<10000x64xbf16, #tpu.memory_space<vmem_shared>> -> memref<10000x64xbf16, #tpu.memory_space<vmem_shared>>
    tpu.enqueue_indirect_dma source(%dma_start3A_147 : memref<10000x64xbf16, #tpu.memory_space<vmem_shared>>) target(%dma_start3A_141 : memref<80x64xbf16, #tpu.memory_space<vmem>>) offsets(%dma_start3A_144 : memref<80xi32, #tpu.memory_space<vmem>>) semaphore(%arg11 : memref<!tpu.dma_semaphore, #tpu.memory_space<semaphore_mem>>)
    %dma_start3A_148 = arith.constant 0 : i32
    %dma_start3A_149 = arith.constant 0 : i32
    %dma_start3A_150 = arith.constant 720 : i32
    %dma_start3A_151 = arith.constant 0 : i32
    %dma_start3A_152 = tpu.memref_slice %arg8[%dma_start3A_149, %dma_start3A_150, %dma_start3A_151] : memref<2x800x64xbf16, #tpu.memory_space<vmem>> -> memref<1x80x64xbf16, #tpu.memory_space<vmem>>
    %dma_start3A_153 = tpu.memref_squeeze %dma_start3A_152 : memref<1x80x64xbf16, #tpu.memory_space<vmem>> -> memref<80x64xbf16, #tpu.memory_space<vmem>>
    %dma_start3A_154 = arith.constant 720 : i32
    %dma_start3A_155 = tpu.memref_slice %arg6[%dma_start3A_148, %dma_start3A_154] : memref<2x800xi32, #tpu.memory_space<vmem>> -> memref<1x80xi32, #tpu.memory_space<vmem>>
    %dma_start3A_156 = tpu.memref_squeeze %dma_start3A_155 : memref<1x80xi32, #tpu.memory_space<vmem>> -> memref<80xi32, #tpu.memory_space<vmem>>
    %dma_start3A_157 = arith.constant 0 : i32
    %dma_start3A_158 = arith.constant 0 : i32
    %dma_start3A_159 = tpu.memref_slice %arg10[%dma_start3A_157, %dma_start3A_158] : memref<10000x64xbf16, #tpu.memory_space<vmem_shared>> -> memref<10000x64xbf16, #tpu.memory_space<vmem_shared>>
    tpu.enqueue_indirect_dma source(%dma_start3A_159 : memref<10000x64xbf16, #tpu.memory_space<vmem_shared>>) target(%dma_start3A_153 : memref<80x64xbf16, #tpu.memory_space<vmem>>) offsets(%dma_start3A_156 : memref<80xi32, #tpu.memory_space<vmem>>) semaphore(%arg11 : memref<!tpu.dma_semaphore, #tpu.memory_space<semaphore_mem>>)
    %add3A_160 = arith.constant 8 : i32
    %add3A_161 = arith.addi %mul3A_2, %add3A_160 : i32
    %mul3A_162 = arith.constant 100 : i32
    %mul3A_163 = arith.muli %add3A_161, %mul3A_162 : i32
    %dma_start3A_164 = arith.constant 1 : i32
    %dma_start3A_165 = arith.constant 0 : i32
    %dma_start3A_166 = tpu.memref_slice %arg5[%dma_start3A_164, %dma_start3A_165] : memref<2x800xf32, #tpu.memory_space<vmem>> -> memref<1x800xf32, #tpu.memory_space<vmem>>
    %dma_start3A_167 = tpu.memref_squeeze %dma_start3A_166 : memref<1x800xf32, #tpu.memory_space<vmem>> -> memref<800xf32, #tpu.memory_space<vmem>>
    %dma_start3A_168 = tpu.memref_slice %arg2[%mul3A_163] : memref<5120000xf32, #tpu.memory_space<hbm>> -> memref<800xf32, #tpu.memory_space<hbm>>
    %dma_start3A_169 = arith.constant 0 : i32
    %dma_start3A_170 = tpu.memref_slice %arg5[%dma_start3A_164, %dma_start3A_169] : memref<2x800xf32, #tpu.memory_space<vmem>> -> memref<1x800xf32, #tpu.memory_space<vmem>>
    %dma_start3A_171 = tpu.memref_squeeze %dma_start3A_170 : memref<1x800xf32, #tpu.memory_space<vmem>> -> memref<800xf32, #tpu.memory_space<vmem>>
    %dma_start3A_172 = tpu.memref_slice %arg2[%mul3A_163] : memref<5120000xf32, #tpu.memory_space<hbm>> -> memref<800xf32, #tpu.memory_space<hbm>>
    tpu.enqueue_dma source(%dma_start3A_172 : memref<800xf32, #tpu.memory_space<hbm>>) target(%dma_start3A_171 : memref<800xf32, #tpu.memory_space<vmem>>) target_semaphore(%arg14 : memref<!tpu.dma_semaphore, #tpu.memory_space<semaphore_mem>>)
    %scan3A_173 = arith.constant 0 : i32
    %scan3A_174 = arith.constant 0 : i32
    %scan3A_175 = arith.constant 100 : i32
    %scan3A_176 = arith.addi %scan3A_174, %scan3A_175 : i32
    %scan3A_177 = arith.constant 1 : i32
    scf.for %scan3A_209 = %scan3A_174 to %scan3A_176 step %scan3A_177  : i32 {
      %mul3A_210 = arith.constant 2 : i32
      %mul3A_211 = arith.muli %scan3A_209, %mul3A_210 : i32
      %add3A_212 = arith.constant 0 : i32
      %add3A_213 = arith.addi %mul3A_211, %add3A_212 : i32
      %add3A_214 = arith.constant 1 : i32
      %add3A_215 = arith.addi %add3A_213, %add3A_214 : i32
      %lt3A = arith.constant 200 : i32
      %lt3A_216 = arith.cmpi slt, %add3A_215, %lt3A : i32
      %convert_element_type3A_217 = arith.extui %lt3A_216 : i1 to i32
      %cond3A_218 = arith.constant 0 : i32
      %cond3A_219 = arith.cmpi ne, %convert_element_type3A_217, %cond3A_218 : i32
      scf.if %cond3A_219 {
        %add3A_1036 = arith.constant 1 : i32
        %add3A_1037 = arith.addi %add3A_213, %add3A_1036 : i32
        %mul3A_1038 = arith.constant 8 : i32
        %mul3A_1039 = arith.muli %add3A_1037, %mul3A_1038 : i32
        %add3A_1040 = arith.addi %mul3A_2, %mul3A_1039 : i32
        %mul3A_1041 = arith.constant 100 : i32
        %mul3A_1042 = arith.muli %add3A_1040, %mul3A_1041 : i32
        %dma_wait3A_1043 = arith.constant 1 : i32
        %dma_wait3A_1044 = arith.constant 0 : i32
        %dma_wait3A_1045 = tpu.memref_slice %arg5[%dma_wait3A_1043, %dma_wait3A_1044] : memref<2x800xf32, #tpu.memory_space<vmem>> -> memref<1x800xf32, #tpu.memory_space<vmem>>
        %dma_wait3A_1046 = tpu.memref_squeeze %dma_wait3A_1045 : memref<1x800xf32, #tpu.memory_space<vmem>> -> memref<800xf32, #tpu.memory_space<vmem>>
        %dma_wait3A_1047 = tpu.memref_slice %arg2[%mul3A_1042] : memref<5120000xf32, #tpu.memory_space<hbm>> -> memref<800xf32, #tpu.memory_space<hbm>>
        %dma_wait3A_1048 = arith.constant 0 : i32
        %dma_wait3A_1049 = tpu.memref_slice %arg5[%dma_wait3A_1043, %dma_wait3A_1048] : memref<2x800xf32, #tpu.memory_space<vmem>> -> memref<1x800xf32, #tpu.memory_space<vmem>>
        %dma_wait3A_1050 = tpu.memref_squeeze %dma_wait3A_1049 : memref<1x800xf32, #tpu.memory_space<vmem>> -> memref<800xf32, #tpu.memory_space<vmem>>
        %dma_wait3A_1051 = tpu.memref_slice %arg2[%mul3A_1042] : memref<5120000xf32, #tpu.memory_space<hbm>> -> memref<800xf32, #tpu.memory_space<hbm>>
        tpu.wait_dma2 semaphore(%arg14 : memref<!tpu.dma_semaphore, #tpu.memory_space<semaphore_mem>>) src(%dma_wait3A_1051 : memref<800xf32, #tpu.memory_space<hbm>>) dst(%dma_wait3A_1050 : memref<800xf32, #tpu.memory_space<vmem>>)
        %add3A_1052 = arith.constant 1 : i32
        %add3A_1053 = arith.addi %add3A_213, %add3A_1052 : i32
        %scan3A_1054 = arith.constant 0 : i32
        %scan3A_1055 = arith.constant 0 : i32
        %scan3A_1056 = arith.constant 50 : i32
        %scan3A_1057 = arith.addi %scan3A_1055, %scan3A_1056 : i32
        %scan3A_1058 = arith.constant 1 : i32
        scf.for %scan3A_1180 = %scan3A_1055 to %scan3A_1057 step %scan3A_1058  : i32 {
          %mul3A_1181 = arith.constant 16 : i32
          %mul3A_1182 = arith.muli %scan3A_1180, %mul3A_1181 : i32
          %get3A = arith.constant 1 : i32
          %get3A_1183 = arith.index_cast %get3A : i32 to index
          %get3A_1184 = arith.index_cast %mul3A_1182 : i32 to index
          %get3A_1185 = tpu.vector_load %arg5[%get3A_1183, %get3A_1184] {strides = array<i32>} : memref<2x800xf32, #tpu.memory_space<vmem>>, vector<16xf32>,
          %add3A_1186 = arith.constant 5.000000e+01 : f32
          %add3A_1187 = vector.broadcast %add3A_1186 : f32 to vector<16xf32>
          %add3A_1188 = arith.addf %get3A_1185, %add3A_1187 : vector<16xf32>
          %convert_element_type3A_1189 = arith.fptosi %add3A_1188 : vector<16xf32> to vector<16xi32>
          %jit3A = arith.constant 0 : i32
          %jit3A_1190 = arith.constant 99 : i32
          %max3A = vector.broadcast %jit3A : i32 to vector<16xi32>
          %max3A_1191 = arith.maxsi %max3A, %convert_element_type3A_1189 : vector<16xi32>
          %min3A = vector.broadcast %jit3A_1190 : i32 to vector<16xi32>
          %min3A_1192 = arith.minsi %min3A, %max3A_1191 : vector<16xi32>
          %mul3A_1193 = arith.constant 16 : i32
          %mul3A_1194 = arith.muli %scan3A_1180, %mul3A_1193 : i32
          %get3A_1195 = arith.index_cast %mul3A_1194 : i32 to index
          %get3A_1196 = tpu.vector_load %arg7[%get3A_1195] {strides = array<i32>} : memref<800xi32, #tpu.memory_space<vmem>>, vector<16xi32>,
          %add3A_1197 = arith.addi %min3A_1192, %get3A_1196 : vector<16xi32>
          %mul3A_1198 = arith.constant 16 : i32
          %mul3A_1199 = arith.muli %scan3A_1180, %mul3A_1198 : i32
          %swap3A_1200 = arith.constant 1 : i32
          %swap3A_1201 = arith.index_cast %swap3A_1200 : i32 to index
          %swap3A_1202 = arith.index_cast %mul3A_1199 : i32 to index
          %swap3A_1203 = tpu.vector_load %arg6[%swap3A_1201, %swap3A_1202] {strides = array<i32>} : memref<2x800xi32, #tpu.memory_space<vmem>>, vector<16xi32>,
          tpu.vector_store %arg6[%swap3A_1201, %swap3A_1202], %add3A_1197 {strides = array<i32>} : memref<2x800xi32, #tpu.memory_space<vmem>>, vector<16xi32>,
        }
        %scan3A_1059 = arith.constant 50 : i32
        %dma_start3A_1060 = arith.constant 1 : i32
        %dma_start3A_1061 = arith.constant 1 : i32
        %dma_start3A_1062 = arith.constant 0 : i32
        %dma_start3A_1063 = arith.constant 0 : i32
        %dma_start3A_1064 = tpu.memref_slice %arg8[%dma_start3A_1061, %dma_start3A_1062, %dma_start3A_1063] : memref<2x800x64xbf16, #tpu.memory_space<vmem>> -> memref<1x80x64xbf16, #tpu.memory_space<vmem>>
        %dma_start3A_1065 = tpu.memref_squeeze %dma_start3A_1064 : memref<1x80x64xbf16, #tpu.memory_space<vmem>> -> memref<80x64xbf16, #tpu.memory_space<vmem>>
        %dma_start3A_1066 = arith.constant 0 : i32
        %dma_start3A_1067 = tpu.memref_slice %arg6[%dma_start3A_1060, %dma_start3A_1066] : memref<2x800xi32, #tpu.memory_space<vmem>> -> memref<1x80xi32, #tpu.memory_space<vmem>>
        %dma_start3A_1068 = tpu.memref_squeeze %dma_start3A_1067 : memref<1x80xi32, #tpu.memory_space<vmem>> -> memref<80xi32, #tpu.memory_space<vmem>>
        %dma_start3A_1069 = arith.constant 0 : i32
        %dma_start3A_1070 = arith.constant 0 : i32
        %dma_start3A_1071 = tpu.memref_slice %arg10[%dma_start3A_1069, %dma_start3A_1070] : memref<10000x64xbf16, #tpu.memory_space<vmem_shared>> -> memref<10000x64xbf16, #tpu.memory_space<vmem_shared>>
        tpu.enqueue_indirect_dma source(%dma_start3A_1071 : memref<10000x64xbf16, #tpu.memory_space<vmem_shared>>) target(%dma_start3A_1065 : memref<80x64xbf16, #tpu.memory_space<vmem>>) offsets(%dma_start3A_1068 : memref<80xi32, #tpu.memory_space<vmem>>) semaphore(%arg12 : memref<!tpu.dma_semaphore, #tpu.memory_space<semaphore_mem>>)
        %dma_start3A_1072 = arith.constant 1 : i32
        %dma_start3A_1073 = arith.constant 1 : i32
        %dma_start3A_1074 = arith.constant 80 : i32
        %dma_start3A_1075 = arith.constant 0 : i32
        %dma_start3A_1076 = tpu.memref_slice %arg8[%dma_start3A_1073, %dma_start3A_1074, %dma_start3A_1075] : memref<2x800x64xbf16, #tpu.memory_space<vmem>> -> memref<1x80x64xbf16, #tpu.memory_space<vmem>>
        %dma_start3A_1077 = tpu.memref_squeeze %dma_start3A_1076 : memref<1x80x64xbf16, #tpu.memory_space<vmem>> -> memref<80x64xbf16, #tpu.memory_space<vmem>>
        %dma_start3A_1078 = arith.constant 80 : i32
        %dma_start3A_1079 = tpu.memref_slice %arg6[%dma_start3A_1072, %dma_start3A_1078] : memref<2x800xi32, #tpu.memory_space<vmem>> -> memref<1x80xi32, #tpu.memory_space<vmem>>
        %dma_start3A_1080 = tpu.memref_squeeze %dma_start3A_1079 : memref<1x80xi32, #tpu.memory_space<vmem>> -> memref<80xi32, #tpu.memory_space<vmem>>
        %dma_start3A_1081 = arith.constant 0 : i32
        %dma_start3A_1082 = arith.constant 0 : i32
        %dma_start3A_1083 = tpu.memref_slice %arg10[%dma_start3A_1081, %dma_start3A_1082] : memref<10000x64xbf16, #tpu.memory_space<vmem_shared>> -> memref<10000x64xbf16, #tpu.memory_space<vmem_shared>>
        tpu.enqueue_indirect_dma source(%dma_start3A_1083 : memref<10000x64xbf16, #tpu.memory_space<vmem_shared>>) target(%dma_start3A_1077 : memref<80x64xbf16, #tpu.memory_space<vmem>>) offsets(%dma_start3A_1080 : memref<80xi32, #tpu.memory_space<vmem>>) semaphore(%arg12 : memref<!tpu.dma_semaphore, #tpu.memory_space<semaphore_mem>>)
        %dma_start3A_1084 = arith.constant 1 : i32
        %dma_start3A_1085 = arith.constant 1 : i32
        %dma_start3A_1086 = arith.constant 160 : i32
        %dma_start3A_1087 = arith.constant 0 : i32
        %dma_start3A_1088 = tpu.memref_slice %arg8[%dma_start3A_1085, %dma_start3A_1086, %dma_start3A_1087] : memref<2x800x64xbf16, #tpu.memory_space<vmem>> -> memref<1x80x64xbf16, #tpu.memory_space<vmem>>
        %dma_start3A_1089 = tpu.memref_squeeze %dma_start3A_1088 : memref<1x80x64xbf16, #tpu.memory_space<vmem>> -> memref<80x64xbf16, #tpu.memory_space<vmem>>
        %dma_start3A_1090 = arith.constant 160 : i32
        %dma_start3A_1091 = tpu.memref_slice %arg6[%dma_start3A_1084, %dma_start3A_1090] : memref<2x800xi32, #tpu.memory_space<vmem>> -> memref<1x80xi32, #tpu.memory_space<vmem>>
        %dma_start3A_1092 = tpu.memref_squeeze %dma_start3A_1091 : memref<1x80xi32, #tpu.memory_space<vmem>> -> memref<80xi32, #tpu.memory_space<vmem>>
        %dma_start3A_1093 = arith.constant 0 : i32
        %dma_start3A_1094 = arith.constant 0 : i32
        %dma_start3A_1095 = tpu.memref_slice %arg10[%dma_start3A_1093, %dma_start3A_1094] : memref<10000x64xbf16, #tpu.memory_space<vmem_shared>> -> memref<10000x64xbf16, #tpu.memory_space<vmem_shared>>
        tpu.enqueue_indirect_dma source(%dma_start3A_1095 : memref<10000x64xbf16, #tpu.memory_space<vmem_shared>>) target(%dma_start3A_1089 : memref<80x64xbf16, #tpu.memory_space<vmem>>) offsets(%dma_start3A_1092 : memref<80xi32, #tpu.memory_space<vmem>>) semaphore(%arg12 : memref<!tpu.dma_semaphore, #tpu.memory_space<semaphore_mem>>)
        %dma_start3A_1096 = arith.constant 1 : i32
        %dma_start3A_1097 = arith.constant 1 : i32
        %dma_start3A_1098 = arith.constant 240 : i32
        %dma_start3A_1099 = arith.constant 0 : i32
        %dma_start3A_1100 = tpu.memref_slice %arg8[%dma_start3A_1097, %dma_start3A_1098, %dma_start3A_1099] : memref<2x800x64xbf16, #tpu.memory_space<vmem>> -> memref<1x80x64xbf16, #tpu.memory_space<vmem>>
        %dma_start3A_1101 = tpu.memref_squeeze %dma_start3A_1100 : memref<1x80x64xbf16, #tpu.memory_space<vmem>> -> memref<80x64xbf16, #tpu.memory_space<vmem>>
        %dma_start3A_1102 = arith.constant 240 : i32
        %dma_start3A_1103 = tpu.memref_slice %arg6[%dma_start3A_1096, %dma_start3A_1102] : memref<2x800xi32, #tpu.memory_space<vmem>> -> memref<1x80xi32, #tpu.memory_space<vmem>>
        %dma_start3A_1104 = tpu.memref_squeeze %dma_start3A_1103 : memref<1x80xi32, #tpu.memory_space<vmem>> -> memref<80xi32, #tpu.memory_space<vmem>>
        %dma_start3A_1105 = arith.constant 0 : i32
        %dma_start3A_1106 = arith.constant 0 : i32
        %dma_start3A_1107 = tpu.memref_slice %arg10[%dma_start3A_1105, %dma_start3A_1106] : memref<10000x64xbf16, #tpu.memory_space<vmem_shared>> -> memref<10000x64xbf16, #tpu.memory_space<vmem_shared>>
        tpu.enqueue_indirect_dma source(%dma_start3A_1107 : memref<10000x64xbf16, #tpu.memory_space<vmem_shared>>) target(%dma_start3A_1101 : memref<80x64xbf16, #tpu.memory_space<vmem>>) offsets(%dma_start3A_1104 : memref<80xi32, #tpu.memory_space<vmem>>) semaphore(%arg12 : memref<!tpu.dma_semaphore, #tpu.memory_space<semaphore_mem>>)
        %dma_start3A_1108 = arith.constant 1 : i32
        %dma_start3A_1109 = arith.constant 1 : i32
        %dma_start3A_1110 = arith.constant 320 : i32
        %dma_start3A_1111 = arith.constant 0 : i32
        %dma_start3A_1112 = tpu.memref_slice %arg8[%dma_start3A_1109, %dma_start3A_1110, %dma_start3A_1111] : memref<2x800x64xbf16, #tpu.memory_space<vmem>> -> memref<1x80x64xbf16, #tpu.memory_space<vmem>>
        %dma_start3A_1113 = tpu.memref_squeeze %dma_start3A_1112 : memref<1x80x64xbf16, #tpu.memory_space<vmem>> -> memref<80x64xbf16, #tpu.memory_space<vmem>>
        %dma_start3A_1114 = arith.constant 320 : i32
        %dma_start3A_1115 = tpu.memref_slice %arg6[%dma_start3A_1108, %dma_start3A_1114] : memref<2x800xi32, #tpu.memory_space<vmem>> -> memref<1x80xi32, #tpu.memory_space<vmem>>
        %dma_start3A_1116 = tpu.memref_squeeze %dma_start3A_1115 : memref<1x80xi32, #tpu.memory_space<vmem>> -> memref<80xi32, #tpu.memory_space<vmem>>
        %dma_start3A_1117 = arith.constant 0 : i32
        %dma_start3A_1118 = arith.constant 0 : i32
        %dma_start3A_1119 = tpu.memref_slice %arg10[%dma_start3A_1117, %dma_start3A_1118] : memref<10000x64xbf16, #tpu.memory_space<vmem_shared>> -> memref<10000x64xbf16, #tpu.memory_space<vmem_shared>>
        tpu.enqueue_indirect_dma source(%dma_start3A_1119 : memref<10000x64xbf16, #tpu.memory_space<vmem_shared>>) target(%dma_start3A_1113 : memref<80x64xbf16, #tpu.memory_space<vmem>>) offsets(%dma_start3A_1116 : memref<80xi32, #tpu.memory_space<vmem>>) semaphore(%arg12 : memref<!tpu.dma_semaphore, #tpu.memory_space<semaphore_mem>>)
        %dma_start3A_1120 = arith.constant 1 : i32
        %dma_start3A_1121 = arith.constant 1 : i32
        %dma_start3A_1122 = arith.constant 400 : i32
        %dma_start3A_1123 = arith.constant 0 : i32
        %dma_start3A_1124 = tpu.memref_slice %arg8[%dma_start3A_1121, %dma_start3A_1122, %dma_start3A_1123] : memref<2x800x64xbf16, #tpu.memory_space<vmem>> -> memref<1x80x64xbf16, #tpu.memory_space<vmem>>
        %dma_start3A_1125 = tpu.memref_squeeze %dma_start3A_1124 : memref<1x80x64xbf16, #tpu.memory_space<vmem>> -> memref<80x64xbf16, #tpu.memory_space<vmem>>
        %dma_start3A_1126 = arith.constant 400 : i32
        %dma_start3A_1127 = tpu.memref_slice %arg6[%dma_start3A_1120, %dma_start3A_1126] : memref<2x800xi32, #tpu.memory_space<vmem>> -> memref<1x80xi32, #tpu.memory_space<vmem>>
        %dma_start3A_1128 = tpu.memref_squeeze %dma_start3A_1127 : memref<1x80xi32, #tpu.memory_space<vmem>> -> memref<80xi32, #tpu.memory_space<vmem>>
        %dma_start3A_1129 = arith.constant 0 : i32
        %dma_start3A_1130 = arith.constant 0 : i32
        %dma_start3A_1131 = tpu.memref_slice %arg10[%dma_start3A_1129, %dma_start3A_1130] : memref<10000x64xbf16, #tpu.memory_space<vmem_shared>> -> memref<10000x64xbf16, #tpu.memory_space<vmem_shared>>
        tpu.enqueue_indirect_dma source(%dma_start3A_1131 : memref<10000x64xbf16, #tpu.memory_space<vmem_shared>>) target(%dma_start3A_1125 : memref<80x64xbf16, #tpu.memory_space<vmem>>) offsets(%dma_start3A_1128 : memref<80xi32, #tpu.memory_space<vmem>>) semaphore(%arg12 : memref<!tpu.dma_semaphore, #tpu.memory_space<semaphore_mem>>)
        %dma_start3A_1132 = arith.constant 1 : i32
        %dma_start3A_1133 = arith.constant 1 : i32
        %dma_start3A_1134 = arith.constant 480 : i32
        %dma_start3A_1135 = arith.constant 0 : i32
        %dma_start3A_1136 = tpu.memref_slice %arg8[%dma_start3A_1133, %dma_start3A_1134, %dma_start3A_1135] : memref<2x800x64xbf16, #tpu.memory_space<vmem>> -> memref<1x80x64xbf16, #tpu.memory_space<vmem>>
        %dma_start3A_1137 = tpu.memref_squeeze %dma_start3A_1136 : memref<1x80x64xbf16, #tpu.memory_space<vmem>> -> memref<80x64xbf16, #tpu.memory_space<vmem>>
        %dma_start3A_1138 = arith.constant 480 : i32
        %dma_start3A_1139 = tpu.memref_slice %arg6[%dma_start3A_1132, %dma_start3A_1138] : memref<2x800xi32, #tpu.memory_space<vmem>> -> memref<1x80xi32, #tpu.memory_space<vmem>>
        %dma_start3A_1140 = tpu.memref_squeeze %dma_start3A_1139 : memref<1x80xi32, #tpu.memory_space<vmem>> -> memref<80xi32, #tpu.memory_space<vmem>>
        %dma_start3A_1141 = arith.constant 0 : i32
        %dma_start3A_1142 = arith.constant 0 : i32
        %dma_start3A_1143 = tpu.memref_slice %arg10[%dma_start3A_1141, %dma_start3A_1142] : memref<10000x64xbf16, #tpu.memory_space<vmem_shared>> -> memref<10000x64xbf16, #tpu.memory_space<vmem_shared>>
        tpu.enqueue_indirect_dma source(%dma_start3A_1143 : memref<10000x64xbf16, #tpu.memory_space<vmem_shared>>) target(%dma_start3A_1137 : memref<80x64xbf16, #tpu.memory_space<vmem>>) offsets(%dma_start3A_1140 : memref<80xi32, #tpu.memory_space<vmem>>) semaphore(%arg12 : memref<!tpu.dma_semaphore, #tpu.memory_space<semaphore_mem>>)
        %dma_start3A_1144 = arith.constant 1 : i32
        %dma_start3A_1145 = arith.constant 1 : i32
        %dma_start3A_1146 = arith.constant 560 : i32
        %dma_start3A_1147 = arith.constant 0 : i32
        %dma_start3A_1148 = tpu.memref_slice %arg8[%dma_start3A_1145, %dma_start3A_1146, %dma_start3A_1147] : memref<2x800x64xbf16, #tpu.memory_space<vmem>> -> memref<1x80x64xbf16, #tpu.memory_space<vmem>>
        %dma_start3A_1149 = tpu.memref_squeeze %dma_start3A_1148 : memref<1x80x64xbf16, #tpu.memory_space<vmem>> -> memref<80x64xbf16, #tpu.memory_space<vmem>>
        %dma_start3A_1150 = arith.constant 560 : i32
        %dma_start3A_1151 = tpu.memref_slice %arg6[%dma_start3A_1144, %dma_start3A_1150] : memref<2x800xi32, #tpu.memory_space<vmem>> -> memref<1x80xi32, #tpu.memory_space<vmem>>
        %dma_start3A_1152 = tpu.memref_squeeze %dma_start3A_1151 : memref<1x80xi32, #tpu.memory_space<vmem>> -> memref<80xi32, #tpu.memory_space<vmem>>
        %dma_start3A_1153 = arith.constant 0 : i32
        %dma_start3A_1154 = arith.constant 0 : i32
        %dma_start3A_1155 = tpu.memref_slice %arg10[%dma_start3A_1153, %dma_start3A_1154] : memref<10000x64xbf16, #tpu.memory_space<vmem_shared>> -> memref<10000x64xbf16, #tpu.memory_space<vmem_shared>>
        tpu.enqueue_indirect_dma source(%dma_start3A_1155 : memref<10000x64xbf16, #tpu.memory_space<vmem_shared>>) target(%dma_start3A_1149 : memref<80x64xbf16, #tpu.memory_space<vmem>>) offsets(%dma_start3A_1152 : memref<80xi32, #tpu.memory_space<vmem>>) semaphore(%arg12 : memref<!tpu.dma_semaphore, #tpu.memory_space<semaphore_mem>>)
        %dma_start3A_1156 = arith.constant 1 : i32
        %dma_start3A_1157 = arith.constant 1 : i32
        %dma_start3A_1158 = arith.constant 640 : i32
        %dma_start3A_1159 = arith.constant 0 : i32
        %dma_start3A_1160 = tpu.memref_slice %arg8[%dma_start3A_1157, %dma_start3A_1158, %dma_start3A_1159] : memref<2x800x64xbf16, #tpu.memory_space<vmem>> -> memref<1x80x64xbf16, #tpu.memory_space<vmem>>
        %dma_start3A_1161 = tpu.memref_squeeze %dma_start3A_1160 : memref<1x80x64xbf16, #tpu.memory_space<vmem>> -> memref<80x64xbf16, #tpu.memory_space<vmem>>
        %dma_start3A_1162 = arith.constant 640 : i32
        %dma_start3A_1163 = tpu.memref_slice %arg6[%dma_start3A_1156, %dma_start3A_1162] : memref<2x800xi32, #tpu.memory_space<vmem>> -> memref<1x80xi32, #tpu.memory_space<vmem>>
        %dma_start3A_1164 = tpu.memref_squeeze %dma_start3A_1163 : memref<1x80xi32, #tpu.memory_space<vmem>> -> memref<80xi32, #tpu.memory_space<vmem>>
        %dma_start3A_1165 = arith.constant 0 : i32
        %dma_start3A_1166 = arith.constant 0 : i32
        %dma_start3A_1167 = tpu.memref_slice %arg10[%dma_start3A_1165, %dma_start3A_1166] : memref<10000x64xbf16, #tpu.memory_space<vmem_shared>> -> memref<10000x64xbf16, #tpu.memory_space<vmem_shared>>
        tpu.enqueue_indirect_dma source(%dma_start3A_1167 : memref<10000x64xbf16, #tpu.memory_space<vmem_shared>>) target(%dma_start3A_1161 : memref<80x64xbf16, #tpu.memory_space<vmem>>) offsets(%dma_start3A_1164 : memref<80xi32, #tpu.memory_space<vmem>>) semaphore(%arg12 : memref<!tpu.dma_semaphore, #tpu.memory_space<semaphore_mem>>)
        %dma_start3A_1168 = arith.constant 1 : i32
        %dma_start3A_1169 = arith.constant 1 : i32
        %dma_start3A_1170 = arith.constant 720 : i32
        %dma_start3A_1171 = arith.constant 0 : i32
        %dma_start3A_1172 = tpu.memref_slice %arg8[%dma_start3A_1169, %dma_start3A_1170, %dma_start3A_1171] : memref<2x800x64xbf16, #tpu.memory_space<vmem>> -> memref<1x80x64xbf16, #tpu.memory_space<vmem>>
        %dma_start3A_1173 = tpu.memref_squeeze %dma_start3A_1172 : memref<1x80x64xbf16, #tpu.memory_space<vmem>> -> memref<80x64xbf16, #tpu.memory_space<vmem>>
        %dma_start3A_1174 = arith.constant 720 : i32
        %dma_start3A_1175 = tpu.memref_slice %arg6[%dma_start3A_1168, %dma_start3A_1174] : memref<2x800xi32, #tpu.memory_space<vmem>> -> memref<1x80xi32, #tpu.memory_space<vmem>>
        %dma_start3A_1176 = tpu.memref_squeeze %dma_start3A_1175 : memref<1x80xi32, #tpu.memory_space<vmem>> -> memref<80xi32, #tpu.memory_space<vmem>>
        %dma_start3A_1177 = arith.constant 0 : i32
        %dma_start3A_1178 = arith.constant 0 : i32
        %dma_start3A_1179 = tpu.memref_slice %arg10[%dma_start3A_1177, %dma_start3A_1178] : memref<10000x64xbf16, #tpu.memory_space<vmem_shared>> -> memref<10000x64xbf16, #tpu.memory_space<vmem_shared>>
        tpu.enqueue_indirect_dma source(%dma_start3A_1179 : memref<10000x64xbf16, #tpu.memory_space<vmem_shared>>) target(%dma_start3A_1173 : memref<80x64xbf16, #tpu.memory_space<vmem>>) offsets(%dma_start3A_1176 : memref<80xi32, #tpu.memory_space<vmem>>) semaphore(%arg12 : memref<!tpu.dma_semaphore, #tpu.memory_space<semaphore_mem>>)
      } else {
      }
      %add3A_220 = arith.constant 2 : i32
      %add3A_221 = arith.addi %add3A_213, %add3A_220 : i32
      %lt3A_222 = arith.constant 200 : i32
      %lt3A_223 = arith.cmpi slt, %add3A_221, %lt3A_222 : i32
      %convert_element_type3A_224 = arith.extui %lt3A_223 : i1 to i32
      %cond3A_225 = arith.constant 0 : i32
      %cond3A_226 = arith.cmpi ne, %convert_element_type3A_224, %cond3A_225 : i32
      scf.if %cond3A_226 {
        %add3A_1036 = arith.constant 2 : i32
        %add3A_1037 = arith.addi %add3A_213, %add3A_1036 : i32
        %mul3A_1038 = arith.constant 8 : i32
        %mul3A_1039 = arith.muli %add3A_1037, %mul3A_1038 : i32
        %add3A_1040 = arith.addi %mul3A_2, %mul3A_1039 : i32
        %mul3A_1041 = arith.constant 100 : i32
        %mul3A_1042 = arith.muli %add3A_1040, %mul3A_1041 : i32
        %dma_start3A_1043 = arith.constant 0 : i32
        %dma_start3A_1044 = arith.constant 0 : i32
        %dma_start3A_1045 = tpu.memref_slice %arg5[%dma_start3A_1043, %dma_start3A_1044] : memref<2x800xf32, #tpu.memory_space<vmem>> -> memref<1x800xf32, #tpu.memory_space<vmem>>
        %dma_start3A_1046 = tpu.memref_squeeze %dma_start3A_1045 : memref<1x800xf32, #tpu.memory_space<vmem>> -> memref<800xf32, #tpu.memory_space<vmem>>
        %dma_start3A_1047 = tpu.memref_slice %arg2[%mul3A_1042] : memref<5120000xf32, #tpu.memory_space<hbm>> -> memref<800xf32, #tpu.memory_space<hbm>>
        %dma_start3A_1048 = arith.constant 0 : i32
        %dma_start3A_1049 = tpu.memref_slice %arg5[%dma_start3A_1043, %dma_start3A_1048] : memref<2x800xf32, #tpu.memory_space<vmem>> -> memref<1x800xf32, #tpu.memory_space<vmem>>
        %dma_start3A_1050 = tpu.memref_squeeze %dma_start3A_1049 : memref<1x800xf32, #tpu.memory_space<vmem>> -> memref<800xf32, #tpu.memory_space<vmem>>
        %dma_start3A_1051 = tpu.memref_slice %arg2[%mul3A_1042] : memref<5120000xf32, #tpu.memory_space<hbm>> -> memref<800xf32, #tpu.memory_space<hbm>>
        tpu.enqueue_dma source(%dma_start3A_1051 : memref<800xf32, #tpu.memory_space<hbm>>) target(%dma_start3A_1050 : memref<800xf32, #tpu.memory_space<vmem>>) target_semaphore(%arg13 : memref<!tpu.dma_semaphore, #tpu.memory_space<semaphore_mem>>)
      } else {
      }
      %dma_wait3A_227 = arith.constant 0 : i32
      %dma_wait3A_228 = arith.constant 0 : i32
      %dma_wait3A_229 = arith.constant 0 : i32
      %dma_wait3A_230 = arith.constant 0 : i32
      %dma_wait3A_231 = tpu.memref_slice %arg8[%dma_wait3A_228, %dma_wait3A_229, %dma_wait3A_230] : memref<2x800x64xbf16, #tpu.memory_space<vmem>> -> memref<1x80x64xbf16, #tpu.memory_space<vmem>>
      %dma_wait3A_232 = tpu.memref_squeeze %dma_wait3A_231 : memref<1x80x64xbf16, #tpu.memory_space<vmem>> -> memref<80x64xbf16, #tpu.memory_space<vmem>>
      %dma_wait3A_233 = arith.constant 0 : i32
      %dma_wait3A_234 = tpu.memref_slice %arg6[%dma_wait3A_227, %dma_wait3A_233] : memref<2x800xi32, #tpu.memory_space<vmem>> -> memref<1x80xi32, #tpu.memory_space<vmem>>
      %dma_wait3A_235 = tpu.memref_squeeze %dma_wait3A_234 : memref<1x80xi32, #tpu.memory_space<vmem>> -> memref<80xi32, #tpu.memory_space<vmem>>
      %dma_wait3A_236 = arith.constant 0 : i32
      %dma_wait3A_237 = arith.constant 0 : i32
      %dma_wait3A_238 = tpu.memref_slice %arg10[%dma_wait3A_236, %dma_wait3A_237] : memref<10000x64xbf16, #tpu.memory_space<vmem_shared>> -> memref<10000x64xbf16, #tpu.memory_space<vmem_shared>>
      tpu.wait_indirect_dma semaphore(%arg11 : memref<!tpu.dma_semaphore, #tpu.memory_space<semaphore_mem>>) src(%dma_wait3A_238 : memref<10000x64xbf16, #tpu.memory_space<vmem_shared>>) dst(%dma_wait3A_232 : memref<80x64xbf16, #tpu.memory_space<vmem>>)
      %dma_wait3A_239 = arith.constant 0 : i32
      %dma_wait3A_240 = arith.constant 0 : i32
      %dma_wait3A_241 = arith.constant 80 : i32
      %dma_wait3A_242 = arith.constant 0 : i32
      %dma_wait3A_243 = tpu.memref_slice %arg8[%dma_wait3A_240, %dma_wait3A_241, %dma_wait3A_242] : memref<2x800x64xbf16, #tpu.memory_space<vmem>> -> memref<1x80x64xbf16, #tpu.memory_space<vmem>>
      %dma_wait3A_244 = tpu.memref_squeeze %dma_wait3A_243 : memref<1x80x64xbf16, #tpu.memory_space<vmem>> -> memref<80x64xbf16, #tpu.memory_space<vmem>>
      %dma_wait3A_245 = arith.constant 80 : i32
      %dma_wait3A_246 = tpu.memref_slice %arg6[%dma_wait3A_239, %dma_wait3A_245] : memref<2x800xi32, #tpu.memory_space<vmem>> -> memref<1x80xi32, #tpu.memory_space<vmem>>
      %dma_wait3A_247 = tpu.memref_squeeze %dma_wait3A_246 : memref<1x80xi32, #tpu.memory_space<vmem>> -> memref<80xi32, #tpu.memory_space<vmem>>
      %dma_wait3A_248 = arith.constant 0 : i32
      %dma_wait3A_249 = arith.constant 0 : i32
      %dma_wait3A_250 = tpu.memref_slice %arg10[%dma_wait3A_248, %dma_wait3A_249] : memref<10000x64xbf16, #tpu.memory_space<vmem_shared>> -> memref<10000x64xbf16, #tpu.memory_space<vmem_shared>>
      tpu.wait_indirect_dma semaphore(%arg11 : memref<!tpu.dma_semaphore, #tpu.memory_space<semaphore_mem>>) src(%dma_wait3A_250 : memref<10000x64xbf16, #tpu.memory_space<vmem_shared>>) dst(%dma_wait3A_244 : memref<80x64xbf16, #tpu.memory_space<vmem>>)
      %dma_wait3A_251 = arith.constant 0 : i32
      %dma_wait3A_252 = arith.constant 0 : i32
      %dma_wait3A_253 = arith.constant 160 : i32
      %dma_wait3A_254 = arith.constant 0 : i32
      %dma_wait3A_255 = tpu.memref_slice %arg8[%dma_wait3A_252, %dma_wait3A_253, %dma_wait3A_254] : memref<2x800x64xbf16, #tpu.memory_space<vmem>> -> memref<1x80x64xbf16, #tpu.memory_space<vmem>>
      %dma_wait3A_256 = tpu.memref_squeeze %dma_wait3A_255 : memref<1x80x64xbf16, #tpu.memory_space<vmem>> -> memref<80x64xbf16, #tpu.memory_space<vmem>>
      %dma_wait3A_257 = arith.constant 160 : i32
      %dma_wait3A_258 = tpu.memref_slice %arg6[%dma_wait3A_251, %dma_wait3A_257] : memref<2x800xi32, #tpu.memory_space<vmem>> -> memref<1x80xi32, #tpu.memory_space<vmem>>
      %dma_wait3A_259 = tpu.memref_squeeze %dma_wait3A_258 : memref<1x80xi32, #tpu.memory_space<vmem>> -> memref<80xi32, #tpu.memory_space<vmem>>
      %dma_wait3A_260 = arith.constant 0 : i32
      %dma_wait3A_261 = arith.constant 0 : i32
      %dma_wait3A_262 = tpu.memref_slice %arg10[%dma_wait3A_260, %dma_wait3A_261] : memref<10000x64xbf16, #tpu.memory_space<vmem_shared>> -> memref<10000x64xbf16, #tpu.memory_space<vmem_shared>>
      tpu.wait_indirect_dma semaphore(%arg11 : memref<!tpu.dma_semaphore, #tpu.memory_space<semaphore_mem>>) src(%dma_wait3A_262 : memref<10000x64xbf16, #tpu.memory_space<vmem_shared>>) dst(%dma_wait3A_256 : memref<80x64xbf16, #tpu.memory_space<vmem>>)
      %dma_wait3A_263 = arith.constant 0 : i32
      %dma_wait3A_264 = arith.constant 0 : i32
      %dma_wait3A_265 = arith.constant 240 : i32
      %dma_wait3A_266 = arith.constant 0 : i32
      %dma_wait3A_267 = tpu.memref_slice %arg8[%dma_wait3A_264, %dma_wait3A_265, %dma_wait3A_266] : memref<2x800x64xbf16, #tpu.memory_space<vmem>> -> memref<1x80x64xbf16, #tpu.memory_space<vmem>>
      %dma_wait3A_268 = tpu.memref_squeeze %dma_wait3A_267 : memref<1x80x64xbf16, #tpu.memory_space<vmem>> -> memref<80x64xbf16, #tpu.memory_space<vmem>>
      %dma_wait3A_269 = arith.constant 240 : i32
      %dma_wait3A_270 = tpu.memref_slice %arg6[%dma_wait3A_263, %dma_wait3A_269] : memref<2x800xi32, #tpu.memory_space<vmem>> -> memref<1x80xi32, #tpu.memory_space<vmem>>
      %dma_wait3A_271 = tpu.memref_squeeze %dma_wait3A_270 : memref<1x80xi32, #tpu.memory_space<vmem>> -> memref<80xi32, #tpu.memory_space<vmem>>
      %dma_wait3A_272 = arith.constant 0 : i32
      %dma_wait3A_273 = arith.constant 0 : i32
      %dma_wait3A_274 = tpu.memref_slice %arg10[%dma_wait3A_272, %dma_wait3A_273] : memref<10000x64xbf16, #tpu.memory_space<vmem_shared>> -> memref<10000x64xbf16, #tpu.memory_space<vmem_shared>>
      tpu.wait_indirect_dma semaphore(%arg11 : memref<!tpu.dma_semaphore, #tpu.memory_space<semaphore_mem>>) src(%dma_wait3A_274 : memref<10000x64xbf16, #tpu.memory_space<vmem_shared>>) dst(%dma_wait3A_268 : memref<80x64xbf16, #tpu.memory_space<vmem>>)
      %dma_wait3A_275 = arith.constant 0 : i32
      %dma_wait3A_276 = arith.constant 0 : i32
      %dma_wait3A_277 = arith.constant 320 : i32
      %dma_wait3A_278 = arith.constant 0 : i32
      %dma_wait3A_279 = tpu.memref_slice %arg8[%dma_wait3A_276, %dma_wait3A_277, %dma_wait3A_278] : memref<2x800x64xbf16, #tpu.memory_space<vmem>> -> memref<1x80x64xbf16, #tpu.memory_space<vmem>>
      %dma_wait3A_280 = tpu.memref_squeeze %dma_wait3A_279 : memref<1x80x64xbf16, #tpu.memory_space<vmem>> -> memref<80x64xbf16, #tpu.memory_space<vmem>>
      %dma_wait3A_281 = arith.constant 320 : i32
      %dma_wait3A_282 = tpu.memref_slice %arg6[%dma_wait3A_275, %dma_wait3A_281] : memref<2x800xi32, #tpu.memory_space<vmem>> -> memref<1x80xi32, #tpu.memory_space<vmem>>
      %dma_wait3A_283 = tpu.memref_squeeze %dma_wait3A_282 : memref<1x80xi32, #tpu.memory_space<vmem>> -> memref<80xi32, #tpu.memory_space<vmem>>
      %dma_wait3A_284 = arith.constant 0 : i32
      %dma_wait3A_285 = arith.constant 0 : i32
      %dma_wait3A_286 = tpu.memref_slice %arg10[%dma_wait3A_284, %dma_wait3A_285] : memref<10000x64xbf16, #tpu.memory_space<vmem_shared>> -> memref<10000x64xbf16, #tpu.memory_space<vmem_shared>>
      tpu.wait_indirect_dma semaphore(%arg11 : memref<!tpu.dma_semaphore, #tpu.memory_space<semaphore_mem>>) src(%dma_wait3A_286 : memref<10000x64xbf16, #tpu.memory_space<vmem_shared>>) dst(%dma_wait3A_280 : memref<80x64xbf16, #tpu.memory_space<vmem>>)
      %dma_wait3A_287 = arith.constant 0 : i32
      %dma_wait3A_288 = arith.constant 0 : i32
      %dma_wait3A_289 = arith.constant 400 : i32
      %dma_wait3A_290 = arith.constant 0 : i32
      %dma_wait3A_291 = tpu.memref_slice %arg8[%dma_wait3A_288, %dma_wait3A_289, %dma_wait3A_290] : memref<2x800x64xbf16, #tpu.memory_space<vmem>> -> memref<1x80x64xbf16, #tpu.memory_space<vmem>>
      %dma_wait3A_292 = tpu.memref_squeeze %dma_wait3A_291 : memref<1x80x64xbf16, #tpu.memory_space<vmem>> -> memref<80x64xbf16, #tpu.memory_space<vmem>>
      %dma_wait3A_293 = arith.constant 400 : i32
      %dma_wait3A_294 = tpu.memref_slice %arg6[%dma_wait3A_287, %dma_wait3A_293] : memref<2x800xi32, #tpu.memory_space<vmem>> -> memref<1x80xi32, #tpu.memory_space<vmem>>
      %dma_wait3A_295 = tpu.memref_squeeze %dma_wait3A_294 : memref<1x80xi32, #tpu.memory_space<vmem>> -> memref<80xi32, #tpu.memory_space<vmem>>
      %dma_wait3A_296 = arith.constant 0 : i32
      %dma_wait3A_297 = arith.constant 0 : i32
      %dma_wait3A_298 = tpu.memref_slice %arg10[%dma_wait3A_296, %dma_wait3A_297] : memref<10000x64xbf16, #tpu.memory_space<vmem_shared>> -> memref<10000x64xbf16, #tpu.memory_space<vmem_shared>>
      tpu.wait_indirect_dma semaphore(%arg11 : memref<!tpu.dma_semaphore, #tpu.memory_space<semaphore_mem>>) src(%dma_wait3A_298 : memref<10000x64xbf16, #tpu.memory_space<vmem_shared>>) dst(%dma_wait3A_292 : memref<80x64xbf16, #tpu.memory_space<vmem>>)
      %dma_wait3A_299 = arith.constant 0 : i32
      %dma_wait3A_300 = arith.constant 0 : i32
      %dma_wait3A_301 = arith.constant 480 : i32
      %dma_wait3A_302 = arith.constant 0 : i32
      %dma_wait3A_303 = tpu.memref_slice %arg8[%dma_wait3A_300, %dma_wait3A_301, %dma_wait3A_302] : memref<2x800x64xbf16, #tpu.memory_space<vmem>> -> memref<1x80x64xbf16, #tpu.memory_space<vmem>>
      %dma_wait3A_304 = tpu.memref_squeeze %dma_wait3A_303 : memref<1x80x64xbf16, #tpu.memory_space<vmem>> -> memref<80x64xbf16, #tpu.memory_space<vmem>>
      %dma_wait3A_305 = arith.constant 480 : i32
      %dma_wait3A_306 = tpu.memref_slice %arg6[%dma_wait3A_299, %dma_wait3A_305] : memref<2x800xi32, #tpu.memory_space<vmem>> -> memref<1x80xi32, #tpu.memory_space<vmem>>
      %dma_wait3A_307 = tpu.memref_squeeze %dma_wait3A_306 : memref<1x80xi32, #tpu.memory_space<vmem>> -> memref<80xi32, #tpu.memory_space<vmem>>
      %dma_wait3A_308 = arith.constant 0 : i32
      %dma_wait3A_309 = arith.constant 0 : i32
      %dma_wait3A_310 = tpu.memref_slice %arg10[%dma_wait3A_308, %dma_wait3A_309] : memref<10000x64xbf16, #tpu.memory_space<vmem_shared>> -> memref<10000x64xbf16, #tpu.memory_space<vmem_shared>>
      tpu.wait_indirect_dma semaphore(%arg11 : memref<!tpu.dma_semaphore, #tpu.memory_space<semaphore_mem>>) src(%dma_wait3A_310 : memref<10000x64xbf16, #tpu.memory_space<vmem_shared>>) dst(%dma_wait3A_304 : memref<80x64xbf16, #tpu.memory_space<vmem>>)
      %dma_wait3A_311 = arith.constant 0 : i32
      %dma_wait3A_312 = arith.constant 0 : i32
      %dma_wait3A_313 = arith.constant 560 : i32
      %dma_wait3A_314 = arith.constant 0 : i32
      %dma_wait3A_315 = tpu.memref_slice %arg8[%dma_wait3A_312, %dma_wait3A_313, %dma_wait3A_314] : memref<2x800x64xbf16, #tpu.memory_space<vmem>> -> memref<1x80x64xbf16, #tpu.memory_space<vmem>>
      %dma_wait3A_316 = tpu.memref_squeeze %dma_wait3A_315 : memref<1x80x64xbf16, #tpu.memory_space<vmem>> -> memref<80x64xbf16, #tpu.memory_space<vmem>>
      %dma_wait3A_317 = arith.constant 560 : i32
      %dma_wait3A_318 = tpu.memref_slice %arg6[%dma_wait3A_311, %dma_wait3A_317] : memref<2x800xi32, #tpu.memory_space<vmem>> -> memref<1x80xi32, #tpu.memory_space<vmem>>
      %dma_wait3A_319 = tpu.memref_squeeze %dma_wait3A_318 : memref<1x80xi32, #tpu.memory_space<vmem>> -> memref<80xi32, #tpu.memory_space<vmem>>
      %dma_wait3A_320 = arith.constant 0 : i32
      %dma_wait3A_321 = arith.constant 0 : i32
      %dma_wait3A_322 = tpu.memref_slice %arg10[%dma_wait3A_320, %dma_wait3A_321] : memref<10000x64xbf16, #tpu.memory_space<vmem_shared>> -> memref<10000x64xbf16, #tpu.memory_space<vmem_shared>>
      tpu.wait_indirect_dma semaphore(%arg11 : memref<!tpu.dma_semaphore, #tpu.memory_space<semaphore_mem>>) src(%dma_wait3A_322 : memref<10000x64xbf16, #tpu.memory_space<vmem_shared>>) dst(%dma_wait3A_316 : memref<80x64xbf16, #tpu.memory_space<vmem>>)
      %dma_wait3A_323 = arith.constant 0 : i32
      %dma_wait3A_324 = arith.constant 0 : i32
      %dma_wait3A_325 = arith.constant 640 : i32
      %dma_wait3A_326 = arith.constant 0 : i32
      %dma_wait3A_327 = tpu.memref_slice %arg8[%dma_wait3A_324, %dma_wait3A_325, %dma_wait3A_326] : memref<2x800x64xbf16, #tpu.memory_space<vmem>> -> memref<1x80x64xbf16, #tpu.memory_space<vmem>>
      %dma_wait3A_328 = tpu.memref_squeeze %dma_wait3A_327 : memref<1x80x64xbf16, #tpu.memory_space<vmem>> -> memref<80x64xbf16, #tpu.memory_space<vmem>>
      %dma_wait3A_329 = arith.constant 640 : i32
      %dma_wait3A_330 = tpu.memref_slice %arg6[%dma_wait3A_323, %dma_wait3A_329] : memref<2x800xi32, #tpu.memory_space<vmem>> -> memref<1x80xi32, #tpu.memory_space<vmem>>
      %dma_wait3A_331 = tpu.memref_squeeze %dma_wait3A_330 : memref<1x80xi32, #tpu.memory_space<vmem>> -> memref<80xi32, #tpu.memory_space<vmem>>
      %dma_wait3A_332 = arith.constant 0 : i32
      %dma_wait3A_333 = arith.constant 0 : i32
      %dma_wait3A_334 = tpu.memref_slice %arg10[%dma_wait3A_332, %dma_wait3A_333] : memref<10000x64xbf16, #tpu.memory_space<vmem_shared>> -> memref<10000x64xbf16, #tpu.memory_space<vmem_shared>>
      tpu.wait_indirect_dma semaphore(%arg11 : memref<!tpu.dma_semaphore, #tpu.memory_space<semaphore_mem>>) src(%dma_wait3A_334 : memref<10000x64xbf16, #tpu.memory_space<vmem_shared>>) dst(%dma_wait3A_328 : memref<80x64xbf16, #tpu.memory_space<vmem>>)
      %dma_wait3A_335 = arith.constant 0 : i32
      %dma_wait3A_336 = arith.constant 0 : i32
      %dma_wait3A_337 = arith.constant 720 : i32
      %dma_wait3A_338 = arith.constant 0 : i32
      %dma_wait3A_339 = tpu.memref_slice %arg8[%dma_wait3A_336, %dma_wait3A_337, %dma_wait3A_338] : memref<2x800x64xbf16, #tpu.memory_space<vmem>> -> memref<1x80x64xbf16, #tpu.memory_space<vmem>>
      %dma_wait3A_340 = tpu.memref_squeeze %dma_wait3A_339 : memref<1x80x64xbf16, #tpu.memory_space<vmem>> -> memref<80x64xbf16, #tpu.memory_space<vmem>>
      %dma_wait3A_341 = arith.constant 720 : i32
      %dma_wait3A_342 = tpu.memref_slice %arg6[%dma_wait3A_335, %dma_wait3A_341] : memref<2x800xi32, #tpu.memory_space<vmem>> -> memref<1x80xi32, #tpu.memory_space<vmem>>
      %dma_wait3A_343 = tpu.memref_squeeze %dma_wait3A_342 : memref<1x80xi32, #tpu.memory_space<vmem>> -> memref<80xi32, #tpu.memory_space<vmem>>
      %dma_wait3A_344 = arith.constant 0 : i32
      %dma_wait3A_345 = arith.constant 0 : i32
      %dma_wait3A_346 = tpu.memref_slice %arg10[%dma_wait3A_344, %dma_wait3A_345] : memref<10000x64xbf16, #tpu.memory_space<vmem_shared>> -> memref<10000x64xbf16, #tpu.memory_space<vmem_shared>>
      tpu.wait_indirect_dma semaphore(%arg11 : memref<!tpu.dma_semaphore, #tpu.memory_space<semaphore_mem>>) src(%dma_wait3A_346 : memref<10000x64xbf16, #tpu.memory_space<vmem_shared>>) dst(%dma_wait3A_340 : memref<80x64xbf16, #tpu.memory_space<vmem>>)
      %ge3A = arith.constant 2 : i32
      %ge3A_347 = arith.cmpi sge, %add3A_213, %ge3A : i32
      %convert_element_type3A_348 = arith.extui %ge3A_347 : i1 to i32
      %cond3A_349 = arith.constant 0 : i32
      %cond3A_350 = arith.cmpi ne, %convert_element_type3A_348, %cond3A_349 : i32
      scf.if %cond3A_350 {
        %sub3A = arith.constant 2 : i32
        %sub3A_1036 = arith.subi %add3A_213, %sub3A : i32
        %mul3A_1037 = arith.constant 8 : i32
        %mul3A_1038 = arith.muli %sub3A_1036, %mul3A_1037 : i32
        %add3A_1039 = arith.addi %mul3A_2, %mul3A_1038 : i32
        %dma_wait3A_1040 = arith.constant 0 : i32
        %dma_wait3A_1041 = arith.constant 0 : i32
        %dma_wait3A_1042 = arith.constant 0 : i32
        %dma_wait3A_1043 = tpu.memref_slice %arg9[%dma_wait3A_1040, %dma_wait3A_1041, %dma_wait3A_1042] : memref<2x8x64xf32, #tpu.memory_space<vmem>> -> memref<1x8x64xf32, #tpu.memory_space<vmem>>
        %dma_wait3A_1044 = tpu.memref_squeeze %dma_wait3A_1043 : memref<1x8x64xf32, #tpu.memory_space<vmem>> -> memref<8x64xf32, #tpu.memory_space<vmem>>
        %dma_wait3A_1045 = arith.constant 0 : i32
        %dma_wait3A_1046 = tpu.memref_slice %arg4[%add3A_1039, %dma_wait3A_1045] : memref<51200x64xf32, #tpu.memory_space<hbm>> -> memref<8x64xf32, #tpu.memory_space<hbm>>
        %dma_wait3A_1047 = arith.constant 0 : i32
        %dma_wait3A_1048 = tpu.memref_slice %arg4[%add3A_1039, %dma_wait3A_1047] : memref<51200x64xf32, #tpu.memory_space<hbm>> -> memref<8x64xf32, #tpu.memory_space<hbm>>
        %dma_wait3A_1049 = arith.constant 0 : i32
        %dma_wait3A_1050 = arith.constant 0 : i32
        %dma_wait3A_1051 = tpu.memref_slice %arg9[%dma_wait3A_1040, %dma_wait3A_1049, %dma_wait3A_1050] : memref<2x8x64xf32, #tpu.memory_space<vmem>> -> memref<1x8x64xf32, #tpu.memory_space<vmem>>
        %dma_wait3A_1052 = tpu.memref_squeeze %dma_wait3A_1051 : memref<1x8x64xf32, #tpu.memory_space<vmem>> -> memref<8x64xf32, #tpu.memory_space<vmem>>
        tpu.wait_dma2 semaphore(%arg15 : memref<!tpu.dma_semaphore, #tpu.memory_space<semaphore_mem>>) src(%dma_wait3A_1052 : memref<8x64xf32, #tpu.memory_space<vmem>>) dst(%dma_wait3A_1048 : memref<8x64xf32, #tpu.memory_space<hbm>>)
      } else {
      }
      %broadcast_in_dim3A = arith.constant 0.000000e+00 : f32
      %broadcast_in_dim3A_351 = vector.broadcast %broadcast_in_dim3A : f32 to vector<16xf32>
      %scan3A_352 = arith.constant 0 : i32
      %scan3A_353 = arith.constant 25 : i32
      %scan3A_354 = arith.addi %scan3A_352, %scan3A_353 : i32
      %scan3A_355 = arith.constant 1 : i32
      %scan3A_356:4 = scf.for %scan3A_1036 = %scan3A_352 to %scan3A_354 step %scan3A_355 iter_args(%scan3A_1037 = %broadcast_in_dim3A_351, %scan3A_1038 = %broadcast_in_dim3A_351, %scan3A_1039 = %broadcast_in_dim3A_351, %scan3A_1040 = %broadcast_in_dim3A_351) -> (vector<16xf32>, vector<16xf32>, vector<16xf32>, vector<16xf32>)  : i32 {
        %mul3A_1041 = arith.constant 4 : i32
        %mul3A_1042 = arith.muli %scan3A_1036, %mul3A_1041 : i32
        %add3A_1043 = arith.constant 0 : i32
        %add3A_1044 = arith.addi %add3A_1043, %mul3A_1042 : i32
        %add3A_1045 = arith.constant 0 : i32
        %add3A_1046 = arith.addi %add3A_1044, %add3A_1045 : i32
        %get3A = arith.constant 0 : i32
        %get3A_1047 = arith.index_cast %get3A : i32 to index
        %get3A_1048 = arith.index_cast %add3A_1046 : i32 to index
        %get3A_1049 = arith.constant 0 : index
        %get3A_1050 = tpu.vector_load %arg8[%get3A_1047, %get3A_1048, %get3A_1049] {strides = array<i32>} : memref<2x800x64xbf16, #tpu.memory_space<vmem>>, vector<32xbf16>,
        %add3A_1051 = arith.constant 0 : i32
        %add3A_1052 = arith.addi %add3A_1044, %add3A_1051 : i32
        %add3A_1053 = arith.constant 1 : i32
        %add3A_1054 = arith.addi %add3A_1052, %add3A_1053 : i32
        %get3A_1055 = arith.constant 0 : i32
        %get3A_1056 = arith.index_cast %get3A_1055 : i32 to index
        %get3A_1057 = arith.index_cast %add3A_1054 : i32 to index
        %get3A_1058 = arith.constant 0 : index
        %get3A_1059 = tpu.vector_load %arg8[%get3A_1056, %get3A_1057, %get3A_1058] {strides = array<i32>} : memref<2x800x64xbf16, #tpu.memory_space<vmem>>, vector<32xbf16>,
        %add3A_1060 = arith.addf %get3A_1050, %get3A_1059 : vector<32xbf16>
        %add3A_1061 = arith.constant 0 : i32
        %add3A_1062 = arith.addi %add3A_1044, %add3A_1061 : i32
        %get3A_1063 = arith.constant 0 : i32
        %get3A_1064 = arith.index_cast %get3A_1063 : i32 to index
        %get3A_1065 = arith.index_cast %add3A_1062 : i32 to index
        %get3A_1066 = arith.constant 32 : index
        %get3A_1067 = tpu.vector_load %arg8[%get3A_1064, %get3A_1065, %get3A_1066] {strides = array<i32>} : memref<2x800x64xbf16, #tpu.memory_space<vmem>>, vector<32xbf16>,
        %add3A_1068 = arith.constant 0 : i32
        %add3A_1069 = arith.addi %add3A_1044, %add3A_1068 : i32
        %add3A_1070 = arith.constant 1 : i32
        %add3A_1071 = arith.addi %add3A_1069, %add3A_1070 : i32
        %get3A_1072 = arith.constant 0 : i32
        %get3A_1073 = arith.index_cast %get3A_1072 : i32 to index
        %get3A_1074 = arith.index_cast %add3A_1071 : i32 to index
        %get3A_1075 = arith.constant 32 : index
        %get3A_1076 = tpu.vector_load %arg8[%get3A_1073, %get3A_1074, %get3A_1075] {strides = array<i32>} : memref<2x800x64xbf16, #tpu.memory_space<vmem>>, vector<32xbf16>,
        %add3A_1077 = arith.addf %get3A_1067, %get3A_1076 : vector<32xbf16>
        %unpack3A = tpu.unpack_subelements %add3A_1060, 0 {pack_format = #tpu.pack_format<interleaved>} : vector<32xbf16> -> vector<16xf32>
        %unpack3A_1078 = tpu.unpack_subelements %add3A_1060, 1 {pack_format = #tpu.pack_format<interleaved>} : vector<32xbf16> -> vector<16xf32>
        %unpack3A_1079 = tpu.unpack_subelements %add3A_1077, 0 {pack_format = #tpu.pack_format<interleaved>} : vector<32xbf16> -> vector<16xf32>
        %unpack3A_1080 = tpu.unpack_subelements %add3A_1077, 1 {pack_format = #tpu.pack_format<interleaved>} : vector<32xbf16> -> vector<16xf32>
        %add3A_1081 = arith.addf %scan3A_1037, %unpack3A : vector<16xf32>
        %add3A_1082 = arith.addf %scan3A_1038, %unpack3A_1078 : vector<16xf32>
        %add3A_1083 = arith.addf %scan3A_1039, %unpack3A_1079 : vector<16xf32>
        %add3A_1084 = arith.addf %scan3A_1040, %unpack3A_1080 : vector<16xf32>
        %add3A_1085 = arith.constant 2 : i32
        %add3A_1086 = arith.addi %add3A_1044, %add3A_1085 : i32
        %get3A_1087 = arith.constant 0 : i32
        %get3A_1088 = arith.index_cast %get3A_1087 : i32 to index
        %get3A_1089 = arith.index_cast %add3A_1086 : i32 to index
        %get3A_1090 = arith.constant 0 : index
        %get3A_1091 = tpu.vector_load %arg8[%get3A_1088, %get3A_1089, %get3A_1090] {strides = array<i32>} : memref<2x800x64xbf16, #tpu.memory_space<vmem>>, vector<32xbf16>,
        %add3A_1092 = arith.constant 2 : i32
        %add3A_1093 = arith.addi %add3A_1044, %add3A_1092 : i32
        %add3A_1094 = arith.constant 1 : i32
        %add3A_1095 = arith.addi %add3A_1093, %add3A_1094 : i32
        %get3A_1096 = arith.constant 0 : i32
        %get3A_1097 = arith.index_cast %get3A_1096 : i32 to index
        %get3A_1098 = arith.index_cast %add3A_1095 : i32 to index
        %get3A_1099 = arith.constant 0 : index
        %get3A_1100 = tpu.vector_load %arg8[%get3A_1097, %get3A_1098, %get3A_1099] {strides = array<i32>} : memref<2x800x64xbf16, #tpu.memory_space<vmem>>, vector<32xbf16>,
        %add3A_1101 = arith.addf %get3A_1091, %get3A_1100 : vector<32xbf16>
        %add3A_1102 = arith.constant 2 : i32
        %add3A_1103 = arith.addi %add3A_1044, %add3A_1102 : i32
        %get3A_1104 = arith.constant 0 : i32
        %get3A_1105 = arith.index_cast %get3A_1104 : i32 to index
        %get3A_1106 = arith.index_cast %add3A_1103 : i32 to index
        %get3A_1107 = arith.constant 32 : index
        %get3A_1108 = tpu.vector_load %arg8[%get3A_1105, %get3A_1106, %get3A_1107] {strides = array<i32>} : memref<2x800x64xbf16, #tpu.memory_space<vmem>>, vector<32xbf16>,
        %add3A_1109 = arith.constant 2 : i32
        %add3A_1110 = arith.addi %add3A_1044, %add3A_1109 : i32
        %add3A_1111 = arith.constant 1 : i32
        %add3A_1112 = arith.addi %add3A_1110, %add3A_1111 : i32
        %get3A_1113 = arith.constant 0 : i32
        %get3A_1114 = arith.index_cast %get3A_1113 : i32 to index
        %get3A_1115 = arith.index_cast %add3A_1112 : i32 to index
        %get3A_1116 = arith.constant 32 : index
        %get3A_1117 = tpu.vector_load %arg8[%get3A_1114, %get3A_1115, %get3A_1116] {strides = array<i32>} : memref<2x800x64xbf16, #tpu.memory_space<vmem>>, vector<32xbf16>,
        %add3A_1118 = arith.addf %get3A_1108, %get3A_1117 : vector<32xbf16>
        %unpack3A_1119 = tpu.unpack_subelements %add3A_1101, 0 {pack_format = #tpu.pack_format<interleaved>} : vector<32xbf16> -> vector<16xf32>
        %unpack3A_1120 = tpu.unpack_subelements %add3A_1101, 1 {pack_format = #tpu.pack_format<interleaved>} : vector<32xbf16> -> vector<16xf32>
        %unpack3A_1121 = tpu.unpack_subelements %add3A_1118, 0 {pack_format = #tpu.pack_format<interleaved>} : vector<32xbf16> -> vector<16xf32>
        %unpack3A_1122 = tpu.unpack_subelements %add3A_1118, 1 {pack_format = #tpu.pack_format<interleaved>} : vector<32xbf16> -> vector<16xf32>
        %add3A_1123 = arith.addf %add3A_1081, %unpack3A_1119 : vector<16xf32>
        %add3A_1124 = arith.addf %add3A_1082, %unpack3A_1120 : vector<16xf32>
        %add3A_1125 = arith.addf %add3A_1083, %unpack3A_1121 : vector<16xf32>
        %add3A_1126 = arith.addf %add3A_1084, %unpack3A_1122 : vector<16xf32>
        scf.yield %add3A_1123, %add3A_1124, %add3A_1125, %add3A_1126 : vector<16xf32>, vector<16xf32>, vector<16xf32>, vector<16xf32>
      }
      %scan3A_357 = arith.constant 25 : i32
      %swap3A = arith.constant 0 : i32
      %swap3A_358 = arith.constant 0 : i32
      %swap3A_359 = arith.index_cast %swap3A : i32 to index
      %swap3A_360 = arith.index_cast %swap3A_358 : i32 to index
      %swap3A_361 = arith.constant 0 : index
      %swap3A_362 = tpu.vector_load %arg9[%swap3A_359, %swap3A_360, %swap3A_361] {strides = array<i32>} : memref<2x8x64xf32, #tpu.memory_space<vmem>>, vector<16xf32>,
      tpu.vector_store %arg9[%swap3A_359, %swap3A_360, %swap3A_361], %scan3A_356#0 {strides = array<i32>} : memref<2x8x64xf32, #tpu.memory_space<vmem>>, vector<16xf32>,
      %swap3A_363 = arith.constant 0 : i32
      %swap3A_364 = arith.constant 0 : i32
      %swap3A_365 = arith.index_cast %swap3A_363 : i32 to index
      %swap3A_366 = arith.index_cast %swap3A_364 : i32 to index
      %swap3A_367 = arith.constant 16 : index
      %swap3A_368 = tpu.vector_load %arg9[%swap3A_365, %swap3A_366, %swap3A_367] {strides = array<i32>} : memref<2x8x64xf32, #tpu.memory_space<vmem>>, vector<16xf32>,
      tpu.vector_store %arg9[%swap3A_365, %swap3A_366, %swap3A_367], %scan3A_356#1 {strides = array<i32>} : memref<2x8x64xf32, #tpu.memory_space<vmem>>, vector<16xf32>,
      %swap3A_369 = arith.constant 0 : i32
      %swap3A_370 = arith.constant 0 : i32
      %swap3A_371 = arith.index_cast %swap3A_369 : i32 to index
      %swap3A_372 = arith.index_cast %swap3A_370 : i32 to index
      %swap3A_373 = arith.constant 32 : index
      %swap3A_374 = tpu.vector_load %arg9[%swap3A_371, %swap3A_372, %swap3A_373] {strides = array<i32>} : memref<2x8x64xf32, #tpu.memory_space<vmem>>, vector<16xf32>,
      tpu.vector_store %arg9[%swap3A_371, %swap3A_372, %swap3A_373], %scan3A_356#2 {strides = array<i32>} : memref<2x8x64xf32, #tpu.memory_space<vmem>>, vector<16xf32>,
      %swap3A_375 = arith.constant 0 : i32
      %swap3A_376 = arith.constant 0 : i32
      %swap3A_377 = arith.index_cast %swap3A_375 : i32 to index
      %swap3A_378 = arith.index_cast %swap3A_376 : i32 to index
      %swap3A_379 = arith.constant 48 : index
      %swap3A_380 = tpu.vector_load %arg9[%swap3A_377, %swap3A_378, %swap3A_379] {strides = array<i32>} : memref<2x8x64xf32, #tpu.memory_space<vmem>>, vector<16xf32>,
      tpu.vector_store %arg9[%swap3A_377, %swap3A_378, %swap3A_379], %scan3A_356#3 {strides = array<i32>} : memref<2x8x64xf32, #tpu.memory_space<vmem>>, vector<16xf32>,
      %broadcast_in_dim3A_381 = arith.constant 0.000000e+00 : f32
      %broadcast_in_dim3A_382 = vector.broadcast %broadcast_in_dim3A_381 : f32 to vector<16xf32>
      %scan3A_383 = arith.constant 0 : i32
      %scan3A_384 = arith.constant 25 : i32
      %scan3A_385 = arith.addi %scan3A_383, %scan3A_384 : i32
      %scan3A_386 = arith.constant 1 : i32
      %scan3A_387:4 = scf.for %scan3A_1036 = %scan3A_383 to %scan3A_385 step %scan3A_386 iter_args(%scan3A_1037 = %broadcast_in_dim3A_382, %scan3A_1038 = %broadcast_in_dim3A_382, %scan3A_1039 = %broadcast_in_dim3A_382, %scan3A_1040 = %broadcast_in_dim3A_382) -> (vector<16xf32>, vector<16xf32>, vector<16xf32>, vector<16xf32>)  : i32 {
        %mul3A_1041 = arith.constant 4 : i32
        %mul3A_1042 = arith.muli %scan3A_1036, %mul3A_1041 : i32
        %add3A_1043 = arith.constant 100 : i32
        %add3A_1044 = arith.addi %add3A_1043, %mul3A_1042 : i32
        %add3A_1045 = arith.constant 0 : i32
        %add3A_1046 = arith.addi %add3A_1044, %add3A_1045 : i32
        %get3A = arith.constant 0 : i32
        %get3A_1047 = arith.index_cast %get3A : i32 to index
        %get3A_1048 = arith.index_cast %add3A_1046 : i32 to index
        %get3A_1049 = arith.constant 0 : index
        %get3A_1050 = tpu.vector_load %arg8[%get3A_1047, %get3A_1048, %get3A_1049] {strides = array<i32>} : memref<2x800x64xbf16, #tpu.memory_space<vmem>>, vector<32xbf16>,
        %add3A_1051 = arith.constant 0 : i32
        %add3A_1052 = arith.addi %add3A_1044, %add3A_1051 : i32
        %add3A_1053 = arith.constant 1 : i32
        %add3A_1054 = arith.addi %add3A_1052, %add3A_1053 : i32
        %get3A_1055 = arith.constant 0 : i32
        %get3A_1056 = arith.index_cast %get3A_1055 : i32 to index
        %get3A_1057 = arith.index_cast %add3A_1054 : i32 to index
        %get3A_1058 = arith.constant 0 : index
        %get3A_1059 = tpu.vector_load %arg8[%get3A_1056, %get3A_1057, %get3A_1058] {strides = array<i32>} : memref<2x800x64xbf16, #tpu.memory_space<vmem>>, vector<32xbf16>,
        %add3A_1060 = arith.addf %get3A_1050, %get3A_1059 : vector<32xbf16>
        %add3A_1061 = arith.constant 0 : i32
        %add3A_1062 = arith.addi %add3A_1044, %add3A_1061 : i32
        %get3A_1063 = arith.constant 0 : i32
        %get3A_1064 = arith.index_cast %get3A_1063 : i32 to index
        %get3A_1065 = arith.index_cast %add3A_1062 : i32 to index
        %get3A_1066 = arith.constant 32 : index
        %get3A_1067 = tpu.vector_load %arg8[%get3A_1064, %get3A_1065, %get3A_1066] {strides = array<i32>} : memref<2x800x64xbf16, #tpu.memory_space<vmem>>, vector<32xbf16>,
        %add3A_1068 = arith.constant 0 : i32
        %add3A_1069 = arith.addi %add3A_1044, %add3A_1068 : i32
        %add3A_1070 = arith.constant 1 : i32
        %add3A_1071 = arith.addi %add3A_1069, %add3A_1070 : i32
        %get3A_1072 = arith.constant 0 : i32
        %get3A_1073 = arith.index_cast %get3A_1072 : i32 to index
        %get3A_1074 = arith.index_cast %add3A_1071 : i32 to index
        %get3A_1075 = arith.constant 32 : index
        %get3A_1076 = tpu.vector_load %arg8[%get3A_1073, %get3A_1074, %get3A_1075] {strides = array<i32>} : memref<2x800x64xbf16, #tpu.memory_space<vmem>>, vector<32xbf16>,
        %add3A_1077 = arith.addf %get3A_1067, %get3A_1076 : vector<32xbf16>
        %unpack3A = tpu.unpack_subelements %add3A_1060, 0 {pack_format = #tpu.pack_format<interleaved>} : vector<32xbf16> -> vector<16xf32>
        %unpack3A_1078 = tpu.unpack_subelements %add3A_1060, 1 {pack_format = #tpu.pack_format<interleaved>} : vector<32xbf16> -> vector<16xf32>
        %unpack3A_1079 = tpu.unpack_subelements %add3A_1077, 0 {pack_format = #tpu.pack_format<interleaved>} : vector<32xbf16> -> vector<16xf32>
        %unpack3A_1080 = tpu.unpack_subelements %add3A_1077, 1 {pack_format = #tpu.pack_format<interleaved>} : vector<32xbf16> -> vector<16xf32>
        %add3A_1081 = arith.addf %scan3A_1037, %unpack3A : vector<16xf32>
        %add3A_1082 = arith.addf %scan3A_1038, %unpack3A_1078 : vector<16xf32>
        %add3A_1083 = arith.addf %scan3A_1039, %unpack3A_1079 : vector<16xf32>
        %add3A_1084 = arith.addf %scan3A_1040, %unpack3A_1080 : vector<16xf32>
        %add3A_1085 = arith.constant 2 : i32
        %add3A_1086 = arith.addi %add3A_1044, %add3A_1085 : i32
        %get3A_1087 = arith.constant 0 : i32
        %get3A_1088 = arith.index_cast %get3A_1087 : i32 to index
        %get3A_1089 = arith.index_cast %add3A_1086 : i32 to index
        %get3A_1090 = arith.constant 0 : index
        %get3A_1091 = tpu.vector_load %arg8[%get3A_1088, %get3A_1089, %get3A_1090] {strides = array<i32>} : memref<2x800x64xbf16, #tpu.memory_space<vmem>>, vector<32xbf16>,
        %add3A_1092 = arith.constant 2 : i32
        %add3A_1093 = arith.addi %add3A_1044, %add3A_1092 : i32
        %add3A_1094 = arith.constant 1 : i32
        %add3A_1095 = arith.addi %add3A_1093, %add3A_1094 : i32
        %get3A_1096 = arith.constant 0 : i32
        %get3A_1097 = arith.index_cast %get3A_1096 : i32 to index
        %get3A_1098 = arith.index_cast %add3A_1095 : i32 to index
        %get3A_1099 = arith.constant 0 : index
        %get3A_1100 = tpu.vector_load %arg8[%get3A_1097, %get3A_1098, %get3A_1099] {strides = array<i32>} : memref<2x800x64xbf16, #tpu.memory_space<vmem>>, vector<32xbf16>,
        %add3A_1101 = arith.addf %get3A_1091, %get3A_1100 : vector<32xbf16>
        %add3A_1102 = arith.constant 2 : i32
        %add3A_1103 = arith.addi %add3A_1044, %add3A_1102 : i32
        %get3A_1104 = arith.constant 0 : i32
        %get3A_1105 = arith.index_cast %get3A_1104 : i32 to index
        %get3A_1106 = arith.index_cast %add3A_1103 : i32 to index
        %get3A_1107 = arith.constant 32 : index
        %get3A_1108 = tpu.vector_load %arg8[%get3A_1105, %get3A_1106, %get3A_1107] {strides = array<i32>} : memref<2x800x64xbf16, #tpu.memory_space<vmem>>, vector<32xbf16>,
        %add3A_1109 = arith.constant 2 : i32
        %add3A_1110 = arith.addi %add3A_1044, %add3A_1109 : i32
        %add3A_1111 = arith.constant 1 : i32
        %add3A_1112 = arith.addi %add3A_1110, %add3A_1111 : i32
        %get3A_1113 = arith.constant 0 : i32
        %get3A_1114 = arith.index_cast %get3A_1113 : i32 to index
        %get3A_1115 = arith.index_cast %add3A_1112 : i32 to index
        %get3A_1116 = arith.constant 32 : index
        %get3A_1117 = tpu.vector_load %arg8[%get3A_1114, %get3A_1115, %get3A_1116] {strides = array<i32>} : memref<2x800x64xbf16, #tpu.memory_space<vmem>>, vector<32xbf16>,
        %add3A_1118 = arith.addf %get3A_1108, %get3A_1117 : vector<32xbf16>
        %unpack3A_1119 = tpu.unpack_subelements %add3A_1101, 0 {pack_format = #tpu.pack_format<interleaved>} : vector<32xbf16> -> vector<16xf32>
        %unpack3A_1120 = tpu.unpack_subelements %add3A_1101, 1 {pack_format = #tpu.pack_format<interleaved>} : vector<32xbf16> -> vector<16xf32>
        %unpack3A_1121 = tpu.unpack_subelements %add3A_1118, 0 {pack_format = #tpu.pack_format<interleaved>} : vector<32xbf16> -> vector<16xf32>
        %unpack3A_1122 = tpu.unpack_subelements %add3A_1118, 1 {pack_format = #tpu.pack_format<interleaved>} : vector<32xbf16> -> vector<16xf32>
        %add3A_1123 = arith.addf %add3A_1081, %unpack3A_1119 : vector<16xf32>
        %add3A_1124 = arith.addf %add3A_1082, %unpack3A_1120 : vector<16xf32>
        %add3A_1125 = arith.addf %add3A_1083, %unpack3A_1121 : vector<16xf32>
        %add3A_1126 = arith.addf %add3A_1084, %unpack3A_1122 : vector<16xf32>
        scf.yield %add3A_1123, %add3A_1124, %add3A_1125, %add3A_1126 : vector<16xf32>, vector<16xf32>, vector<16xf32>, vector<16xf32>
      }
      %scan3A_388 = arith.constant 25 : i32
      %swap3A_389 = arith.constant 0 : i32
      %swap3A_390 = arith.constant 1 : i32
      %swap3A_391 = arith.index_cast %swap3A_389 : i32 to index
      %swap3A_392 = arith.index_cast %swap3A_390 : i32 to index
      %swap3A_393 = arith.constant 0 : index
      %swap3A_394 = tpu.vector_load %arg9[%swap3A_391, %swap3A_392, %swap3A_393] {strides = array<i32>} : memref<2x8x64xf32, #tpu.memory_space<vmem>>, vector<16xf32>,
      tpu.vector_store %arg9[%swap3A_391, %swap3A_392, %swap3A_393], %scan3A_387#0 {strides = array<i32>} : memref<2x8x64xf32, #tpu.memory_space<vmem>>, vector<16xf32>,
      %swap3A_395 = arith.constant 0 : i32
      %swap3A_396 = arith.constant 1 : i32
      %swap3A_397 = arith.index_cast %swap3A_395 : i32 to index
      %swap3A_398 = arith.index_cast %swap3A_396 : i32 to index
      %swap3A_399 = arith.constant 16 : index
      %swap3A_400 = tpu.vector_load %arg9[%swap3A_397, %swap3A_398, %swap3A_399] {strides = array<i32>} : memref<2x8x64xf32, #tpu.memory_space<vmem>>, vector<16xf32>,
      tpu.vector_store %arg9[%swap3A_397, %swap3A_398, %swap3A_399], %scan3A_387#1 {strides = array<i32>} : memref<2x8x64xf32, #tpu.memory_space<vmem>>, vector<16xf32>,
      %swap3A_401 = arith.constant 0 : i32
      %swap3A_402 = arith.constant 1 : i32
      %swap3A_403 = arith.index_cast %swap3A_401 : i32 to index
      %swap3A_404 = arith.index_cast %swap3A_402 : i32 to index
      %swap3A_405 = arith.constant 32 : index
      %swap3A_406 = tpu.vector_load %arg9[%swap3A_403, %swap3A_404, %swap3A_405] {strides = array<i32>} : memref<2x8x64xf32, #tpu.memory_space<vmem>>, vector<16xf32>,
      tpu.vector_store %arg9[%swap3A_403, %swap3A_404, %swap3A_405], %scan3A_387#2 {strides = array<i32>} : memref<2x8x64xf32, #tpu.memory_space<vmem>>, vector<16xf32>,
      %swap3A_407 = arith.constant 0 : i32
      %swap3A_408 = arith.constant 1 : i32
      %swap3A_409 = arith.index_cast %swap3A_407 : i32 to index
      %swap3A_410 = arith.index_cast %swap3A_408 : i32 to index
      %swap3A_411 = arith.constant 48 : index
      %swap3A_412 = tpu.vector_load %arg9[%swap3A_409, %swap3A_410, %swap3A_411] {strides = array<i32>} : memref<2x8x64xf32, #tpu.memory_space<vmem>>, vector<16xf32>,
      tpu.vector_store %arg9[%swap3A_409, %swap3A_410, %swap3A_411], %scan3A_387#3 {strides = array<i32>} : memref<2x8x64xf32, #tpu.memory_space<vmem>>, vector<16xf32>,
      %broadcast_in_dim3A_413 = arith.constant 0.000000e+00 : f32
      %broadcast_in_dim3A_414 = vector.broadcast %broadcast_in_dim3A_413 : f32 to vector<16xf32>
      %scan3A_415 = arith.constant 0 : i32
      %scan3A_416 = arith.constant 25 : i32
      %scan3A_417 = arith.addi %scan3A_415, %scan3A_416 : i32
      %scan3A_418 = arith.constant 1 : i32
      %scan3A_419:4 = scf.for %scan3A_1036 = %scan3A_415 to %scan3A_417 step %scan3A_418 iter_args(%scan3A_1037 = %broadcast_in_dim3A_414, %scan3A_1038 = %broadcast_in_dim3A_414, %scan3A_1039 = %broadcast_in_dim3A_414, %scan3A_1040 = %broadcast_in_dim3A_414) -> (vector<16xf32>, vector<16xf32>, vector<16xf32>, vector<16xf32>)  : i32 {
        %mul3A_1041 = arith.constant 4 : i32
        %mul3A_1042 = arith.muli %scan3A_1036, %mul3A_1041 : i32
        %add3A_1043 = arith.constant 200 : i32
        %add3A_1044 = arith.addi %add3A_1043, %mul3A_1042 : i32
        %add3A_1045 = arith.constant 0 : i32
        %add3A_1046 = arith.addi %add3A_1044, %add3A_1045 : i32
        %get3A = arith.constant 0 : i32
        %get3A_1047 = arith.index_cast %get3A : i32 to index
        %get3A_1048 = arith.index_cast %add3A_1046 : i32 to index
        %get3A_1049 = arith.constant 0 : index
        %get3A_1050 = tpu.vector_load %arg8[%get3A_1047, %get3A_1048, %get3A_1049] {strides = array<i32>} : memref<2x800x64xbf16, #tpu.memory_space<vmem>>, vector<32xbf16>,
        %add3A_1051 = arith.constant 0 : i32
        %add3A_1052 = arith.addi %add3A_1044, %add3A_1051 : i32
        %add3A_1053 = arith.constant 1 : i32
        %add3A_1054 = arith.addi %add3A_1052, %add3A_1053 : i32
        %get3A_1055 = arith.constant 0 : i32
        %get3A_1056 = arith.index_cast %get3A_1055 : i32 to index
        %get3A_1057 = arith.index_cast %add3A_1054 : i32 to index
        %get3A_1058 = arith.constant 0 : index
        %get3A_1059 = tpu.vector_load %arg8[%get3A_1056, %get3A_1057, %get3A_1058] {strides = array<i32>} : memref<2x800x64xbf16, #tpu.memory_space<vmem>>, vector<32xbf16>,
        %add3A_1060 = arith.addf %get3A_1050, %get3A_1059 : vector<32xbf16>
        %add3A_1061 = arith.constant 0 : i32
        %add3A_1062 = arith.addi %add3A_1044, %add3A_1061 : i32
        %get3A_1063 = arith.constant 0 : i32
        %get3A_1064 = arith.index_cast %get3A_1063 : i32 to index
        %get3A_1065 = arith.index_cast %add3A_1062 : i32 to index
        %get3A_1066 = arith.constant 32 : index
        %get3A_1067 = tpu.vector_load %arg8[%get3A_1064, %get3A_1065, %get3A_1066] {strides = array<i32>} : memref<2x800x64xbf16, #tpu.memory_space<vmem>>, vector<32xbf16>,
        %add3A_1068 = arith.constant 0 : i32
        %add3A_1069 = arith.addi %add3A_1044, %add3A_1068 : i32
        %add3A_1070 = arith.constant 1 : i32
        %add3A_1071 = arith.addi %add3A_1069, %add3A_1070 : i32
        %get3A_1072 = arith.constant 0 : i32
        %get3A_1073 = arith.index_cast %get3A_1072 : i32 to index
        %get3A_1074 = arith.index_cast %add3A_1071 : i32 to index
        %get3A_1075 = arith.constant 32 : index
        %get3A_1076 = tpu.vector_load %arg8[%get3A_1073, %get3A_1074, %get3A_1075] {strides = array<i32>} : memref<2x800x64xbf16, #tpu.memory_space<vmem>>, vector<32xbf16>,
        %add3A_1077 = arith.addf %get3A_1067, %get3A_1076 : vector<32xbf16>
        %unpack3A = tpu.unpack_subelements %add3A_1060, 0 {pack_format = #tpu.pack_format<interleaved>} : vector<32xbf16> -> vector<16xf32>
        %unpack3A_1078 = tpu.unpack_subelements %add3A_1060, 1 {pack_format = #tpu.pack_format<interleaved>} : vector<32xbf16> -> vector<16xf32>
        %unpack3A_1079 = tpu.unpack_subelements %add3A_1077, 0 {pack_format = #tpu.pack_format<interleaved>} : vector<32xbf16> -> vector<16xf32>
        %unpack3A_1080 = tpu.unpack_subelements %add3A_1077, 1 {pack_format = #tpu.pack_format<interleaved>} : vector<32xbf16> -> vector<16xf32>
        %add3A_1081 = arith.addf %scan3A_1037, %unpack3A : vector<16xf32>
        %add3A_1082 = arith.addf %scan3A_1038, %unpack3A_1078 : vector<16xf32>
        %add3A_1083 = arith.addf %scan3A_1039, %unpack3A_1079 : vector<16xf32>
        %add3A_1084 = arith.addf %scan3A_1040, %unpack3A_1080 : vector<16xf32>
        %add3A_1085 = arith.constant 2 : i32
        %add3A_1086 = arith.addi %add3A_1044, %add3A_1085 : i32
        %get3A_1087 = arith.constant 0 : i32
        %get3A_1088 = arith.index_cast %get3A_1087 : i32 to index
        %get3A_1089 = arith.index_cast %add3A_1086 : i32 to index
        %get3A_1090 = arith.constant 0 : index
        %get3A_1091 = tpu.vector_load %arg8[%get3A_1088, %get3A_1089, %get3A_1090] {strides = array<i32>} : memref<2x800x64xbf16, #tpu.memory_space<vmem>>, vector<32xbf16>,
        %add3A_1092 = arith.constant 2 : i32
        %add3A_1093 = arith.addi %add3A_1044, %add3A_1092 : i32
        %add3A_1094 = arith.constant 1 : i32
        %add3A_1095 = arith.addi %add3A_1093, %add3A_1094 : i32
        %get3A_1096 = arith.constant 0 : i32
        %get3A_1097 = arith.index_cast %get3A_1096 : i32 to index
        %get3A_1098 = arith.index_cast %add3A_1095 : i32 to index
        %get3A_1099 = arith.constant 0 : index
        %get3A_1100 = tpu.vector_load %arg8[%get3A_1097, %get3A_1098, %get3A_1099] {strides = array<i32>} : memref<2x800x64xbf16, #tpu.memory_space<vmem>>, vector<32xbf16>,
        %add3A_1101 = arith.addf %get3A_1091, %get3A_1100 : vector<32xbf16>
        %add3A_1102 = arith.constant 2 : i32
        %add3A_1103 = arith.addi %add3A_1044, %add3A_1102 : i32
        %get3A_1104 = arith.constant 0 : i32
        %get3A_1105 = arith.index_cast %get3A_1104 : i32 to index
        %get3A_1106 = arith.index_cast %add3A_1103 : i32 to index
        %get3A_1107 = arith.constant 32 : index
        %get3A_1108 = tpu.vector_load %arg8[%get3A_1105, %get3A_1106, %get3A_1107] {strides = array<i32>} : memref<2x800x64xbf16, #tpu.memory_space<vmem>>, vector<32xbf16>,
        %add3A_1109 = arith.constant 2 : i32
        %add3A_1110 = arith.addi %add3A_1044, %add3A_1109 : i32
        %add3A_1111 = arith.constant 1 : i32
        %add3A_1112 = arith.addi %add3A_1110, %add3A_1111 : i32
        %get3A_1113 = arith.constant 0 : i32
        %get3A_1114 = arith.index_cast %get3A_1113 : i32 to index
        %get3A_1115 = arith.index_cast %add3A_1112 : i32 to index
        %get3A_1116 = arith.constant 32 : index
        %get3A_1117 = tpu.vector_load %arg8[%get3A_1114, %get3A_1115, %get3A_1116] {strides = array<i32>} : memref<2x800x64xbf16, #tpu.memory_space<vmem>>, vector<32xbf16>,
        %add3A_1118 = arith.addf %get3A_1108, %get3A_1117 : vector<32xbf16>
        %unpack3A_1119 = tpu.unpack_subelements %add3A_1101, 0 {pack_format = #tpu.pack_format<interleaved>} : vector<32xbf16> -> vector<16xf32>
        %unpack3A_1120 = tpu.unpack_subelements %add3A_1101, 1 {pack_format = #tpu.pack_format<interleaved>} : vector<32xbf16> -> vector<16xf32>
        %unpack3A_1121 = tpu.unpack_subelements %add3A_1118, 0 {pack_format = #tpu.pack_format<interleaved>} : vector<32xbf16> -> vector<16xf32>
        %unpack3A_1122 = tpu.unpack_subelements %add3A_1118, 1 {pack_format = #tpu.pack_format<interleaved>} : vector<32xbf16> -> vector<16xf32>
        %add3A_1123 = arith.addf %add3A_1081, %unpack3A_1119 : vector<16xf32>
        %add3A_1124 = arith.addf %add3A_1082, %unpack3A_1120 : vector<16xf32>
        %add3A_1125 = arith.addf %add3A_1083, %unpack3A_1121 : vector<16xf32>
        %add3A_1126 = arith.addf %add3A_1084, %unpack3A_1122 : vector<16xf32>
        scf.yield %add3A_1123, %add3A_1124, %add3A_1125, %add3A_1126 : vector<16xf32>, vector<16xf32>, vector<16xf32>, vector<16xf32>
      }
      %scan3A_420 = arith.constant 25 : i32
      %swap3A_421 = arith.constant 0 : i32
      %swap3A_422 = arith.constant 2 : i32
      %swap3A_423 = arith.index_cast %swap3A_421 : i32 to index
      %swap3A_424 = arith.index_cast %swap3A_422 : i32 to index
      %swap3A_425 = arith.constant 0 : index
      %swap3A_426 = tpu.vector_load %arg9[%swap3A_423, %swap3A_424, %swap3A_425] {strides = array<i32>} : memref<2x8x64xf32, #tpu.memory_space<vmem>>, vector<16xf32>,
      tpu.vector_store %arg9[%swap3A_423, %swap3A_424, %swap3A_425], %scan3A_419#0 {strides = array<i32>} : memref<2x8x64xf32, #tpu.memory_space<vmem>>, vector<16xf32>,
      %swap3A_427 = arith.constant 0 : i32
      %swap3A_428 = arith.constant 2 : i32
      %swap3A_429 = arith.index_cast %swap3A_427 : i32 to index
      %swap3A_430 = arith.index_cast %swap3A_428 : i32 to index
      %swap3A_431 = arith.constant 16 : index
      %swap3A_432 = tpu.vector_load %arg9[%swap3A_429, %swap3A_430, %swap3A_431] {strides = array<i32>} : memref<2x8x64xf32, #tpu.memory_space<vmem>>, vector<16xf32>,
      tpu.vector_store %arg9[%swap3A_429, %swap3A_430, %swap3A_431], %scan3A_419#1 {strides = array<i32>} : memref<2x8x64xf32, #tpu.memory_space<vmem>>, vector<16xf32>,
      %swap3A_433 = arith.constant 0 : i32
      %swap3A_434 = arith.constant 2 : i32
      %swap3A_435 = arith.index_cast %swap3A_433 : i32 to index
      %swap3A_436 = arith.index_cast %swap3A_434 : i32 to index
      %swap3A_437 = arith.constant 32 : index
      %swap3A_438 = tpu.vector_load %arg9[%swap3A_435, %swap3A_436, %swap3A_437] {strides = array<i32>} : memref<2x8x64xf32, #tpu.memory_space<vmem>>, vector<16xf32>,
      tpu.vector_store %arg9[%swap3A_435, %swap3A_436, %swap3A_437], %scan3A_419#2 {strides = array<i32>} : memref<2x8x64xf32, #tpu.memory_space<vmem>>, vector<16xf32>,
      %swap3A_439 = arith.constant 0 : i32
      %swap3A_440 = arith.constant 2 : i32
      %swap3A_441 = arith.index_cast %swap3A_439 : i32 to index
      %swap3A_442 = arith.index_cast %swap3A_440 : i32 to index
      %swap3A_443 = arith.constant 48 : index
      %swap3A_444 = tpu.vector_load %arg9[%swap3A_441, %swap3A_442, %swap3A_443] {strides = array<i32>} : memref<2x8x64xf32, #tpu.memory_space<vmem>>, vector<16xf32>,
      tpu.vector_store %arg9[%swap3A_441, %swap3A_442, %swap3A_443], %scan3A_419#3 {strides = array<i32>} : memref<2x8x64xf32, #tpu.memory_space<vmem>>, vector<16xf32>,
      %broadcast_in_dim3A_445 = arith.constant 0.000000e+00 : f32
      %broadcast_in_dim3A_446 = vector.broadcast %broadcast_in_dim3A_445 : f32 to vector<16xf32>
      %scan3A_447 = arith.constant 0 : i32
      %scan3A_448 = arith.constant 25 : i32
      %scan3A_449 = arith.addi %scan3A_447, %scan3A_448 : i32
      %scan3A_450 = arith.constant 1 : i32
      %scan3A_451:4 = scf.for %scan3A_1036 = %scan3A_447 to %scan3A_449 step %scan3A_450 iter_args(%scan3A_1037 = %broadcast_in_dim3A_446, %scan3A_1038 = %broadcast_in_dim3A_446, %scan3A_1039 = %broadcast_in_dim3A_446, %scan3A_1040 = %broadcast_in_dim3A_446) -> (vector<16xf32>, vector<16xf32>, vector<16xf32>, vector<16xf32>)  : i32 {
        %mul3A_1041 = arith.constant 4 : i32
        %mul3A_1042 = arith.muli %scan3A_1036, %mul3A_1041 : i32
        %add3A_1043 = arith.constant 300 : i32
        %add3A_1044 = arith.addi %add3A_1043, %mul3A_1042 : i32
        %add3A_1045 = arith.constant 0 : i32
        %add3A_1046 = arith.addi %add3A_1044, %add3A_1045 : i32
        %get3A = arith.constant 0 : i32
        %get3A_1047 = arith.index_cast %get3A : i32 to index
        %get3A_1048 = arith.index_cast %add3A_1046 : i32 to index
        %get3A_1049 = arith.constant 0 : index
        %get3A_1050 = tpu.vector_load %arg8[%get3A_1047, %get3A_1048, %get3A_1049] {strides = array<i32>} : memref<2x800x64xbf16, #tpu.memory_space<vmem>>, vector<32xbf16>,
        %add3A_1051 = arith.constant 0 : i32
        %add3A_1052 = arith.addi %add3A_1044, %add3A_1051 : i32
        %add3A_1053 = arith.constant 1 : i32
        %add3A_1054 = arith.addi %add3A_1052, %add3A_1053 : i32
        %get3A_1055 = arith.constant 0 : i32
        %get3A_1056 = arith.index_cast %get3A_1055 : i32 to index
        %get3A_1057 = arith.index_cast %add3A_1054 : i32 to index
        %get3A_1058 = arith.constant 0 : index
        %get3A_1059 = tpu.vector_load %arg8[%get3A_1056, %get3A_1057, %get3A_1058] {strides = array<i32>} : memref<2x800x64xbf16, #tpu.memory_space<vmem>>, vector<32xbf16>,
        %add3A_1060 = arith.addf %get3A_1050, %get3A_1059 : vector<32xbf16>
        %add3A_1061 = arith.constant 0 : i32
        %add3A_1062 = arith.addi %add3A_1044, %add3A_1061 : i32
        %get3A_1063 = arith.constant 0 : i32
        %get3A_1064 = arith.index_cast %get3A_1063 : i32 to index
        %get3A_1065 = arith.index_cast %add3A_1062 : i32 to index
        %get3A_1066 = arith.constant 32 : index
        %get3A_1067 = tpu.vector_load %arg8[%get3A_1064, %get3A_1065, %get3A_1066] {strides = array<i32>} : memref<2x800x64xbf16, #tpu.memory_space<vmem>>, vector<32xbf16>,
        %add3A_1068 = arith.constant 0 : i32
        %add3A_1069 = arith.addi %add3A_1044, %add3A_1068 : i32
        %add3A_1070 = arith.constant 1 : i32
        %add3A_1071 = arith.addi %add3A_1069, %add3A_1070 : i32
        %get3A_1072 = arith.constant 0 : i32
        %get3A_1073 = arith.index_cast %get3A_1072 : i32 to index
        %get3A_1074 = arith.index_cast %add3A_1071 : i32 to index
        %get3A_1075 = arith.constant 32 : index
        %get3A_1076 = tpu.vector_load %arg8[%get3A_1073, %get3A_1074, %get3A_1075] {strides = array<i32>} : memref<2x800x64xbf16, #tpu.memory_space<vmem>>, vector<32xbf16>,
        %add3A_1077 = arith.addf %get3A_1067, %get3A_1076 : vector<32xbf16>
        %unpack3A = tpu.unpack_subelements %add3A_1060, 0 {pack_format = #tpu.pack_format<interleaved>} : vector<32xbf16> -> vector<16xf32>
        %unpack3A_1078 = tpu.unpack_subelements %add3A_1060, 1 {pack_format = #tpu.pack_format<interleaved>} : vector<32xbf16> -> vector<16xf32>
        %unpack3A_1079 = tpu.unpack_subelements %add3A_1077, 0 {pack_format = #tpu.pack_format<interleaved>} : vector<32xbf16> -> vector<16xf32>
        %unpack3A_1080 = tpu.unpack_subelements %add3A_1077, 1 {pack_format = #tpu.pack_format<interleaved>} : vector<32xbf16> -> vector<16xf32>
        %add3A_1081 = arith.addf %scan3A_1037, %unpack3A : vector<16xf32>
        %add3A_1082 = arith.addf %scan3A_1038, %unpack3A_1078 : vector<16xf32>
        %add3A_1083 = arith.addf %scan3A_1039, %unpack3A_1079 : vector<16xf32>
        %add3A_1084 = arith.addf %scan3A_1040, %unpack3A_1080 : vector<16xf32>
        %add3A_1085 = arith.constant 2 : i32
        %add3A_1086 = arith.addi %add3A_1044, %add3A_1085 : i32
        %get3A_1087 = arith.constant 0 : i32
        %get3A_1088 = arith.index_cast %get3A_1087 : i32 to index
        %get3A_1089 = arith.index_cast %add3A_1086 : i32 to index
        %get3A_1090 = arith.constant 0 : index
        %get3A_1091 = tpu.vector_load %arg8[%get3A_1088, %get3A_1089, %get3A_1090] {strides = array<i32>} : memref<2x800x64xbf16, #tpu.memory_space<vmem>>, vector<32xbf16>,
        %add3A_1092 = arith.constant 2 : i32
        %add3A_1093 = arith.addi %add3A_1044, %add3A_1092 : i32
        %add3A_1094 = arith.constant 1 : i32
        %add3A_1095 = arith.addi %add3A_1093, %add3A_1094 : i32
        %get3A_1096 = arith.constant 0 : i32
        %get3A_1097 = arith.index_cast %get3A_1096 : i32 to index
        %get3A_1098 = arith.index_cast %add3A_1095 : i32 to index
        %get3A_1099 = arith.constant 0 : index
        %get3A_1100 = tpu.vector_load %arg8[%get3A_1097, %get3A_1098, %get3A_1099] {strides = array<i32>} : memref<2x800x64xbf16, #tpu.memory_space<vmem>>, vector<32xbf16>,
        %add3A_1101 = arith.addf %get3A_1091, %get3A_1100 : vector<32xbf16>
        %add3A_1102 = arith.constant 2 : i32
        %add3A_1103 = arith.addi %add3A_1044, %add3A_1102 : i32
        %get3A_1104 = arith.constant 0 : i32
        %get3A_1105 = arith.index_cast %get3A_1104 : i32 to index
        %get3A_1106 = arith.index_cast %add3A_1103 : i32 to index
        %get3A_1107 = arith.constant 32 : index
        %get3A_1108 = tpu.vector_load %arg8[%get3A_1105, %get3A_1106, %get3A_1107] {strides = array<i32>} : memref<2x800x64xbf16, #tpu.memory_space<vmem>>, vector<32xbf16>,
        %add3A_1109 = arith.constant 2 : i32
        %add3A_1110 = arith.addi %add3A_1044, %add3A_1109 : i32
        %add3A_1111 = arith.constant 1 : i32
        %add3A_1112 = arith.addi %add3A_1110, %add3A_1111 : i32
        %get3A_1113 = arith.constant 0 : i32
        %get3A_1114 = arith.index_cast %get3A_1113 : i32 to index
        %get3A_1115 = arith.index_cast %add3A_1112 : i32 to index
        %get3A_1116 = arith.constant 32 : index
        %get3A_1117 = tpu.vector_load %arg8[%get3A_1114, %get3A_1115, %get3A_1116] {strides = array<i32>} : memref<2x800x64xbf16, #tpu.memory_space<vmem>>, vector<32xbf16>,
        %add3A_1118 = arith.addf %get3A_1108, %get3A_1117 : vector<32xbf16>
        %unpack3A_1119 = tpu.unpack_subelements %add3A_1101, 0 {pack_format = #tpu.pack_format<interleaved>} : vector<32xbf16> -> vector<16xf32>
        %unpack3A_1120 = tpu.unpack_subelements %add3A_1101, 1 {pack_format = #tpu.pack_format<interleaved>} : vector<32xbf16> -> vector<16xf32>
        %unpack3A_1121 = tpu.unpack_subelements %add3A_1118, 0 {pack_format = #tpu.pack_format<interleaved>} : vector<32xbf16> -> vector<16xf32>
        %unpack3A_1122 = tpu.unpack_subelements %add3A_1118, 1 {pack_format = #tpu.pack_format<interleaved>} : vector<32xbf16> -> vector<16xf32>
        %add3A_1123 = arith.addf %add3A_1081, %unpack3A_1119 : vector<16xf32>
        %add3A_1124 = arith.addf %add3A_1082, %unpack3A_1120 : vector<16xf32>
        %add3A_1125 = arith.addf %add3A_1083, %unpack3A_1121 : vector<16xf32>
        %add3A_1126 = arith.addf %add3A_1084, %unpack3A_1122 : vector<16xf32>
        scf.yield %add3A_1123, %add3A_1124, %add3A_1125, %add3A_1126 : vector<16xf32>, vector<16xf32>, vector<16xf32>, vector<16xf32>
      }
      %scan3A_452 = arith.constant 25 : i32
      %swap3A_453 = arith.constant 0 : i32
      %swap3A_454 = arith.constant 3 : i32
      %swap3A_455 = arith.index_cast %swap3A_453 : i32 to index
      %swap3A_456 = arith.index_cast %swap3A_454 : i32 to index
      %swap3A_457 = arith.constant 0 : index
      %swap3A_458 = tpu.vector_load %arg9[%swap3A_455, %swap3A_456, %swap3A_457] {strides = array<i32>} : memref<2x8x64xf32, #tpu.memory_space<vmem>>, vector<16xf32>,
      tpu.vector_store %arg9[%swap3A_455, %swap3A_456, %swap3A_457], %scan3A_451#0 {strides = array<i32>} : memref<2x8x64xf32, #tpu.memory_space<vmem>>, vector<16xf32>,
      %swap3A_459 = arith.constant 0 : i32
      %swap3A_460 = arith.constant 3 : i32
      %swap3A_461 = arith.index_cast %swap3A_459 : i32 to index
      %swap3A_462 = arith.index_cast %swap3A_460 : i32 to index
      %swap3A_463 = arith.constant 16 : index
      %swap3A_464 = tpu.vector_load %arg9[%swap3A_461, %swap3A_462, %swap3A_463] {strides = array<i32>} : memref<2x8x64xf32, #tpu.memory_space<vmem>>, vector<16xf32>,
      tpu.vector_store %arg9[%swap3A_461, %swap3A_462, %swap3A_463], %scan3A_451#1 {strides = array<i32>} : memref<2x8x64xf32, #tpu.memory_space<vmem>>, vector<16xf32>,
      %swap3A_465 = arith.constant 0 : i32
      %swap3A_466 = arith.constant 3 : i32
      %swap3A_467 = arith.index_cast %swap3A_465 : i32 to index
      %swap3A_468 = arith.index_cast %swap3A_466 : i32 to index
      %swap3A_469 = arith.constant 32 : index
      %swap3A_470 = tpu.vector_load %arg9[%swap3A_467, %swap3A_468, %swap3A_469] {strides = array<i32>} : memref<2x8x64xf32, #tpu.memory_space<vmem>>, vector<16xf32>,
      tpu.vector_store %arg9[%swap3A_467, %swap3A_468, %swap3A_469], %scan3A_451#2 {strides = array<i32>} : memref<2x8x64xf32, #tpu.memory_space<vmem>>, vector<16xf32>,
      %swap3A_471 = arith.constant 0 : i32
      %swap3A_472 = arith.constant 3 : i32
      %swap3A_473 = arith.index_cast %swap3A_471 : i32 to index
      %swap3A_474 = arith.index_cast %swap3A_472 : i32 to index
      %swap3A_475 = arith.constant 48 : index
      %swap3A_476 = tpu.vector_load %arg9[%swap3A_473, %swap3A_474, %swap3A_475] {strides = array<i32>} : memref<2x8x64xf32, #tpu.memory_space<vmem>>, vector<16xf32>,
      tpu.vector_store %arg9[%swap3A_473, %swap3A_474, %swap3A_475], %scan3A_451#3 {strides = array<i32>} : memref<2x8x64xf32, #tpu.memory_space<vmem>>, vector<16xf32>,
      %broadcast_in_dim3A_477 = arith.constant 0.000000e+00 : f32
      %broadcast_in_dim3A_478 = vector.broadcast %broadcast_in_dim3A_477 : f32 to vector<16xf32>
      %scan3A_479 = arith.constant 0 : i32
      %scan3A_480 = arith.constant 25 : i32
      %scan3A_481 = arith.addi %scan3A_479, %scan3A_480 : i32
      %scan3A_482 = arith.constant 1 : i32
      %scan3A_483:4 = scf.for %scan3A_1036 = %scan3A_479 to %scan3A_481 step %scan3A_482 iter_args(%scan3A_1037 = %broadcast_in_dim3A_478, %scan3A_1038 = %broadcast_in_dim3A_478, %scan3A_1039 = %broadcast_in_dim3A_478, %scan3A_1040 = %broadcast_in_dim3A_478) -> (vector<16xf32>, vector<16xf32>, vector<16xf32>, vector<16xf32>)  : i32 {
        %mul3A_1041 = arith.constant 4 : i32
        %mul3A_1042 = arith.muli %scan3A_1036, %mul3A_1041 : i32
        %add3A_1043 = arith.constant 400 : i32
        %add3A_1044 = arith.addi %add3A_1043, %mul3A_1042 : i32
        %add3A_1045 = arith.constant 0 : i32
        %add3A_1046 = arith.addi %add3A_1044, %add3A_1045 : i32
        %get3A = arith.constant 0 : i32
        %get3A_1047 = arith.index_cast %get3A : i32 to index
        %get3A_1048 = arith.index_cast %add3A_1046 : i32 to index
        %get3A_1049 = arith.constant 0 : index
        %get3A_1050 = tpu.vector_load %arg8[%get3A_1047, %get3A_1048, %get3A_1049] {strides = array<i32>} : memref<2x800x64xbf16, #tpu.memory_space<vmem>>, vector<32xbf16>,
        %add3A_1051 = arith.constant 0 : i32
        %add3A_1052 = arith.addi %add3A_1044, %add3A_1051 : i32
        %add3A_1053 = arith.constant 1 : i32
        %add3A_1054 = arith.addi %add3A_1052, %add3A_1053 : i32
        %get3A_1055 = arith.constant 0 : i32
        %get3A_1056 = arith.index_cast %get3A_1055 : i32 to index
        %get3A_1057 = arith.index_cast %add3A_1054 : i32 to index
        %get3A_1058 = arith.constant 0 : index
        %get3A_1059 = tpu.vector_load %arg8[%get3A_1056, %get3A_1057, %get3A_1058] {strides = array<i32>} : memref<2x800x64xbf16, #tpu.memory_space<vmem>>, vector<32xbf16>,
        %add3A_1060 = arith.addf %get3A_1050, %get3A_1059 : vector<32xbf16>
        %add3A_1061 = arith.constant 0 : i32
        %add3A_1062 = arith.addi %add3A_1044, %add3A_1061 : i32
        %get3A_1063 = arith.constant 0 : i32
        %get3A_1064 = arith.index_cast %get3A_1063 : i32 to index
        %get3A_1065 = arith.index_cast %add3A_1062 : i32 to index
        %get3A_1066 = arith.constant 32 : index
        %get3A_1067 = tpu.vector_load %arg8[%get3A_1064, %get3A_1065, %get3A_1066] {strides = array<i32>} : memref<2x800x64xbf16, #tpu.memory_space<vmem>>, vector<32xbf16>,
        %add3A_1068 = arith.constant 0 : i32
        %add3A_1069 = arith.addi %add3A_1044, %add3A_1068 : i32
        %add3A_1070 = arith.constant 1 : i32
        %add3A_1071 = arith.addi %add3A_1069, %add3A_1070 : i32
        %get3A_1072 = arith.constant 0 : i32
        %get3A_1073 = arith.index_cast %get3A_1072 : i32 to index
        %get3A_1074 = arith.index_cast %add3A_1071 : i32 to index
        %get3A_1075 = arith.constant 32 : index
        %get3A_1076 = tpu.vector_load %arg8[%get3A_1073, %get3A_1074, %get3A_1075] {strides = array<i32>} : memref<2x800x64xbf16, #tpu.memory_space<vmem>>, vector<32xbf16>,
        %add3A_1077 = arith.addf %get3A_1067, %get3A_1076 : vector<32xbf16>
        %unpack3A = tpu.unpack_subelements %add3A_1060, 0 {pack_format = #tpu.pack_format<interleaved>} : vector<32xbf16> -> vector<16xf32>
        %unpack3A_1078 = tpu.unpack_subelements %add3A_1060, 1 {pack_format = #tpu.pack_format<interleaved>} : vector<32xbf16> -> vector<16xf32>
        %unpack3A_1079 = tpu.unpack_subelements %add3A_1077, 0 {pack_format = #tpu.pack_format<interleaved>} : vector<32xbf16> -> vector<16xf32>
        %unpack3A_1080 = tpu.unpack_subelements %add3A_1077, 1 {pack_format = #tpu.pack_format<interleaved>} : vector<32xbf16> -> vector<16xf32>
        %add3A_1081 = arith.addf %scan3A_1037, %unpack3A : vector<16xf32>
        %add3A_1082 = arith.addf %scan3A_1038, %unpack3A_1078 : vector<16xf32>
        %add3A_1083 = arith.addf %scan3A_1039, %unpack3A_1079 : vector<16xf32>
        %add3A_1084 = arith.addf %scan3A_1040, %unpack3A_1080 : vector<16xf32>
        %add3A_1085 = arith.constant 2 : i32
        %add3A_1086 = arith.addi %add3A_1044, %add3A_1085 : i32
        %get3A_1087 = arith.constant 0 : i32
        %get3A_1088 = arith.index_cast %get3A_1087 : i32 to index
        %get3A_1089 = arith.index_cast %add3A_1086 : i32 to index
        %get3A_1090 = arith.constant 0 : index
        %get3A_1091 = tpu.vector_load %arg8[%get3A_1088, %get3A_1089, %get3A_1090] {strides = array<i32>} : memref<2x800x64xbf16, #tpu.memory_space<vmem>>, vector<32xbf16>,
        %add3A_1092 = arith.constant 2 : i32
        %add3A_1093 = arith.addi %add3A_1044, %add3A_1092 : i32
        %add3A_1094 = arith.constant 1 : i32
        %add3A_1095 = arith.addi %add3A_1093, %add3A_1094 : i32
        %get3A_1096 = arith.constant 0 : i32
        %get3A_1097 = arith.index_cast %get3A_1096 : i32 to index
        %get3A_1098 = arith.index_cast %add3A_1095 : i32 to index
        %get3A_1099 = arith.constant 0 : index
        %get3A_1100 = tpu.vector_load %arg8[%get3A_1097, %get3A_1098, %get3A_1099] {strides = array<i32>} : memref<2x800x64xbf16, #tpu.memory_space<vmem>>, vector<32xbf16>,
        %add3A_1101 = arith.addf %get3A_1091, %get3A_1100 : vector<32xbf16>
        %add3A_1102 = arith.constant 2 : i32
        %add3A_1103 = arith.addi %add3A_1044, %add3A_1102 : i32
        %get3A_1104 = arith.constant 0 : i32
        %get3A_1105 = arith.index_cast %get3A_1104 : i32 to index
        %get3A_1106 = arith.index_cast %add3A_1103 : i32 to index
        %get3A_1107 = arith.constant 32 : index
        %get3A_1108 = tpu.vector_load %arg8[%get3A_1105, %get3A_1106, %get3A_1107] {strides = array<i32>} : memref<2x800x64xbf16, #tpu.memory_space<vmem>>, vector<32xbf16>,
        %add3A_1109 = arith.constant 2 : i32
        %add3A_1110 = arith.addi %add3A_1044, %add3A_1109 : i32
        %add3A_1111 = arith.constant 1 : i32
        %add3A_1112 = arith.addi %add3A_1110, %add3A_1111 : i32
        %get3A_1113 = arith.constant 0 : i32
        %get3A_1114 = arith.index_cast %get3A_1113 : i32 to index
        %get3A_1115 = arith.index_cast %add3A_1112 : i32 to index
        %get3A_1116 = arith.constant 32 : index
        %get3A_1117 = tpu.vector_load %arg8[%get3A_1114, %get3A_1115, %get3A_1116] {strides = array<i32>} : memref<2x800x64xbf16, #tpu.memory_space<vmem>>, vector<32xbf16>,
        %add3A_1118 = arith.addf %get3A_1108, %get3A_1117 : vector<32xbf16>
        %unpack3A_1119 = tpu.unpack_subelements %add3A_1101, 0 {pack_format = #tpu.pack_format<interleaved>} : vector<32xbf16> -> vector<16xf32>
        %unpack3A_1120 = tpu.unpack_subelements %add3A_1101, 1 {pack_format = #tpu.pack_format<interleaved>} : vector<32xbf16> -> vector<16xf32>
        %unpack3A_1121 = tpu.unpack_subelements %add3A_1118, 0 {pack_format = #tpu.pack_format<interleaved>} : vector<32xbf16> -> vector<16xf32>
        %unpack3A_1122 = tpu.unpack_subelements %add3A_1118, 1 {pack_format = #tpu.pack_format<interleaved>} : vector<32xbf16> -> vector<16xf32>
        %add3A_1123 = arith.addf %add3A_1081, %unpack3A_1119 : vector<16xf32>
        %add3A_1124 = arith.addf %add3A_1082, %unpack3A_1120 : vector<16xf32>
        %add3A_1125 = arith.addf %add3A_1083, %unpack3A_1121 : vector<16xf32>
        %add3A_1126 = arith.addf %add3A_1084, %unpack3A_1122 : vector<16xf32>
        scf.yield %add3A_1123, %add3A_1124, %add3A_1125, %add3A_1126 : vector<16xf32>, vector<16xf32>, vector<16xf32>, vector<16xf32>
      }
      %scan3A_484 = arith.constant 25 : i32
      %swap3A_485 = arith.constant 0 : i32
      %swap3A_486 = arith.constant 4 : i32
      %swap3A_487 = arith.index_cast %swap3A_485 : i32 to index
      %swap3A_488 = arith.index_cast %swap3A_486 : i32 to index
      %swap3A_489 = arith.constant 0 : index
      %swap3A_490 = tpu.vector_load %arg9[%swap3A_487, %swap3A_488, %swap3A_489] {strides = array<i32>} : memref<2x8x64xf32, #tpu.memory_space<vmem>>, vector<16xf32>,
      tpu.vector_store %arg9[%swap3A_487, %swap3A_488, %swap3A_489], %scan3A_483#0 {strides = array<i32>} : memref<2x8x64xf32, #tpu.memory_space<vmem>>, vector<16xf32>,
      %swap3A_491 = arith.constant 0 : i32
      %swap3A_492 = arith.constant 4 : i32
      %swap3A_493 = arith.index_cast %swap3A_491 : i32 to index
      %swap3A_494 = arith.index_cast %swap3A_492 : i32 to index
      %swap3A_495 = arith.constant 16 : index
      %swap3A_496 = tpu.vector_load %arg9[%swap3A_493, %swap3A_494, %swap3A_495] {strides = array<i32>} : memref<2x8x64xf32, #tpu.memory_space<vmem>>, vector<16xf32>,
      tpu.vector_store %arg9[%swap3A_493, %swap3A_494, %swap3A_495], %scan3A_483#1 {strides = array<i32>} : memref<2x8x64xf32, #tpu.memory_space<vmem>>, vector<16xf32>,
      %swap3A_497 = arith.constant 0 : i32
      %swap3A_498 = arith.constant 4 : i32
      %swap3A_499 = arith.index_cast %swap3A_497 : i32 to index
      %swap3A_500 = arith.index_cast %swap3A_498 : i32 to index
      %swap3A_501 = arith.constant 32 : index
      %swap3A_502 = tpu.vector_load %arg9[%swap3A_499, %swap3A_500, %swap3A_501] {strides = array<i32>} : memref<2x8x64xf32, #tpu.memory_space<vmem>>, vector<16xf32>,
      tpu.vector_store %arg9[%swap3A_499, %swap3A_500, %swap3A_501], %scan3A_483#2 {strides = array<i32>} : memref<2x8x64xf32, #tpu.memory_space<vmem>>, vector<16xf32>,
      %swap3A_503 = arith.constant 0 : i32
      %swap3A_504 = arith.constant 4 : i32
      %swap3A_505 = arith.index_cast %swap3A_503 : i32 to index
      %swap3A_506 = arith.index_cast %swap3A_504 : i32 to index
      %swap3A_507 = arith.constant 48 : index
      %swap3A_508 = tpu.vector_load %arg9[%swap3A_505, %swap3A_506, %swap3A_507] {strides = array<i32>} : memref<2x8x64xf32, #tpu.memory_space<vmem>>, vector<16xf32>,
      tpu.vector_store %arg9[%swap3A_505, %swap3A_506, %swap3A_507], %scan3A_483#3 {strides = array<i32>} : memref<2x8x64xf32, #tpu.memory_space<vmem>>, vector<16xf32>,
      %broadcast_in_dim3A_509 = arith.constant 0.000000e+00 : f32
      %broadcast_in_dim3A_510 = vector.broadcast %broadcast_in_dim3A_509 : f32 to vector<16xf32>
      %scan3A_511 = arith.constant 0 : i32
      %scan3A_512 = arith.constant 25 : i32
      %scan3A_513 = arith.addi %scan3A_511, %scan3A_512 : i32
      %scan3A_514 = arith.constant 1 : i32
      %scan3A_515:4 = scf.for %scan3A_1036 = %scan3A_511 to %scan3A_513 step %scan3A_514 iter_args(%scan3A_1037 = %broadcast_in_dim3A_510, %scan3A_1038 = %broadcast_in_dim3A_510, %scan3A_1039 = %broadcast_in_dim3A_510, %scan3A_1040 = %broadcast_in_dim3A_510) -> (vector<16xf32>, vector<16xf32>, vector<16xf32>, vector<16xf32>)  : i32 {
        %mul3A_1041 = arith.constant 4 : i32
        %mul3A_1042 = arith.muli %scan3A_1036, %mul3A_1041 : i32
        %add3A_1043 = arith.constant 500 : i32
        %add3A_1044 = arith.addi %add3A_1043, %mul3A_1042 : i32
        %add3A_1045 = arith.constant 0 : i32
        %add3A_1046 = arith.addi %add3A_1044, %add3A_1045 : i32
        %get3A = arith.constant 0 : i32
        %get3A_1047 = arith.index_cast %get3A : i32 to index
        %get3A_1048 = arith.index_cast %add3A_1046 : i32 to index
        %get3A_1049 = arith.constant 0 : index
        %get3A_1050 = tpu.vector_load %arg8[%get3A_1047, %get3A_1048, %get3A_1049] {strides = array<i32>} : memref<2x800x64xbf16, #tpu.memory_space<vmem>>, vector<32xbf16>,
        %add3A_1051 = arith.constant 0 : i32
        %add3A_1052 = arith.addi %add3A_1044, %add3A_1051 : i32
        %add3A_1053 = arith.constant 1 : i32
        %add3A_1054 = arith.addi %add3A_1052, %add3A_1053 : i32
        %get3A_1055 = arith.constant 0 : i32
        %get3A_1056 = arith.index_cast %get3A_1055 : i32 to index
        %get3A_1057 = arith.index_cast %add3A_1054 : i32 to index
        %get3A_1058 = arith.constant 0 : index
        %get3A_1059 = tpu.vector_load %arg8[%get3A_1056, %get3A_1057, %get3A_1058] {strides = array<i32>} : memref<2x800x64xbf16, #tpu.memory_space<vmem>>, vector<32xbf16>,
        %add3A_1060 = arith.addf %get3A_1050, %get3A_1059 : vector<32xbf16>
        %add3A_1061 = arith.constant 0 : i32
        %add3A_1062 = arith.addi %add3A_1044, %add3A_1061 : i32
        %get3A_1063 = arith.constant 0 : i32
        %get3A_1064 = arith.index_cast %get3A_1063 : i32 to index
        %get3A_1065 = arith.index_cast %add3A_1062 : i32 to index
        %get3A_1066 = arith.constant 32 : index
        %get3A_1067 = tpu.vector_load %arg8[%get3A_1064, %get3A_1065, %get3A_1066] {strides = array<i32>} : memref<2x800x64xbf16, #tpu.memory_space<vmem>>, vector<32xbf16>,
        %add3A_1068 = arith.constant 0 : i32
        %add3A_1069 = arith.addi %add3A_1044, %add3A_1068 : i32
        %add3A_1070 = arith.constant 1 : i32
        %add3A_1071 = arith.addi %add3A_1069, %add3A_1070 : i32
        %get3A_1072 = arith.constant 0 : i32
        %get3A_1073 = arith.index_cast %get3A_1072 : i32 to index
        %get3A_1074 = arith.index_cast %add3A_1071 : i32 to index
        %get3A_1075 = arith.constant 32 : index
        %get3A_1076 = tpu.vector_load %arg8[%get3A_1073, %get3A_1074, %get3A_1075] {strides = array<i32>} : memref<2x800x64xbf16, #tpu.memory_space<vmem>>, vector<32xbf16>,
        %add3A_1077 = arith.addf %get3A_1067, %get3A_1076 : vector<32xbf16>
        %unpack3A = tpu.unpack_subelements %add3A_1060, 0 {pack_format = #tpu.pack_format<interleaved>} : vector<32xbf16> -> vector<16xf32>
        %unpack3A_1078 = tpu.unpack_subelements %add3A_1060, 1 {pack_format = #tpu.pack_format<interleaved>} : vector<32xbf16> -> vector<16xf32>
        %unpack3A_1079 = tpu.unpack_subelements %add3A_1077, 0 {pack_format = #tpu.pack_format<interleaved>} : vector<32xbf16> -> vector<16xf32>
        %unpack3A_1080 = tpu.unpack_subelements %add3A_1077, 1 {pack_format = #tpu.pack_format<interleaved>} : vector<32xbf16> -> vector<16xf32>
        %add3A_1081 = arith.addf %scan3A_1037, %unpack3A : vector<16xf32>
        %add3A_1082 = arith.addf %scan3A_1038, %unpack3A_1078 : vector<16xf32>
        %add3A_1083 = arith.addf %scan3A_1039, %unpack3A_1079 : vector<16xf32>
        %add3A_1084 = arith.addf %scan3A_1040, %unpack3A_1080 : vector<16xf32>
        %add3A_1085 = arith.constant 2 : i32
        %add3A_1086 = arith.addi %add3A_1044, %add3A_1085 : i32
        %get3A_1087 = arith.constant 0 : i32
        %get3A_1088 = arith.index_cast %get3A_1087 : i32 to index
        %get3A_1089 = arith.index_cast %add3A_1086 : i32 to index
        %get3A_1090 = arith.constant 0 : index
        %get3A_1091 = tpu.vector_load %arg8[%get3A_1088, %get3A_1089, %get3A_1090] {strides = array<i32>} : memref<2x800x64xbf16, #tpu.memory_space<vmem>>, vector<32xbf16>,
        %add3A_1092 = arith.constant 2 : i32
        %add3A_1093 = arith.addi %add3A_1044, %add3A_1092 : i32
        %add3A_1094 = arith.constant 1 : i32
        %add3A_1095 = arith.addi %add3A_1093, %add3A_1094 : i32
        %get3A_1096 = arith.constant 0 : i32
        %get3A_1097 = arith.index_cast %get3A_1096 : i32 to index
        %get3A_1098 = arith.index_cast %add3A_1095 : i32 to index
        %get3A_1099 = arith.constant 0 : index
        %get3A_1100 = tpu.vector_load %arg8[%get3A_1097, %get3A_1098, %get3A_1099] {strides = array<i32>} : memref<2x800x64xbf16, #tpu.memory_space<vmem>>, vector<32xbf16>,
        %add3A_1101 = arith.addf %get3A_1091, %get3A_1100 : vector<32xbf16>
        %add3A_1102 = arith.constant 2 : i32
        %add3A_1103 = arith.addi %add3A_1044, %add3A_1102 : i32
        %get3A_1104 = arith.constant 0 : i32
        %get3A_1105 = arith.index_cast %get3A_1104 : i32 to index
        %get3A_1106 = arith.index_cast %add3A_1103 : i32 to index
        %get3A_1107 = arith.constant 32 : index
        %get3A_1108 = tpu.vector_load %arg8[%get3A_1105, %get3A_1106, %get3A_1107] {strides = array<i32>} : memref<2x800x64xbf16, #tpu.memory_space<vmem>>, vector<32xbf16>,
        %add3A_1109 = arith.constant 2 : i32
        %add3A_1110 = arith.addi %add3A_1044, %add3A_1109 : i32
        %add3A_1111 = arith.constant 1 : i32
        %add3A_1112 = arith.addi %add3A_1110, %add3A_1111 : i32
        %get3A_1113 = arith.constant 0 : i32
        %get3A_1114 = arith.index_cast %get3A_1113 : i32 to index
        %get3A_1115 = arith.index_cast %add3A_1112 : i32 to index
        %get3A_1116 = arith.constant 32 : index
        %get3A_1117 = tpu.vector_load %arg8[%get3A_1114, %get3A_1115, %get3A_1116] {strides = array<i32>} : memref<2x800x64xbf16, #tpu.memory_space<vmem>>, vector<32xbf16>,
        %add3A_1118 = arith.addf %get3A_1108, %get3A_1117 : vector<32xbf16>
        %unpack3A_1119 = tpu.unpack_subelements %add3A_1101, 0 {pack_format = #tpu.pack_format<interleaved>} : vector<32xbf16> -> vector<16xf32>
        %unpack3A_1120 = tpu.unpack_subelements %add3A_1101, 1 {pack_format = #tpu.pack_format<interleaved>} : vector<32xbf16> -> vector<16xf32>
        %unpack3A_1121 = tpu.unpack_subelements %add3A_1118, 0 {pack_format = #tpu.pack_format<interleaved>} : vector<32xbf16> -> vector<16xf32>
        %unpack3A_1122 = tpu.unpack_subelements %add3A_1118, 1 {pack_format = #tpu.pack_format<interleaved>} : vector<32xbf16> -> vector<16xf32>
        %add3A_1123 = arith.addf %add3A_1081, %unpack3A_1119 : vector<16xf32>
        %add3A_1124 = arith.addf %add3A_1082, %unpack3A_1120 : vector<16xf32>
        %add3A_1125 = arith.addf %add3A_1083, %unpack3A_1121 : vector<16xf32>
        %add3A_1126 = arith.addf %add3A_1084, %unpack3A_1122 : vector<16xf32>
        scf.yield %add3A_1123, %add3A_1124, %add3A_1125, %add3A_1126 : vector<16xf32>, vector<16xf32>, vector<16xf32>, vector<16xf32>
      }
      %scan3A_516 = arith.constant 25 : i32
      %swap3A_517 = arith.constant 0 : i32
      %swap3A_518 = arith.constant 5 : i32
      %swap3A_519 = arith.index_cast %swap3A_517 : i32 to index
      %swap3A_520 = arith.index_cast %swap3A_518 : i32 to index
      %swap3A_521 = arith.constant 0 : index
      %swap3A_522 = tpu.vector_load %arg9[%swap3A_519, %swap3A_520, %swap3A_521] {strides = array<i32>} : memref<2x8x64xf32, #tpu.memory_space<vmem>>, vector<16xf32>,
      tpu.vector_store %arg9[%swap3A_519, %swap3A_520, %swap3A_521], %scan3A_515#0 {strides = array<i32>} : memref<2x8x64xf32, #tpu.memory_space<vmem>>, vector<16xf32>,
      %swap3A_523 = arith.constant 0 : i32
      %swap3A_524 = arith.constant 5 : i32
      %swap3A_525 = arith.index_cast %swap3A_523 : i32 to index
      %swap3A_526 = arith.index_cast %swap3A_524 : i32 to index
      %swap3A_527 = arith.constant 16 : index
      %swap3A_528 = tpu.vector_load %arg9[%swap3A_525, %swap3A_526, %swap3A_527] {strides = array<i32>} : memref<2x8x64xf32, #tpu.memory_space<vmem>>, vector<16xf32>,
      tpu.vector_store %arg9[%swap3A_525, %swap3A_526, %swap3A_527], %scan3A_515#1 {strides = array<i32>} : memref<2x8x64xf32, #tpu.memory_space<vmem>>, vector<16xf32>,
      %swap3A_529 = arith.constant 0 : i32
      %swap3A_530 = arith.constant 5 : i32
      %swap3A_531 = arith.index_cast %swap3A_529 : i32 to index
      %swap3A_532 = arith.index_cast %swap3A_530 : i32 to index
      %swap3A_533 = arith.constant 32 : index
      %swap3A_534 = tpu.vector_load %arg9[%swap3A_531, %swap3A_532, %swap3A_533] {strides = array<i32>} : memref<2x8x64xf32, #tpu.memory_space<vmem>>, vector<16xf32>,
      tpu.vector_store %arg9[%swap3A_531, %swap3A_532, %swap3A_533], %scan3A_515#2 {strides = array<i32>} : memref<2x8x64xf32, #tpu.memory_space<vmem>>, vector<16xf32>,
      %swap3A_535 = arith.constant 0 : i32
      %swap3A_536 = arith.constant 5 : i32
      %swap3A_537 = arith.index_cast %swap3A_535 : i32 to index
      %swap3A_538 = arith.index_cast %swap3A_536 : i32 to index
      %swap3A_539 = arith.constant 48 : index
      %swap3A_540 = tpu.vector_load %arg9[%swap3A_537, %swap3A_538, %swap3A_539] {strides = array<i32>} : memref<2x8x64xf32, #tpu.memory_space<vmem>>, vector<16xf32>,
      tpu.vector_store %arg9[%swap3A_537, %swap3A_538, %swap3A_539], %scan3A_515#3 {strides = array<i32>} : memref<2x8x64xf32, #tpu.memory_space<vmem>>, vector<16xf32>,
      %broadcast_in_dim3A_541 = arith.constant 0.000000e+00 : f32
      %broadcast_in_dim3A_542 = vector.broadcast %broadcast_in_dim3A_541 : f32 to vector<16xf32>
      %scan3A_543 = arith.constant 0 : i32
      %scan3A_544 = arith.constant 25 : i32
      %scan3A_545 = arith.addi %scan3A_543, %scan3A_544 : i32
      %scan3A_546 = arith.constant 1 : i32
      %scan3A_547:4 = scf.for %scan3A_1036 = %scan3A_543 to %scan3A_545 step %scan3A_546 iter_args(%scan3A_1037 = %broadcast_in_dim3A_542, %scan3A_1038 = %broadcast_in_dim3A_542, %scan3A_1039 = %broadcast_in_dim3A_542, %scan3A_1040 = %broadcast_in_dim3A_542) -> (vector<16xf32>, vector<16xf32>, vector<16xf32>, vector<16xf32>)  : i32 {
        %mul3A_1041 = arith.constant 4 : i32
        %mul3A_1042 = arith.muli %scan3A_1036, %mul3A_1041 : i32
        %add3A_1043 = arith.constant 600 : i32
        %add3A_1044 = arith.addi %add3A_1043, %mul3A_1042 : i32
        %add3A_1045 = arith.constant 0 : i32
        %add3A_1046 = arith.addi %add3A_1044, %add3A_1045 : i32
        %get3A = arith.constant 0 : i32
        %get3A_1047 = arith.index_cast %get3A : i32 to index
        %get3A_1048 = arith.index_cast %add3A_1046 : i32 to index
        %get3A_1049 = arith.constant 0 : index
        %get3A_1050 = tpu.vector_load %arg8[%get3A_1047, %get3A_1048, %get3A_1049] {strides = array<i32>} : memref<2x800x64xbf16, #tpu.memory_space<vmem>>, vector<32xbf16>,
        %add3A_1051 = arith.constant 0 : i32
        %add3A_1052 = arith.addi %add3A_1044, %add3A_1051 : i32
        %add3A_1053 = arith.constant 1 : i32
        %add3A_1054 = arith.addi %add3A_1052, %add3A_1053 : i32
        %get3A_1055 = arith.constant 0 : i32
        %get3A_1056 = arith.index_cast %get3A_1055 : i32 to index
        %get3A_1057 = arith.index_cast %add3A_1054 : i32 to index
        %get3A_1058 = arith.constant 0 : index
        %get3A_1059 = tpu.vector_load %arg8[%get3A_1056, %get3A_1057, %get3A_1058] {strides = array<i32>} : memref<2x800x64xbf16, #tpu.memory_space<vmem>>, vector<32xbf16>,
        %add3A_1060 = arith.addf %get3A_1050, %get3A_1059 : vector<32xbf16>
        %add3A_1061 = arith.constant 0 : i32
        %add3A_1062 = arith.addi %add3A_1044, %add3A_1061 : i32
        %get3A_1063 = arith.constant 0 : i32
        %get3A_1064 = arith.index_cast %get3A_1063 : i32 to index
        %get3A_1065 = arith.index_cast %add3A_1062 : i32 to index
        %get3A_1066 = arith.constant 32 : index
        %get3A_1067 = tpu.vector_load %arg8[%get3A_1064, %get3A_1065, %get3A_1066] {strides = array<i32>} : memref<2x800x64xbf16, #tpu.memory_space<vmem>>, vector<32xbf16>,
        %add3A_1068 = arith.constant 0 : i32
        %add3A_1069 = arith.addi %add3A_1044, %add3A_1068 : i32
        %add3A_1070 = arith.constant 1 : i32
        %add3A_1071 = arith.addi %add3A_1069, %add3A_1070 : i32
        %get3A_1072 = arith.constant 0 : i32
        %get3A_1073 = arith.index_cast %get3A_1072 : i32 to index
        %get3A_1074 = arith.index_cast %add3A_1071 : i32 to index
        %get3A_1075 = arith.constant 32 : index
        %get3A_1076 = tpu.vector_load %arg8[%get3A_1073, %get3A_1074, %get3A_1075] {strides = array<i32>} : memref<2x800x64xbf16, #tpu.memory_space<vmem>>, vector<32xbf16>,
        %add3A_1077 = arith.addf %get3A_1067, %get3A_1076 : vector<32xbf16>
        %unpack3A = tpu.unpack_subelements %add3A_1060, 0 {pack_format = #tpu.pack_format<interleaved>} : vector<32xbf16> -> vector<16xf32>
        %unpack3A_1078 = tpu.unpack_subelements %add3A_1060, 1 {pack_format = #tpu.pack_format<interleaved>} : vector<32xbf16> -> vector<16xf32>
        %unpack3A_1079 = tpu.unpack_subelements %add3A_1077, 0 {pack_format = #tpu.pack_format<interleaved>} : vector<32xbf16> -> vector<16xf32>
        %unpack3A_1080 = tpu.unpack_subelements %add3A_1077, 1 {pack_format = #tpu.pack_format<interleaved>} : vector<32xbf16> -> vector<16xf32>
        %add3A_1081 = arith.addf %scan3A_1037, %unpack3A : vector<16xf32>
        %add3A_1082 = arith.addf %scan3A_1038, %unpack3A_1078 : vector<16xf32>
        %add3A_1083 = arith.addf %scan3A_1039, %unpack3A_1079 : vector<16xf32>
        %add3A_1084 = arith.addf %scan3A_1040, %unpack3A_1080 : vector<16xf32>
        %add3A_1085 = arith.constant 2 : i32
        %add3A_1086 = arith.addi %add3A_1044, %add3A_1085 : i32
        %get3A_1087 = arith.constant 0 : i32
        %get3A_1088 = arith.index_cast %get3A_1087 : i32 to index
        %get3A_1089 = arith.index_cast %add3A_1086 : i32 to index
        %get3A_1090 = arith.constant 0 : index
        %get3A_1091 = tpu.vector_load %arg8[%get3A_1088, %get3A_1089, %get3A_1090] {strides = array<i32>} : memref<2x800x64xbf16, #tpu.memory_space<vmem>>, vector<32xbf16>,
        %add3A_1092 = arith.constant 2 : i32
        %add3A_1093 = arith.addi %add3A_1044, %add3A_1092 : i32
        %add3A_1094 = arith.constant 1 : i32
        %add3A_1095 = arith.addi %add3A_1093, %add3A_1094 : i32
        %get3A_1096 = arith.constant 0 : i32
        %get3A_1097 = arith.index_cast %get3A_1096 : i32 to index
        %get3A_1098 = arith.index_cast %add3A_1095 : i32 to index
        %get3A_1099 = arith.constant 0 : index
        %get3A_1100 = tpu.vector_load %arg8[%get3A_1097, %get3A_1098, %get3A_1099] {strides = array<i32>} : memref<2x800x64xbf16, #tpu.memory_space<vmem>>, vector<32xbf16>,
        %add3A_1101 = arith.addf %get3A_1091, %get3A_1100 : vector<32xbf16>
        %add3A_1102 = arith.constant 2 : i32
        %add3A_1103 = arith.addi %add3A_1044, %add3A_1102 : i32
        %get3A_1104 = arith.constant 0 : i32
        %get3A_1105 = arith.index_cast %get3A_1104 : i32 to index
        %get3A_1106 = arith.index_cast %add3A_1103 : i32 to index
        %get3A_1107 = arith.constant 32 : index
        %get3A_1108 = tpu.vector_load %arg8[%get3A_1105, %get3A_1106, %get3A_1107] {strides = array<i32>} : memref<2x800x64xbf16, #tpu.memory_space<vmem>>, vector<32xbf16>,
        %add3A_1109 = arith.constant 2 : i32
        %add3A_1110 = arith.addi %add3A_1044, %add3A_1109 : i32
        %add3A_1111 = arith.constant 1 : i32
        %add3A_1112 = arith.addi %add3A_1110, %add3A_1111 : i32
        %get3A_1113 = arith.constant 0 : i32
        %get3A_1114 = arith.index_cast %get3A_1113 : i32 to index
        %get3A_1115 = arith.index_cast %add3A_1112 : i32 to index
        %get3A_1116 = arith.constant 32 : index
        %get3A_1117 = tpu.vector_load %arg8[%get3A_1114, %get3A_1115, %get3A_1116] {strides = array<i32>} : memref<2x800x64xbf16, #tpu.memory_space<vmem>>, vector<32xbf16>,
        %add3A_1118 = arith.addf %get3A_1108, %get3A_1117 : vector<32xbf16>
        %unpack3A_1119 = tpu.unpack_subelements %add3A_1101, 0 {pack_format = #tpu.pack_format<interleaved>} : vector<32xbf16> -> vector<16xf32>
        %unpack3A_1120 = tpu.unpack_subelements %add3A_1101, 1 {pack_format = #tpu.pack_format<interleaved>} : vector<32xbf16> -> vector<16xf32>
        %unpack3A_1121 = tpu.unpack_subelements %add3A_1118, 0 {pack_format = #tpu.pack_format<interleaved>} : vector<32xbf16> -> vector<16xf32>
        %unpack3A_1122 = tpu.unpack_subelements %add3A_1118, 1 {pack_format = #tpu.pack_format<interleaved>} : vector<32xbf16> -> vector<16xf32>
        %add3A_1123 = arith.addf %add3A_1081, %unpack3A_1119 : vector<16xf32>
        %add3A_1124 = arith.addf %add3A_1082, %unpack3A_1120 : vector<16xf32>
        %add3A_1125 = arith.addf %add3A_1083, %unpack3A_1121 : vector<16xf32>
        %add3A_1126 = arith.addf %add3A_1084, %unpack3A_1122 : vector<16xf32>
        scf.yield %add3A_1123, %add3A_1124, %add3A_1125, %add3A_1126 : vector<16xf32>, vector<16xf32>, vector<16xf32>, vector<16xf32>
      }
      %scan3A_548 = arith.constant 25 : i32
      %swap3A_549 = arith.constant 0 : i32
      %swap3A_550 = arith.constant 6 : i32
      %swap3A_551 = arith.index_cast %swap3A_549 : i32 to index
      %swap3A_552 = arith.index_cast %swap3A_550 : i32 to index
      %swap3A_553 = arith.constant 0 : index
      %swap3A_554 = tpu.vector_load %arg9[%swap3A_551, %swap3A_552, %swap3A_553] {strides = array<i32>} : memref<2x8x64xf32, #tpu.memory_space<vmem>>, vector<16xf32>,
      tpu.vector_store %arg9[%swap3A_551, %swap3A_552, %swap3A_553], %scan3A_547#0 {strides = array<i32>} : memref<2x8x64xf32, #tpu.memory_space<vmem>>, vector<16xf32>,
      %swap3A_555 = arith.constant 0 : i32
      %swap3A_556 = arith.constant 6 : i32
      %swap3A_557 = arith.index_cast %swap3A_555 : i32 to index
      %swap3A_558 = arith.index_cast %swap3A_556 : i32 to index
      %swap3A_559 = arith.constant 16 : index
      %swap3A_560 = tpu.vector_load %arg9[%swap3A_557, %swap3A_558, %swap3A_559] {strides = array<i32>} : memref<2x8x64xf32, #tpu.memory_space<vmem>>, vector<16xf32>,
      tpu.vector_store %arg9[%swap3A_557, %swap3A_558, %swap3A_559], %scan3A_547#1 {strides = array<i32>} : memref<2x8x64xf32, #tpu.memory_space<vmem>>, vector<16xf32>,
      %swap3A_561 = arith.constant 0 : i32
      %swap3A_562 = arith.constant 6 : i32
      %swap3A_563 = arith.index_cast %swap3A_561 : i32 to index
      %swap3A_564 = arith.index_cast %swap3A_562 : i32 to index
      %swap3A_565 = arith.constant 32 : index
      %swap3A_566 = tpu.vector_load %arg9[%swap3A_563, %swap3A_564, %swap3A_565] {strides = array<i32>} : memref<2x8x64xf32, #tpu.memory_space<vmem>>, vector<16xf32>,
      tpu.vector_store %arg9[%swap3A_563, %swap3A_564, %swap3A_565], %scan3A_547#2 {strides = array<i32>} : memref<2x8x64xf32, #tpu.memory_space<vmem>>, vector<16xf32>,
      %swap3A_567 = arith.constant 0 : i32
      %swap3A_568 = arith.constant 6 : i32
      %swap3A_569 = arith.index_cast %swap3A_567 : i32 to index
      %swap3A_570 = arith.index_cast %swap3A_568 : i32 to index
      %swap3A_571 = arith.constant 48 : index
      %swap3A_572 = tpu.vector_load %arg9[%swap3A_569, %swap3A_570, %swap3A_571] {strides = array<i32>} : memref<2x8x64xf32, #tpu.memory_space<vmem>>, vector<16xf32>,
      tpu.vector_store %arg9[%swap3A_569, %swap3A_570, %swap3A_571], %scan3A_547#3 {strides = array<i32>} : memref<2x8x64xf32, #tpu.memory_space<vmem>>, vector<16xf32>,
      %broadcast_in_dim3A_573 = arith.constant 0.000000e+00 : f32
      %broadcast_in_dim3A_574 = vector.broadcast %broadcast_in_dim3A_573 : f32 to vector<16xf32>
      %scan3A_575 = arith.constant 0 : i32
      %scan3A_576 = arith.constant 25 : i32
      %scan3A_577 = arith.addi %scan3A_575, %scan3A_576 : i32
      %scan3A_578 = arith.constant 1 : i32
      %scan3A_579:4 = scf.for %scan3A_1036 = %scan3A_575 to %scan3A_577 step %scan3A_578 iter_args(%scan3A_1037 = %broadcast_in_dim3A_574, %scan3A_1038 = %broadcast_in_dim3A_574, %scan3A_1039 = %broadcast_in_dim3A_574, %scan3A_1040 = %broadcast_in_dim3A_574) -> (vector<16xf32>, vector<16xf32>, vector<16xf32>, vector<16xf32>)  : i32 {
        %mul3A_1041 = arith.constant 4 : i32
        %mul3A_1042 = arith.muli %scan3A_1036, %mul3A_1041 : i32
        %add3A_1043 = arith.constant 700 : i32
        %add3A_1044 = arith.addi %add3A_1043, %mul3A_1042 : i32
        %add3A_1045 = arith.constant 0 : i32
        %add3A_1046 = arith.addi %add3A_1044, %add3A_1045 : i32
        %get3A = arith.constant 0 : i32
        %get3A_1047 = arith.index_cast %get3A : i32 to index
        %get3A_1048 = arith.index_cast %add3A_1046 : i32 to index
        %get3A_1049 = arith.constant 0 : index
        %get3A_1050 = tpu.vector_load %arg8[%get3A_1047, %get3A_1048, %get3A_1049] {strides = array<i32>} : memref<2x800x64xbf16, #tpu.memory_space<vmem>>, vector<32xbf16>,
        %add3A_1051 = arith.constant 0 : i32
        %add3A_1052 = arith.addi %add3A_1044, %add3A_1051 : i32
        %add3A_1053 = arith.constant 1 : i32
        %add3A_1054 = arith.addi %add3A_1052, %add3A_1053 : i32
        %get3A_1055 = arith.constant 0 : i32
        %get3A_1056 = arith.index_cast %get3A_1055 : i32 to index
        %get3A_1057 = arith.index_cast %add3A_1054 : i32 to index
        %get3A_1058 = arith.constant 0 : index
        %get3A_1059 = tpu.vector_load %arg8[%get3A_1056, %get3A_1057, %get3A_1058] {strides = array<i32>} : memref<2x800x64xbf16, #tpu.memory_space<vmem>>, vector<32xbf16>,
        %add3A_1060 = arith.addf %get3A_1050, %get3A_1059 : vector<32xbf16>
        %add3A_1061 = arith.constant 0 : i32
        %add3A_1062 = arith.addi %add3A_1044, %add3A_1061 : i32
        %get3A_1063 = arith.constant 0 : i32
        %get3A_1064 = arith.index_cast %get3A_1063 : i32 to index
        %get3A_1065 = arith.index_cast %add3A_1062 : i32 to index
        %get3A_1066 = arith.constant 32 : index
        %get3A_1067 = tpu.vector_load %arg8[%get3A_1064, %get3A_1065, %get3A_1066] {strides = array<i32>} : memref<2x800x64xbf16, #tpu.memory_space<vmem>>, vector<32xbf16>,
        %add3A_1068 = arith.constant 0 : i32
        %add3A_1069 = arith.addi %add3A_1044, %add3A_1068 : i32
        %add3A_1070 = arith.constant 1 : i32
        %add3A_1071 = arith.addi %add3A_1069, %add3A_1070 : i32
        %get3A_1072 = arith.constant 0 : i32
        %get3A_1073 = arith.index_cast %get3A_1072 : i32 to index
        %get3A_1074 = arith.index_cast %add3A_1071 : i32 to index
        %get3A_1075 = arith.constant 32 : index
        %get3A_1076 = tpu.vector_load %arg8[%get3A_1073, %get3A_1074, %get3A_1075] {strides = array<i32>} : memref<2x800x64xbf16, #tpu.memory_space<vmem>>, vector<32xbf16>,
        %add3A_1077 = arith.addf %get3A_1067, %get3A_1076 : vector<32xbf16>
        %unpack3A = tpu.unpack_subelements %add3A_1060, 0 {pack_format = #tpu.pack_format<interleaved>} : vector<32xbf16> -> vector<16xf32>
        %unpack3A_1078 = tpu.unpack_subelements %add3A_1060, 1 {pack_format = #tpu.pack_format<interleaved>} : vector<32xbf16> -> vector<16xf32>
        %unpack3A_1079 = tpu.unpack_subelements %add3A_1077, 0 {pack_format = #tpu.pack_format<interleaved>} : vector<32xbf16> -> vector<16xf32>
        %unpack3A_1080 = tpu.unpack_subelements %add3A_1077, 1 {pack_format = #tpu.pack_format<interleaved>} : vector<32xbf16> -> vector<16xf32>
        %add3A_1081 = arith.addf %scan3A_1037, %unpack3A : vector<16xf32>
        %add3A_1082 = arith.addf %scan3A_1038, %unpack3A_1078 : vector<16xf32>
        %add3A_1083 = arith.addf %scan3A_1039, %unpack3A_1079 : vector<16xf32>
        %add3A_1084 = arith.addf %scan3A_1040, %unpack3A_1080 : vector<16xf32>
        %add3A_1085 = arith.constant 2 : i32
        %add3A_1086 = arith.addi %add3A_1044, %add3A_1085 : i32
        %get3A_1087 = arith.constant 0 : i32
        %get3A_1088 = arith.index_cast %get3A_1087 : i32 to index
        %get3A_1089 = arith.index_cast %add3A_1086 : i32 to index
        %get3A_1090 = arith.constant 0 : index
        %get3A_1091 = tpu.vector_load %arg8[%get3A_1088, %get3A_1089, %get3A_1090] {strides = array<i32>} : memref<2x800x64xbf16, #tpu.memory_space<vmem>>, vector<32xbf16>,
        %add3A_1092 = arith.constant 2 : i32
        %add3A_1093 = arith.addi %add3A_1044, %add3A_1092 : i32
        %add3A_1094 = arith.constant 1 : i32
        %add3A_1095 = arith.addi %add3A_1093, %add3A_1094 : i32
        %get3A_1096 = arith.constant 0 : i32
        %get3A_1097 = arith.index_cast %get3A_1096 : i32 to index
        %get3A_1098 = arith.index_cast %add3A_1095 : i32 to index
        %get3A_1099 = arith.constant 0 : index
        %get3A_1100 = tpu.vector_load %arg8[%get3A_1097, %get3A_1098, %get3A_1099] {strides = array<i32>} : memref<2x800x64xbf16, #tpu.memory_space<vmem>>, vector<32xbf16>,
        %add3A_1101 = arith.addf %get3A_1091, %get3A_1100 : vector<32xbf16>
        %add3A_1102 = arith.constant 2 : i32
        %add3A_1103 = arith.addi %add3A_1044, %add3A_1102 : i32
        %get3A_1104 = arith.constant 0 : i32
        %get3A_1105 = arith.index_cast %get3A_1104 : i32 to index
        %get3A_1106 = arith.index_cast %add3A_1103 : i32 to index
        %get3A_1107 = arith.constant 32 : index
        %get3A_1108 = tpu.vector_load %arg8[%get3A_1105, %get3A_1106, %get3A_1107] {strides = array<i32>} : memref<2x800x64xbf16, #tpu.memory_space<vmem>>, vector<32xbf16>,
        %add3A_1109 = arith.constant 2 : i32
        %add3A_1110 = arith.addi %add3A_1044, %add3A_1109 : i32
        %add3A_1111 = arith.constant 1 : i32
        %add3A_1112 = arith.addi %add3A_1110, %add3A_1111 : i32
        %get3A_1113 = arith.constant 0 : i32
        %get3A_1114 = arith.index_cast %get3A_1113 : i32 to index
        %get3A_1115 = arith.index_cast %add3A_1112 : i32 to index
        %get3A_1116 = arith.constant 32 : index
        %get3A_1117 = tpu.vector_load %arg8[%get3A_1114, %get3A_1115, %get3A_1116] {strides = array<i32>} : memref<2x800x64xbf16, #tpu.memory_space<vmem>>, vector<32xbf16>,
        %add3A_1118 = arith.addf %get3A_1108, %get3A_1117 : vector<32xbf16>
        %unpack3A_1119 = tpu.unpack_subelements %add3A_1101, 0 {pack_format = #tpu.pack_format<interleaved>} : vector<32xbf16> -> vector<16xf32>
        %unpack3A_1120 = tpu.unpack_subelements %add3A_1101, 1 {pack_format = #tpu.pack_format<interleaved>} : vector<32xbf16> -> vector<16xf32>
        %unpack3A_1121 = tpu.unpack_subelements %add3A_1118, 0 {pack_format = #tpu.pack_format<interleaved>} : vector<32xbf16> -> vector<16xf32>
        %unpack3A_1122 = tpu.unpack_subelements %add3A_1118, 1 {pack_format = #tpu.pack_format<interleaved>} : vector<32xbf16> -> vector<16xf32>
        %add3A_1123 = arith.addf %add3A_1081, %unpack3A_1119 : vector<16xf32>
        %add3A_1124 = arith.addf %add3A_1082, %unpack3A_1120 : vector<16xf32>
        %add3A_1125 = arith.addf %add3A_1083, %unpack3A_1121 : vector<16xf32>
        %add3A_1126 = arith.addf %add3A_1084, %unpack3A_1122 : vector<16xf32>
        scf.yield %add3A_1123, %add3A_1124, %add3A_1125, %add3A_1126 : vector<16xf32>, vector<16xf32>, vector<16xf32>, vector<16xf32>
      }
      %scan3A_580 = arith.constant 25 : i32
      %swap3A_581 = arith.constant 0 : i32
      %swap3A_582 = arith.constant 7 : i32
      %swap3A_583 = arith.index_cast %swap3A_581 : i32 to index
      %swap3A_584 = arith.index_cast %swap3A_582 : i32 to index
      %swap3A_585 = arith.constant 0 : index
      %swap3A_586 = tpu.vector_load %arg9[%swap3A_583, %swap3A_584, %swap3A_585] {strides = array<i32>} : memref<2x8x64xf32, #tpu.memory_space<vmem>>, vector<16xf32>,
      tpu.vector_store %arg9[%swap3A_583, %swap3A_584, %swap3A_585], %scan3A_579#0 {strides = array<i32>} : memref<2x8x64xf32, #tpu.memory_space<vmem>>, vector<16xf32>,
      %swap3A_587 = arith.constant 0 : i32
      %swap3A_588 = arith.constant 7 : i32
      %swap3A_589 = arith.index_cast %swap3A_587 : i32 to index
      %swap3A_590 = arith.index_cast %swap3A_588 : i32 to index
      %swap3A_591 = arith.constant 16 : index
      %swap3A_592 = tpu.vector_load %arg9[%swap3A_589, %swap3A_590, %swap3A_591] {strides = array<i32>} : memref<2x8x64xf32, #tpu.memory_space<vmem>>, vector<16xf32>,
      tpu.vector_store %arg9[%swap3A_589, %swap3A_590, %swap3A_591], %scan3A_579#1 {strides = array<i32>} : memref<2x8x64xf32, #tpu.memory_space<vmem>>, vector<16xf32>,
      %swap3A_593 = arith.constant 0 : i32
      %swap3A_594 = arith.constant 7 : i32
      %swap3A_595 = arith.index_cast %swap3A_593 : i32 to index
      %swap3A_596 = arith.index_cast %swap3A_594 : i32 to index
      %swap3A_597 = arith.constant 32 : index
      %swap3A_598 = tpu.vector_load %arg9[%swap3A_595, %swap3A_596, %swap3A_597] {strides = array<i32>} : memref<2x8x64xf32, #tpu.memory_space<vmem>>, vector<16xf32>,
      tpu.vector_store %arg9[%swap3A_595, %swap3A_596, %swap3A_597], %scan3A_579#2 {strides = array<i32>} : memref<2x8x64xf32, #tpu.memory_space<vmem>>, vector<16xf32>,
      %swap3A_599 = arith.constant 0 : i32
      %swap3A_600 = arith.constant 7 : i32
      %swap3A_601 = arith.index_cast %swap3A_599 : i32 to index
      %swap3A_602 = arith.index_cast %swap3A_600 : i32 to index
      %swap3A_603 = arith.constant 48 : index
      %swap3A_604 = tpu.vector_load %arg9[%swap3A_601, %swap3A_602, %swap3A_603] {strides = array<i32>} : memref<2x8x64xf32, #tpu.memory_space<vmem>>, vector<16xf32>,
      tpu.vector_store %arg9[%swap3A_601, %swap3A_602, %swap3A_603], %scan3A_579#3 {strides = array<i32>} : memref<2x8x64xf32, #tpu.memory_space<vmem>>, vector<16xf32>,
      %mul3A_605 = arith.constant 8 : i32
      %mul3A_606 = arith.muli %add3A_213, %mul3A_605 : i32
      %add3A_607 = arith.addi %mul3A_2, %mul3A_606 : i32
      %dma_start3A_608 = arith.constant 0 : i32
      %dma_start3A_609 = arith.constant 0 : i32
      %dma_start3A_610 = arith.constant 0 : i32
      %dma_start3A_611 = tpu.memref_slice %arg9[%dma_start3A_608, %dma_start3A_609, %dma_start3A_610] : memref<2x8x64xf32, #tpu.memory_space<vmem>> -> memref<1x8x64xf32, #tpu.memory_space<vmem>>
      %dma_start3A_612 = tpu.memref_squeeze %dma_start3A_611 : memref<1x8x64xf32, #tpu.memory_space<vmem>> -> memref<8x64xf32, #tpu.memory_space<vmem>>
      %dma_start3A_613 = arith.constant 0 : i32
      %dma_start3A_614 = tpu.memref_slice %arg4[%add3A_607, %dma_start3A_613] : memref<51200x64xf32, #tpu.memory_space<hbm>> -> memref<8x64xf32, #tpu.memory_space<hbm>>
      %dma_start3A_615 = arith.constant 0 : i32
      %dma_start3A_616 = tpu.memref_slice %arg4[%add3A_607, %dma_start3A_615] : memref<51200x64xf32, #tpu.memory_space<hbm>> -> memref<8x64xf32, #tpu.memory_space<hbm>>
      %dma_start3A_617 = arith.constant 0 : i32
      %dma_start3A_618 = arith.constant 0 : i32
      %dma_start3A_619 = tpu.memref_slice %arg9[%dma_start3A_608, %dma_start3A_617, %dma_start3A_618] : memref<2x8x64xf32, #tpu.memory_space<vmem>> -> memref<1x8x64xf32, #tpu.memory_space<vmem>>
      %dma_start3A_620 = tpu.memref_squeeze %dma_start3A_619 : memref<1x8x64xf32, #tpu.memory_space<vmem>> -> memref<8x64xf32, #tpu.memory_space<vmem>>
      tpu.enqueue_dma source(%dma_start3A_620 : memref<8x64xf32, #tpu.memory_space<vmem>>) target(%dma_start3A_616 : memref<8x64xf32, #tpu.memory_space<hbm>>) target_semaphore(%arg15 : memref<!tpu.dma_semaphore, #tpu.memory_space<semaphore_mem>>)
      %mul3A_621 = arith.constant 2 : i32
      %mul3A_622 = arith.muli %scan3A_209, %mul3A_621 : i32
      %add3A_623 = arith.constant 1 : i32
      %add3A_624 = arith.addi %mul3A_622, %add3A_623 : i32
      %add3A_625 = arith.constant 1 : i32
      %add3A_626 = arith.addi %add3A_624, %add3A_625 : i32
      %lt3A_627 = arith.constant 200 : i32
      %lt3A_628 = arith.cmpi slt, %add3A_626, %lt3A_627 : i32
      %convert_element_type3A_629 = arith.extui %lt3A_628 : i1 to i32
      %cond3A_630 = arith.constant 0 : i32
      %cond3A_631 = arith.cmpi ne, %convert_element_type3A_629, %cond3A_630 : i32
      scf.if %cond3A_631 {
        %add3A_1036 = arith.constant 1 : i32
        %add3A_1037 = arith.addi %add3A_624, %add3A_1036 : i32
        %mul3A_1038 = arith.constant 8 : i32
        %mul3A_1039 = arith.muli %add3A_1037, %mul3A_1038 : i32
        %add3A_1040 = arith.addi %mul3A_2, %mul3A_1039 : i32
        %mul3A_1041 = arith.constant 100 : i32
        %mul3A_1042 = arith.muli %add3A_1040, %mul3A_1041 : i32
        %dma_wait3A_1043 = arith.constant 0 : i32
        %dma_wait3A_1044 = arith.constant 0 : i32
        %dma_wait3A_1045 = tpu.memref_slice %arg5[%dma_wait3A_1043, %dma_wait3A_1044] : memref<2x800xf32, #tpu.memory_space<vmem>> -> memref<1x800xf32, #tpu.memory_space<vmem>>
        %dma_wait3A_1046 = tpu.memref_squeeze %dma_wait3A_1045 : memref<1x800xf32, #tpu.memory_space<vmem>> -> memref<800xf32, #tpu.memory_space<vmem>>
        %dma_wait3A_1047 = tpu.memref_slice %arg2[%mul3A_1042] : memref<5120000xf32, #tpu.memory_space<hbm>> -> memref<800xf32, #tpu.memory_space<hbm>>
        %dma_wait3A_1048 = arith.constant 0 : i32
        %dma_wait3A_1049 = tpu.memref_slice %arg5[%dma_wait3A_1043, %dma_wait3A_1048] : memref<2x800xf32, #tpu.memory_space<vmem>> -> memref<1x800xf32, #tpu.memory_space<vmem>>
        %dma_wait3A_1050 = tpu.memref_squeeze %dma_wait3A_1049 : memref<1x800xf32, #tpu.memory_space<vmem>> -> memref<800xf32, #tpu.memory_space<vmem>>
        %dma_wait3A_1051 = tpu.memref_slice %arg2[%mul3A_1042] : memref<5120000xf32, #tpu.memory_space<hbm>> -> memref<800xf32, #tpu.memory_space<hbm>>
        tpu.wait_dma2 semaphore(%arg13 : memref<!tpu.dma_semaphore, #tpu.memory_space<semaphore_mem>>) src(%dma_wait3A_1051 : memref<800xf32, #tpu.memory_space<hbm>>) dst(%dma_wait3A_1050 : memref<800xf32, #tpu.memory_space<vmem>>)
        %add3A_1052 = arith.constant 1 : i32
        %add3A_1053 = arith.addi %add3A_624, %add3A_1052 : i32
        %scan3A_1054 = arith.constant 0 : i32
        %scan3A_1055 = arith.constant 0 : i32
        %scan3A_1056 = arith.constant 50 : i32
        %scan3A_1057 = arith.addi %scan3A_1055, %scan3A_1056 : i32
        %scan3A_1058 = arith.constant 1 : i32
        scf.for %scan3A_1180 = %scan3A_1055 to %scan3A_1057 step %scan3A_1058  : i32 {
          %mul3A_1181 = arith.constant 16 : i32
          %mul3A_1182 = arith.muli %scan3A_1180, %mul3A_1181 : i32
          %get3A = arith.constant 0 : i32
          %get3A_1183 = arith.index_cast %get3A : i32 to index
          %get3A_1184 = arith.index_cast %mul3A_1182 : i32 to index
          %get3A_1185 = tpu.vector_load %arg5[%get3A_1183, %get3A_1184] {strides = array<i32>} : memref<2x800xf32, #tpu.memory_space<vmem>>, vector<16xf32>,
          %add3A_1186 = arith.constant 5.000000e+01 : f32
          %add3A_1187 = vector.broadcast %add3A_1186 : f32 to vector<16xf32>
          %add3A_1188 = arith.addf %get3A_1185, %add3A_1187 : vector<16xf32>
          %convert_element_type3A_1189 = arith.fptosi %add3A_1188 : vector<16xf32> to vector<16xi32>
          %jit3A = arith.constant 0 : i32
          %jit3A_1190 = arith.constant 99 : i32
          %max3A = vector.broadcast %jit3A : i32 to vector<16xi32>
          %max3A_1191 = arith.maxsi %max3A, %convert_element_type3A_1189 : vector<16xi32>
          %min3A = vector.broadcast %jit3A_1190 : i32 to vector<16xi32>
          %min3A_1192 = arith.minsi %min3A, %max3A_1191 : vector<16xi32>
          %mul3A_1193 = arith.constant 16 : i32
          %mul3A_1194 = arith.muli %scan3A_1180, %mul3A_1193 : i32
          %get3A_1195 = arith.index_cast %mul3A_1194 : i32 to index
          %get3A_1196 = tpu.vector_load %arg7[%get3A_1195] {strides = array<i32>} : memref<800xi32, #tpu.memory_space<vmem>>, vector<16xi32>,
          %add3A_1197 = arith.addi %min3A_1192, %get3A_1196 : vector<16xi32>
          %mul3A_1198 = arith.constant 16 : i32
          %mul3A_1199 = arith.muli %scan3A_1180, %mul3A_1198 : i32
          %swap3A_1200 = arith.constant 0 : i32
          %swap3A_1201 = arith.index_cast %swap3A_1200 : i32 to index
          %swap3A_1202 = arith.index_cast %mul3A_1199 : i32 to index
          %swap3A_1203 = tpu.vector_load %arg6[%swap3A_1201, %swap3A_1202] {strides = array<i32>} : memref<2x800xi32, #tpu.memory_space<vmem>>, vector<16xi32>,
          tpu.vector_store %arg6[%swap3A_1201, %swap3A_1202], %add3A_1197 {strides = array<i32>} : memref<2x800xi32, #tpu.memory_space<vmem>>, vector<16xi32>,
        }
        %scan3A_1059 = arith.constant 50 : i32
        %dma_start3A_1060 = arith.constant 0 : i32
        %dma_start3A_1061 = arith.constant 0 : i32
        %dma_start3A_1062 = arith.constant 0 : i32
        %dma_start3A_1063 = arith.constant 0 : i32
        %dma_start3A_1064 = tpu.memref_slice %arg8[%dma_start3A_1061, %dma_start3A_1062, %dma_start3A_1063] : memref<2x800x64xbf16, #tpu.memory_space<vmem>> -> memref<1x80x64xbf16, #tpu.memory_space<vmem>>
        %dma_start3A_1065 = tpu.memref_squeeze %dma_start3A_1064 : memref<1x80x64xbf16, #tpu.memory_space<vmem>> -> memref<80x64xbf16, #tpu.memory_space<vmem>>
        %dma_start3A_1066 = arith.constant 0 : i32
        %dma_start3A_1067 = tpu.memref_slice %arg6[%dma_start3A_1060, %dma_start3A_1066] : memref<2x800xi32, #tpu.memory_space<vmem>> -> memref<1x80xi32, #tpu.memory_space<vmem>>
        %dma_start3A_1068 = tpu.memref_squeeze %dma_start3A_1067 : memref<1x80xi32, #tpu.memory_space<vmem>> -> memref<80xi32, #tpu.memory_space<vmem>>
        %dma_start3A_1069 = arith.constant 0 : i32
        %dma_start3A_1070 = arith.constant 0 : i32
        %dma_start3A_1071 = tpu.memref_slice %arg10[%dma_start3A_1069, %dma_start3A_1070] : memref<10000x64xbf16, #tpu.memory_space<vmem_shared>> -> memref<10000x64xbf16, #tpu.memory_space<vmem_shared>>
        tpu.enqueue_indirect_dma source(%dma_start3A_1071 : memref<10000x64xbf16, #tpu.memory_space<vmem_shared>>) target(%dma_start3A_1065 : memref<80x64xbf16, #tpu.memory_space<vmem>>) offsets(%dma_start3A_1068 : memref<80xi32, #tpu.memory_space<vmem>>) semaphore(%arg11 : memref<!tpu.dma_semaphore, #tpu.memory_space<semaphore_mem>>)
        %dma_start3A_1072 = arith.constant 0 : i32
        %dma_start3A_1073 = arith.constant 0 : i32
        %dma_start3A_1074 = arith.constant 80 : i32
        %dma_start3A_1075 = arith.constant 0 : i32
        %dma_start3A_1076 = tpu.memref_slice %arg8[%dma_start3A_1073, %dma_start3A_1074, %dma_start3A_1075] : memref<2x800x64xbf16, #tpu.memory_space<vmem>> -> memref<1x80x64xbf16, #tpu.memory_space<vmem>>
        %dma_start3A_1077 = tpu.memref_squeeze %dma_start3A_1076 : memref<1x80x64xbf16, #tpu.memory_space<vmem>> -> memref<80x64xbf16, #tpu.memory_space<vmem>>
        %dma_start3A_1078 = arith.constant 80 : i32
        %dma_start3A_1079 = tpu.memref_slice %arg6[%dma_start3A_1072, %dma_start3A_1078] : memref<2x800xi32, #tpu.memory_space<vmem>> -> memref<1x80xi32, #tpu.memory_space<vmem>>
        %dma_start3A_1080 = tpu.memref_squeeze %dma_start3A_1079 : memref<1x80xi32, #tpu.memory_space<vmem>> -> memref<80xi32, #tpu.memory_space<vmem>>
        %dma_start3A_1081 = arith.constant 0 : i32
        %dma_start3A_1082 = arith.constant 0 : i32
        %dma_start3A_1083 = tpu.memref_slice %arg10[%dma_start3A_1081, %dma_start3A_1082] : memref<10000x64xbf16, #tpu.memory_space<vmem_shared>> -> memref<10000x64xbf16, #tpu.memory_space<vmem_shared>>
        tpu.enqueue_indirect_dma source(%dma_start3A_1083 : memref<10000x64xbf16, #tpu.memory_space<vmem_shared>>) target(%dma_start3A_1077 : memref<80x64xbf16, #tpu.memory_space<vmem>>) offsets(%dma_start3A_1080 : memref<80xi32, #tpu.memory_space<vmem>>) semaphore(%arg11 : memref<!tpu.dma_semaphore, #tpu.memory_space<semaphore_mem>>)
        %dma_start3A_1084 = arith.constant 0 : i32
        %dma_start3A_1085 = arith.constant 0 : i32
        %dma_start3A_1086 = arith.constant 160 : i32
        %dma_start3A_1087 = arith.constant 0 : i32
        %dma_start3A_1088 = tpu.memref_slice %arg8[%dma_start3A_1085, %dma_start3A_1086, %dma_start3A_1087] : memref<2x800x64xbf16, #tpu.memory_space<vmem>> -> memref<1x80x64xbf16, #tpu.memory_space<vmem>>
        %dma_start3A_1089 = tpu.memref_squeeze %dma_start3A_1088 : memref<1x80x64xbf16, #tpu.memory_space<vmem>> -> memref<80x64xbf16, #tpu.memory_space<vmem>>
        %dma_start3A_1090 = arith.constant 160 : i32
        %dma_start3A_1091 = tpu.memref_slice %arg6[%dma_start3A_1084, %dma_start3A_1090] : memref<2x800xi32, #tpu.memory_space<vmem>> -> memref<1x80xi32, #tpu.memory_space<vmem>>
        %dma_start3A_1092 = tpu.memref_squeeze %dma_start3A_1091 : memref<1x80xi32, #tpu.memory_space<vmem>> -> memref<80xi32, #tpu.memory_space<vmem>>
        %dma_start3A_1093 = arith.constant 0 : i32
        %dma_start3A_1094 = arith.constant 0 : i32
        %dma_start3A_1095 = tpu.memref_slice %arg10[%dma_start3A_1093, %dma_start3A_1094] : memref<10000x64xbf16, #tpu.memory_space<vmem_shared>> -> memref<10000x64xbf16, #tpu.memory_space<vmem_shared>>
        tpu.enqueue_indirect_dma source(%dma_start3A_1095 : memref<10000x64xbf16, #tpu.memory_space<vmem_shared>>) target(%dma_start3A_1089 : memref<80x64xbf16, #tpu.memory_space<vmem>>) offsets(%dma_start3A_1092 : memref<80xi32, #tpu.memory_space<vmem>>) semaphore(%arg11 : memref<!tpu.dma_semaphore, #tpu.memory_space<semaphore_mem>>)
        %dma_start3A_1096 = arith.constant 0 : i32
        %dma_start3A_1097 = arith.constant 0 : i32
        %dma_start3A_1098 = arith.constant 240 : i32
        %dma_start3A_1099 = arith.constant 0 : i32
        %dma_start3A_1100 = tpu.memref_slice %arg8[%dma_start3A_1097, %dma_start3A_1098, %dma_start3A_1099] : memref<2x800x64xbf16, #tpu.memory_space<vmem>> -> memref<1x80x64xbf16, #tpu.memory_space<vmem>>
        %dma_start3A_1101 = tpu.memref_squeeze %dma_start3A_1100 : memref<1x80x64xbf16, #tpu.memory_space<vmem>> -> memref<80x64xbf16, #tpu.memory_space<vmem>>
        %dma_start3A_1102 = arith.constant 240 : i32
        %dma_start3A_1103 = tpu.memref_slice %arg6[%dma_start3A_1096, %dma_start3A_1102] : memref<2x800xi32, #tpu.memory_space<vmem>> -> memref<1x80xi32, #tpu.memory_space<vmem>>
        %dma_start3A_1104 = tpu.memref_squeeze %dma_start3A_1103 : memref<1x80xi32, #tpu.memory_space<vmem>> -> memref<80xi32, #tpu.memory_space<vmem>>
        %dma_start3A_1105 = arith.constant 0 : i32
        %dma_start3A_1106 = arith.constant 0 : i32
        %dma_start3A_1107 = tpu.memref_slice %arg10[%dma_start3A_1105, %dma_start3A_1106] : memref<10000x64xbf16, #tpu.memory_space<vmem_shared>> -> memref<10000x64xbf16, #tpu.memory_space<vmem_shared>>
        tpu.enqueue_indirect_dma source(%dma_start3A_1107 : memref<10000x64xbf16, #tpu.memory_space<vmem_shared>>) target(%dma_start3A_1101 : memref<80x64xbf16, #tpu.memory_space<vmem>>) offsets(%dma_start3A_1104 : memref<80xi32, #tpu.memory_space<vmem>>) semaphore(%arg11 : memref<!tpu.dma_semaphore, #tpu.memory_space<semaphore_mem>>)
        %dma_start3A_1108 = arith.constant 0 : i32
        %dma_start3A_1109 = arith.constant 0 : i32
        %dma_start3A_1110 = arith.constant 320 : i32
        %dma_start3A_1111 = arith.constant 0 : i32
        %dma_start3A_1112 = tpu.memref_slice %arg8[%dma_start3A_1109, %dma_start3A_1110, %dma_start3A_1111] : memref<2x800x64xbf16, #tpu.memory_space<vmem>> -> memref<1x80x64xbf16, #tpu.memory_space<vmem>>
        %dma_start3A_1113 = tpu.memref_squeeze %dma_start3A_1112 : memref<1x80x64xbf16, #tpu.memory_space<vmem>> -> memref<80x64xbf16, #tpu.memory_space<vmem>>
        %dma_start3A_1114 = arith.constant 320 : i32
        %dma_start3A_1115 = tpu.memref_slice %arg6[%dma_start3A_1108, %dma_start3A_1114] : memref<2x800xi32, #tpu.memory_space<vmem>> -> memref<1x80xi32, #tpu.memory_space<vmem>>
        %dma_start3A_1116 = tpu.memref_squeeze %dma_start3A_1115 : memref<1x80xi32, #tpu.memory_space<vmem>> -> memref<80xi32, #tpu.memory_space<vmem>>
        %dma_start3A_1117 = arith.constant 0 : i32
        %dma_start3A_1118 = arith.constant 0 : i32
        %dma_start3A_1119 = tpu.memref_slice %arg10[%dma_start3A_1117, %dma_start3A_1118] : memref<10000x64xbf16, #tpu.memory_space<vmem_shared>> -> memref<10000x64xbf16, #tpu.memory_space<vmem_shared>>
        tpu.enqueue_indirect_dma source(%dma_start3A_1119 : memref<10000x64xbf16, #tpu.memory_space<vmem_shared>>) target(%dma_start3A_1113 : memref<80x64xbf16, #tpu.memory_space<vmem>>) offsets(%dma_start3A_1116 : memref<80xi32, #tpu.memory_space<vmem>>) semaphore(%arg11 : memref<!tpu.dma_semaphore, #tpu.memory_space<semaphore_mem>>)
        %dma_start3A_1120 = arith.constant 0 : i32
        %dma_start3A_1121 = arith.constant 0 : i32
        %dma_start3A_1122 = arith.constant 400 : i32
        %dma_start3A_1123 = arith.constant 0 : i32
        %dma_start3A_1124 = tpu.memref_slice %arg8[%dma_start3A_1121, %dma_start3A_1122, %dma_start3A_1123] : memref<2x800x64xbf16, #tpu.memory_space<vmem>> -> memref<1x80x64xbf16, #tpu.memory_space<vmem>>
        %dma_start3A_1125 = tpu.memref_squeeze %dma_start3A_1124 : memref<1x80x64xbf16, #tpu.memory_space<vmem>> -> memref<80x64xbf16, #tpu.memory_space<vmem>>
        %dma_start3A_1126 = arith.constant 400 : i32
        %dma_start3A_1127 = tpu.memref_slice %arg6[%dma_start3A_1120, %dma_start3A_1126] : memref<2x800xi32, #tpu.memory_space<vmem>> -> memref<1x80xi32, #tpu.memory_space<vmem>>
        %dma_start3A_1128 = tpu.memref_squeeze %dma_start3A_1127 : memref<1x80xi32, #tpu.memory_space<vmem>> -> memref<80xi32, #tpu.memory_space<vmem>>
        %dma_start3A_1129 = arith.constant 0 : i32
        %dma_start3A_1130 = arith.constant 0 : i32
        %dma_start3A_1131 = tpu.memref_slice %arg10[%dma_start3A_1129, %dma_start3A_1130] : memref<10000x64xbf16, #tpu.memory_space<vmem_shared>> -> memref<10000x64xbf16, #tpu.memory_space<vmem_shared>>
        tpu.enqueue_indirect_dma source(%dma_start3A_1131 : memref<10000x64xbf16, #tpu.memory_space<vmem_shared>>) target(%dma_start3A_1125 : memref<80x64xbf16, #tpu.memory_space<vmem>>) offsets(%dma_start3A_1128 : memref<80xi32, #tpu.memory_space<vmem>>) semaphore(%arg11 : memref<!tpu.dma_semaphore, #tpu.memory_space<semaphore_mem>>)
        %dma_start3A_1132 = arith.constant 0 : i32
        %dma_start3A_1133 = arith.constant 0 : i32
        %dma_start3A_1134 = arith.constant 480 : i32
        %dma_start3A_1135 = arith.constant 0 : i32
        %dma_start3A_1136 = tpu.memref_slice %arg8[%dma_start3A_1133, %dma_start3A_1134, %dma_start3A_1135] : memref<2x800x64xbf16, #tpu.memory_space<vmem>> -> memref<1x80x64xbf16, #tpu.memory_space<vmem>>
        %dma_start3A_1137 = tpu.memref_squeeze %dma_start3A_1136 : memref<1x80x64xbf16, #tpu.memory_space<vmem>> -> memref<80x64xbf16, #tpu.memory_space<vmem>>
        %dma_start3A_1138 = arith.constant 480 : i32
        %dma_start3A_1139 = tpu.memref_slice %arg6[%dma_start3A_1132, %dma_start3A_1138] : memref<2x800xi32, #tpu.memory_space<vmem>> -> memref<1x80xi32, #tpu.memory_space<vmem>>
        %dma_start3A_1140 = tpu.memref_squeeze %dma_start3A_1139 : memref<1x80xi32, #tpu.memory_space<vmem>> -> memref<80xi32, #tpu.memory_space<vmem>>
        %dma_start3A_1141 = arith.constant 0 : i32
        %dma_start3A_1142 = arith.constant 0 : i32
        %dma_start3A_1143 = tpu.memref_slice %arg10[%dma_start3A_1141, %dma_start3A_1142] : memref<10000x64xbf16, #tpu.memory_space<vmem_shared>> -> memref<10000x64xbf16, #tpu.memory_space<vmem_shared>>
        tpu.enqueue_indirect_dma source(%dma_start3A_1143 : memref<10000x64xbf16, #tpu.memory_space<vmem_shared>>) target(%dma_start3A_1137 : memref<80x64xbf16, #tpu.memory_space<vmem>>) offsets(%dma_start3A_1140 : memref<80xi32, #tpu.memory_space<vmem>>) semaphore(%arg11 : memref<!tpu.dma_semaphore, #tpu.memory_space<semaphore_mem>>)
        %dma_start3A_1144 = arith.constant 0 : i32
        %dma_start3A_1145 = arith.constant 0 : i32
        %dma_start3A_1146 = arith.constant 560 : i32
        %dma_start3A_1147 = arith.constant 0 : i32
        %dma_start3A_1148 = tpu.memref_slice %arg8[%dma_start3A_1145, %dma_start3A_1146, %dma_start3A_1147] : memref<2x800x64xbf16, #tpu.memory_space<vmem>> -> memref<1x80x64xbf16, #tpu.memory_space<vmem>>
        %dma_start3A_1149 = tpu.memref_squeeze %dma_start3A_1148 : memref<1x80x64xbf16, #tpu.memory_space<vmem>> -> memref<80x64xbf16, #tpu.memory_space<vmem>>
        %dma_start3A_1150 = arith.constant 560 : i32
        %dma_start3A_1151 = tpu.memref_slice %arg6[%dma_start3A_1144, %dma_start3A_1150] : memref<2x800xi32, #tpu.memory_space<vmem>> -> memref<1x80xi32, #tpu.memory_space<vmem>>
        %dma_start3A_1152 = tpu.memref_squeeze %dma_start3A_1151 : memref<1x80xi32, #tpu.memory_space<vmem>> -> memref<80xi32, #tpu.memory_space<vmem>>
        %dma_start3A_1153 = arith.constant 0 : i32
        %dma_start3A_1154 = arith.constant 0 : i32
        %dma_start3A_1155 = tpu.memref_slice %arg10[%dma_start3A_1153, %dma_start3A_1154] : memref<10000x64xbf16, #tpu.memory_space<vmem_shared>> -> memref<10000x64xbf16, #tpu.memory_space<vmem_shared>>
        tpu.enqueue_indirect_dma source(%dma_start3A_1155 : memref<10000x64xbf16, #tpu.memory_space<vmem_shared>>) target(%dma_start3A_1149 : memref<80x64xbf16, #tpu.memory_space<vmem>>) offsets(%dma_start3A_1152 : memref<80xi32, #tpu.memory_space<vmem>>) semaphore(%arg11 : memref<!tpu.dma_semaphore, #tpu.memory_space<semaphore_mem>>)
        %dma_start3A_1156 = arith.constant 0 : i32
        %dma_start3A_1157 = arith.constant 0 : i32
        %dma_start3A_1158 = arith.constant 640 : i32
        %dma_start3A_1159 = arith.constant 0 : i32
        %dma_start3A_1160 = tpu.memref_slice %arg8[%dma_start3A_1157, %dma_start3A_1158, %dma_start3A_1159] : memref<2x800x64xbf16, #tpu.memory_space<vmem>> -> memref<1x80x64xbf16, #tpu.memory_space<vmem>>
        %dma_start3A_1161 = tpu.memref_squeeze %dma_start3A_1160 : memref<1x80x64xbf16, #tpu.memory_space<vmem>> -> memref<80x64xbf16, #tpu.memory_space<vmem>>
        %dma_start3A_1162 = arith.constant 640 : i32
        %dma_start3A_1163 = tpu.memref_slice %arg6[%dma_start3A_1156, %dma_start3A_1162] : memref<2x800xi32, #tpu.memory_space<vmem>> -> memref<1x80xi32, #tpu.memory_space<vmem>>
        %dma_start3A_1164 = tpu.memref_squeeze %dma_start3A_1163 : memref<1x80xi32, #tpu.memory_space<vmem>> -> memref<80xi32, #tpu.memory_space<vmem>>
        %dma_start3A_1165 = arith.constant 0 : i32
        %dma_start3A_1166 = arith.constant 0 : i32
        %dma_start3A_1167 = tpu.memref_slice %arg10[%dma_start3A_1165, %dma_start3A_1166] : memref<10000x64xbf16, #tpu.memory_space<vmem_shared>> -> memref<10000x64xbf16, #tpu.memory_space<vmem_shared>>
        tpu.enqueue_indirect_dma source(%dma_start3A_1167 : memref<10000x64xbf16, #tpu.memory_space<vmem_shared>>) target(%dma_start3A_1161 : memref<80x64xbf16, #tpu.memory_space<vmem>>) offsets(%dma_start3A_1164 : memref<80xi32, #tpu.memory_space<vmem>>) semaphore(%arg11 : memref<!tpu.dma_semaphore, #tpu.memory_space<semaphore_mem>>)
        %dma_start3A_1168 = arith.constant 0 : i32
        %dma_start3A_1169 = arith.constant 0 : i32
        %dma_start3A_1170 = arith.constant 720 : i32
        %dma_start3A_1171 = arith.constant 0 : i32
        %dma_start3A_1172 = tpu.memref_slice %arg8[%dma_start3A_1169, %dma_start3A_1170, %dma_start3A_1171] : memref<2x800x64xbf16, #tpu.memory_space<vmem>> -> memref<1x80x64xbf16, #tpu.memory_space<vmem>>
        %dma_start3A_1173 = tpu.memref_squeeze %dma_start3A_1172 : memref<1x80x64xbf16, #tpu.memory_space<vmem>> -> memref<80x64xbf16, #tpu.memory_space<vmem>>
        %dma_start3A_1174 = arith.constant 720 : i32
        %dma_start3A_1175 = tpu.memref_slice %arg6[%dma_start3A_1168, %dma_start3A_1174] : memref<2x800xi32, #tpu.memory_space<vmem>> -> memref<1x80xi32, #tpu.memory_space<vmem>>
        %dma_start3A_1176 = tpu.memref_squeeze %dma_start3A_1175 : memref<1x80xi32, #tpu.memory_space<vmem>> -> memref<80xi32, #tpu.memory_space<vmem>>
        %dma_start3A_1177 = arith.constant 0 : i32
        %dma_start3A_1178 = arith.constant 0 : i32
        %dma_start3A_1179 = tpu.memref_slice %arg10[%dma_start3A_1177, %dma_start3A_1178] : memref<10000x64xbf16, #tpu.memory_space<vmem_shared>> -> memref<10000x64xbf16, #tpu.memory_space<vmem_shared>>
        tpu.enqueue_indirect_dma source(%dma_start3A_1179 : memref<10000x64xbf16, #tpu.memory_space<vmem_shared>>) target(%dma_start3A_1173 : memref<80x64xbf16, #tpu.memory_space<vmem>>) offsets(%dma_start3A_1176 : memref<80xi32, #tpu.memory_space<vmem>>) semaphore(%arg11 : memref<!tpu.dma_semaphore, #tpu.memory_space<semaphore_mem>>)
      } else {
      }
      %add3A_632 = arith.constant 2 : i32
      %add3A_633 = arith.addi %add3A_624, %add3A_632 : i32
      %lt3A_634 = arith.constant 200 : i32
      %lt3A_635 = arith.cmpi slt, %add3A_633, %lt3A_634 : i32
      %convert_element_type3A_636 = arith.extui %lt3A_635 : i1 to i32
      %cond3A_637 = arith.constant 0 : i32
      %cond3A_638 = arith.cmpi ne, %convert_element_type3A_636, %cond3A_637 : i32
      scf.if %cond3A_638 {
        %add3A_1036 = arith.constant 2 : i32
        %add3A_1037 = arith.addi %add3A_624, %add3A_1036 : i32
        %mul3A_1038 = arith.constant 8 : i32
        %mul3A_1039 = arith.muli %add3A_1037, %mul3A_1038 : i32
        %add3A_1040 = arith.addi %mul3A_2, %mul3A_1039 : i32
        %mul3A_1041 = arith.constant 100 : i32
        %mul3A_1042 = arith.muli %add3A_1040, %mul3A_1041 : i32
        %dma_start3A_1043 = arith.constant 1 : i32
        %dma_start3A_1044 = arith.constant 0 : i32
        %dma_start3A_1045 = tpu.memref_slice %arg5[%dma_start3A_1043, %dma_start3A_1044] : memref<2x800xf32, #tpu.memory_space<vmem>> -> memref<1x800xf32, #tpu.memory_space<vmem>>
        %dma_start3A_1046 = tpu.memref_squeeze %dma_start3A_1045 : memref<1x800xf32, #tpu.memory_space<vmem>> -> memref<800xf32, #tpu.memory_space<vmem>>
        %dma_start3A_1047 = tpu.memref_slice %arg2[%mul3A_1042] : memref<5120000xf32, #tpu.memory_space<hbm>> -> memref<800xf32, #tpu.memory_space<hbm>>
        %dma_start3A_1048 = arith.constant 0 : i32
        %dma_start3A_1049 = tpu.memref_slice %arg5[%dma_start3A_1043, %dma_start3A_1048] : memref<2x800xf32, #tpu.memory_space<vmem>> -> memref<1x800xf32, #tpu.memory_space<vmem>>
        %dma_start3A_1050 = tpu.memref_squeeze %dma_start3A_1049 : memref<1x800xf32, #tpu.memory_space<vmem>> -> memref<800xf32, #tpu.memory_space<vmem>>
        %dma_start3A_1051 = tpu.memref_slice %arg2[%mul3A_1042] : memref<5120000xf32, #tpu.memory_space<hbm>> -> memref<800xf32, #tpu.memory_space<hbm>>
        tpu.enqueue_dma source(%dma_start3A_1051 : memref<800xf32, #tpu.memory_space<hbm>>) target(%dma_start3A_1050 : memref<800xf32, #tpu.memory_space<vmem>>) target_semaphore(%arg14 : memref<!tpu.dma_semaphore, #tpu.memory_space<semaphore_mem>>)
      } else {
      }
      %dma_wait3A_639 = arith.constant 1 : i32
      %dma_wait3A_640 = arith.constant 1 : i32
      %dma_wait3A_641 = arith.constant 0 : i32
      %dma_wait3A_642 = arith.constant 0 : i32
      %dma_wait3A_643 = tpu.memref_slice %arg8[%dma_wait3A_640, %dma_wait3A_641, %dma_wait3A_642] : memref<2x800x64xbf16, #tpu.memory_space<vmem>> -> memref<1x80x64xbf16, #tpu.memory_space<vmem>>
      %dma_wait3A_644 = tpu.memref_squeeze %dma_wait3A_643 : memref<1x80x64xbf16, #tpu.memory_space<vmem>> -> memref<80x64xbf16, #tpu.memory_space<vmem>>
      %dma_wait3A_645 = arith.constant 0 : i32
      %dma_wait3A_646 = tpu.memref_slice %arg6[%dma_wait3A_639, %dma_wait3A_645] : memref<2x800xi32, #tpu.memory_space<vmem>> -> memref<1x80xi32, #tpu.memory_space<vmem>>
      %dma_wait3A_647 = tpu.memref_squeeze %dma_wait3A_646 : memref<1x80xi32, #tpu.memory_space<vmem>> -> memref<80xi32, #tpu.memory_space<vmem>>
      %dma_wait3A_648 = arith.constant 0 : i32
      %dma_wait3A_649 = arith.constant 0 : i32
      %dma_wait3A_650 = tpu.memref_slice %arg10[%dma_wait3A_648, %dma_wait3A_649] : memref<10000x64xbf16, #tpu.memory_space<vmem_shared>> -> memref<10000x64xbf16, #tpu.memory_space<vmem_shared>>
      tpu.wait_indirect_dma semaphore(%arg12 : memref<!tpu.dma_semaphore, #tpu.memory_space<semaphore_mem>>) src(%dma_wait3A_650 : memref<10000x64xbf16, #tpu.memory_space<vmem_shared>>) dst(%dma_wait3A_644 : memref<80x64xbf16, #tpu.memory_space<vmem>>)
      %dma_wait3A_651 = arith.constant 1 : i32
      %dma_wait3A_652 = arith.constant 1 : i32
      %dma_wait3A_653 = arith.constant 80 : i32
      %dma_wait3A_654 = arith.constant 0 : i32
      %dma_wait3A_655 = tpu.memref_slice %arg8[%dma_wait3A_652, %dma_wait3A_653, %dma_wait3A_654] : memref<2x800x64xbf16, #tpu.memory_space<vmem>> -> memref<1x80x64xbf16, #tpu.memory_space<vmem>>
      %dma_wait3A_656 = tpu.memref_squeeze %dma_wait3A_655 : memref<1x80x64xbf16, #tpu.memory_space<vmem>> -> memref<80x64xbf16, #tpu.memory_space<vmem>>
      %dma_wait3A_657 = arith.constant 80 : i32
      %dma_wait3A_658 = tpu.memref_slice %arg6[%dma_wait3A_651, %dma_wait3A_657] : memref<2x800xi32, #tpu.memory_space<vmem>> -> memref<1x80xi32, #tpu.memory_space<vmem>>
      %dma_wait3A_659 = tpu.memref_squeeze %dma_wait3A_658 : memref<1x80xi32, #tpu.memory_space<vmem>> -> memref<80xi32, #tpu.memory_space<vmem>>
      %dma_wait3A_660 = arith.constant 0 : i32
      %dma_wait3A_661 = arith.constant 0 : i32
      %dma_wait3A_662 = tpu.memref_slice %arg10[%dma_wait3A_660, %dma_wait3A_661] : memref<10000x64xbf16, #tpu.memory_space<vmem_shared>> -> memref<10000x64xbf16, #tpu.memory_space<vmem_shared>>
      tpu.wait_indirect_dma semaphore(%arg12 : memref<!tpu.dma_semaphore, #tpu.memory_space<semaphore_mem>>) src(%dma_wait3A_662 : memref<10000x64xbf16, #tpu.memory_space<vmem_shared>>) dst(%dma_wait3A_656 : memref<80x64xbf16, #tpu.memory_space<vmem>>)
      %dma_wait3A_663 = arith.constant 1 : i32
      %dma_wait3A_664 = arith.constant 1 : i32
      %dma_wait3A_665 = arith.constant 160 : i32
      %dma_wait3A_666 = arith.constant 0 : i32
      %dma_wait3A_667 = tpu.memref_slice %arg8[%dma_wait3A_664, %dma_wait3A_665, %dma_wait3A_666] : memref<2x800x64xbf16, #tpu.memory_space<vmem>> -> memref<1x80x64xbf16, #tpu.memory_space<vmem>>
      %dma_wait3A_668 = tpu.memref_squeeze %dma_wait3A_667 : memref<1x80x64xbf16, #tpu.memory_space<vmem>> -> memref<80x64xbf16, #tpu.memory_space<vmem>>
      %dma_wait3A_669 = arith.constant 160 : i32
      %dma_wait3A_670 = tpu.memref_slice %arg6[%dma_wait3A_663, %dma_wait3A_669] : memref<2x800xi32, #tpu.memory_space<vmem>> -> memref<1x80xi32, #tpu.memory_space<vmem>>
      %dma_wait3A_671 = tpu.memref_squeeze %dma_wait3A_670 : memref<1x80xi32, #tpu.memory_space<vmem>> -> memref<80xi32, #tpu.memory_space<vmem>>
      %dma_wait3A_672 = arith.constant 0 : i32
      %dma_wait3A_673 = arith.constant 0 : i32
      %dma_wait3A_674 = tpu.memref_slice %arg10[%dma_wait3A_672, %dma_wait3A_673] : memref<10000x64xbf16, #tpu.memory_space<vmem_shared>> -> memref<10000x64xbf16, #tpu.memory_space<vmem_shared>>
      tpu.wait_indirect_dma semaphore(%arg12 : memref<!tpu.dma_semaphore, #tpu.memory_space<semaphore_mem>>) src(%dma_wait3A_674 : memref<10000x64xbf16, #tpu.memory_space<vmem_shared>>) dst(%dma_wait3A_668 : memref<80x64xbf16, #tpu.memory_space<vmem>>)
      %dma_wait3A_675 = arith.constant 1 : i32
      %dma_wait3A_676 = arith.constant 1 : i32
      %dma_wait3A_677 = arith.constant 240 : i32
      %dma_wait3A_678 = arith.constant 0 : i32
      %dma_wait3A_679 = tpu.memref_slice %arg8[%dma_wait3A_676, %dma_wait3A_677, %dma_wait3A_678] : memref<2x800x64xbf16, #tpu.memory_space<vmem>> -> memref<1x80x64xbf16, #tpu.memory_space<vmem>>
      %dma_wait3A_680 = tpu.memref_squeeze %dma_wait3A_679 : memref<1x80x64xbf16, #tpu.memory_space<vmem>> -> memref<80x64xbf16, #tpu.memory_space<vmem>>
      %dma_wait3A_681 = arith.constant 240 : i32
      %dma_wait3A_682 = tpu.memref_slice %arg6[%dma_wait3A_675, %dma_wait3A_681] : memref<2x800xi32, #tpu.memory_space<vmem>> -> memref<1x80xi32, #tpu.memory_space<vmem>>
      %dma_wait3A_683 = tpu.memref_squeeze %dma_wait3A_682 : memref<1x80xi32, #tpu.memory_space<vmem>> -> memref<80xi32, #tpu.memory_space<vmem>>
      %dma_wait3A_684 = arith.constant 0 : i32
      %dma_wait3A_685 = arith.constant 0 : i32
      %dma_wait3A_686 = tpu.memref_slice %arg10[%dma_wait3A_684, %dma_wait3A_685] : memref<10000x64xbf16, #tpu.memory_space<vmem_shared>> -> memref<10000x64xbf16, #tpu.memory_space<vmem_shared>>
      tpu.wait_indirect_dma semaphore(%arg12 : memref<!tpu.dma_semaphore, #tpu.memory_space<semaphore_mem>>) src(%dma_wait3A_686 : memref<10000x64xbf16, #tpu.memory_space<vmem_shared>>) dst(%dma_wait3A_680 : memref<80x64xbf16, #tpu.memory_space<vmem>>)
      %dma_wait3A_687 = arith.constant 1 : i32
      %dma_wait3A_688 = arith.constant 1 : i32
      %dma_wait3A_689 = arith.constant 320 : i32
      %dma_wait3A_690 = arith.constant 0 : i32
      %dma_wait3A_691 = tpu.memref_slice %arg8[%dma_wait3A_688, %dma_wait3A_689, %dma_wait3A_690] : memref<2x800x64xbf16, #tpu.memory_space<vmem>> -> memref<1x80x64xbf16, #tpu.memory_space<vmem>>
      %dma_wait3A_692 = tpu.memref_squeeze %dma_wait3A_691 : memref<1x80x64xbf16, #tpu.memory_space<vmem>> -> memref<80x64xbf16, #tpu.memory_space<vmem>>
      %dma_wait3A_693 = arith.constant 320 : i32
      %dma_wait3A_694 = tpu.memref_slice %arg6[%dma_wait3A_687, %dma_wait3A_693] : memref<2x800xi32, #tpu.memory_space<vmem>> -> memref<1x80xi32, #tpu.memory_space<vmem>>
      %dma_wait3A_695 = tpu.memref_squeeze %dma_wait3A_694 : memref<1x80xi32, #tpu.memory_space<vmem>> -> memref<80xi32, #tpu.memory_space<vmem>>
      %dma_wait3A_696 = arith.constant 0 : i32
      %dma_wait3A_697 = arith.constant 0 : i32
      %dma_wait3A_698 = tpu.memref_slice %arg10[%dma_wait3A_696, %dma_wait3A_697] : memref<10000x64xbf16, #tpu.memory_space<vmem_shared>> -> memref<10000x64xbf16, #tpu.memory_space<vmem_shared>>
      tpu.wait_indirect_dma semaphore(%arg12 : memref<!tpu.dma_semaphore, #tpu.memory_space<semaphore_mem>>) src(%dma_wait3A_698 : memref<10000x64xbf16, #tpu.memory_space<vmem_shared>>) dst(%dma_wait3A_692 : memref<80x64xbf16, #tpu.memory_space<vmem>>)
      %dma_wait3A_699 = arith.constant 1 : i32
      %dma_wait3A_700 = arith.constant 1 : i32
      %dma_wait3A_701 = arith.constant 400 : i32
      %dma_wait3A_702 = arith.constant 0 : i32
      %dma_wait3A_703 = tpu.memref_slice %arg8[%dma_wait3A_700, %dma_wait3A_701, %dma_wait3A_702] : memref<2x800x64xbf16, #tpu.memory_space<vmem>> -> memref<1x80x64xbf16, #tpu.memory_space<vmem>>
      %dma_wait3A_704 = tpu.memref_squeeze %dma_wait3A_703 : memref<1x80x64xbf16, #tpu.memory_space<vmem>> -> memref<80x64xbf16, #tpu.memory_space<vmem>>
      %dma_wait3A_705 = arith.constant 400 : i32
      %dma_wait3A_706 = tpu.memref_slice %arg6[%dma_wait3A_699, %dma_wait3A_705] : memref<2x800xi32, #tpu.memory_space<vmem>> -> memref<1x80xi32, #tpu.memory_space<vmem>>
      %dma_wait3A_707 = tpu.memref_squeeze %dma_wait3A_706 : memref<1x80xi32, #tpu.memory_space<vmem>> -> memref<80xi32, #tpu.memory_space<vmem>>
      %dma_wait3A_708 = arith.constant 0 : i32
      %dma_wait3A_709 = arith.constant 0 : i32
      %dma_wait3A_710 = tpu.memref_slice %arg10[%dma_wait3A_708, %dma_wait3A_709] : memref<10000x64xbf16, #tpu.memory_space<vmem_shared>> -> memref<10000x64xbf16, #tpu.memory_space<vmem_shared>>
      tpu.wait_indirect_dma semaphore(%arg12 : memref<!tpu.dma_semaphore, #tpu.memory_space<semaphore_mem>>) src(%dma_wait3A_710 : memref<10000x64xbf16, #tpu.memory_space<vmem_shared>>) dst(%dma_wait3A_704 : memref<80x64xbf16, #tpu.memory_space<vmem>>)
      %dma_wait3A_711 = arith.constant 1 : i32
      %dma_wait3A_712 = arith.constant 1 : i32
      %dma_wait3A_713 = arith.constant 480 : i32
      %dma_wait3A_714 = arith.constant 0 : i32
      %dma_wait3A_715 = tpu.memref_slice %arg8[%dma_wait3A_712, %dma_wait3A_713, %dma_wait3A_714] : memref<2x800x64xbf16, #tpu.memory_space<vmem>> -> memref<1x80x64xbf16, #tpu.memory_space<vmem>>
      %dma_wait3A_716 = tpu.memref_squeeze %dma_wait3A_715 : memref<1x80x64xbf16, #tpu.memory_space<vmem>> -> memref<80x64xbf16, #tpu.memory_space<vmem>>
      %dma_wait3A_717 = arith.constant 480 : i32
      %dma_wait3A_718 = tpu.memref_slice %arg6[%dma_wait3A_711, %dma_wait3A_717] : memref<2x800xi32, #tpu.memory_space<vmem>> -> memref<1x80xi32, #tpu.memory_space<vmem>>
      %dma_wait3A_719 = tpu.memref_squeeze %dma_wait3A_718 : memref<1x80xi32, #tpu.memory_space<vmem>> -> memref<80xi32, #tpu.memory_space<vmem>>
      %dma_wait3A_720 = arith.constant 0 : i32
      %dma_wait3A_721 = arith.constant 0 : i32
      %dma_wait3A_722 = tpu.memref_slice %arg10[%dma_wait3A_720, %dma_wait3A_721] : memref<10000x64xbf16, #tpu.memory_space<vmem_shared>> -> memref<10000x64xbf16, #tpu.memory_space<vmem_shared>>
      tpu.wait_indirect_dma semaphore(%arg12 : memref<!tpu.dma_semaphore, #tpu.memory_space<semaphore_mem>>) src(%dma_wait3A_722 : memref<10000x64xbf16, #tpu.memory_space<vmem_shared>>) dst(%dma_wait3A_716 : memref<80x64xbf16, #tpu.memory_space<vmem>>)
      %dma_wait3A_723 = arith.constant 1 : i32
      %dma_wait3A_724 = arith.constant 1 : i32
      %dma_wait3A_725 = arith.constant 560 : i32
      %dma_wait3A_726 = arith.constant 0 : i32
      %dma_wait3A_727 = tpu.memref_slice %arg8[%dma_wait3A_724, %dma_wait3A_725, %dma_wait3A_726] : memref<2x800x64xbf16, #tpu.memory_space<vmem>> -> memref<1x80x64xbf16, #tpu.memory_space<vmem>>
      %dma_wait3A_728 = tpu.memref_squeeze %dma_wait3A_727 : memref<1x80x64xbf16, #tpu.memory_space<vmem>> -> memref<80x64xbf16, #tpu.memory_space<vmem>>
      %dma_wait3A_729 = arith.constant 560 : i32
      %dma_wait3A_730 = tpu.memref_slice %arg6[%dma_wait3A_723, %dma_wait3A_729] : memref<2x800xi32, #tpu.memory_space<vmem>> -> memref<1x80xi32, #tpu.memory_space<vmem>>
      %dma_wait3A_731 = tpu.memref_squeeze %dma_wait3A_730 : memref<1x80xi32, #tpu.memory_space<vmem>> -> memref<80xi32, #tpu.memory_space<vmem>>
      %dma_wait3A_732 = arith.constant 0 : i32
      %dma_wait3A_733 = arith.constant 0 : i32
      %dma_wait3A_734 = tpu.memref_slice %arg10[%dma_wait3A_732, %dma_wait3A_733] : memref<10000x64xbf16, #tpu.memory_space<vmem_shared>> -> memref<10000x64xbf16, #tpu.memory_space<vmem_shared>>
      tpu.wait_indirect_dma semaphore(%arg12 : memref<!tpu.dma_semaphore, #tpu.memory_space<semaphore_mem>>) src(%dma_wait3A_734 : memref<10000x64xbf16, #tpu.memory_space<vmem_shared>>) dst(%dma_wait3A_728 : memref<80x64xbf16, #tpu.memory_space<vmem>>)
      %dma_wait3A_735 = arith.constant 1 : i32
      %dma_wait3A_736 = arith.constant 1 : i32
      %dma_wait3A_737 = arith.constant 640 : i32
      %dma_wait3A_738 = arith.constant 0 : i32
      %dma_wait3A_739 = tpu.memref_slice %arg8[%dma_wait3A_736, %dma_wait3A_737, %dma_wait3A_738] : memref<2x800x64xbf16, #tpu.memory_space<vmem>> -> memref<1x80x64xbf16, #tpu.memory_space<vmem>>
      %dma_wait3A_740 = tpu.memref_squeeze %dma_wait3A_739 : memref<1x80x64xbf16, #tpu.memory_space<vmem>> -> memref<80x64xbf16, #tpu.memory_space<vmem>>
      %dma_wait3A_741 = arith.constant 640 : i32
      %dma_wait3A_742 = tpu.memref_slice %arg6[%dma_wait3A_735, %dma_wait3A_741] : memref<2x800xi32, #tpu.memory_space<vmem>> -> memref<1x80xi32, #tpu.memory_space<vmem>>
      %dma_wait3A_743 = tpu.memref_squeeze %dma_wait3A_742 : memref<1x80xi32, #tpu.memory_space<vmem>> -> memref<80xi32, #tpu.memory_space<vmem>>
      %dma_wait3A_744 = arith.constant 0 : i32
      %dma_wait3A_745 = arith.constant 0 : i32
      %dma_wait3A_746 = tpu.memref_slice %arg10[%dma_wait3A_744, %dma_wait3A_745] : memref<10000x64xbf16, #tpu.memory_space<vmem_shared>> -> memref<10000x64xbf16, #tpu.memory_space<vmem_shared>>
      tpu.wait_indirect_dma semaphore(%arg12 : memref<!tpu.dma_semaphore, #tpu.memory_space<semaphore_mem>>) src(%dma_wait3A_746 : memref<10000x64xbf16, #tpu.memory_space<vmem_shared>>) dst(%dma_wait3A_740 : memref<80x64xbf16, #tpu.memory_space<vmem>>)
      %dma_wait3A_747 = arith.constant 1 : i32
      %dma_wait3A_748 = arith.constant 1 : i32
      %dma_wait3A_749 = arith.constant 720 : i32
      %dma_wait3A_750 = arith.constant 0 : i32
      %dma_wait3A_751 = tpu.memref_slice %arg8[%dma_wait3A_748, %dma_wait3A_749, %dma_wait3A_750] : memref<2x800x64xbf16, #tpu.memory_space<vmem>> -> memref<1x80x64xbf16, #tpu.memory_space<vmem>>
      %dma_wait3A_752 = tpu.memref_squeeze %dma_wait3A_751 : memref<1x80x64xbf16, #tpu.memory_space<vmem>> -> memref<80x64xbf16, #tpu.memory_space<vmem>>
      %dma_wait3A_753 = arith.constant 720 : i32
      %dma_wait3A_754 = tpu.memref_slice %arg6[%dma_wait3A_747, %dma_wait3A_753] : memref<2x800xi32, #tpu.memory_space<vmem>> -> memref<1x80xi32, #tpu.memory_space<vmem>>
      %dma_wait3A_755 = tpu.memref_squeeze %dma_wait3A_754 : memref<1x80xi32, #tpu.memory_space<vmem>> -> memref<80xi32, #tpu.memory_space<vmem>>
      %dma_wait3A_756 = arith.constant 0 : i32
      %dma_wait3A_757 = arith.constant 0 : i32
      %dma_wait3A_758 = tpu.memref_slice %arg10[%dma_wait3A_756, %dma_wait3A_757] : memref<10000x64xbf16, #tpu.memory_space<vmem_shared>> -> memref<10000x64xbf16, #tpu.memory_space<vmem_shared>>
      tpu.wait_indirect_dma semaphore(%arg12 : memref<!tpu.dma_semaphore, #tpu.memory_space<semaphore_mem>>) src(%dma_wait3A_758 : memref<10000x64xbf16, #tpu.memory_space<vmem_shared>>) dst(%dma_wait3A_752 : memref<80x64xbf16, #tpu.memory_space<vmem>>)
      %ge3A_759 = arith.constant 2 : i32
      %ge3A_760 = arith.cmpi sge, %add3A_624, %ge3A_759 : i32
      %convert_element_type3A_761 = arith.extui %ge3A_760 : i1 to i32
      %cond3A_762 = arith.constant 0 : i32
      %cond3A_763 = arith.cmpi ne, %convert_element_type3A_761, %cond3A_762 : i32
      scf.if %cond3A_763 {
        %sub3A = arith.constant 2 : i32
        %sub3A_1036 = arith.subi %add3A_624, %sub3A : i32
        %mul3A_1037 = arith.constant 8 : i32
        %mul3A_1038 = arith.muli %sub3A_1036, %mul3A_1037 : i32
        %add3A_1039 = arith.addi %mul3A_2, %mul3A_1038 : i32
        %dma_wait3A_1040 = arith.constant 1 : i32
        %dma_wait3A_1041 = arith.constant 0 : i32
        %dma_wait3A_1042 = arith.constant 0 : i32
        %dma_wait3A_1043 = tpu.memref_slice %arg9[%dma_wait3A_1040, %dma_wait3A_1041, %dma_wait3A_1042] : memref<2x8x64xf32, #tpu.memory_space<vmem>> -> memref<1x8x64xf32, #tpu.memory_space<vmem>>
        %dma_wait3A_1044 = tpu.memref_squeeze %dma_wait3A_1043 : memref<1x8x64xf32, #tpu.memory_space<vmem>> -> memref<8x64xf32, #tpu.memory_space<vmem>>
        %dma_wait3A_1045 = arith.constant 0 : i32
        %dma_wait3A_1046 = tpu.memref_slice %arg4[%add3A_1039, %dma_wait3A_1045] : memref<51200x64xf32, #tpu.memory_space<hbm>> -> memref<8x64xf32, #tpu.memory_space<hbm>>
        %dma_wait3A_1047 = arith.constant 0 : i32
        %dma_wait3A_1048 = tpu.memref_slice %arg4[%add3A_1039, %dma_wait3A_1047] : memref<51200x64xf32, #tpu.memory_space<hbm>> -> memref<8x64xf32, #tpu.memory_space<hbm>>
        %dma_wait3A_1049 = arith.constant 0 : i32
        %dma_wait3A_1050 = arith.constant 0 : i32
        %dma_wait3A_1051 = tpu.memref_slice %arg9[%dma_wait3A_1040, %dma_wait3A_1049, %dma_wait3A_1050] : memref<2x8x64xf32, #tpu.memory_space<vmem>> -> memref<1x8x64xf32, #tpu.memory_space<vmem>>
        %dma_wait3A_1052 = tpu.memref_squeeze %dma_wait3A_1051 : memref<1x8x64xf32, #tpu.memory_space<vmem>> -> memref<8x64xf32, #tpu.memory_space<vmem>>
        tpu.wait_dma2 semaphore(%arg16 : memref<!tpu.dma_semaphore, #tpu.memory_space<semaphore_mem>>) src(%dma_wait3A_1052 : memref<8x64xf32, #tpu.memory_space<vmem>>) dst(%dma_wait3A_1048 : memref<8x64xf32, #tpu.memory_space<hbm>>)
      } else {
      }
      %broadcast_in_dim3A_764 = arith.constant 0.000000e+00 : f32
      %broadcast_in_dim3A_765 = vector.broadcast %broadcast_in_dim3A_764 : f32 to vector<16xf32>
      %scan3A_766 = arith.constant 0 : i32
      %scan3A_767 = arith.constant 25 : i32
      %scan3A_768 = arith.addi %scan3A_766, %scan3A_767 : i32
      %scan3A_769 = arith.constant 1 : i32
      %scan3A_770:4 = scf.for %scan3A_1036 = %scan3A_766 to %scan3A_768 step %scan3A_769 iter_args(%scan3A_1037 = %broadcast_in_dim3A_765, %scan3A_1038 = %broadcast_in_dim3A_765, %scan3A_1039 = %broadcast_in_dim3A_765, %scan3A_1040 = %broadcast_in_dim3A_765) -> (vector<16xf32>, vector<16xf32>, vector<16xf32>, vector<16xf32>)  : i32 {
        %mul3A_1041 = arith.constant 4 : i32
        %mul3A_1042 = arith.muli %scan3A_1036, %mul3A_1041 : i32
        %add3A_1043 = arith.constant 0 : i32
        %add3A_1044 = arith.addi %add3A_1043, %mul3A_1042 : i32
        %add3A_1045 = arith.constant 0 : i32
        %add3A_1046 = arith.addi %add3A_1044, %add3A_1045 : i32
        %get3A = arith.constant 1 : i32
        %get3A_1047 = arith.index_cast %get3A : i32 to index
        %get3A_1048 = arith.index_cast %add3A_1046 : i32 to index
        %get3A_1049 = arith.constant 0 : index
        %get3A_1050 = tpu.vector_load %arg8[%get3A_1047, %get3A_1048, %get3A_1049] {strides = array<i32>} : memref<2x800x64xbf16, #tpu.memory_space<vmem>>, vector<32xbf16>,
        %add3A_1051 = arith.constant 0 : i32
        %add3A_1052 = arith.addi %add3A_1044, %add3A_1051 : i32
        %add3A_1053 = arith.constant 1 : i32
        %add3A_1054 = arith.addi %add3A_1052, %add3A_1053 : i32
        %get3A_1055 = arith.constant 1 : i32
        %get3A_1056 = arith.index_cast %get3A_1055 : i32 to index
        %get3A_1057 = arith.index_cast %add3A_1054 : i32 to index
        %get3A_1058 = arith.constant 0 : index
        %get3A_1059 = tpu.vector_load %arg8[%get3A_1056, %get3A_1057, %get3A_1058] {strides = array<i32>} : memref<2x800x64xbf16, #tpu.memory_space<vmem>>, vector<32xbf16>,
        %add3A_1060 = arith.addf %get3A_1050, %get3A_1059 : vector<32xbf16>
        %add3A_1061 = arith.constant 0 : i32
        %add3A_1062 = arith.addi %add3A_1044, %add3A_1061 : i32
        %get3A_1063 = arith.constant 1 : i32
        %get3A_1064 = arith.index_cast %get3A_1063 : i32 to index
        %get3A_1065 = arith.index_cast %add3A_1062 : i32 to index
        %get3A_1066 = arith.constant 32 : index
        %get3A_1067 = tpu.vector_load %arg8[%get3A_1064, %get3A_1065, %get3A_1066] {strides = array<i32>} : memref<2x800x64xbf16, #tpu.memory_space<vmem>>, vector<32xbf16>,
        %add3A_1068 = arith.constant 0 : i32
        %add3A_1069 = arith.addi %add3A_1044, %add3A_1068 : i32
        %add3A_1070 = arith.constant 1 : i32
        %add3A_1071 = arith.addi %add3A_1069, %add3A_1070 : i32
        %get3A_1072 = arith.constant 1 : i32
        %get3A_1073 = arith.index_cast %get3A_1072 : i32 to index
        %get3A_1074 = arith.index_cast %add3A_1071 : i32 to index
        %get3A_1075 = arith.constant 32 : index
        %get3A_1076 = tpu.vector_load %arg8[%get3A_1073, %get3A_1074, %get3A_1075] {strides = array<i32>} : memref<2x800x64xbf16, #tpu.memory_space<vmem>>, vector<32xbf16>,
        %add3A_1077 = arith.addf %get3A_1067, %get3A_1076 : vector<32xbf16>
        %unpack3A = tpu.unpack_subelements %add3A_1060, 0 {pack_format = #tpu.pack_format<interleaved>} : vector<32xbf16> -> vector<16xf32>
        %unpack3A_1078 = tpu.unpack_subelements %add3A_1060, 1 {pack_format = #tpu.pack_format<interleaved>} : vector<32xbf16> -> vector<16xf32>
        %unpack3A_1079 = tpu.unpack_subelements %add3A_1077, 0 {pack_format = #tpu.pack_format<interleaved>} : vector<32xbf16> -> vector<16xf32>
        %unpack3A_1080 = tpu.unpack_subelements %add3A_1077, 1 {pack_format = #tpu.pack_format<interleaved>} : vector<32xbf16> -> vector<16xf32>
        %add3A_1081 = arith.addf %scan3A_1037, %unpack3A : vector<16xf32>
        %add3A_1082 = arith.addf %scan3A_1038, %unpack3A_1078 : vector<16xf32>
        %add3A_1083 = arith.addf %scan3A_1039, %unpack3A_1079 : vector<16xf32>
        %add3A_1084 = arith.addf %scan3A_1040, %unpack3A_1080 : vector<16xf32>
        %add3A_1085 = arith.constant 2 : i32
        %add3A_1086 = arith.addi %add3A_1044, %add3A_1085 : i32
        %get3A_1087 = arith.constant 1 : i32
        %get3A_1088 = arith.index_cast %get3A_1087 : i32 to index
        %get3A_1089 = arith.index_cast %add3A_1086 : i32 to index
        %get3A_1090 = arith.constant 0 : index
        %get3A_1091 = tpu.vector_load %arg8[%get3A_1088, %get3A_1089, %get3A_1090] {strides = array<i32>} : memref<2x800x64xbf16, #tpu.memory_space<vmem>>, vector<32xbf16>,
        %add3A_1092 = arith.constant 2 : i32
        %add3A_1093 = arith.addi %add3A_1044, %add3A_1092 : i32
        %add3A_1094 = arith.constant 1 : i32
        %add3A_1095 = arith.addi %add3A_1093, %add3A_1094 : i32
        %get3A_1096 = arith.constant 1 : i32
        %get3A_1097 = arith.index_cast %get3A_1096 : i32 to index
        %get3A_1098 = arith.index_cast %add3A_1095 : i32 to index
        %get3A_1099 = arith.constant 0 : index
        %get3A_1100 = tpu.vector_load %arg8[%get3A_1097, %get3A_1098, %get3A_1099] {strides = array<i32>} : memref<2x800x64xbf16, #tpu.memory_space<vmem>>, vector<32xbf16>,
        %add3A_1101 = arith.addf %get3A_1091, %get3A_1100 : vector<32xbf16>
        %add3A_1102 = arith.constant 2 : i32
        %add3A_1103 = arith.addi %add3A_1044, %add3A_1102 : i32
        %get3A_1104 = arith.constant 1 : i32
        %get3A_1105 = arith.index_cast %get3A_1104 : i32 to index
        %get3A_1106 = arith.index_cast %add3A_1103 : i32 to index
        %get3A_1107 = arith.constant 32 : index
        %get3A_1108 = tpu.vector_load %arg8[%get3A_1105, %get3A_1106, %get3A_1107] {strides = array<i32>} : memref<2x800x64xbf16, #tpu.memory_space<vmem>>, vector<32xbf16>,
        %add3A_1109 = arith.constant 2 : i32
        %add3A_1110 = arith.addi %add3A_1044, %add3A_1109 : i32
        %add3A_1111 = arith.constant 1 : i32
        %add3A_1112 = arith.addi %add3A_1110, %add3A_1111 : i32
        %get3A_1113 = arith.constant 1 : i32
        %get3A_1114 = arith.index_cast %get3A_1113 : i32 to index
        %get3A_1115 = arith.index_cast %add3A_1112 : i32 to index
        %get3A_1116 = arith.constant 32 : index
        %get3A_1117 = tpu.vector_load %arg8[%get3A_1114, %get3A_1115, %get3A_1116] {strides = array<i32>} : memref<2x800x64xbf16, #tpu.memory_space<vmem>>, vector<32xbf16>,
        %add3A_1118 = arith.addf %get3A_1108, %get3A_1117 : vector<32xbf16>
        %unpack3A_1119 = tpu.unpack_subelements %add3A_1101, 0 {pack_format = #tpu.pack_format<interleaved>} : vector<32xbf16> -> vector<16xf32>
        %unpack3A_1120 = tpu.unpack_subelements %add3A_1101, 1 {pack_format = #tpu.pack_format<interleaved>} : vector<32xbf16> -> vector<16xf32>
        %unpack3A_1121 = tpu.unpack_subelements %add3A_1118, 0 {pack_format = #tpu.pack_format<interleaved>} : vector<32xbf16> -> vector<16xf32>
        %unpack3A_1122 = tpu.unpack_subelements %add3A_1118, 1 {pack_format = #tpu.pack_format<interleaved>} : vector<32xbf16> -> vector<16xf32>
        %add3A_1123 = arith.addf %add3A_1081, %unpack3A_1119 : vector<16xf32>
        %add3A_1124 = arith.addf %add3A_1082, %unpack3A_1120 : vector<16xf32>
        %add3A_1125 = arith.addf %add3A_1083, %unpack3A_1121 : vector<16xf32>
        %add3A_1126 = arith.addf %add3A_1084, %unpack3A_1122 : vector<16xf32>
        scf.yield %add3A_1123, %add3A_1124, %add3A_1125, %add3A_1126 : vector<16xf32>, vector<16xf32>, vector<16xf32>, vector<16xf32>
      }
      %scan3A_771 = arith.constant 25 : i32
      %swap3A_772 = arith.constant 1 : i32
      %swap3A_773 = arith.constant 0 : i32
      %swap3A_774 = arith.index_cast %swap3A_772 : i32 to index
      %swap3A_775 = arith.index_cast %swap3A_773 : i32 to index
      %swap3A_776 = arith.constant 0 : index
      %swap3A_777 = tpu.vector_load %arg9[%swap3A_774, %swap3A_775, %swap3A_776] {strides = array<i32>} : memref<2x8x64xf32, #tpu.memory_space<vmem>>, vector<16xf32>,
      tpu.vector_store %arg9[%swap3A_774, %swap3A_775, %swap3A_776], %scan3A_770#0 {strides = array<i32>} : memref<2x8x64xf32, #tpu.memory_space<vmem>>, vector<16xf32>,
      %swap3A_778 = arith.constant 1 : i32
      %swap3A_779 = arith.constant 0 : i32
      %swap3A_780 = arith.index_cast %swap3A_778 : i32 to index
      %swap3A_781 = arith.index_cast %swap3A_779 : i32 to index
      %swap3A_782 = arith.constant 16 : index
      %swap3A_783 = tpu.vector_load %arg9[%swap3A_780, %swap3A_781, %swap3A_782] {strides = array<i32>} : memref<2x8x64xf32, #tpu.memory_space<vmem>>, vector<16xf32>,
      tpu.vector_store %arg9[%swap3A_780, %swap3A_781, %swap3A_782], %scan3A_770#1 {strides = array<i32>} : memref<2x8x64xf32, #tpu.memory_space<vmem>>, vector<16xf32>,
      %swap3A_784 = arith.constant 1 : i32
      %swap3A_785 = arith.constant 0 : i32
      %swap3A_786 = arith.index_cast %swap3A_784 : i32 to index
      %swap3A_787 = arith.index_cast %swap3A_785 : i32 to index
      %swap3A_788 = arith.constant 32 : index
      %swap3A_789 = tpu.vector_load %arg9[%swap3A_786, %swap3A_787, %swap3A_788] {strides = array<i32>} : memref<2x8x64xf32, #tpu.memory_space<vmem>>, vector<16xf32>,
      tpu.vector_store %arg9[%swap3A_786, %swap3A_787, %swap3A_788], %scan3A_770#2 {strides = array<i32>} : memref<2x8x64xf32, #tpu.memory_space<vmem>>, vector<16xf32>,
      %swap3A_790 = arith.constant 1 : i32
      %swap3A_791 = arith.constant 0 : i32
      %swap3A_792 = arith.index_cast %swap3A_790 : i32 to index
      %swap3A_793 = arith.index_cast %swap3A_791 : i32 to index
      %swap3A_794 = arith.constant 48 : index
      %swap3A_795 = tpu.vector_load %arg9[%swap3A_792, %swap3A_793, %swap3A_794] {strides = array<i32>} : memref<2x8x64xf32, #tpu.memory_space<vmem>>, vector<16xf32>,
      tpu.vector_store %arg9[%swap3A_792, %swap3A_793, %swap3A_794], %scan3A_770#3 {strides = array<i32>} : memref<2x8x64xf32, #tpu.memory_space<vmem>>, vector<16xf32>,
      %broadcast_in_dim3A_796 = arith.constant 0.000000e+00 : f32
      %broadcast_in_dim3A_797 = vector.broadcast %broadcast_in_dim3A_796 : f32 to vector<16xf32>
      %scan3A_798 = arith.constant 0 : i32
      %scan3A_799 = arith.constant 25 : i32
      %scan3A_800 = arith.addi %scan3A_798, %scan3A_799 : i32
      %scan3A_801 = arith.constant 1 : i32
      %scan3A_802:4 = scf.for %scan3A_1036 = %scan3A_798 to %scan3A_800 step %scan3A_801 iter_args(%scan3A_1037 = %broadcast_in_dim3A_797, %scan3A_1038 = %broadcast_in_dim3A_797, %scan3A_1039 = %broadcast_in_dim3A_797, %scan3A_1040 = %broadcast_in_dim3A_797) -> (vector<16xf32>, vector<16xf32>, vector<16xf32>, vector<16xf32>)  : i32 {
        %mul3A_1041 = arith.constant 4 : i32
        %mul3A_1042 = arith.muli %scan3A_1036, %mul3A_1041 : i32
        %add3A_1043 = arith.constant 100 : i32
        %add3A_1044 = arith.addi %add3A_1043, %mul3A_1042 : i32
        %add3A_1045 = arith.constant 0 : i32
        %add3A_1046 = arith.addi %add3A_1044, %add3A_1045 : i32
        %get3A = arith.constant 1 : i32
        %get3A_1047 = arith.index_cast %get3A : i32 to index
        %get3A_1048 = arith.index_cast %add3A_1046 : i32 to index
        %get3A_1049 = arith.constant 0 : index
        %get3A_1050 = tpu.vector_load %arg8[%get3A_1047, %get3A_1048, %get3A_1049] {strides = array<i32>} : memref<2x800x64xbf16, #tpu.memory_space<vmem>>, vector<32xbf16>,
        %add3A_1051 = arith.constant 0 : i32
        %add3A_1052 = arith.addi %add3A_1044, %add3A_1051 : i32
        %add3A_1053 = arith.constant 1 : i32
        %add3A_1054 = arith.addi %add3A_1052, %add3A_1053 : i32
        %get3A_1055 = arith.constant 1 : i32
        %get3A_1056 = arith.index_cast %get3A_1055 : i32 to index
        %get3A_1057 = arith.index_cast %add3A_1054 : i32 to index
        %get3A_1058 = arith.constant 0 : index
        %get3A_1059 = tpu.vector_load %arg8[%get3A_1056, %get3A_1057, %get3A_1058] {strides = array<i32>} : memref<2x800x64xbf16, #tpu.memory_space<vmem>>, vector<32xbf16>,
        %add3A_1060 = arith.addf %get3A_1050, %get3A_1059 : vector<32xbf16>
        %add3A_1061 = arith.constant 0 : i32
        %add3A_1062 = arith.addi %add3A_1044, %add3A_1061 : i32
        %get3A_1063 = arith.constant 1 : i32
        %get3A_1064 = arith.index_cast %get3A_1063 : i32 to index
        %get3A_1065 = arith.index_cast %add3A_1062 : i32 to index
        %get3A_1066 = arith.constant 32 : index
        %get3A_1067 = tpu.vector_load %arg8[%get3A_1064, %get3A_1065, %get3A_1066] {strides = array<i32>} : memref<2x800x64xbf16, #tpu.memory_space<vmem>>, vector<32xbf16>,
        %add3A_1068 = arith.constant 0 : i32
        %add3A_1069 = arith.addi %add3A_1044, %add3A_1068 : i32
        %add3A_1070 = arith.constant 1 : i32
        %add3A_1071 = arith.addi %add3A_1069, %add3A_1070 : i32
        %get3A_1072 = arith.constant 1 : i32
        %get3A_1073 = arith.index_cast %get3A_1072 : i32 to index
        %get3A_1074 = arith.index_cast %add3A_1071 : i32 to index
        %get3A_1075 = arith.constant 32 : index
        %get3A_1076 = tpu.vector_load %arg8[%get3A_1073, %get3A_1074, %get3A_1075] {strides = array<i32>} : memref<2x800x64xbf16, #tpu.memory_space<vmem>>, vector<32xbf16>,
        %add3A_1077 = arith.addf %get3A_1067, %get3A_1076 : vector<32xbf16>
        %unpack3A = tpu.unpack_subelements %add3A_1060, 0 {pack_format = #tpu.pack_format<interleaved>} : vector<32xbf16> -> vector<16xf32>
        %unpack3A_1078 = tpu.unpack_subelements %add3A_1060, 1 {pack_format = #tpu.pack_format<interleaved>} : vector<32xbf16> -> vector<16xf32>
        %unpack3A_1079 = tpu.unpack_subelements %add3A_1077, 0 {pack_format = #tpu.pack_format<interleaved>} : vector<32xbf16> -> vector<16xf32>
        %unpack3A_1080 = tpu.unpack_subelements %add3A_1077, 1 {pack_format = #tpu.pack_format<interleaved>} : vector<32xbf16> -> vector<16xf32>
        %add3A_1081 = arith.addf %scan3A_1037, %unpack3A : vector<16xf32>
        %add3A_1082 = arith.addf %scan3A_1038, %unpack3A_1078 : vector<16xf32>
        %add3A_1083 = arith.addf %scan3A_1039, %unpack3A_1079 : vector<16xf32>
        %add3A_1084 = arith.addf %scan3A_1040, %unpack3A_1080 : vector<16xf32>
        %add3A_1085 = arith.constant 2 : i32
        %add3A_1086 = arith.addi %add3A_1044, %add3A_1085 : i32
        %get3A_1087 = arith.constant 1 : i32
        %get3A_1088 = arith.index_cast %get3A_1087 : i32 to index
        %get3A_1089 = arith.index_cast %add3A_1086 : i32 to index
        %get3A_1090 = arith.constant 0 : index
        %get3A_1091 = tpu.vector_load %arg8[%get3A_1088, %get3A_1089, %get3A_1090] {strides = array<i32>} : memref<2x800x64xbf16, #tpu.memory_space<vmem>>, vector<32xbf16>,
        %add3A_1092 = arith.constant 2 : i32
        %add3A_1093 = arith.addi %add3A_1044, %add3A_1092 : i32
        %add3A_1094 = arith.constant 1 : i32
        %add3A_1095 = arith.addi %add3A_1093, %add3A_1094 : i32
        %get3A_1096 = arith.constant 1 : i32
        %get3A_1097 = arith.index_cast %get3A_1096 : i32 to index
        %get3A_1098 = arith.index_cast %add3A_1095 : i32 to index
        %get3A_1099 = arith.constant 0 : index
        %get3A_1100 = tpu.vector_load %arg8[%get3A_1097, %get3A_1098, %get3A_1099] {strides = array<i32>} : memref<2x800x64xbf16, #tpu.memory_space<vmem>>, vector<32xbf16>,
        %add3A_1101 = arith.addf %get3A_1091, %get3A_1100 : vector<32xbf16>
        %add3A_1102 = arith.constant 2 : i32
        %add3A_1103 = arith.addi %add3A_1044, %add3A_1102 : i32
        %get3A_1104 = arith.constant 1 : i32
        %get3A_1105 = arith.index_cast %get3A_1104 : i32 to index
        %get3A_1106 = arith.index_cast %add3A_1103 : i32 to index
        %get3A_1107 = arith.constant 32 : index
        %get3A_1108 = tpu.vector_load %arg8[%get3A_1105, %get3A_1106, %get3A_1107] {strides = array<i32>} : memref<2x800x64xbf16, #tpu.memory_space<vmem>>, vector<32xbf16>,
        %add3A_1109 = arith.constant 2 : i32
        %add3A_1110 = arith.addi %add3A_1044, %add3A_1109 : i32
        %add3A_1111 = arith.constant 1 : i32
        %add3A_1112 = arith.addi %add3A_1110, %add3A_1111 : i32
        %get3A_1113 = arith.constant 1 : i32
        %get3A_1114 = arith.index_cast %get3A_1113 : i32 to index
        %get3A_1115 = arith.index_cast %add3A_1112 : i32 to index
        %get3A_1116 = arith.constant 32 : index
        %get3A_1117 = tpu.vector_load %arg8[%get3A_1114, %get3A_1115, %get3A_1116] {strides = array<i32>} : memref<2x800x64xbf16, #tpu.memory_space<vmem>>, vector<32xbf16>,
        %add3A_1118 = arith.addf %get3A_1108, %get3A_1117 : vector<32xbf16>
        %unpack3A_1119 = tpu.unpack_subelements %add3A_1101, 0 {pack_format = #tpu.pack_format<interleaved>} : vector<32xbf16> -> vector<16xf32>
        %unpack3A_1120 = tpu.unpack_subelements %add3A_1101, 1 {pack_format = #tpu.pack_format<interleaved>} : vector<32xbf16> -> vector<16xf32>
        %unpack3A_1121 = tpu.unpack_subelements %add3A_1118, 0 {pack_format = #tpu.pack_format<interleaved>} : vector<32xbf16> -> vector<16xf32>
        %unpack3A_1122 = tpu.unpack_subelements %add3A_1118, 1 {pack_format = #tpu.pack_format<interleaved>} : vector<32xbf16> -> vector<16xf32>
        %add3A_1123 = arith.addf %add3A_1081, %unpack3A_1119 : vector<16xf32>
        %add3A_1124 = arith.addf %add3A_1082, %unpack3A_1120 : vector<16xf32>
        %add3A_1125 = arith.addf %add3A_1083, %unpack3A_1121 : vector<16xf32>
        %add3A_1126 = arith.addf %add3A_1084, %unpack3A_1122 : vector<16xf32>
        scf.yield %add3A_1123, %add3A_1124, %add3A_1125, %add3A_1126 : vector<16xf32>, vector<16xf32>, vector<16xf32>, vector<16xf32>
      }
      %scan3A_803 = arith.constant 25 : i32
      %swap3A_804 = arith.constant 1 : i32
      %swap3A_805 = arith.constant 1 : i32
      %swap3A_806 = arith.index_cast %swap3A_804 : i32 to index
      %swap3A_807 = arith.index_cast %swap3A_805 : i32 to index
      %swap3A_808 = arith.constant 0 : index
      %swap3A_809 = tpu.vector_load %arg9[%swap3A_806, %swap3A_807, %swap3A_808] {strides = array<i32>} : memref<2x8x64xf32, #tpu.memory_space<vmem>>, vector<16xf32>,
      tpu.vector_store %arg9[%swap3A_806, %swap3A_807, %swap3A_808], %scan3A_802#0 {strides = array<i32>} : memref<2x8x64xf32, #tpu.memory_space<vmem>>, vector<16xf32>,
      %swap3A_810 = arith.constant 1 : i32
      %swap3A_811 = arith.constant 1 : i32
      %swap3A_812 = arith.index_cast %swap3A_810 : i32 to index
      %swap3A_813 = arith.index_cast %swap3A_811 : i32 to index
      %swap3A_814 = arith.constant 16 : index
      %swap3A_815 = tpu.vector_load %arg9[%swap3A_812, %swap3A_813, %swap3A_814] {strides = array<i32>} : memref<2x8x64xf32, #tpu.memory_space<vmem>>, vector<16xf32>,
      tpu.vector_store %arg9[%swap3A_812, %swap3A_813, %swap3A_814], %scan3A_802#1 {strides = array<i32>} : memref<2x8x64xf32, #tpu.memory_space<vmem>>, vector<16xf32>,
      %swap3A_816 = arith.constant 1 : i32
      %swap3A_817 = arith.constant 1 : i32
      %swap3A_818 = arith.index_cast %swap3A_816 : i32 to index
      %swap3A_819 = arith.index_cast %swap3A_817 : i32 to index
      %swap3A_820 = arith.constant 32 : index
      %swap3A_821 = tpu.vector_load %arg9[%swap3A_818, %swap3A_819, %swap3A_820] {strides = array<i32>} : memref<2x8x64xf32, #tpu.memory_space<vmem>>, vector<16xf32>,
      tpu.vector_store %arg9[%swap3A_818, %swap3A_819, %swap3A_820], %scan3A_802#2 {strides = array<i32>} : memref<2x8x64xf32, #tpu.memory_space<vmem>>, vector<16xf32>,
      %swap3A_822 = arith.constant 1 : i32
      %swap3A_823 = arith.constant 1 : i32
      %swap3A_824 = arith.index_cast %swap3A_822 : i32 to index
      %swap3A_825 = arith.index_cast %swap3A_823 : i32 to index
      %swap3A_826 = arith.constant 48 : index
      %swap3A_827 = tpu.vector_load %arg9[%swap3A_824, %swap3A_825, %swap3A_826] {strides = array<i32>} : memref<2x8x64xf32, #tpu.memory_space<vmem>>, vector<16xf32>,
      tpu.vector_store %arg9[%swap3A_824, %swap3A_825, %swap3A_826], %scan3A_802#3 {strides = array<i32>} : memref<2x8x64xf32, #tpu.memory_space<vmem>>, vector<16xf32>,
      %broadcast_in_dim3A_828 = arith.constant 0.000000e+00 : f32
      %broadcast_in_dim3A_829 = vector.broadcast %broadcast_in_dim3A_828 : f32 to vector<16xf32>
      %scan3A_830 = arith.constant 0 : i32
      %scan3A_831 = arith.constant 25 : i32
      %scan3A_832 = arith.addi %scan3A_830, %scan3A_831 : i32
      %scan3A_833 = arith.constant 1 : i32
      %scan3A_834:4 = scf.for %scan3A_1036 = %scan3A_830 to %scan3A_832 step %scan3A_833 iter_args(%scan3A_1037 = %broadcast_in_dim3A_829, %scan3A_1038 = %broadcast_in_dim3A_829, %scan3A_1039 = %broadcast_in_dim3A_829, %scan3A_1040 = %broadcast_in_dim3A_829) -> (vector<16xf32>, vector<16xf32>, vector<16xf32>, vector<16xf32>)  : i32 {
        %mul3A_1041 = arith.constant 4 : i32
        %mul3A_1042 = arith.muli %scan3A_1036, %mul3A_1041 : i32
        %add3A_1043 = arith.constant 200 : i32
        %add3A_1044 = arith.addi %add3A_1043, %mul3A_1042 : i32
        %add3A_1045 = arith.constant 0 : i32
        %add3A_1046 = arith.addi %add3A_1044, %add3A_1045 : i32
        %get3A = arith.constant 1 : i32
        %get3A_1047 = arith.index_cast %get3A : i32 to index
        %get3A_1048 = arith.index_cast %add3A_1046 : i32 to index
        %get3A_1049 = arith.constant 0 : index
        %get3A_1050 = tpu.vector_load %arg8[%get3A_1047, %get3A_1048, %get3A_1049] {strides = array<i32>} : memref<2x800x64xbf16, #tpu.memory_space<vmem>>, vector<32xbf16>,
        %add3A_1051 = arith.constant 0 : i32
        %add3A_1052 = arith.addi %add3A_1044, %add3A_1051 : i32
        %add3A_1053 = arith.constant 1 : i32
        %add3A_1054 = arith.addi %add3A_1052, %add3A_1053 : i32
        %get3A_1055 = arith.constant 1 : i32
        %get3A_1056 = arith.index_cast %get3A_1055 : i32 to index
        %get3A_1057 = arith.index_cast %add3A_1054 : i32 to index
        %get3A_1058 = arith.constant 0 : index
        %get3A_1059 = tpu.vector_load %arg8[%get3A_1056, %get3A_1057, %get3A_1058] {strides = array<i32>} : memref<2x800x64xbf16, #tpu.memory_space<vmem>>, vector<32xbf16>,
        %add3A_1060 = arith.addf %get3A_1050, %get3A_1059 : vector<32xbf16>
        %add3A_1061 = arith.constant 0 : i32
        %add3A_1062 = arith.addi %add3A_1044, %add3A_1061 : i32
        %get3A_1063 = arith.constant 1 : i32
        %get3A_1064 = arith.index_cast %get3A_1063 : i32 to index
        %get3A_1065 = arith.index_cast %add3A_1062 : i32 to index
        %get3A_1066 = arith.constant 32 : index
        %get3A_1067 = tpu.vector_load %arg8[%get3A_1064, %get3A_1065, %get3A_1066] {strides = array<i32>} : memref<2x800x64xbf16, #tpu.memory_space<vmem>>, vector<32xbf16>,
        %add3A_1068 = arith.constant 0 : i32
        %add3A_1069 = arith.addi %add3A_1044, %add3A_1068 : i32
        %add3A_1070 = arith.constant 1 : i32
        %add3A_1071 = arith.addi %add3A_1069, %add3A_1070 : i32
        %get3A_1072 = arith.constant 1 : i32
        %get3A_1073 = arith.index_cast %get3A_1072 : i32 to index
        %get3A_1074 = arith.index_cast %add3A_1071 : i32 to index
        %get3A_1075 = arith.constant 32 : index
        %get3A_1076 = tpu.vector_load %arg8[%get3A_1073, %get3A_1074, %get3A_1075] {strides = array<i32>} : memref<2x800x64xbf16, #tpu.memory_space<vmem>>, vector<32xbf16>,
        %add3A_1077 = arith.addf %get3A_1067, %get3A_1076 : vector<32xbf16>
        %unpack3A = tpu.unpack_subelements %add3A_1060, 0 {pack_format = #tpu.pack_format<interleaved>} : vector<32xbf16> -> vector<16xf32>
        %unpack3A_1078 = tpu.unpack_subelements %add3A_1060, 1 {pack_format = #tpu.pack_format<interleaved>} : vector<32xbf16> -> vector<16xf32>
        %unpack3A_1079 = tpu.unpack_subelements %add3A_1077, 0 {pack_format = #tpu.pack_format<interleaved>} : vector<32xbf16> -> vector<16xf32>
        %unpack3A_1080 = tpu.unpack_subelements %add3A_1077, 1 {pack_format = #tpu.pack_format<interleaved>} : vector<32xbf16> -> vector<16xf32>
        %add3A_1081 = arith.addf %scan3A_1037, %unpack3A : vector<16xf32>
        %add3A_1082 = arith.addf %scan3A_1038, %unpack3A_1078 : vector<16xf32>
        %add3A_1083 = arith.addf %scan3A_1039, %unpack3A_1079 : vector<16xf32>
        %add3A_1084 = arith.addf %scan3A_1040, %unpack3A_1080 : vector<16xf32>
        %add3A_1085 = arith.constant 2 : i32
        %add3A_1086 = arith.addi %add3A_1044, %add3A_1085 : i32
        %get3A_1087 = arith.constant 1 : i32
        %get3A_1088 = arith.index_cast %get3A_1087 : i32 to index
        %get3A_1089 = arith.index_cast %add3A_1086 : i32 to index
        %get3A_1090 = arith.constant 0 : index
        %get3A_1091 = tpu.vector_load %arg8[%get3A_1088, %get3A_1089, %get3A_1090] {strides = array<i32>} : memref<2x800x64xbf16, #tpu.memory_space<vmem>>, vector<32xbf16>,
        %add3A_1092 = arith.constant 2 : i32
        %add3A_1093 = arith.addi %add3A_1044, %add3A_1092 : i32
        %add3A_1094 = arith.constant 1 : i32
        %add3A_1095 = arith.addi %add3A_1093, %add3A_1094 : i32
        %get3A_1096 = arith.constant 1 : i32
        %get3A_1097 = arith.index_cast %get3A_1096 : i32 to index
        %get3A_1098 = arith.index_cast %add3A_1095 : i32 to index
        %get3A_1099 = arith.constant 0 : index
        %get3A_1100 = tpu.vector_load %arg8[%get3A_1097, %get3A_1098, %get3A_1099] {strides = array<i32>} : memref<2x800x64xbf16, #tpu.memory_space<vmem>>, vector<32xbf16>,
        %add3A_1101 = arith.addf %get3A_1091, %get3A_1100 : vector<32xbf16>
        %add3A_1102 = arith.constant 2 : i32
        %add3A_1103 = arith.addi %add3A_1044, %add3A_1102 : i32
        %get3A_1104 = arith.constant 1 : i32
        %get3A_1105 = arith.index_cast %get3A_1104 : i32 to index
        %get3A_1106 = arith.index_cast %add3A_1103 : i32 to index
        %get3A_1107 = arith.constant 32 : index
        %get3A_1108 = tpu.vector_load %arg8[%get3A_1105, %get3A_1106, %get3A_1107] {strides = array<i32>} : memref<2x800x64xbf16, #tpu.memory_space<vmem>>, vector<32xbf16>,
        %add3A_1109 = arith.constant 2 : i32
        %add3A_1110 = arith.addi %add3A_1044, %add3A_1109 : i32
        %add3A_1111 = arith.constant 1 : i32
        %add3A_1112 = arith.addi %add3A_1110, %add3A_1111 : i32
        %get3A_1113 = arith.constant 1 : i32
        %get3A_1114 = arith.index_cast %get3A_1113 : i32 to index
        %get3A_1115 = arith.index_cast %add3A_1112 : i32 to index
        %get3A_1116 = arith.constant 32 : index
        %get3A_1117 = tpu.vector_load %arg8[%get3A_1114, %get3A_1115, %get3A_1116] {strides = array<i32>} : memref<2x800x64xbf16, #tpu.memory_space<vmem>>, vector<32xbf16>,
        %add3A_1118 = arith.addf %get3A_1108, %get3A_1117 : vector<32xbf16>
        %unpack3A_1119 = tpu.unpack_subelements %add3A_1101, 0 {pack_format = #tpu.pack_format<interleaved>} : vector<32xbf16> -> vector<16xf32>
        %unpack3A_1120 = tpu.unpack_subelements %add3A_1101, 1 {pack_format = #tpu.pack_format<interleaved>} : vector<32xbf16> -> vector<16xf32>
        %unpack3A_1121 = tpu.unpack_subelements %add3A_1118, 0 {pack_format = #tpu.pack_format<interleaved>} : vector<32xbf16> -> vector<16xf32>
        %unpack3A_1122 = tpu.unpack_subelements %add3A_1118, 1 {pack_format = #tpu.pack_format<interleaved>} : vector<32xbf16> -> vector<16xf32>
        %add3A_1123 = arith.addf %add3A_1081, %unpack3A_1119 : vector<16xf32>
        %add3A_1124 = arith.addf %add3A_1082, %unpack3A_1120 : vector<16xf32>
        %add3A_1125 = arith.addf %add3A_1083, %unpack3A_1121 : vector<16xf32>
        %add3A_1126 = arith.addf %add3A_1084, %unpack3A_1122 : vector<16xf32>
        scf.yield %add3A_1123, %add3A_1124, %add3A_1125, %add3A_1126 : vector<16xf32>, vector<16xf32>, vector<16xf32>, vector<16xf32>
      }
      %scan3A_835 = arith.constant 25 : i32
      %swap3A_836 = arith.constant 1 : i32
      %swap3A_837 = arith.constant 2 : i32
      %swap3A_838 = arith.index_cast %swap3A_836 : i32 to index
      %swap3A_839 = arith.index_cast %swap3A_837 : i32 to index
      %swap3A_840 = arith.constant 0 : index
      %swap3A_841 = tpu.vector_load %arg9[%swap3A_838, %swap3A_839, %swap3A_840] {strides = array<i32>} : memref<2x8x64xf32, #tpu.memory_space<vmem>>, vector<16xf32>,
      tpu.vector_store %arg9[%swap3A_838, %swap3A_839, %swap3A_840], %scan3A_834#0 {strides = array<i32>} : memref<2x8x64xf32, #tpu.memory_space<vmem>>, vector<16xf32>,
      %swap3A_842 = arith.constant 1 : i32
      %swap3A_843 = arith.constant 2 : i32
      %swap3A_844 = arith.index_cast %swap3A_842 : i32 to index
      %swap3A_845 = arith.index_cast %swap3A_843 : i32 to index
      %swap3A_846 = arith.constant 16 : index
      %swap3A_847 = tpu.vector_load %arg9[%swap3A_844, %swap3A_845, %swap3A_846] {strides = array<i32>} : memref<2x8x64xf32, #tpu.memory_space<vmem>>, vector<16xf32>,
      tpu.vector_store %arg9[%swap3A_844, %swap3A_845, %swap3A_846], %scan3A_834#1 {strides = array<i32>} : memref<2x8x64xf32, #tpu.memory_space<vmem>>, vector<16xf32>,
      %swap3A_848 = arith.constant 1 : i32
      %swap3A_849 = arith.constant 2 : i32
      %swap3A_850 = arith.index_cast %swap3A_848 : i32 to index
      %swap3A_851 = arith.index_cast %swap3A_849 : i32 to index
      %swap3A_852 = arith.constant 32 : index
      %swap3A_853 = tpu.vector_load %arg9[%swap3A_850, %swap3A_851, %swap3A_852] {strides = array<i32>} : memref<2x8x64xf32, #tpu.memory_space<vmem>>, vector<16xf32>,
      tpu.vector_store %arg9[%swap3A_850, %swap3A_851, %swap3A_852], %scan3A_834#2 {strides = array<i32>} : memref<2x8x64xf32, #tpu.memory_space<vmem>>, vector<16xf32>,
      %swap3A_854 = arith.constant 1 : i32
      %swap3A_855 = arith.constant 2 : i32
      %swap3A_856 = arith.index_cast %swap3A_854 : i32 to index
      %swap3A_857 = arith.index_cast %swap3A_855 : i32 to index
      %swap3A_858 = arith.constant 48 : index
      %swap3A_859 = tpu.vector_load %arg9[%swap3A_856, %swap3A_857, %swap3A_858] {strides = array<i32>} : memref<2x8x64xf32, #tpu.memory_space<vmem>>, vector<16xf32>,
      tpu.vector_store %arg9[%swap3A_856, %swap3A_857, %swap3A_858], %scan3A_834#3 {strides = array<i32>} : memref<2x8x64xf32, #tpu.memory_space<vmem>>, vector<16xf32>,
      %broadcast_in_dim3A_860 = arith.constant 0.000000e+00 : f32
      %broadcast_in_dim3A_861 = vector.broadcast %broadcast_in_dim3A_860 : f32 to vector<16xf32>
      %scan3A_862 = arith.constant 0 : i32
      %scan3A_863 = arith.constant 25 : i32
      %scan3A_864 = arith.addi %scan3A_862, %scan3A_863 : i32
      %scan3A_865 = arith.constant 1 : i32
      %scan3A_866:4 = scf.for %scan3A_1036 = %scan3A_862 to %scan3A_864 step %scan3A_865 iter_args(%scan3A_1037 = %broadcast_in_dim3A_861, %scan3A_1038 = %broadcast_in_dim3A_861, %scan3A_1039 = %broadcast_in_dim3A_861, %scan3A_1040 = %broadcast_in_dim3A_861) -> (vector<16xf32>, vector<16xf32>, vector<16xf32>, vector<16xf32>)  : i32 {
        %mul3A_1041 = arith.constant 4 : i32
        %mul3A_1042 = arith.muli %scan3A_1036, %mul3A_1041 : i32
        %add3A_1043 = arith.constant 300 : i32
        %add3A_1044 = arith.addi %add3A_1043, %mul3A_1042 : i32
        %add3A_1045 = arith.constant 0 : i32
        %add3A_1046 = arith.addi %add3A_1044, %add3A_1045 : i32
        %get3A = arith.constant 1 : i32
        %get3A_1047 = arith.index_cast %get3A : i32 to index
        %get3A_1048 = arith.index_cast %add3A_1046 : i32 to index
        %get3A_1049 = arith.constant 0 : index
        %get3A_1050 = tpu.vector_load %arg8[%get3A_1047, %get3A_1048, %get3A_1049] {strides = array<i32>} : memref<2x800x64xbf16, #tpu.memory_space<vmem>>, vector<32xbf16>,
        %add3A_1051 = arith.constant 0 : i32
        %add3A_1052 = arith.addi %add3A_1044, %add3A_1051 : i32
        %add3A_1053 = arith.constant 1 : i32
        %add3A_1054 = arith.addi %add3A_1052, %add3A_1053 : i32
        %get3A_1055 = arith.constant 1 : i32
        %get3A_1056 = arith.index_cast %get3A_1055 : i32 to index
        %get3A_1057 = arith.index_cast %add3A_1054 : i32 to index
        %get3A_1058 = arith.constant 0 : index
        %get3A_1059 = tpu.vector_load %arg8[%get3A_1056, %get3A_1057, %get3A_1058] {strides = array<i32>} : memref<2x800x64xbf16, #tpu.memory_space<vmem>>, vector<32xbf16>,
        %add3A_1060 = arith.addf %get3A_1050, %get3A_1059 : vector<32xbf16>
        %add3A_1061 = arith.constant 0 : i32
        %add3A_1062 = arith.addi %add3A_1044, %add3A_1061 : i32
        %get3A_1063 = arith.constant 1 : i32
        %get3A_1064 = arith.index_cast %get3A_1063 : i32 to index
        %get3A_1065 = arith.index_cast %add3A_1062 : i32 to index
        %get3A_1066 = arith.constant 32 : index
        %get3A_1067 = tpu.vector_load %arg8[%get3A_1064, %get3A_1065, %get3A_1066] {strides = array<i32>} : memref<2x800x64xbf16, #tpu.memory_space<vmem>>, vector<32xbf16>,
        %add3A_1068 = arith.constant 0 : i32
        %add3A_1069 = arith.addi %add3A_1044, %add3A_1068 : i32
        %add3A_1070 = arith.constant 1 : i32
        %add3A_1071 = arith.addi %add3A_1069, %add3A_1070 : i32
        %get3A_1072 = arith.constant 1 : i32
        %get3A_1073 = arith.index_cast %get3A_1072 : i32 to index
        %get3A_1074 = arith.index_cast %add3A_1071 : i32 to index
        %get3A_1075 = arith.constant 32 : index
        %get3A_1076 = tpu.vector_load %arg8[%get3A_1073, %get3A_1074, %get3A_1075] {strides = array<i32>} : memref<2x800x64xbf16, #tpu.memory_space<vmem>>, vector<32xbf16>,
        %add3A_1077 = arith.addf %get3A_1067, %get3A_1076 : vector<32xbf16>
        %unpack3A = tpu.unpack_subelements %add3A_1060, 0 {pack_format = #tpu.pack_format<interleaved>} : vector<32xbf16> -> vector<16xf32>
        %unpack3A_1078 = tpu.unpack_subelements %add3A_1060, 1 {pack_format = #tpu.pack_format<interleaved>} : vector<32xbf16> -> vector<16xf32>
        %unpack3A_1079 = tpu.unpack_subelements %add3A_1077, 0 {pack_format = #tpu.pack_format<interleaved>} : vector<32xbf16> -> vector<16xf32>
        %unpack3A_1080 = tpu.unpack_subelements %add3A_1077, 1 {pack_format = #tpu.pack_format<interleaved>} : vector<32xbf16> -> vector<16xf32>
        %add3A_1081 = arith.addf %scan3A_1037, %unpack3A : vector<16xf32>
        %add3A_1082 = arith.addf %scan3A_1038, %unpack3A_1078 : vector<16xf32>
        %add3A_1083 = arith.addf %scan3A_1039, %unpack3A_1079 : vector<16xf32>
        %add3A_1084 = arith.addf %scan3A_1040, %unpack3A_1080 : vector<16xf32>
        %add3A_1085 = arith.constant 2 : i32
        %add3A_1086 = arith.addi %add3A_1044, %add3A_1085 : i32
        %get3A_1087 = arith.constant 1 : i32
        %get3A_1088 = arith.index_cast %get3A_1087 : i32 to index
        %get3A_1089 = arith.index_cast %add3A_1086 : i32 to index
        %get3A_1090 = arith.constant 0 : index
        %get3A_1091 = tpu.vector_load %arg8[%get3A_1088, %get3A_1089, %get3A_1090] {strides = array<i32>} : memref<2x800x64xbf16, #tpu.memory_space<vmem>>, vector<32xbf16>,
        %add3A_1092 = arith.constant 2 : i32
        %add3A_1093 = arith.addi %add3A_1044, %add3A_1092 : i32
        %add3A_1094 = arith.constant 1 : i32
        %add3A_1095 = arith.addi %add3A_1093, %add3A_1094 : i32
        %get3A_1096 = arith.constant 1 : i32
        %get3A_1097 = arith.index_cast %get3A_1096 : i32 to index
        %get3A_1098 = arith.index_cast %add3A_1095 : i32 to index
        %get3A_1099 = arith.constant 0 : index
        %get3A_1100 = tpu.vector_load %arg8[%get3A_1097, %get3A_1098, %get3A_1099] {strides = array<i32>} : memref<2x800x64xbf16, #tpu.memory_space<vmem>>, vector<32xbf16>,
        %add3A_1101 = arith.addf %get3A_1091, %get3A_1100 : vector<32xbf16>
        %add3A_1102 = arith.constant 2 : i32
        %add3A_1103 = arith.addi %add3A_1044, %add3A_1102 : i32
        %get3A_1104 = arith.constant 1 : i32
        %get3A_1105 = arith.index_cast %get3A_1104 : i32 to index
        %get3A_1106 = arith.index_cast %add3A_1103 : i32 to index
        %get3A_1107 = arith.constant 32 : index
        %get3A_1108 = tpu.vector_load %arg8[%get3A_1105, %get3A_1106, %get3A_1107] {strides = array<i32>} : memref<2x800x64xbf16, #tpu.memory_space<vmem>>, vector<32xbf16>,
        %add3A_1109 = arith.constant 2 : i32
        %add3A_1110 = arith.addi %add3A_1044, %add3A_1109 : i32
        %add3A_1111 = arith.constant 1 : i32
        %add3A_1112 = arith.addi %add3A_1110, %add3A_1111 : i32
        %get3A_1113 = arith.constant 1 : i32
        %get3A_1114 = arith.index_cast %get3A_1113 : i32 to index
        %get3A_1115 = arith.index_cast %add3A_1112 : i32 to index
        %get3A_1116 = arith.constant 32 : index
        %get3A_1117 = tpu.vector_load %arg8[%get3A_1114, %get3A_1115, %get3A_1116] {strides = array<i32>} : memref<2x800x64xbf16, #tpu.memory_space<vmem>>, vector<32xbf16>,
        %add3A_1118 = arith.addf %get3A_1108, %get3A_1117 : vector<32xbf16>
        %unpack3A_1119 = tpu.unpack_subelements %add3A_1101, 0 {pack_format = #tpu.pack_format<interleaved>} : vector<32xbf16> -> vector<16xf32>
        %unpack3A_1120 = tpu.unpack_subelements %add3A_1101, 1 {pack_format = #tpu.pack_format<interleaved>} : vector<32xbf16> -> vector<16xf32>
        %unpack3A_1121 = tpu.unpack_subelements %add3A_1118, 0 {pack_format = #tpu.pack_format<interleaved>} : vector<32xbf16> -> vector<16xf32>
        %unpack3A_1122 = tpu.unpack_subelements %add3A_1118, 1 {pack_format = #tpu.pack_format<interleaved>} : vector<32xbf16> -> vector<16xf32>
        %add3A_1123 = arith.addf %add3A_1081, %unpack3A_1119 : vector<16xf32>
        %add3A_1124 = arith.addf %add3A_1082, %unpack3A_1120 : vector<16xf32>
        %add3A_1125 = arith.addf %add3A_1083, %unpack3A_1121 : vector<16xf32>
        %add3A_1126 = arith.addf %add3A_1084, %unpack3A_1122 : vector<16xf32>
        scf.yield %add3A_1123, %add3A_1124, %add3A_1125, %add3A_1126 : vector<16xf32>, vector<16xf32>, vector<16xf32>, vector<16xf32>
      }
      %scan3A_867 = arith.constant 25 : i32
      %swap3A_868 = arith.constant 1 : i32
      %swap3A_869 = arith.constant 3 : i32
      %swap3A_870 = arith.index_cast %swap3A_868 : i32 to index
      %swap3A_871 = arith.index_cast %swap3A_869 : i32 to index
      %swap3A_872 = arith.constant 0 : index
      %swap3A_873 = tpu.vector_load %arg9[%swap3A_870, %swap3A_871, %swap3A_872] {strides = array<i32>} : memref<2x8x64xf32, #tpu.memory_space<vmem>>, vector<16xf32>,
      tpu.vector_store %arg9[%swap3A_870, %swap3A_871, %swap3A_872], %scan3A_866#0 {strides = array<i32>} : memref<2x8x64xf32, #tpu.memory_space<vmem>>, vector<16xf32>,
      %swap3A_874 = arith.constant 1 : i32
      %swap3A_875 = arith.constant 3 : i32
      %swap3A_876 = arith.index_cast %swap3A_874 : i32 to index
      %swap3A_877 = arith.index_cast %swap3A_875 : i32 to index
      %swap3A_878 = arith.constant 16 : index
      %swap3A_879 = tpu.vector_load %arg9[%swap3A_876, %swap3A_877, %swap3A_878] {strides = array<i32>} : memref<2x8x64xf32, #tpu.memory_space<vmem>>, vector<16xf32>,
      tpu.vector_store %arg9[%swap3A_876, %swap3A_877, %swap3A_878], %scan3A_866#1 {strides = array<i32>} : memref<2x8x64xf32, #tpu.memory_space<vmem>>, vector<16xf32>,
      %swap3A_880 = arith.constant 1 : i32
      %swap3A_881 = arith.constant 3 : i32
      %swap3A_882 = arith.index_cast %swap3A_880 : i32 to index
      %swap3A_883 = arith.index_cast %swap3A_881 : i32 to index
      %swap3A_884 = arith.constant 32 : index
      %swap3A_885 = tpu.vector_load %arg9[%swap3A_882, %swap3A_883, %swap3A_884] {strides = array<i32>} : memref<2x8x64xf32, #tpu.memory_space<vmem>>, vector<16xf32>,
      tpu.vector_store %arg9[%swap3A_882, %swap3A_883, %swap3A_884], %scan3A_866#2 {strides = array<i32>} : memref<2x8x64xf32, #tpu.memory_space<vmem>>, vector<16xf32>,
      %swap3A_886 = arith.constant 1 : i32
      %swap3A_887 = arith.constant 3 : i32
      %swap3A_888 = arith.index_cast %swap3A_886 : i32 to index
      %swap3A_889 = arith.index_cast %swap3A_887 : i32 to index
      %swap3A_890 = arith.constant 48 : index
      %swap3A_891 = tpu.vector_load %arg9[%swap3A_888, %swap3A_889, %swap3A_890] {strides = array<i32>} : memref<2x8x64xf32, #tpu.memory_space<vmem>>, vector<16xf32>,
      tpu.vector_store %arg9[%swap3A_888, %swap3A_889, %swap3A_890], %scan3A_866#3 {strides = array<i32>} : memref<2x8x64xf32, #tpu.memory_space<vmem>>, vector<16xf32>,
      %broadcast_in_dim3A_892 = arith.constant 0.000000e+00 : f32
      %broadcast_in_dim3A_893 = vector.broadcast %broadcast_in_dim3A_892 : f32 to vector<16xf32>
      %scan3A_894 = arith.constant 0 : i32
      %scan3A_895 = arith.constant 25 : i32
      %scan3A_896 = arith.addi %scan3A_894, %scan3A_895 : i32
      %scan3A_897 = arith.constant 1 : i32
      %scan3A_898:4 = scf.for %scan3A_1036 = %scan3A_894 to %scan3A_896 step %scan3A_897 iter_args(%scan3A_1037 = %broadcast_in_dim3A_893, %scan3A_1038 = %broadcast_in_dim3A_893, %scan3A_1039 = %broadcast_in_dim3A_893, %scan3A_1040 = %broadcast_in_dim3A_893) -> (vector<16xf32>, vector<16xf32>, vector<16xf32>, vector<16xf32>)  : i32 {
        %mul3A_1041 = arith.constant 4 : i32
        %mul3A_1042 = arith.muli %scan3A_1036, %mul3A_1041 : i32
        %add3A_1043 = arith.constant 400 : i32
        %add3A_1044 = arith.addi %add3A_1043, %mul3A_1042 : i32
        %add3A_1045 = arith.constant 0 : i32
        %add3A_1046 = arith.addi %add3A_1044, %add3A_1045 : i32
        %get3A = arith.constant 1 : i32
        %get3A_1047 = arith.index_cast %get3A : i32 to index
        %get3A_1048 = arith.index_cast %add3A_1046 : i32 to index
        %get3A_1049 = arith.constant 0 : index
        %get3A_1050 = tpu.vector_load %arg8[%get3A_1047, %get3A_1048, %get3A_1049] {strides = array<i32>} : memref<2x800x64xbf16, #tpu.memory_space<vmem>>, vector<32xbf16>,
        %add3A_1051 = arith.constant 0 : i32
        %add3A_1052 = arith.addi %add3A_1044, %add3A_1051 : i32
        %add3A_1053 = arith.constant 1 : i32
        %add3A_1054 = arith.addi %add3A_1052, %add3A_1053 : i32
        %get3A_1055 = arith.constant 1 : i32
        %get3A_1056 = arith.index_cast %get3A_1055 : i32 to index
        %get3A_1057 = arith.index_cast %add3A_1054 : i32 to index
        %get3A_1058 = arith.constant 0 : index
        %get3A_1059 = tpu.vector_load %arg8[%get3A_1056, %get3A_1057, %get3A_1058] {strides = array<i32>} : memref<2x800x64xbf16, #tpu.memory_space<vmem>>, vector<32xbf16>,
        %add3A_1060 = arith.addf %get3A_1050, %get3A_1059 : vector<32xbf16>
        %add3A_1061 = arith.constant 0 : i32
        %add3A_1062 = arith.addi %add3A_1044, %add3A_1061 : i32
        %get3A_1063 = arith.constant 1 : i32
        %get3A_1064 = arith.index_cast %get3A_1063 : i32 to index
        %get3A_1065 = arith.index_cast %add3A_1062 : i32 to index
        %get3A_1066 = arith.constant 32 : index
        %get3A_1067 = tpu.vector_load %arg8[%get3A_1064, %get3A_1065, %get3A_1066] {strides = array<i32>} : memref<2x800x64xbf16, #tpu.memory_space<vmem>>, vector<32xbf16>,
        %add3A_1068 = arith.constant 0 : i32
        %add3A_1069 = arith.addi %add3A_1044, %add3A_1068 : i32
        %add3A_1070 = arith.constant 1 : i32
        %add3A_1071 = arith.addi %add3A_1069, %add3A_1070 : i32
        %get3A_1072 = arith.constant 1 : i32
        %get3A_1073 = arith.index_cast %get3A_1072 : i32 to index
        %get3A_1074 = arith.index_cast %add3A_1071 : i32 to index
        %get3A_1075 = arith.constant 32 : index
        %get3A_1076 = tpu.vector_load %arg8[%get3A_1073, %get3A_1074, %get3A_1075] {strides = array<i32>} : memref<2x800x64xbf16, #tpu.memory_space<vmem>>, vector<32xbf16>,
        %add3A_1077 = arith.addf %get3A_1067, %get3A_1076 : vector<32xbf16>
        %unpack3A = tpu.unpack_subelements %add3A_1060, 0 {pack_format = #tpu.pack_format<interleaved>} : vector<32xbf16> -> vector<16xf32>
        %unpack3A_1078 = tpu.unpack_subelements %add3A_1060, 1 {pack_format = #tpu.pack_format<interleaved>} : vector<32xbf16> -> vector<16xf32>
        %unpack3A_1079 = tpu.unpack_subelements %add3A_1077, 0 {pack_format = #tpu.pack_format<interleaved>} : vector<32xbf16> -> vector<16xf32>
        %unpack3A_1080 = tpu.unpack_subelements %add3A_1077, 1 {pack_format = #tpu.pack_format<interleaved>} : vector<32xbf16> -> vector<16xf32>
        %add3A_1081 = arith.addf %scan3A_1037, %unpack3A : vector<16xf32>
        %add3A_1082 = arith.addf %scan3A_1038, %unpack3A_1078 : vector<16xf32>
        %add3A_1083 = arith.addf %scan3A_1039, %unpack3A_1079 : vector<16xf32>
        %add3A_1084 = arith.addf %scan3A_1040, %unpack3A_1080 : vector<16xf32>
        %add3A_1085 = arith.constant 2 : i32
        %add3A_1086 = arith.addi %add3A_1044, %add3A_1085 : i32
        %get3A_1087 = arith.constant 1 : i32
        %get3A_1088 = arith.index_cast %get3A_1087 : i32 to index
        %get3A_1089 = arith.index_cast %add3A_1086 : i32 to index
        %get3A_1090 = arith.constant 0 : index
        %get3A_1091 = tpu.vector_load %arg8[%get3A_1088, %get3A_1089, %get3A_1090] {strides = array<i32>} : memref<2x800x64xbf16, #tpu.memory_space<vmem>>, vector<32xbf16>,
        %add3A_1092 = arith.constant 2 : i32
        %add3A_1093 = arith.addi %add3A_1044, %add3A_1092 : i32
        %add3A_1094 = arith.constant 1 : i32
        %add3A_1095 = arith.addi %add3A_1093, %add3A_1094 : i32
        %get3A_1096 = arith.constant 1 : i32
        %get3A_1097 = arith.index_cast %get3A_1096 : i32 to index
        %get3A_1098 = arith.index_cast %add3A_1095 : i32 to index
        %get3A_1099 = arith.constant 0 : index
        %get3A_1100 = tpu.vector_load %arg8[%get3A_1097, %get3A_1098, %get3A_1099] {strides = array<i32>} : memref<2x800x64xbf16, #tpu.memory_space<vmem>>, vector<32xbf16>,
        %add3A_1101 = arith.addf %get3A_1091, %get3A_1100 : vector<32xbf16>
        %add3A_1102 = arith.constant 2 : i32
        %add3A_1103 = arith.addi %add3A_1044, %add3A_1102 : i32
        %get3A_1104 = arith.constant 1 : i32
        %get3A_1105 = arith.index_cast %get3A_1104 : i32 to index
        %get3A_1106 = arith.index_cast %add3A_1103 : i32 to index
        %get3A_1107 = arith.constant 32 : index
        %get3A_1108 = tpu.vector_load %arg8[%get3A_1105, %get3A_1106, %get3A_1107] {strides = array<i32>} : memref<2x800x64xbf16, #tpu.memory_space<vmem>>, vector<32xbf16>,
        %add3A_1109 = arith.constant 2 : i32
        %add3A_1110 = arith.addi %add3A_1044, %add3A_1109 : i32
        %add3A_1111 = arith.constant 1 : i32
        %add3A_1112 = arith.addi %add3A_1110, %add3A_1111 : i32
        %get3A_1113 = arith.constant 1 : i32
        %get3A_1114 = arith.index_cast %get3A_1113 : i32 to index
        %get3A_1115 = arith.index_cast %add3A_1112 : i32 to index
        %get3A_1116 = arith.constant 32 : index
        %get3A_1117 = tpu.vector_load %arg8[%get3A_1114, %get3A_1115, %get3A_1116] {strides = array<i32>} : memref<2x800x64xbf16, #tpu.memory_space<vmem>>, vector<32xbf16>,
        %add3A_1118 = arith.addf %get3A_1108, %get3A_1117 : vector<32xbf16>
        %unpack3A_1119 = tpu.unpack_subelements %add3A_1101, 0 {pack_format = #tpu.pack_format<interleaved>} : vector<32xbf16> -> vector<16xf32>
        %unpack3A_1120 = tpu.unpack_subelements %add3A_1101, 1 {pack_format = #tpu.pack_format<interleaved>} : vector<32xbf16> -> vector<16xf32>
        %unpack3A_1121 = tpu.unpack_subelements %add3A_1118, 0 {pack_format = #tpu.pack_format<interleaved>} : vector<32xbf16> -> vector<16xf32>
        %unpack3A_1122 = tpu.unpack_subelements %add3A_1118, 1 {pack_format = #tpu.pack_format<interleaved>} : vector<32xbf16> -> vector<16xf32>
        %add3A_1123 = arith.addf %add3A_1081, %unpack3A_1119 : vector<16xf32>
        %add3A_1124 = arith.addf %add3A_1082, %unpack3A_1120 : vector<16xf32>
        %add3A_1125 = arith.addf %add3A_1083, %unpack3A_1121 : vector<16xf32>
        %add3A_1126 = arith.addf %add3A_1084, %unpack3A_1122 : vector<16xf32>
        scf.yield %add3A_1123, %add3A_1124, %add3A_1125, %add3A_1126 : vector<16xf32>, vector<16xf32>, vector<16xf32>, vector<16xf32>
      }
      %scan3A_899 = arith.constant 25 : i32
      %swap3A_900 = arith.constant 1 : i32
      %swap3A_901 = arith.constant 4 : i32
      %swap3A_902 = arith.index_cast %swap3A_900 : i32 to index
      %swap3A_903 = arith.index_cast %swap3A_901 : i32 to index
      %swap3A_904 = arith.constant 0 : index
      %swap3A_905 = tpu.vector_load %arg9[%swap3A_902, %swap3A_903, %swap3A_904] {strides = array<i32>} : memref<2x8x64xf32, #tpu.memory_space<vmem>>, vector<16xf32>,
      tpu.vector_store %arg9[%swap3A_902, %swap3A_903, %swap3A_904], %scan3A_898#0 {strides = array<i32>} : memref<2x8x64xf32, #tpu.memory_space<vmem>>, vector<16xf32>,
      %swap3A_906 = arith.constant 1 : i32
      %swap3A_907 = arith.constant 4 : i32
      %swap3A_908 = arith.index_cast %swap3A_906 : i32 to index
      %swap3A_909 = arith.index_cast %swap3A_907 : i32 to index
      %swap3A_910 = arith.constant 16 : index
      %swap3A_911 = tpu.vector_load %arg9[%swap3A_908, %swap3A_909, %swap3A_910] {strides = array<i32>} : memref<2x8x64xf32, #tpu.memory_space<vmem>>, vector<16xf32>,
      tpu.vector_store %arg9[%swap3A_908, %swap3A_909, %swap3A_910], %scan3A_898#1 {strides = array<i32>} : memref<2x8x64xf32, #tpu.memory_space<vmem>>, vector<16xf32>,
      %swap3A_912 = arith.constant 1 : i32
      %swap3A_913 = arith.constant 4 : i32
      %swap3A_914 = arith.index_cast %swap3A_912 : i32 to index
      %swap3A_915 = arith.index_cast %swap3A_913 : i32 to index
      %swap3A_916 = arith.constant 32 : index
      %swap3A_917 = tpu.vector_load %arg9[%swap3A_914, %swap3A_915, %swap3A_916] {strides = array<i32>} : memref<2x8x64xf32, #tpu.memory_space<vmem>>, vector<16xf32>,
      tpu.vector_store %arg9[%swap3A_914, %swap3A_915, %swap3A_916], %scan3A_898#2 {strides = array<i32>} : memref<2x8x64xf32, #tpu.memory_space<vmem>>, vector<16xf32>,
      %swap3A_918 = arith.constant 1 : i32
      %swap3A_919 = arith.constant 4 : i32
      %swap3A_920 = arith.index_cast %swap3A_918 : i32 to index
      %swap3A_921 = arith.index_cast %swap3A_919 : i32 to index
      %swap3A_922 = arith.constant 48 : index
      %swap3A_923 = tpu.vector_load %arg9[%swap3A_920, %swap3A_921, %swap3A_922] {strides = array<i32>} : memref<2x8x64xf32, #tpu.memory_space<vmem>>, vector<16xf32>,
      tpu.vector_store %arg9[%swap3A_920, %swap3A_921, %swap3A_922], %scan3A_898#3 {strides = array<i32>} : memref<2x8x64xf32, #tpu.memory_space<vmem>>, vector<16xf32>,
      %broadcast_in_dim3A_924 = arith.constant 0.000000e+00 : f32
      %broadcast_in_dim3A_925 = vector.broadcast %broadcast_in_dim3A_924 : f32 to vector<16xf32>
      %scan3A_926 = arith.constant 0 : i32
      %scan3A_927 = arith.constant 25 : i32
      %scan3A_928 = arith.addi %scan3A_926, %scan3A_927 : i32
      %scan3A_929 = arith.constant 1 : i32
      %scan3A_930:4 = scf.for %scan3A_1036 = %scan3A_926 to %scan3A_928 step %scan3A_929 iter_args(%scan3A_1037 = %broadcast_in_dim3A_925, %scan3A_1038 = %broadcast_in_dim3A_925, %scan3A_1039 = %broadcast_in_dim3A_925, %scan3A_1040 = %broadcast_in_dim3A_925) -> (vector<16xf32>, vector<16xf32>, vector<16xf32>, vector<16xf32>)  : i32 {
        %mul3A_1041 = arith.constant 4 : i32
        %mul3A_1042 = arith.muli %scan3A_1036, %mul3A_1041 : i32
        %add3A_1043 = arith.constant 500 : i32
        %add3A_1044 = arith.addi %add3A_1043, %mul3A_1042 : i32
        %add3A_1045 = arith.constant 0 : i32
        %add3A_1046 = arith.addi %add3A_1044, %add3A_1045 : i32
        %get3A = arith.constant 1 : i32
        %get3A_1047 = arith.index_cast %get3A : i32 to index
        %get3A_1048 = arith.index_cast %add3A_1046 : i32 to index
        %get3A_1049 = arith.constant 0 : index
        %get3A_1050 = tpu.vector_load %arg8[%get3A_1047, %get3A_1048, %get3A_1049] {strides = array<i32>} : memref<2x800x64xbf16, #tpu.memory_space<vmem>>, vector<32xbf16>,
        %add3A_1051 = arith.constant 0 : i32
        %add3A_1052 = arith.addi %add3A_1044, %add3A_1051 : i32
        %add3A_1053 = arith.constant 1 : i32
        %add3A_1054 = arith.addi %add3A_1052, %add3A_1053 : i32
        %get3A_1055 = arith.constant 1 : i32
        %get3A_1056 = arith.index_cast %get3A_1055 : i32 to index
        %get3A_1057 = arith.index_cast %add3A_1054 : i32 to index
        %get3A_1058 = arith.constant 0 : index
        %get3A_1059 = tpu.vector_load %arg8[%get3A_1056, %get3A_1057, %get3A_1058] {strides = array<i32>} : memref<2x800x64xbf16, #tpu.memory_space<vmem>>, vector<32xbf16>,
        %add3A_1060 = arith.addf %get3A_1050, %get3A_1059 : vector<32xbf16>
        %add3A_1061 = arith.constant 0 : i32
        %add3A_1062 = arith.addi %add3A_1044, %add3A_1061 : i32
        %get3A_1063 = arith.constant 1 : i32
        %get3A_1064 = arith.index_cast %get3A_1063 : i32 to index
        %get3A_1065 = arith.index_cast %add3A_1062 : i32 to index
        %get3A_1066 = arith.constant 32 : index
        %get3A_1067 = tpu.vector_load %arg8[%get3A_1064, %get3A_1065, %get3A_1066] {strides = array<i32>} : memref<2x800x64xbf16, #tpu.memory_space<vmem>>, vector<32xbf16>,
        %add3A_1068 = arith.constant 0 : i32
        %add3A_1069 = arith.addi %add3A_1044, %add3A_1068 : i32
        %add3A_1070 = arith.constant 1 : i32
        %add3A_1071 = arith.addi %add3A_1069, %add3A_1070 : i32
        %get3A_1072 = arith.constant 1 : i32
        %get3A_1073 = arith.index_cast %get3A_1072 : i32 to index
        %get3A_1074 = arith.index_cast %add3A_1071 : i32 to index
        %get3A_1075 = arith.constant 32 : index
        %get3A_1076 = tpu.vector_load %arg8[%get3A_1073, %get3A_1074, %get3A_1075] {strides = array<i32>} : memref<2x800x64xbf16, #tpu.memory_space<vmem>>, vector<32xbf16>,
        %add3A_1077 = arith.addf %get3A_1067, %get3A_1076 : vector<32xbf16>
        %unpack3A = tpu.unpack_subelements %add3A_1060, 0 {pack_format = #tpu.pack_format<interleaved>} : vector<32xbf16> -> vector<16xf32>
        %unpack3A_1078 = tpu.unpack_subelements %add3A_1060, 1 {pack_format = #tpu.pack_format<interleaved>} : vector<32xbf16> -> vector<16xf32>
        %unpack3A_1079 = tpu.unpack_subelements %add3A_1077, 0 {pack_format = #tpu.pack_format<interleaved>} : vector<32xbf16> -> vector<16xf32>
        %unpack3A_1080 = tpu.unpack_subelements %add3A_1077, 1 {pack_format = #tpu.pack_format<interleaved>} : vector<32xbf16> -> vector<16xf32>
        %add3A_1081 = arith.addf %scan3A_1037, %unpack3A : vector<16xf32>
        %add3A_1082 = arith.addf %scan3A_1038, %unpack3A_1078 : vector<16xf32>
        %add3A_1083 = arith.addf %scan3A_1039, %unpack3A_1079 : vector<16xf32>
        %add3A_1084 = arith.addf %scan3A_1040, %unpack3A_1080 : vector<16xf32>
        %add3A_1085 = arith.constant 2 : i32
        %add3A_1086 = arith.addi %add3A_1044, %add3A_1085 : i32
        %get3A_1087 = arith.constant 1 : i32
        %get3A_1088 = arith.index_cast %get3A_1087 : i32 to index
        %get3A_1089 = arith.index_cast %add3A_1086 : i32 to index
        %get3A_1090 = arith.constant 0 : index
        %get3A_1091 = tpu.vector_load %arg8[%get3A_1088, %get3A_1089, %get3A_1090] {strides = array<i32>} : memref<2x800x64xbf16, #tpu.memory_space<vmem>>, vector<32xbf16>,
        %add3A_1092 = arith.constant 2 : i32
        %add3A_1093 = arith.addi %add3A_1044, %add3A_1092 : i32
        %add3A_1094 = arith.constant 1 : i32
        %add3A_1095 = arith.addi %add3A_1093, %add3A_1094 : i32
        %get3A_1096 = arith.constant 1 : i32
        %get3A_1097 = arith.index_cast %get3A_1096 : i32 to index
        %get3A_1098 = arith.index_cast %add3A_1095 : i32 to index
        %get3A_1099 = arith.constant 0 : index
        %get3A_1100 = tpu.vector_load %arg8[%get3A_1097, %get3A_1098, %get3A_1099] {strides = array<i32>} : memref<2x800x64xbf16, #tpu.memory_space<vmem>>, vector<32xbf16>,
        %add3A_1101 = arith.addf %get3A_1091, %get3A_1100 : vector<32xbf16>
        %add3A_1102 = arith.constant 2 : i32
        %add3A_1103 = arith.addi %add3A_1044, %add3A_1102 : i32
        %get3A_1104 = arith.constant 1 : i32
        %get3A_1105 = arith.index_cast %get3A_1104 : i32 to index
        %get3A_1106 = arith.index_cast %add3A_1103 : i32 to index
        %get3A_1107 = arith.constant 32 : index
        %get3A_1108 = tpu.vector_load %arg8[%get3A_1105, %get3A_1106, %get3A_1107] {strides = array<i32>} : memref<2x800x64xbf16, #tpu.memory_space<vmem>>, vector<32xbf16>,
        %add3A_1109 = arith.constant 2 : i32
        %add3A_1110 = arith.addi %add3A_1044, %add3A_1109 : i32
        %add3A_1111 = arith.constant 1 : i32
        %add3A_1112 = arith.addi %add3A_1110, %add3A_1111 : i32
        %get3A_1113 = arith.constant 1 : i32
        %get3A_1114 = arith.index_cast %get3A_1113 : i32 to index
        %get3A_1115 = arith.index_cast %add3A_1112 : i32 to index
        %get3A_1116 = arith.constant 32 : index
        %get3A_1117 = tpu.vector_load %arg8[%get3A_1114, %get3A_1115, %get3A_1116] {strides = array<i32>} : memref<2x800x64xbf16, #tpu.memory_space<vmem>>, vector<32xbf16>,
        %add3A_1118 = arith.addf %get3A_1108, %get3A_1117 : vector<32xbf16>
        %unpack3A_1119 = tpu.unpack_subelements %add3A_1101, 0 {pack_format = #tpu.pack_format<interleaved>} : vector<32xbf16> -> vector<16xf32>
        %unpack3A_1120 = tpu.unpack_subelements %add3A_1101, 1 {pack_format = #tpu.pack_format<interleaved>} : vector<32xbf16> -> vector<16xf32>
        %unpack3A_1121 = tpu.unpack_subelements %add3A_1118, 0 {pack_format = #tpu.pack_format<interleaved>} : vector<32xbf16> -> vector<16xf32>
        %unpack3A_1122 = tpu.unpack_subelements %add3A_1118, 1 {pack_format = #tpu.pack_format<interleaved>} : vector<32xbf16> -> vector<16xf32>
        %add3A_1123 = arith.addf %add3A_1081, %unpack3A_1119 : vector<16xf32>
        %add3A_1124 = arith.addf %add3A_1082, %unpack3A_1120 : vector<16xf32>
        %add3A_1125 = arith.addf %add3A_1083, %unpack3A_1121 : vector<16xf32>
        %add3A_1126 = arith.addf %add3A_1084, %unpack3A_1122 : vector<16xf32>
        scf.yield %add3A_1123, %add3A_1124, %add3A_1125, %add3A_1126 : vector<16xf32>, vector<16xf32>, vector<16xf32>, vector<16xf32>
      }
      %scan3A_931 = arith.constant 25 : i32
      %swap3A_932 = arith.constant 1 : i32
      %swap3A_933 = arith.constant 5 : i32
      %swap3A_934 = arith.index_cast %swap3A_932 : i32 to index
      %swap3A_935 = arith.index_cast %swap3A_933 : i32 to index
      %swap3A_936 = arith.constant 0 : index
      %swap3A_937 = tpu.vector_load %arg9[%swap3A_934, %swap3A_935, %swap3A_936] {strides = array<i32>} : memref<2x8x64xf32, #tpu.memory_space<vmem>>, vector<16xf32>,
      tpu.vector_store %arg9[%swap3A_934, %swap3A_935, %swap3A_936], %scan3A_930#0 {strides = array<i32>} : memref<2x8x64xf32, #tpu.memory_space<vmem>>, vector<16xf32>,
      %swap3A_938 = arith.constant 1 : i32
      %swap3A_939 = arith.constant 5 : i32
      %swap3A_940 = arith.index_cast %swap3A_938 : i32 to index
      %swap3A_941 = arith.index_cast %swap3A_939 : i32 to index
      %swap3A_942 = arith.constant 16 : index
      %swap3A_943 = tpu.vector_load %arg9[%swap3A_940, %swap3A_941, %swap3A_942] {strides = array<i32>} : memref<2x8x64xf32, #tpu.memory_space<vmem>>, vector<16xf32>,
      tpu.vector_store %arg9[%swap3A_940, %swap3A_941, %swap3A_942], %scan3A_930#1 {strides = array<i32>} : memref<2x8x64xf32, #tpu.memory_space<vmem>>, vector<16xf32>,
      %swap3A_944 = arith.constant 1 : i32
      %swap3A_945 = arith.constant 5 : i32
      %swap3A_946 = arith.index_cast %swap3A_944 : i32 to index
      %swap3A_947 = arith.index_cast %swap3A_945 : i32 to index
      %swap3A_948 = arith.constant 32 : index
      %swap3A_949 = tpu.vector_load %arg9[%swap3A_946, %swap3A_947, %swap3A_948] {strides = array<i32>} : memref<2x8x64xf32, #tpu.memory_space<vmem>>, vector<16xf32>,
      tpu.vector_store %arg9[%swap3A_946, %swap3A_947, %swap3A_948], %scan3A_930#2 {strides = array<i32>} : memref<2x8x64xf32, #tpu.memory_space<vmem>>, vector<16xf32>,
      %swap3A_950 = arith.constant 1 : i32
      %swap3A_951 = arith.constant 5 : i32
      %swap3A_952 = arith.index_cast %swap3A_950 : i32 to index
      %swap3A_953 = arith.index_cast %swap3A_951 : i32 to index
      %swap3A_954 = arith.constant 48 : index
      %swap3A_955 = tpu.vector_load %arg9[%swap3A_952, %swap3A_953, %swap3A_954] {strides = array<i32>} : memref<2x8x64xf32, #tpu.memory_space<vmem>>, vector<16xf32>,
      tpu.vector_store %arg9[%swap3A_952, %swap3A_953, %swap3A_954], %scan3A_930#3 {strides = array<i32>} : memref<2x8x64xf32, #tpu.memory_space<vmem>>, vector<16xf32>,
      %broadcast_in_dim3A_956 = arith.constant 0.000000e+00 : f32
      %broadcast_in_dim3A_957 = vector.broadcast %broadcast_in_dim3A_956 : f32 to vector<16xf32>
      %scan3A_958 = arith.constant 0 : i32
      %scan3A_959 = arith.constant 25 : i32
      %scan3A_960 = arith.addi %scan3A_958, %scan3A_959 : i32
      %scan3A_961 = arith.constant 1 : i32
      %scan3A_962:4 = scf.for %scan3A_1036 = %scan3A_958 to %scan3A_960 step %scan3A_961 iter_args(%scan3A_1037 = %broadcast_in_dim3A_957, %scan3A_1038 = %broadcast_in_dim3A_957, %scan3A_1039 = %broadcast_in_dim3A_957, %scan3A_1040 = %broadcast_in_dim3A_957) -> (vector<16xf32>, vector<16xf32>, vector<16xf32>, vector<16xf32>)  : i32 {
        %mul3A_1041 = arith.constant 4 : i32
        %mul3A_1042 = arith.muli %scan3A_1036, %mul3A_1041 : i32
        %add3A_1043 = arith.constant 600 : i32
        %add3A_1044 = arith.addi %add3A_1043, %mul3A_1042 : i32
        %add3A_1045 = arith.constant 0 : i32
        %add3A_1046 = arith.addi %add3A_1044, %add3A_1045 : i32
        %get3A = arith.constant 1 : i32
        %get3A_1047 = arith.index_cast %get3A : i32 to index
        %get3A_1048 = arith.index_cast %add3A_1046 : i32 to index
        %get3A_1049 = arith.constant 0 : index
        %get3A_1050 = tpu.vector_load %arg8[%get3A_1047, %get3A_1048, %get3A_1049] {strides = array<i32>} : memref<2x800x64xbf16, #tpu.memory_space<vmem>>, vector<32xbf16>,
        %add3A_1051 = arith.constant 0 : i32
        %add3A_1052 = arith.addi %add3A_1044, %add3A_1051 : i32
        %add3A_1053 = arith.constant 1 : i32
        %add3A_1054 = arith.addi %add3A_1052, %add3A_1053 : i32
        %get3A_1055 = arith.constant 1 : i32
        %get3A_1056 = arith.index_cast %get3A_1055 : i32 to index
        %get3A_1057 = arith.index_cast %add3A_1054 : i32 to index
        %get3A_1058 = arith.constant 0 : index
        %get3A_1059 = tpu.vector_load %arg8[%get3A_1056, %get3A_1057, %get3A_1058] {strides = array<i32>} : memref<2x800x64xbf16, #tpu.memory_space<vmem>>, vector<32xbf16>,
        %add3A_1060 = arith.addf %get3A_1050, %get3A_1059 : vector<32xbf16>
        %add3A_1061 = arith.constant 0 : i32
        %add3A_1062 = arith.addi %add3A_1044, %add3A_1061 : i32
        %get3A_1063 = arith.constant 1 : i32
        %get3A_1064 = arith.index_cast %get3A_1063 : i32 to index
        %get3A_1065 = arith.index_cast %add3A_1062 : i32 to index
        %get3A_1066 = arith.constant 32 : index
        %get3A_1067 = tpu.vector_load %arg8[%get3A_1064, %get3A_1065, %get3A_1066] {strides = array<i32>} : memref<2x800x64xbf16, #tpu.memory_space<vmem>>, vector<32xbf16>,
        %add3A_1068 = arith.constant 0 : i32
        %add3A_1069 = arith.addi %add3A_1044, %add3A_1068 : i32
        %add3A_1070 = arith.constant 1 : i32
        %add3A_1071 = arith.addi %add3A_1069, %add3A_1070 : i32
        %get3A_1072 = arith.constant 1 : i32
        %get3A_1073 = arith.index_cast %get3A_1072 : i32 to index
        %get3A_1074 = arith.index_cast %add3A_1071 : i32 to index
        %get3A_1075 = arith.constant 32 : index
        %get3A_1076 = tpu.vector_load %arg8[%get3A_1073, %get3A_1074, %get3A_1075] {strides = array<i32>} : memref<2x800x64xbf16, #tpu.memory_space<vmem>>, vector<32xbf16>,
        %add3A_1077 = arith.addf %get3A_1067, %get3A_1076 : vector<32xbf16>
        %unpack3A = tpu.unpack_subelements %add3A_1060, 0 {pack_format = #tpu.pack_format<interleaved>} : vector<32xbf16> -> vector<16xf32>
        %unpack3A_1078 = tpu.unpack_subelements %add3A_1060, 1 {pack_format = #tpu.pack_format<interleaved>} : vector<32xbf16> -> vector<16xf32>
        %unpack3A_1079 = tpu.unpack_subelements %add3A_1077, 0 {pack_format = #tpu.pack_format<interleaved>} : vector<32xbf16> -> vector<16xf32>
        %unpack3A_1080 = tpu.unpack_subelements %add3A_1077, 1 {pack_format = #tpu.pack_format<interleaved>} : vector<32xbf16> -> vector<16xf32>
        %add3A_1081 = arith.addf %scan3A_1037, %unpack3A : vector<16xf32>
        %add3A_1082 = arith.addf %scan3A_1038, %unpack3A_1078 : vector<16xf32>
        %add3A_1083 = arith.addf %scan3A_1039, %unpack3A_1079 : vector<16xf32>
        %add3A_1084 = arith.addf %scan3A_1040, %unpack3A_1080 : vector<16xf32>
        %add3A_1085 = arith.constant 2 : i32
        %add3A_1086 = arith.addi %add3A_1044, %add3A_1085 : i32
        %get3A_1087 = arith.constant 1 : i32
        %get3A_1088 = arith.index_cast %get3A_1087 : i32 to index
        %get3A_1089 = arith.index_cast %add3A_1086 : i32 to index
        %get3A_1090 = arith.constant 0 : index
        %get3A_1091 = tpu.vector_load %arg8[%get3A_1088, %get3A_1089, %get3A_1090] {strides = array<i32>} : memref<2x800x64xbf16, #tpu.memory_space<vmem>>, vector<32xbf16>,
        %add3A_1092 = arith.constant 2 : i32
        %add3A_1093 = arith.addi %add3A_1044, %add3A_1092 : i32
        %add3A_1094 = arith.constant 1 : i32
        %add3A_1095 = arith.addi %add3A_1093, %add3A_1094 : i32
        %get3A_1096 = arith.constant 1 : i32
        %get3A_1097 = arith.index_cast %get3A_1096 : i32 to index
        %get3A_1098 = arith.index_cast %add3A_1095 : i32 to index
        %get3A_1099 = arith.constant 0 : index
        %get3A_1100 = tpu.vector_load %arg8[%get3A_1097, %get3A_1098, %get3A_1099] {strides = array<i32>} : memref<2x800x64xbf16, #tpu.memory_space<vmem>>, vector<32xbf16>,
        %add3A_1101 = arith.addf %get3A_1091, %get3A_1100 : vector<32xbf16>
        %add3A_1102 = arith.constant 2 : i32
        %add3A_1103 = arith.addi %add3A_1044, %add3A_1102 : i32
        %get3A_1104 = arith.constant 1 : i32
        %get3A_1105 = arith.index_cast %get3A_1104 : i32 to index
        %get3A_1106 = arith.index_cast %add3A_1103 : i32 to index
        %get3A_1107 = arith.constant 32 : index
        %get3A_1108 = tpu.vector_load %arg8[%get3A_1105, %get3A_1106, %get3A_1107] {strides = array<i32>} : memref<2x800x64xbf16, #tpu.memory_space<vmem>>, vector<32xbf16>,
        %add3A_1109 = arith.constant 2 : i32
        %add3A_1110 = arith.addi %add3A_1044, %add3A_1109 : i32
        %add3A_1111 = arith.constant 1 : i32
        %add3A_1112 = arith.addi %add3A_1110, %add3A_1111 : i32
        %get3A_1113 = arith.constant 1 : i32
        %get3A_1114 = arith.index_cast %get3A_1113 : i32 to index
        %get3A_1115 = arith.index_cast %add3A_1112 : i32 to index
        %get3A_1116 = arith.constant 32 : index
        %get3A_1117 = tpu.vector_load %arg8[%get3A_1114, %get3A_1115, %get3A_1116] {strides = array<i32>} : memref<2x800x64xbf16, #tpu.memory_space<vmem>>, vector<32xbf16>,
        %add3A_1118 = arith.addf %get3A_1108, %get3A_1117 : vector<32xbf16>
        %unpack3A_1119 = tpu.unpack_subelements %add3A_1101, 0 {pack_format = #tpu.pack_format<interleaved>} : vector<32xbf16> -> vector<16xf32>
        %unpack3A_1120 = tpu.unpack_subelements %add3A_1101, 1 {pack_format = #tpu.pack_format<interleaved>} : vector<32xbf16> -> vector<16xf32>
        %unpack3A_1121 = tpu.unpack_subelements %add3A_1118, 0 {pack_format = #tpu.pack_format<interleaved>} : vector<32xbf16> -> vector<16xf32>
        %unpack3A_1122 = tpu.unpack_subelements %add3A_1118, 1 {pack_format = #tpu.pack_format<interleaved>} : vector<32xbf16> -> vector<16xf32>
        %add3A_1123 = arith.addf %add3A_1081, %unpack3A_1119 : vector<16xf32>
        %add3A_1124 = arith.addf %add3A_1082, %unpack3A_1120 : vector<16xf32>
        %add3A_1125 = arith.addf %add3A_1083, %unpack3A_1121 : vector<16xf32>
        %add3A_1126 = arith.addf %add3A_1084, %unpack3A_1122 : vector<16xf32>
        scf.yield %add3A_1123, %add3A_1124, %add3A_1125, %add3A_1126 : vector<16xf32>, vector<16xf32>, vector<16xf32>, vector<16xf32>
      }
      %scan3A_963 = arith.constant 25 : i32
      %swap3A_964 = arith.constant 1 : i32
      %swap3A_965 = arith.constant 6 : i32
      %swap3A_966 = arith.index_cast %swap3A_964 : i32 to index
      %swap3A_967 = arith.index_cast %swap3A_965 : i32 to index
      %swap3A_968 = arith.constant 0 : index
      %swap3A_969 = tpu.vector_load %arg9[%swap3A_966, %swap3A_967, %swap3A_968] {strides = array<i32>} : memref<2x8x64xf32, #tpu.memory_space<vmem>>, vector<16xf32>,
      tpu.vector_store %arg9[%swap3A_966, %swap3A_967, %swap3A_968], %scan3A_962#0 {strides = array<i32>} : memref<2x8x64xf32, #tpu.memory_space<vmem>>, vector<16xf32>,
      %swap3A_970 = arith.constant 1 : i32
      %swap3A_971 = arith.constant 6 : i32
      %swap3A_972 = arith.index_cast %swap3A_970 : i32 to index
      %swap3A_973 = arith.index_cast %swap3A_971 : i32 to index
      %swap3A_974 = arith.constant 16 : index
      %swap3A_975 = tpu.vector_load %arg9[%swap3A_972, %swap3A_973, %swap3A_974] {strides = array<i32>} : memref<2x8x64xf32, #tpu.memory_space<vmem>>, vector<16xf32>,
      tpu.vector_store %arg9[%swap3A_972, %swap3A_973, %swap3A_974], %scan3A_962#1 {strides = array<i32>} : memref<2x8x64xf32, #tpu.memory_space<vmem>>, vector<16xf32>,
      %swap3A_976 = arith.constant 1 : i32
      %swap3A_977 = arith.constant 6 : i32
      %swap3A_978 = arith.index_cast %swap3A_976 : i32 to index
      %swap3A_979 = arith.index_cast %swap3A_977 : i32 to index
      %swap3A_980 = arith.constant 32 : index
      %swap3A_981 = tpu.vector_load %arg9[%swap3A_978, %swap3A_979, %swap3A_980] {strides = array<i32>} : memref<2x8x64xf32, #tpu.memory_space<vmem>>, vector<16xf32>,
      tpu.vector_store %arg9[%swap3A_978, %swap3A_979, %swap3A_980], %scan3A_962#2 {strides = array<i32>} : memref<2x8x64xf32, #tpu.memory_space<vmem>>, vector<16xf32>,
      %swap3A_982 = arith.constant 1 : i32
      %swap3A_983 = arith.constant 6 : i32
      %swap3A_984 = arith.index_cast %swap3A_982 : i32 to index
      %swap3A_985 = arith.index_cast %swap3A_983 : i32 to index
      %swap3A_986 = arith.constant 48 : index
      %swap3A_987 = tpu.vector_load %arg9[%swap3A_984, %swap3A_985, %swap3A_986] {strides = array<i32>} : memref<2x8x64xf32, #tpu.memory_space<vmem>>, vector<16xf32>,
      tpu.vector_store %arg9[%swap3A_984, %swap3A_985, %swap3A_986], %scan3A_962#3 {strides = array<i32>} : memref<2x8x64xf32, #tpu.memory_space<vmem>>, vector<16xf32>,
      %broadcast_in_dim3A_988 = arith.constant 0.000000e+00 : f32
      %broadcast_in_dim3A_989 = vector.broadcast %broadcast_in_dim3A_988 : f32 to vector<16xf32>
      %scan3A_990 = arith.constant 0 : i32
      %scan3A_991 = arith.constant 25 : i32
      %scan3A_992 = arith.addi %scan3A_990, %scan3A_991 : i32
      %scan3A_993 = arith.constant 1 : i32
      %scan3A_994:4 = scf.for %scan3A_1036 = %scan3A_990 to %scan3A_992 step %scan3A_993 iter_args(%scan3A_1037 = %broadcast_in_dim3A_989, %scan3A_1038 = %broadcast_in_dim3A_989, %scan3A_1039 = %broadcast_in_dim3A_989, %scan3A_1040 = %broadcast_in_dim3A_989) -> (vector<16xf32>, vector<16xf32>, vector<16xf32>, vector<16xf32>)  : i32 {
        %mul3A_1041 = arith.constant 4 : i32
        %mul3A_1042 = arith.muli %scan3A_1036, %mul3A_1041 : i32
        %add3A_1043 = arith.constant 700 : i32
        %add3A_1044 = arith.addi %add3A_1043, %mul3A_1042 : i32
        %add3A_1045 = arith.constant 0 : i32
        %add3A_1046 = arith.addi %add3A_1044, %add3A_1045 : i32
        %get3A = arith.constant 1 : i32
        %get3A_1047 = arith.index_cast %get3A : i32 to index
        %get3A_1048 = arith.index_cast %add3A_1046 : i32 to index
        %get3A_1049 = arith.constant 0 : index
        %get3A_1050 = tpu.vector_load %arg8[%get3A_1047, %get3A_1048, %get3A_1049] {strides = array<i32>} : memref<2x800x64xbf16, #tpu.memory_space<vmem>>, vector<32xbf16>,
        %add3A_1051 = arith.constant 0 : i32
        %add3A_1052 = arith.addi %add3A_1044, %add3A_1051 : i32
        %add3A_1053 = arith.constant 1 : i32
        %add3A_1054 = arith.addi %add3A_1052, %add3A_1053 : i32
        %get3A_1055 = arith.constant 1 : i32
        %get3A_1056 = arith.index_cast %get3A_1055 : i32 to index
        %get3A_1057 = arith.index_cast %add3A_1054 : i32 to index
        %get3A_1058 = arith.constant 0 : index
        %get3A_1059 = tpu.vector_load %arg8[%get3A_1056, %get3A_1057, %get3A_1058] {strides = array<i32>} : memref<2x800x64xbf16, #tpu.memory_space<vmem>>, vector<32xbf16>,
        %add3A_1060 = arith.addf %get3A_1050, %get3A_1059 : vector<32xbf16>
        %add3A_1061 = arith.constant 0 : i32
        %add3A_1062 = arith.addi %add3A_1044, %add3A_1061 : i32
        %get3A_1063 = arith.constant 1 : i32
        %get3A_1064 = arith.index_cast %get3A_1063 : i32 to index
        %get3A_1065 = arith.index_cast %add3A_1062 : i32 to index
        %get3A_1066 = arith.constant 32 : index
        %get3A_1067 = tpu.vector_load %arg8[%get3A_1064, %get3A_1065, %get3A_1066] {strides = array<i32>} : memref<2x800x64xbf16, #tpu.memory_space<vmem>>, vector<32xbf16>,
        %add3A_1068 = arith.constant 0 : i32
        %add3A_1069 = arith.addi %add3A_1044, %add3A_1068 : i32
        %add3A_1070 = arith.constant 1 : i32
        %add3A_1071 = arith.addi %add3A_1069, %add3A_1070 : i32
        %get3A_1072 = arith.constant 1 : i32
        %get3A_1073 = arith.index_cast %get3A_1072 : i32 to index
        %get3A_1074 = arith.index_cast %add3A_1071 : i32 to index
        %get3A_1075 = arith.constant 32 : index
        %get3A_1076 = tpu.vector_load %arg8[%get3A_1073, %get3A_1074, %get3A_1075] {strides = array<i32>} : memref<2x800x64xbf16, #tpu.memory_space<vmem>>, vector<32xbf16>,
        %add3A_1077 = arith.addf %get3A_1067, %get3A_1076 : vector<32xbf16>
        %unpack3A = tpu.unpack_subelements %add3A_1060, 0 {pack_format = #tpu.pack_format<interleaved>} : vector<32xbf16> -> vector<16xf32>
        %unpack3A_1078 = tpu.unpack_subelements %add3A_1060, 1 {pack_format = #tpu.pack_format<interleaved>} : vector<32xbf16> -> vector<16xf32>
        %unpack3A_1079 = tpu.unpack_subelements %add3A_1077, 0 {pack_format = #tpu.pack_format<interleaved>} : vector<32xbf16> -> vector<16xf32>
        %unpack3A_1080 = tpu.unpack_subelements %add3A_1077, 1 {pack_format = #tpu.pack_format<interleaved>} : vector<32xbf16> -> vector<16xf32>
        %add3A_1081 = arith.addf %scan3A_1037, %unpack3A : vector<16xf32>
        %add3A_1082 = arith.addf %scan3A_1038, %unpack3A_1078 : vector<16xf32>
        %add3A_1083 = arith.addf %scan3A_1039, %unpack3A_1079 : vector<16xf32>
        %add3A_1084 = arith.addf %scan3A_1040, %unpack3A_1080 : vector<16xf32>
        %add3A_1085 = arith.constant 2 : i32
        %add3A_1086 = arith.addi %add3A_1044, %add3A_1085 : i32
        %get3A_1087 = arith.constant 1 : i32
        %get3A_1088 = arith.index_cast %get3A_1087 : i32 to index
        %get3A_1089 = arith.index_cast %add3A_1086 : i32 to index
        %get3A_1090 = arith.constant 0 : index
        %get3A_1091 = tpu.vector_load %arg8[%get3A_1088, %get3A_1089, %get3A_1090] {strides = array<i32>} : memref<2x800x64xbf16, #tpu.memory_space<vmem>>, vector<32xbf16>,
        %add3A_1092 = arith.constant 2 : i32
        %add3A_1093 = arith.addi %add3A_1044, %add3A_1092 : i32
        %add3A_1094 = arith.constant 1 : i32
        %add3A_1095 = arith.addi %add3A_1093, %add3A_1094 : i32
        %get3A_1096 = arith.constant 1 : i32
        %get3A_1097 = arith.index_cast %get3A_1096 : i32 to index
        %get3A_1098 = arith.index_cast %add3A_1095 : i32 to index
        %get3A_1099 = arith.constant 0 : index
        %get3A_1100 = tpu.vector_load %arg8[%get3A_1097, %get3A_1098, %get3A_1099] {strides = array<i32>} : memref<2x800x64xbf16, #tpu.memory_space<vmem>>, vector<32xbf16>,
        %add3A_1101 = arith.addf %get3A_1091, %get3A_1100 : vector<32xbf16>
        %add3A_1102 = arith.constant 2 : i32
        %add3A_1103 = arith.addi %add3A_1044, %add3A_1102 : i32
        %get3A_1104 = arith.constant 1 : i32
        %get3A_1105 = arith.index_cast %get3A_1104 : i32 to index
        %get3A_1106 = arith.index_cast %add3A_1103 : i32 to index
        %get3A_1107 = arith.constant 32 : index
        %get3A_1108 = tpu.vector_load %arg8[%get3A_1105, %get3A_1106, %get3A_1107] {strides = array<i32>} : memref<2x800x64xbf16, #tpu.memory_space<vmem>>, vector<32xbf16>,
        %add3A_1109 = arith.constant 2 : i32
        %add3A_1110 = arith.addi %add3A_1044, %add3A_1109 : i32
        %add3A_1111 = arith.constant 1 : i32
        %add3A_1112 = arith.addi %add3A_1110, %add3A_1111 : i32
        %get3A_1113 = arith.constant 1 : i32
        %get3A_1114 = arith.index_cast %get3A_1113 : i32 to index
        %get3A_1115 = arith.index_cast %add3A_1112 : i32 to index
        %get3A_1116 = arith.constant 32 : index
        %get3A_1117 = tpu.vector_load %arg8[%get3A_1114, %get3A_1115, %get3A_1116] {strides = array<i32>} : memref<2x800x64xbf16, #tpu.memory_space<vmem>>, vector<32xbf16>,
        %add3A_1118 = arith.addf %get3A_1108, %get3A_1117 : vector<32xbf16>
        %unpack3A_1119 = tpu.unpack_subelements %add3A_1101, 0 {pack_format = #tpu.pack_format<interleaved>} : vector<32xbf16> -> vector<16xf32>
        %unpack3A_1120 = tpu.unpack_subelements %add3A_1101, 1 {pack_format = #tpu.pack_format<interleaved>} : vector<32xbf16> -> vector<16xf32>
        %unpack3A_1121 = tpu.unpack_subelements %add3A_1118, 0 {pack_format = #tpu.pack_format<interleaved>} : vector<32xbf16> -> vector<16xf32>
        %unpack3A_1122 = tpu.unpack_subelements %add3A_1118, 1 {pack_format = #tpu.pack_format<interleaved>} : vector<32xbf16> -> vector<16xf32>
        %add3A_1123 = arith.addf %add3A_1081, %unpack3A_1119 : vector<16xf32>
        %add3A_1124 = arith.addf %add3A_1082, %unpack3A_1120 : vector<16xf32>
        %add3A_1125 = arith.addf %add3A_1083, %unpack3A_1121 : vector<16xf32>
        %add3A_1126 = arith.addf %add3A_1084, %unpack3A_1122 : vector<16xf32>
        scf.yield %add3A_1123, %add3A_1124, %add3A_1125, %add3A_1126 : vector<16xf32>, vector<16xf32>, vector<16xf32>, vector<16xf32>
      }
      %scan3A_995 = arith.constant 25 : i32
      %swap3A_996 = arith.constant 1 : i32
      %swap3A_997 = arith.constant 7 : i32
      %swap3A_998 = arith.index_cast %swap3A_996 : i32 to index
      %swap3A_999 = arith.index_cast %swap3A_997 : i32 to index
      %swap3A_1000 = arith.constant 0 : index
      %swap3A_1001 = tpu.vector_load %arg9[%swap3A_998, %swap3A_999, %swap3A_1000] {strides = array<i32>} : memref<2x8x64xf32, #tpu.memory_space<vmem>>, vector<16xf32>,
      tpu.vector_store %arg9[%swap3A_998, %swap3A_999, %swap3A_1000], %scan3A_994#0 {strides = array<i32>} : memref<2x8x64xf32, #tpu.memory_space<vmem>>, vector<16xf32>,
      %swap3A_1002 = arith.constant 1 : i32
      %swap3A_1003 = arith.constant 7 : i32
      %swap3A_1004 = arith.index_cast %swap3A_1002 : i32 to index
      %swap3A_1005 = arith.index_cast %swap3A_1003 : i32 to index
      %swap3A_1006 = arith.constant 16 : index
      %swap3A_1007 = tpu.vector_load %arg9[%swap3A_1004, %swap3A_1005, %swap3A_1006] {strides = array<i32>} : memref<2x8x64xf32, #tpu.memory_space<vmem>>, vector<16xf32>,
      tpu.vector_store %arg9[%swap3A_1004, %swap3A_1005, %swap3A_1006], %scan3A_994#1 {strides = array<i32>} : memref<2x8x64xf32, #tpu.memory_space<vmem>>, vector<16xf32>,
      %swap3A_1008 = arith.constant 1 : i32
      %swap3A_1009 = arith.constant 7 : i32
      %swap3A_1010 = arith.index_cast %swap3A_1008 : i32 to index
      %swap3A_1011 = arith.index_cast %swap3A_1009 : i32 to index
      %swap3A_1012 = arith.constant 32 : index
      %swap3A_1013 = tpu.vector_load %arg9[%swap3A_1010, %swap3A_1011, %swap3A_1012] {strides = array<i32>} : memref<2x8x64xf32, #tpu.memory_space<vmem>>, vector<16xf32>,
      tpu.vector_store %arg9[%swap3A_1010, %swap3A_1011, %swap3A_1012], %scan3A_994#2 {strides = array<i32>} : memref<2x8x64xf32, #tpu.memory_space<vmem>>, vector<16xf32>,
      %swap3A_1014 = arith.constant 1 : i32
      %swap3A_1015 = arith.constant 7 : i32
      %swap3A_1016 = arith.index_cast %swap3A_1014 : i32 to index
      %swap3A_1017 = arith.index_cast %swap3A_1015 : i32 to index
      %swap3A_1018 = arith.constant 48 : index
      %swap3A_1019 = tpu.vector_load %arg9[%swap3A_1016, %swap3A_1017, %swap3A_1018] {strides = array<i32>} : memref<2x8x64xf32, #tpu.memory_space<vmem>>, vector<16xf32>,
      tpu.vector_store %arg9[%swap3A_1016, %swap3A_1017, %swap3A_1018], %scan3A_994#3 {strides = array<i32>} : memref<2x8x64xf32, #tpu.memory_space<vmem>>, vector<16xf32>,
      %mul3A_1020 = arith.constant 8 : i32
      %mul3A_1021 = arith.muli %add3A_624, %mul3A_1020 : i32
      %add3A_1022 = arith.addi %mul3A_2, %mul3A_1021 : i32
      %dma_start3A_1023 = arith.constant 1 : i32
      %dma_start3A_1024 = arith.constant 0 : i32
      %dma_start3A_1025 = arith.constant 0 : i32
      %dma_start3A_1026 = tpu.memref_slice %arg9[%dma_start3A_1023, %dma_start3A_1024, %dma_start3A_1025] : memref<2x8x64xf32, #tpu.memory_space<vmem>> -> memref<1x8x64xf32, #tpu.memory_space<vmem>>
      %dma_start3A_1027 = tpu.memref_squeeze %dma_start3A_1026 : memref<1x8x64xf32, #tpu.memory_space<vmem>> -> memref<8x64xf32, #tpu.memory_space<vmem>>
      %dma_start3A_1028 = arith.constant 0 : i32
      %dma_start3A_1029 = tpu.memref_slice %arg4[%add3A_1022, %dma_start3A_1028] : memref<51200x64xf32, #tpu.memory_space<hbm>> -> memref<8x64xf32, #tpu.memory_space<hbm>>
      %dma_start3A_1030 = arith.constant 0 : i32
      %dma_start3A_1031 = tpu.memref_slice %arg4[%add3A_1022, %dma_start3A_1030] : memref<51200x64xf32, #tpu.memory_space<hbm>> -> memref<8x64xf32, #tpu.memory_space<hbm>>
      %dma_start3A_1032 = arith.constant 0 : i32
      %dma_start3A_1033 = arith.constant 0 : i32
      %dma_start3A_1034 = tpu.memref_slice %arg9[%dma_start3A_1023, %dma_start3A_1032, %dma_start3A_1033] : memref<2x8x64xf32, #tpu.memory_space<vmem>> -> memref<1x8x64xf32, #tpu.memory_space<vmem>>
      %dma_start3A_1035 = tpu.memref_squeeze %dma_start3A_1034 : memref<1x8x64xf32, #tpu.memory_space<vmem>> -> memref<8x64xf32, #tpu.memory_space<vmem>>
      tpu.enqueue_dma source(%dma_start3A_1035 : memref<8x64xf32, #tpu.memory_space<vmem>>) target(%dma_start3A_1031 : memref<8x64xf32, #tpu.memory_space<hbm>>) target_semaphore(%arg16 : memref<!tpu.dma_semaphore, #tpu.memory_space<semaphore_mem>>)
    }
    %scan3A_178 = arith.constant 100 : i32
    %add3A_179 = arith.constant 1584 : i32
    %add3A_180 = arith.addi %mul3A_2, %add3A_179 : i32
    %dma_wait3A_181 = arith.constant 0 : i32
    %dma_wait3A_182 = arith.constant 0 : i32
    %dma_wait3A_183 = arith.constant 0 : i32
    %dma_wait3A_184 = tpu.memref_slice %arg9[%dma_wait3A_181, %dma_wait3A_182, %dma_wait3A_183] : memref<2x8x64xf32, #tpu.memory_space<vmem>> -> memref<1x8x64xf32, #tpu.memory_space<vmem>>
    %dma_wait3A_185 = tpu.memref_squeeze %dma_wait3A_184 : memref<1x8x64xf32, #tpu.memory_space<vmem>> -> memref<8x64xf32, #tpu.memory_space<vmem>>
    %dma_wait3A_186 = arith.constant 0 : i32
    %dma_wait3A_187 = tpu.memref_slice %arg4[%add3A_180, %dma_wait3A_186] : memref<51200x64xf32, #tpu.memory_space<hbm>> -> memref<8x64xf32, #tpu.memory_space<hbm>>
    %dma_wait3A_188 = arith.constant 0 : i32
    %dma_wait3A_189 = tpu.memref_slice %arg4[%add3A_180, %dma_wait3A_188] : memref<51200x64xf32, #tpu.memory_space<hbm>> -> memref<8x64xf32, #tpu.memory_space<hbm>>
    %dma_wait3A_190 = arith.constant 0 : i32
    %dma_wait3A_191 = arith.constant 0 : i32
    %dma_wait3A_192 = tpu.memref_slice %arg9[%dma_wait3A_181, %dma_wait3A_190, %dma_wait3A_191] : memref<2x8x64xf32, #tpu.memory_space<vmem>> -> memref<1x8x64xf32, #tpu.memory_space<vmem>>
    %dma_wait3A_193 = tpu.memref_squeeze %dma_wait3A_192 : memref<1x8x64xf32, #tpu.memory_space<vmem>> -> memref<8x64xf32, #tpu.memory_space<vmem>>
    tpu.wait_dma2 semaphore(%arg15 : memref<!tpu.dma_semaphore, #tpu.memory_space<semaphore_mem>>) src(%dma_wait3A_193 : memref<8x64xf32, #tpu.memory_space<vmem>>) dst(%dma_wait3A_189 : memref<8x64xf32, #tpu.memory_space<hbm>>)
    %add3A_194 = arith.constant 1592 : i32
    %add3A_195 = arith.addi %mul3A_2, %add3A_194 : i32
    %dma_wait3A_196 = arith.constant 1 : i32
    %dma_wait3A_197 = arith.constant 0 : i32
    %dma_wait3A_198 = arith.constant 0 : i32
    %dma_wait3A_199 = tpu.memref_slice %arg9[%dma_wait3A_196, %dma_wait3A_197, %dma_wait3A_198] : memref<2x8x64xf32, #tpu.memory_space<vmem>> -> memref<1x8x64xf32, #tpu.memory_space<vmem>>
    %dma_wait3A_200 = tpu.memref_squeeze %dma_wait3A_199 : memref<1x8x64xf32, #tpu.memory_space<vmem>> -> memref<8x64xf32, #tpu.memory_space<vmem>>
    %dma_wait3A_201 = arith.constant 0 : i32
    %dma_wait3A_202 = tpu.memref_slice %arg4[%add3A_195, %dma_wait3A_201] : memref<51200x64xf32, #tpu.memory_space<hbm>> -> memref<8x64xf32, #tpu.memory_space<hbm>>
    %dma_wait3A_203 = arith.constant 0 : i32
    %dma_wait3A_204 = tpu.memref_slice %arg4[%add3A_195, %dma_wait3A_203] : memref<51200x64xf32, #tpu.memory_space<hbm>> -> memref<8x64xf32, #tpu.memory_space<hbm>>
    %dma_wait3A_205 = arith.constant 0 : i32
    %dma_wait3A_206 = arith.constant 0 : i32
    %dma_wait3A_207 = tpu.memref_slice %arg9[%dma_wait3A_196, %dma_wait3A_205, %dma_wait3A_206] : memref<2x8x64xf32, #tpu.memory_space<vmem>> -> memref<1x8x64xf32, #tpu.memory_space<vmem>>
    %dma_wait3A_208 = tpu.memref_squeeze %dma_wait3A_207 : memref<1x8x64xf32, #tpu.memory_space<vmem>> -> memref<8x64xf32, #tpu.memory_space<vmem>>
    tpu.wait_dma2 semaphore(%arg16 : memref<!tpu.dma_semaphore, #tpu.memory_space<semaphore_mem>>) src(%dma_wait3A_208 : memref<8x64xf32, #tpu.memory_space<vmem>>) dst(%dma_wait3A_204 : memref<8x64xf32, #tpu.memory_space<hbm>>)
    return
  }
}

module attributes {stable_mosaic.version = 14 : i64} {
  func.func @_scale_table_body(%arg0: i32, %arg1: memref<1000x64xf32, #tpu.memory_space<vmem>>, %arg2: memref<1000x64xf32, #tpu.memory_space<vmem>>) attributes {dimension_semantics = [#tpu.dimension_semantics<arbitrary>], iteration_bounds = array<i64: 10>, scalar_prefetch = 0 : i64, scratch_operands = 0 : i64, tpu.core_type = #tpu.core_type<tc>, window_params = [{transform_indices = @transform_0, window_bounds = array<i64: 1000, 64>}, {transform_indices = @transform_1, window_bounds = array<i64: 1000, 64>}]} {
    %get3A = arith.constant 0 : index
    %get3A_0 = arith.constant 0 : index
    %get3A_1 = vector.load %arg1[%get3A, %get3A_0] : memref<1000x64xf32, #tpu.memory_space<vmem>>, vector<1000x64xf32>
    %mul3A = arith.mulf %get3A_1, %get3A_1 : vector<1000x64xf32>
    %reduce_sum3A = arith.constant dense<0.000000e+00> : vector<1000xf32>
    %reduce_sum3A_2 = vector.multi_reduction <add>, %mul3A, %reduce_sum3A [1] : vector<1000x64xf32> to vector<1000xf32>
    %broadcast_in_dim3A = vector.shape_cast %reduce_sum3A_2 : vector<1000xf32> to vector<1000x1xf32>
    %sqrt3A = math.sqrt %broadcast_in_dim3A : vector<1000x1xf32>
    %gt3A = arith.constant 1.000000e+00 : f32
    %gt3A_3 = vector.broadcast %gt3A : f32 to vector<1000x1xf32>
    %gt3A_4 = arith.cmpf ogt, %sqrt3A, %gt3A_3 : vector<1000x1xf32>
    %add3A = arith.constant 1.000000e-07 : f32
    %add3A_5 = vector.broadcast %add3A : f32 to vector<1000x1xf32>
    %add3A_6 = arith.addf %sqrt3A, %add3A_5 : vector<1000x1xf32>
    %div3A = arith.constant 1.000000e+00 : f32
    %div3A_7 = vector.broadcast %div3A : f32 to vector<1000x1xf32>
    %div3A_8 = arith.divf %div3A_7, %add3A_6 : vector<1000x1xf32>
    %jit3A = arith.constant 1.000000e+00 : f32
    %broadcast_in_dim3A_9 = vector.broadcast %jit3A : f32 to vector<1000x1xf32>
    %select_n3A = arith.select %gt3A_4, %div3A_8, %broadcast_in_dim3A_9 : vector<1000x1xi1>, vector<1000x1xf32>
    %mul3A_10 = arith.constant 0.00999999977 : f32
    %mul3A_11 = vector.broadcast %mul3A_10 : f32 to vector<1000x1xf32>
    %mul3A_12 = arith.mulf %select_n3A, %mul3A_11 : vector<1000x1xf32>
    %mul3A_13 = vector.broadcast %mul3A_12 : vector<1000x1xf32> to vector<1000x64xf32>
    %mul3A_14 = arith.mulf %get3A_1, %mul3A_13 : vector<1000x64xf32>
    %swap3A = arith.constant 0 : index
    %swap3A_15 = arith.constant 0 : index
    %swap3A_16 = vector.load %arg2[%swap3A, %swap3A_15] : memref<1000x64xf32, #tpu.memory_space<vmem>>, vector<1000x64xf32>
    tpu.vector_store %arg2[%swap3A, %swap3A_15], %mul3A_14 {strides = array<i32>} : memref<1000x64xf32, #tpu.memory_space<vmem>>, vector<1000x64xf32>,
    return
  }
  func.func @transform_0(%arg0: i32) -> (i32, i32) {
    %c0_i32 = arith.constant 0 : i32
    %c0_i32_0 = arith.constant 0 : i32
    return %arg0, %c0_i32 : i32, i32
  }
  func.func @transform_1(%arg0: i32) -> (i32, i32) {
    %c0_i32 = arith.constant 0 : i32
    %c0_i32_0 = arith.constant 0 : i32
    return %arg0, %c0_i32 : i32, i32
  }
}

</mosaic_0001>

<sc_bundles>
// kernel: kernel.4.cloned.1.call-start
scs
__scs_entry_jumppad:
0x0: {  	(pc) =	sbr.rel $0x88, $3  }
0x1: {  	(tag) =	ssettag $0x0;
	lr =	simm.s32 $0x1  }
0x2: {  	[smem:$0x3F9F] =	sst lr;
	_ =	strace $0xD0000000  }
0x3: {  	_ = 	snop  }
0x4: {  	_ = 	snop  }
0x5: {  	_ = 	snop  }
0x6: {  	_ = 	snop  }
0x7: {  	_ = 	snop  }
__scs_overlays_trampoline_lowered:
0x8: {  	[smem:$0x3FAE] =	sst s0  }
0x9: {  	[smem:$0x3FAF] =	sst s1  }
0xa: {  	[smem:$0x3FB0] =	sst s2  }
0xb: {  	[smem:$0x3FB1] =	sst s3  }
0xc: {  	[smem:$0x3FB2] =	sst s4  }
0xd: {  	[smem:$0x3FB3] =	sst s5  }
0xe: {  	[smem:$0x3FB4] =	sst s6  }
0xf: {  	[smem:$0x3FB5] =	sst s7  }
0x10: {  	[smem:$0x3FB6] =	sst s8  }
0x11: {  	[smem:$0x3FB7] =	sst s9;
	s0 =	simm.s32 @!p0 $0x0  }
0x12: {  	s1 =	sld [smem:$0x3F9D];
	s0 =	simm.s32 @p0 $0x1  }
0x13: {  	[smem:$0x3FB8] =	sst s0;
	s0 =	simm.s32 @!p1 $0x0  }
0x14: {  	s2 =	sld [smem:$0x3F9C];
	s0 =	simm.s32 @p1 $0x1  }
0x15: {  	[smem:$0x3FB9] =	sst s0;
	s0 =	simm.s32 @!p2 $0x0  }
0x16: {  	s3 =	sld [smem:$0x3FDB];
	s0 =	simm.s32 @p2 $0x1  }
0x17: {  	s4 =	simm.s32 $0x1BF5;
	[smem:$0x3FBB] =	sst s0  }
0x18: {  	s0 =	sld [smem:$0x3F9E];
	_ =	swait.ge [sflag:s4], $0x0  }
0x19: {  	s7 =	sld [smem:$0x3F9F]  }
0x1a: {  	s8 =	sadd.s32 $0xFFFFE003, lr  }
0x1b: {  	s9 =	sadd.s32 $0xFFFFFEF7, lr;
	s5 =	simm.s32 $0xFFFFFFFF;
	p2 =	slt.u32 s8, $0xFFFFF086  }
0x1c: {  	p1 =	slt.u32 s9, $0xF7A;
	s5 =	simm.s32 @!p2 $0x0  }
0x1d: {  	s5 =	simm.s32 @p1 $0x1;
	p0 =	seq.s32 s7, s2  }
0x1e: {  	s7 =	smul.u32 @!p0 $0xF7A, s2;
	p2 =	seq.s32 @!p0 s5, $0x0  }
0x1f: {  	s9 =	smul.u32 $0xF7A, s1;
	s8 =	simm.s32 @!p0 $0x1BF5;
	p2 =	por !p2, p0  }
0x20: {  	[sflag:s8] =	ssyncset.s32 @!p0 $0xFFFFF086;
	s6 =	sadd.s32 @!p0 s3, s7;
	s7 =	simm.s32 @!p0 $0x108  }
0x21: {  	s3 =	sadd.s32 s3, s9;
	s6 =	sadd.s32 @!p0 $0x88, s6;
	s7 =	simm.s32 @p2 $0x1082  }
0x22: {  	[simem:s7], [sflag:s8] =	dma.local @!p0 [hbm:s6], $0xF7A  }
0x23: {  	s9 =	sor.u32 $0xD0000000, s2;
	s6 =	simm.s32 $0x108;
	_ =	swait.ge @!p0 [sflag:s8], $0x0  }
0x24: {  	s3 =	sadd.s32 $0x88, s3;
	s6 =	simm.s32 @!p1 $0x1082;
	[sflag:s4] =	ssyncset.s32 $0xFFFFF086  }
0x25: {  	[simem:s6], [sflag:s4] =	dma.local [hbm:s3], $0xF7A  }
0x26: {  	[smem:$0x3F9F] =	sst s1;
	(tag) =	ssettag s2;
	_ =	strace s9  }
0x27: {  	s1 =	sld [smem:$0x3FAF]  }
0x28: {  	s2 =	sld [smem:$0x3FB0]  }
0x29: {  	s4 =	sld [smem:$0x3FB2]  }
0x2a: {  	p0 =	seq.s32 s5, $0x0;
	s5 =	sld [smem:$0x3FB3]  }
0x2b: {  	s6 =	sld [smem:$0x3FB4]  }
0x2c: {  	s7 =	sld [smem:$0x3FB5]  }
0x2d: {  	s3 =	simm.s32 $0x108;
	s8 =	sld [smem:$0x3FB6]  }
0x2e: {  	s3 =	simm.s32 @!p0 $0x1082;
	s9 =	sld [smem:$0x3FB7]  }
0x2f: {  	lr =	sadd.s32 s0, s3;
	s0 =	sld [smem:$0x3FAE]  }
0x30: {  	s3 =	sld [smem:$0x3FB1]  }
0x31: {  	[smem:$0x3FBA] =	sst s10  }
0x32: {  	s10 =	sld [smem:$0x3FB8];
	_ =	sdelay $0x3  }
0x33: {  	p0 =	seq.s32 s10, $0x1;
	s10 =	sld [smem:$0x3FBA];
	_ =	sdelay $0x3  }
0x34: {  	[smem:$0x3FBA] =	sst s10  }
0x35: {  	s10 =	sld [smem:$0x3FB9];
	_ =	sdelay $0x3  }
0x36: {  	p1 =	seq.s32 s10, $0x1;
	s10 =	sld [smem:$0x3FBA];
	_ =	sdelay $0x3  }
0x37: {  	[smem:$0x3FBA] =	sst s10  }
0x38: {  	s10 =	sld [smem:$0x3FBB]  }
0x39: {  	_ = 	snop;
	(pc) =	sbr.ind lr, $3  }
0x3a: {  	_ = 	snop  }
0x3b: {  	_ = 	snop  }
0x3c: {  	p2 =	seq.s32 s10, $0x1;
	s10 =	sld [smem:$0x3FBA]  }
0x3d: {  	_ =	shalt  }
0x3e: {  	_ =	shalt  }
0x3f: {  	_ =	shalt  }
0x40: {  	_ =	shalt  }
0x41: {  	_ =	shalt  }
0x42: {  	_ =	shalt  }
0x43: {  	_ =	shalt  }
0x44: {  	_ =	shalt  }
0x45: {  	_ =	shalt  }
0x46: {  	_ =	shalt  }
0x47: {  	_ =	shalt  }
0x48: {  	_ =	shalt  }
0x49: {  	_ =	shalt  }
0x4a: {  	_ =	shalt  }
0x4b: {  	_ =	shalt  }
0x4c: {  	_ =	shalt  }
0x4d: {  	_ =	shalt  }
0x4e: {  	_ =	shalt  }
0x4f: {  	_ =	shalt  }
0x50: {  	_ =	shalt  }
0x51: {  	_ =	shalt  }
0x52: {  	_ =	shalt  }
0x53: {  	_ =	shalt  }
0x54: {  	_ =	shalt  }
0x55: {  	_ =	shalt  }
0x56: {  	_ =	shalt  }
0x57: {  	_ =	shalt  }
0x58: {  	_ =	shalt  }
0x59: {  	_ =	shalt  }
0x5a: {  	_ =	shalt  }
0x5b: {  	_ =	shalt  }
0x5c: {  	_ =	shalt  }
0x5d: {  	_ =	shalt  }
0x5e: {  	_ =	shalt  }
0x5f: {  	_ =	shalt  }
0x60: {  	_ =	shalt  }
0x61: {  	_ =	shalt  }
0x62: {  	_ =	shalt  }
0x63: {  	_ =	shalt  }
0x64: {  	_ =	shalt  }
0x65: {  	_ =	shalt  }
0x66: {  	_ =	shalt  }
0x67: {  	_ =	shalt  }
0x68: {  	_ =	shalt  }
0x69: {  	_ =	shalt  }
0x6a: {  	_ =	shalt  }
0x6b: {  	_ =	shalt  }
0x6c: {  	_ =	shalt  }
0x6d: {  	_ =	shalt  }
0x6e: {  	_ =	shalt  }
0x6f: {  	_ =	shalt  }
0x70: {  	_ =	shalt  }
0x71: {  	_ =	shalt  }
0x72: {  	_ =	shalt  }
0x73: {  	_ =	shalt  }
0x74: {  	_ =	shalt  }
0x75: {  	_ =	shalt  }
0x76: {  	_ =	shalt  }
0x77: {  	_ =	shalt  }
0x78: {  	_ =	shalt  }
0x79: {  	_ =	shalt  }
0x7a: {  	_ =	shalt  }
0x7b: {  	_ =	shalt  }
0x7c: {  	_ =	shalt  }
0x7d: {  	_ =	shalt  }
0x7e: {  	_ =	shalt  }
0x7f: {  	_ =	shalt  }
0x80: {  	_ =	shalt  }
0x81: {  	_ =	shalt  }
0x82: {  	_ =	shalt  }
0x83: {  	_ =	shalt  }
0x84: {  	_ =	shalt  }
0x85: {  	_ =	shalt  }
0x86: {  	_ =	shalt  }
0x87: {  	_ =	shalt  }
.Lfunc_end0:
.L_simem_size_0:
called_computation_lowered:
.L_overlay_start_0:
0x88: {  	s2 =	sld [smem:$0x3FD9]  }
0x89: {  	s3 =	sld [smem:$0x3FFE];
	_ =	sdelay $0x1  }
0x8a: {  	s1 =	srdreg.scid  }
0x8b: {  	s0 =	sand.u32 $0x1, s1  }
0x8c: {  	s17 =	sshll.u32 s0, $0xA;
	s2 =	sadd.s32 s3, s2  }
0x8d: {  	s2 =	sadd.s32 s2, s17  }
0x8e: {  	[smem:$0x3FC6] =	sst s2  }
0x8f: {  	_ = 	snop  }
0x90: {  	s2 =	sld [smem:$0x3FD0];
	(tm) =	ssettm $0x1  }
0x91: {  	s18 =	sld [smem:$0x3FFB];
	_ =	sdelay $0x3  }
0x92: {  	_ =	strace s18  }
0x93: {  	s3 =	sld [smem:$0x3FFC];
	_ =	sdelay $0x3  }
0x94: {  	_ =	strace s3  }
0x95: {  	s3 =	sld [smem:$0x3FFD];
	_ =	sdelay $0x3  }
0x96: {  	_ =	strace s3  }
0x97: {  	_ =	strace $0x8FFFFFFF  }
0x98: {  	s19 =	sld [smem:$0x3FDB];
	_ =	sdelay $0x1  }
0x99: {  	s4 =	simm.s32 $_scs_section_size  }
0x9a: {  	s5 =	simm.s32 $_size__tile_overlayer_lowered;
	s6 =	simm.s32 $_tile_overlayer_lowered  }
0x9b: {  	s22 =	simm.s32 $0x1BFF;
	s21 =	sshll.u32 s6, $0x1;
	s3 =	sadd.s32 s4, s19  }
0x9c: {  	s7 =	simm.s32 $0x0;
	s20 =	sshll.u32 s5, $0x1;
	s5 =	sadd.s32 s21, s3  }
0x9d: {  	[timem:s7], [sflag:s22] =	dma.local [hbm:s5], s20  }
0x9e: {  	_ =	swait.ge [sflag:s22], s20  }
0x9f: {  	s4 =	ssub.s32 $0x0, s20;
	[sflag:s22] =	ssyncset.done $0x0  }
0xa0: {  	[sflag:s22] =	ssyncadd.s32 s4;
	_ =	sdelay $0x1  }
0xa1: {  	s23 =	simm.s32 $0x1B8B  }
0xa2: {  	_ =	swait.ge [sflag:s23], $0x1  }
0xa3: {  	[sflag:s23] =	ssyncset.done $0x0  }
0xa4: {  	s25 =	simm.s32 $0x1B8E;
	s24 =	sld [smem:$0x3FFE];
	[sflag:s23] =	ssyncadd.s32 $0xFFFFFFFF  }
0xa5: {  	s26 =	simm.s32 $execute0_lowered;
	[smem:$0x3FD2] =	sst s25  }
0xa6: {  	s5 =	sshll.u32 s26, $0x1;
	_ =	strace $0x80000046;
	[dreg:$0x1] =	wrdreg $0xFFFFFFFF  }
0xa7: {  	s28 =	simm.s32 $_size_execute0_lowered;
	s3 =	sadd.s32 s3, s5;
	[dreg:$0x0] =	wrdreg $0x0  }
0xa8: {  	s5 =	sshll.u32 s28, $0x1;
	[dreg:$0x2] =	wrdreg s3  }
0xa9: {  	[dreg:$0x3] =	wrdreg s5  }
0xaa: {  	[dreg:$0x4] =	wrdreg $0xC0  }
0xab: {  	_ =	task [dreg:s7], $0x5FFFF  }
0xac: {  	[dreg:$0x1] =	wrdreg $0xFFFFFFFF  }
0xad: {  	[dreg:$0x0] =	wrdreg $0x60  }
0xae: {  	[dreg:$0x2] =	wrdreg s24  }
0xaf: {  	[dreg:$0x3] =	wrdreg s2  }
0xb0: {  	[dreg:$0x4] =	wrdreg $0xDBA00  }
0xb1: {  	[dreg:$0x5] =	wrdreg $0x9  }
0xb2: {  	_ =	task.clear_ibuf [dreg:s7], $0x6FFFF;
	_ =	strace $0x90000046  }
0xb3: {  	s29 =	simm.s32 $0x9;
	_ =	strace $0x80000048  }
0xb4: {  	_ =	swait.ge [sflag:s29], $0x1  }
0xb5: {  	[sflag:s29] =	ssyncadd.s32 $0xFFFFFFFF  }
0xb6: {  	_ =	strace $0x90000048  }
0xb7: {  	_ =	sfence  }
0xb8: {  	s30 =	sld [smem:$0x0];
	_ =	sdelay $0x2  }
0xb9: {  	s31 =	sshll.u32 s1, $0xD;
	s1 =	sshrl.u32 s1, $0x2  }
0xba: {  	s3 =	sand.u32 $0x4000, s31;
	s1 =	sadd.s32 s1, s30  }
0xbb: {  	s0 =	sor.u32 s3, s0;
	s1 =	sshll.u32 s1, $0x11  }
0xbc: {  	s0 =	sor.u32 s1, s0  }
0xbd: {  	s0 =	sadd.s32 $0x8F2B, s0  }
0xbe: {  	[sflag:s0] =	ssyncadd.remote.s32 $0x1  }
0xbf: {  	_ =	sfence.sel $0xFFFF  }
0xc0: {  	[dreg:$0x0] =	wrdreg $0xFFFFFFFF;
	(pc) =	sbr.abs _section_cstart, $3  }
0xc1: {  	[dreg:$0x1] =	wrdreg $0xFFFFFFFF  }
0xc2: {  	_ =	task.clear_ibuf [dreg:s7], $0x2FFFF;
	_ =	strace $0x9FFFFFFF  }
0xc3: {  	(tm) =	ssettm $0x7FFFFFFF  }
tec
execute0_lowered:
.L_overlay_start_1:
0x0: {  	(tag) =	ssettag $0x1  }
0x1: {  	s0 =	rddreg [dreg:$0x0]  }
0x2: {  	s1 =	rddreg [dreg:$0x1]  }
0x3: {  	s2 =	rddreg [dreg:$0x2]  }
0x4: {  	s3 =	srdreg.scid;
	s6 =	stileid.u32  }
0x5: {  	s14 =	simm.s32 $0x3;
	s15 =	simm.s32 $0x50;
	s16 =	simm.s32 $0x4  }
0x6: {  	s28 =	simm.s32 $0xAF0;
	s29 =	simm.s32 $0xA5A0;
	s30 =	simm.s32 $0xB40  }
0x7: {  	s31 =	simm.s32 $0xAFA0;
	s12 =	simm.s32 $0xC30;
	s13 =	simm.s32 $0xCDA0  }
0x8: {  	s10 =	simm.s32 $0x1;
	s17 =	simm.s32 $0xD7A0;
	s18 =	simm.s32 $0x2  }
0x9: {  	s19 =	simm.s32 $0xD9A0;
	s22 =	simm.s32 $0x0;
	s5 =	sand.u32 $0x1, s3  }
0xa: {  	s3 =	simm.s32 $0x0;
	p0 =	sne.s32 s6, $0x0;
	s4 =	sshll.u32 s5, $0x4  }
0xb: {  	[smem:$0x7FF] =	sst s3;
	s25 =	ssub.s32 $0x2, s5;
	s7 =	sor.u32 s6, s4  }
0xc: {  	_ =	strace $0x80000047;
	s4 =	sadd.s32 $0x600, s0;
	s0 =	sadd.s32 $0x9CA00, s0  }
0xd: {  	s5 =	sshrl.u32 s25, $0x1;
	s6 =	simm.s32 $0xBE0;
	s8 =	smul.u32 $0x27100, s7  }
0xe: {  	[dreg:$0x4] =	wrdreg s0;
	s9 =	smul.u32 $0x4E20, s7;
	s0 =	ssub.s32 s25, s5  }
0xf: {  	s26 =	smul.u32 $0x640, s7;
	s25 =	simm.s32 $0x960;
	s0 =	smax.u32 s0, $0x1  }
0x10: {  	s8 =	sshrl.u32 s8, $0x3;
	s9 =	sadd.s32 s4, s9;
	[dreg:$0x8] =	wrdreg s0  }
0x11: {  	s5 =	sor.u32 $0x18, s26;
	s8 =	sadd.s32 s4, s8;
	[dreg:$0x5] =	wrdreg s9  }
0x12: {  	s0 =	sshrl.u32 @!p0 s2, $0x3;
	[dreg:$0x7] =	wrdreg s5;
	s8 =	sadd.s32 $0x64, s8  }
0x13: {  	s9 =	sor.u32 $0x10, s26;
	[dreg:$0x6] =	wrdreg s8;
	s8 =	smul.u32 $0x19000, s7  }
0x14: {  	[dreg:$0x9] =	wrdreg s0;
	s26 =	simm.s32 $0x9BA0;
	s0 =	simm.s32 $0xB90  }
0x15: {  	v0 =	vlaneseq.u32;
	s5 =	simm.s32 $0xB9A0;
	s7 =	simm.s32 $0xC3A0;
	s11 =	sor.u32 $0x200, s8  }
.LBB2_1:
0x16: {  	[dreg:$0xa] =	wrdreg s22;
	v2 =	vor.u32 s3, v0  }
0x17: {  	s21 =	rddreg [dreg:$0x4];
	v1 =	vmulhi.u32 $0x51EB851F, v2  }
0x18: {  	s20 =	simm.s32 @!p0 $0x1C07;
	s22 =	rddreg [dreg:$0x9]  }
0x19: {  	[spmem:s22], [sflag:s20] =	dma.local @!p0 [hbm:s21], $0x9C40;
	v1 =	vshrl.u32 v1, $0x5  }
0x1a: {  	s24 =	simm.s32 $0x10;
	s20 =	simm.s32 @!p0 $0x7;
	v3 =	vmul.u32 $0x64, v1  }
0x1b: {  	_ =	swait.ge @!p0 [sflag:s20], $0x9C40;
	v1 =	vor.u32 s24, v0  }
0x1c: {  	[sflag:s20] =	ssyncset.done @!p0 $0x0;
	v2 =	vsub.s32 v2, v3;
	v3 =	vmulhi.u32 $0x51EB851F, v1  }
0x1d: {  	[sflag:s20] =	ssyncadd.s32 @!p0 $0xFFFF63C0;
	v2 =	vmul.u32 $0x64, v2  }
0x1e: {  	s20 =	simm.s32 $0xC80;
	[bflag:$0x0] =	sbarrier.arrive $0xFFFF;
	v3 =	vshrl.u32 v3, $0x5  }
0x1f: {  	s21 =	simm.s32 $0x20;
	[tilespmem:s20+$0x0] =	vst v2;
	v2 =	vmul.u32 $0x64, v3  }
.LBB2_2:
0x20: {  	p1 =	sne.s32 s21, $0x310  }
.Ltmp0:
0x21: {  	v2 =	vsub.s32 v1, v2;
	v1 =	vor.u32 s21, v0;
	s21 =	sadd.s32 $0x10, s21;
	(pc) =	sbr.rel @p1 .LBB2_2-.Ltmp0, $4  }
0x22: {  	v3 =	vmulhi.u32 $0x51EB851F, v1;
	v2 =	vmul.u32 $0x64, v2  }
0x23: {  	s20 =	sadd.s32 $0x10, s20  }
0x24: {  	v3 =	vshrl.u32 v3, $0x5;
	[tilespmem:s20+$0x0] =	vst v2  }
0x25: {  	v2 =	vmul.u32 $0x64, v3  }
0x26: {  	_ = 	snop  }
0x27: {  	v1 =	vsub.s32 v1, v2  }
0x28: {  	v1 =	vmul.u32 $0x64, v1  }
0x29: {  	s20 =	sadd.s32 $0x10, s20  }
0x2a: {  	s24 =	simm.s32 $0x0;
	s21 =	rddreg [dreg:$0x5];
	[tilespmem:s20+$0x0] =	vst v1  }
0x2b: {  	[tilespmem:s24], [sflag:$0x3] =	stream.linear.gather [hbm4b:s21+s24], $0x320, $0x38;
	[tilespmem:$0x129C0] =	vst v63  }
0x2c: {  	_ =	swait.ge [sflag:s14], $0x320  }
0x2d: {  	[sflag:s14] =	ssyncset.done $0x0  }
0x2e: {  	s20 =	simm.s32 $0x0;
	[sflag:s14] =	ssyncadd.s32 $0xFFFFFCE0  }
0x2f: {  	v1 =	vld [tilespmem:s20+$0x0];
	_ =	sdelay $0x4  }
0x30: {  	s21 =	simm.s32 $0x10;
	v1 =	vadd.f32 $5.000000000e+01, v1  }
0x31: {  	v2 =	vld [tilespmem:s21+$0x0]  }
0x32: {  	v1 =	vtrunc.f32 v1  }
0x33: {  	v3 =	vcvt.f32.s32 v1;
	v1 =	vld [tilespmem:s20+$0xC80];
	_ =	sdelay $0x1  }
0x34: {  	s22 =	simm.s32 $0x80;
	vm0 =	vgt.s32 v3, $0x0  }
.LBB2_4:
0x35: {  	s23 =	sshra.s32 s22, $0x2;
	p1 =	sne.s32 s22, $0xC40;
	s22 =	sadd.s32 $0x40, s22;
	v4 =	vadd.f32 $5.000000000e+01, v2;
	v3 =	vnsel vm0, $0x0, v3  }
.Ltmp1:
0x36: {  	v2 =	vld [tilespmem:s23+$0x0];
	v3 =	vmin.u32 v3, $0x63;
	(pc) =	sbr.rel @p1 .LBB2_4-.Ltmp1, $3  }
0x37: {  	v4 =	vtrunc.f32 v4;
	v5 =	vadd.s32 v1, v3  }
0x38: {  	v3 =	vcvt.f32.s32 v4;
	v1 =	vld [tilespmem:s21+$0xC80];
	[tilespmem:s20+$0x640] =	vst v5;
	s20 =	smov.u32 s21;
	s21 =	smov.u32 s23;
	_ =	sdelay $0x1  }
0x39: {  	vm0 =	vgt.s32 v3, $0x0  }
0x3a: {  	v2 =	vadd.f32 $5.000000000e+01, v2;
	_ =	sdelay $0x1  }
0x3b: {  	v2 =	vtrunc.f32 v2  }
0x3c: {  	v4 =	vld [tilespmem:s21+$0xC80];
	v2 =	vcvt.f32.s32 v2;
	_ =	sdelay $0x1  }
0x3d: {  	v3 =	vnsel vm0, $0x0, v3;
	vm15 =	vgt.s32 v2, $0x0  }
0x3e: {  	v3 =	vmin.u32 v3, $0x63;
	v2 =	vnsel vm15, $0x0, v2  }
0x3f: {  	v1 =	vadd.s32 v1, v3;
	v2 =	vmin.u32 v2, $0x63  }
0x40: {  	[tilespmem:s20+$0x640] =	vst v1;
	v1 =	vadd.s32 v4, v2  }
0x41: {  	s23 =	simm.s32 $0x640;
	s24 =	simm.s32 $0xFA0;
	[tilespmem:s21+$0x640] =	vst v1  }
0x42: {  	[tilespmem:s24], [sflag:$0x1] =	stream.indirect.gather [spmem:s2], $0x20, s23, s15, $0xb8;
	[tilespmem:$0x129C0] =	vst v63  }
0x43: {  	s22 =	simm.s32 $0x19A0;
	s21 =	simm.s32 $0x690  }
0x44: {  	[tilespmem:s22], [sflag:$0x1] =	stream.indirect.gather [spmem:s2], $0x20, s21, s15, $0xb8;
	[tilespmem:$0x129C0] =	vst v63  }
0x45: {  	s23 =	simm.s32 $0x6E0;
	s24 =	simm.s32 $0x23A0  }
0x46: {  	[tilespmem:s24], [sflag:$0x1] =	stream.indirect.gather [spmem:s2], $0x20, s23, s15, $0xb8;
	[tilespmem:$0x129C0] =	vst v63  }
0x47: {  	s21 =	simm.s32 $0x730;
	s22 =	simm.s32 $0x2DA0  }
0x48: {  	[tilespmem:s22], [sflag:$0x1] =	stream.indirect.gather [spmem:s2], $0x20, s21, s15, $0xb8;
	[tilespmem:$0x129C0] =	vst v63  }
0x49: {  	s23 =	simm.s32 $0x780;
	s24 =	simm.s32 $0x37A0  }
0x4a: {  	[tilespmem:s24], [sflag:$0x1] =	stream.indirect.gather [spmem:s2], $0x20, s23, s15, $0xb8;
	[tilespmem:$0x129C0] =	vst v63  }
0x4b: {  	s21 =	simm.s32 $0x7D0;
	s22 =	simm.s32 $0x41A0  }
0x4c: {  	[tilespmem:s22], [sflag:$0x1] =	stream.indirect.gather [spmem:s2], $0x20, s21, s15, $0xb8;
	[tilespmem:$0x129C0] =	vst v63  }
0x4d: {  	s23 =	simm.s32 $0x820;
	s24 =	simm.s32 $0x4BA0  }
0x4e: {  	[tilespmem:s24], [sflag:$0x1] =	stream.indirect.gather [spmem:s2], $0x20, s23, s15, $0xb8;
	[tilespmem:$0x129C0] =	vst v63  }
0x4f: {  	s21 =	simm.s32 $0x870;
	s22 =	simm.s32 $0x55A0  }
0x50: {  	[tilespmem:s22], [sflag:$0x1] =	stream.indirect.gather [spmem:s2], $0x20, s21, s15, $0xb8;
	[tilespmem:$0x129C0] =	vst v63  }
0x51: {  	s23 =	simm.s32 $0x8C0;
	s24 =	simm.s32 $0x5FA0  }
0x52: {  	[tilespmem:s24], [sflag:$0x1] =	stream.indirect.gather [spmem:s2], $0x20, s23, s15, $0xb8;
	[tilespmem:$0x129C0] =	vst v63  }
0x53: {  	s22 =	simm.s32 $0x910;
	s23 =	simm.s32 $0x69A0  }
0x54: {  	[tilespmem:s23], [sflag:$0x1] =	stream.indirect.gather [spmem:s2], $0x20, s22, s15, $0xb8;
	[tilespmem:$0x129C0] =	vst v63  }
0x55: {  	s20 =	simm.s32 $0x0;
	s24 =	rddreg [dreg:$0x6];
	s22 =	simm.s32 $0x320  }
0x56: {  	[tilespmem:s22], [sflag:$0x4] =	stream.linear.gather [hbm4b:s24+s20], $0x320, $0x38;
	[tilespmem:$0x129C0] =	vst v63  }
.LBB2_6:
0x57: {  	_ =	swait.ge [sflag:s16], $0x320  }
0x58: {  	[sflag:s16] =	ssyncset.done $0x0  }
0x59: {  	s21 =	simm.s32 $0x0;
	[sflag:s16] =	ssyncadd.s32 $0xFFFFFCE0  }
0x5a: {  	v1 =	vld [tilespmem:s21+$0x320];
	_ =	sdelay $0x4  }
0x5b: {  	s22 =	simm.s32 $0x10;
	v1 =	vadd.f32 $5.000000000e+01, v1  }
0x5c: {  	v2 =	vld [tilespmem:s22+$0x320]  }
0x5d: {  	v1 =	vtrunc.f32 v1  }
0x5e: {  	v3 =	vcvt.f32.s32 v1;
	v1 =	vld [tilespmem:s21+$0xC80];
	_ =	sdelay $0x1  }
0x5f: {  	s23 =	simm.s32 $0x80;
	vm0 =	vgt.s32 v3, $0x0  }
.LBB2_7:
0x60: {  	s24 =	sshra.s32 s23, $0x2;
	p1 =	sne.s32 s23, $0xC40;
	s23 =	sadd.s32 $0x40, s23;
	v4 =	vadd.f32 $5.000000000e+01, v2;
	v3 =	vnsel vm0, $0x0, v3  }
.Ltmp2:
0x61: {  	v2 =	vld [tilespmem:s24+$0x320];
	v3 =	vmin.u32 v3, $0x63;
	(pc) =	sbr.rel @p1 .LBB2_7-.Ltmp2, $3  }
0x62: {  	v4 =	vtrunc.f32 v4;
	v5 =	vadd.s32 v1, v3  }
0x63: {  	v3 =	vcvt.f32.s32 v4;
	v1 =	vld [tilespmem:s22+$0xC80];
	[tilespmem:s21+$0x960] =	vst v5;
	s21 =	smov.u32 s22;
	s22 =	smov.u32 s24;
	_ =	sdelay $0x1  }
0x64: {  	vm0 =	vgt.s32 v3, $0x0  }
0x65: {  	v2 =	vadd.f32 $5.000000000e+01, v2;
	_ =	sdelay $0x1  }
0x66: {  	v2 =	vtrunc.f32 v2  }
0x67: {  	v4 =	vld [tilespmem:s22+$0xC80];
	v2 =	vcvt.f32.s32 v2;
	_ =	sdelay $0x1  }
0x68: {  	v3 =	vnsel vm0, $0x0, v3;
	vm15 =	vgt.s32 v2, $0x0  }
0x69: {  	v3 =	vmin.u32 v3, $0x63;
	v2 =	vnsel vm15, $0x0, v2  }
0x6a: {  	v1 =	vadd.s32 v1, v3;
	v2 =	vmin.u32 v2, $0x63  }
0x6b: {  	[tilespmem:s21+$0x960] =	vst v1;
	v1 =	vadd.s32 v4, v2  }
0x6c: {  	[tilespmem:s22+$0x960] =	vst v1;
	s22 =	simm.s32 $0x73A0  }
0x6d: {  	[tilespmem:s22], [sflag:$0x2] =	stream.indirect.gather [spmem:s2], $0x20, s25, s15, $0xb8;
	[tilespmem:$0x129C0] =	vst v63  }
0x6e: {  	s23 =	simm.s32 $0x9B0;
	s24 =	simm.s32 $0x7DA0  }
0x6f: {  	[tilespmem:s24], [sflag:$0x2] =	stream.indirect.gather [spmem:s2], $0x20, s23, s15, $0xb8;
	[tilespmem:$0x129C0] =	vst v63  }
0x70: {  	s23 =	simm.s32 $0xA00;
	s24 =	simm.s32 $0x87A0  }
0x71: {  	[tilespmem:s24], [sflag:$0x2] =	stream.indirect.gather [spmem:s2], $0x20, s23, s15, $0xb8;
	[tilespmem:$0x129C0] =	vst v63  }
0x72: {  	s23 =	simm.s32 $0xA50;
	s24 =	simm.s32 $0x91A0  }
0x73: {  	[tilespmem:s24], [sflag:$0x2] =	stream.indirect.gather [spmem:s2], $0x20, s23, s15, $0xb8;
	[tilespmem:$0x129C0] =	vst v63  }
0x74: {  	s23 =	simm.s32 $0xAA0  }
0x75: {  	[tilespmem:s26], [sflag:$0x2] =	stream.indirect.gather [spmem:s2], $0x20, s23, s15, $0xb8;
	[tilespmem:$0x129C0] =	vst v63  }
0x76: {  	p2 =	seq.s32 s20, $0x63  }
0x77: {  	[tilespmem:s29], [sflag:$0x2] =	stream.indirect.gather [spmem:s2], $0x20, s28, s15, $0xb8;
	[tilespmem:$0x129C0] =	vst v63  }
0x78: {  	s21 =	sshll.u32 @!p2 s20, $0x4  }
0x79: {  	[tilespmem:s31], [sflag:$0x2] =	stream.indirect.gather [spmem:s2], $0x20, s30, s15, $0xb8;
	[tilespmem:$0x129C0] =	vst v63  }
0x7a: {  	s21 =	sadd.s32 @!p2 s21, s9  }
0x7b: {  	[tilespmem:s5], [sflag:$0x2] =	stream.indirect.gather [spmem:s2], $0x20, s0, s15, $0xb8;
	[tilespmem:$0x129C0] =	vst v63  }
0x7c: {  	s21 =	smul.u32 @!p2 $0x64, s21  }
0x7d: {  	[tilespmem:s7], [sflag:$0x2] =	stream.indirect.gather [spmem:s2], $0x20, s6, s15, $0xb8;
	[tilespmem:$0x129C0] =	vst v63  }
0x7e: {  	s21 =	sshrl.u32 @!p2 s21, $0x3  }
0x7f: {  	[tilespmem:s13], [sflag:$0x2] =	stream.indirect.gather [spmem:s2], $0x20, s12, s15, $0xb8;
	[tilespmem:$0x129C0] =	vst v63  }
0x80: {  	s21 =	sadd.s32 @!p2 s4, s21;
	s22 =	simm.s32 @!p2 $0x0  }
0x81: {  	[tilespmem:s22], [sflag:$0x3] =	stream.linear.gather @!p2 [hbm4b:s21+s22], $0x320, $0x38;
	[tilespmem:$0x129C0] =	vst v63  }
0x82: {  	_ =	swait.ge [sflag:s10], $0xA00  }
0x83: {  	[sflag:s10] =	ssyncset.done $0x0  }
0x84: {  	[sflag:s10] =	ssyncadd.s32 $0xFFFFF600  }
0x85: {  	_ =	swait.ge [sflag:s10], $0xA00  }
0x86: {  	[sflag:s10] =	ssyncset.done $0x0  }
0x87: {  	[sflag:s10] =	ssyncadd.s32 $0xFFFFF600  }
0x88: {  	_ =	swait.ge [sflag:s10], $0xA00  }
0x89: {  	[sflag:s10] =	ssyncset.done $0x0  }
0x8a: {  	[sflag:s10] =	ssyncadd.s32 $0xFFFFF600  }
0x8b: {  	_ =	swait.ge [sflag:s10], $0xA00  }
0x8c: {  	[sflag:s10] =	ssyncset.done $0x0  }
0x8d: {  	[sflag:s10] =	ssyncadd.s32 $0xFFFFF600  }
0x8e: {  	_ =	swait.ge [sflag:s10], $0xA00  }
0x8f: {  	[sflag:s10] =	ssyncset.done $0x0  }
0x90: {  	[sflag:s10] =	ssyncadd.s32 $0xFFFFF600  }
0x91: {  	_ =	swait.ge [sflag:s10], $0xA00  }
0x92: {  	[sflag:s10] =	ssyncset.done $0x0  }
0x93: {  	[sflag:s10] =	ssyncadd.s32 $0xFFFFF600  }
0x94: {  	_ =	swait.ge [sflag:s10], $0xA00  }
0x95: {  	[sflag:s10] =	ssyncset.done $0x0  }
0x96: {  	[sflag:s10] =	ssyncadd.s32 $0xFFFFF600  }
0x97: {  	_ =	swait.ge [sflag:s10], $0xA00  }
0x98: {  	[sflag:s10] =	ssyncset.done $0x0  }
0x99: {  	[sflag:s10] =	ssyncadd.s32 $0xFFFFF600  }
0x9a: {  	_ =	swait.ge [sflag:s10], $0xA00  }
0x9b: {  	[sflag:s10] =	ssyncset.done $0x0  }
0x9c: {  	[sflag:s10] =	ssyncadd.s32 $0xFFFFF600  }
0x9d: {  	_ =	swait.ge [sflag:s10], $0xA00  }
0x9e: {  	p1 =	seq.s32 s20, $0x0;
	[sflag:s10] =	ssyncset.done $0x0  }
0x9f: {  	s21 =	simm.s32 @!p1 $0x5;
	[sflag:s10] =	ssyncadd.s32 $0xFFFFF600  }
0xa0: {  	_ =	swait.ge @!p1 [sflag:s21], $0x200  }
0xa1: {  	[sflag:s21] =	ssyncset.done @!p1 $0x0  }
0xa2: {  	s24 =	simm.s32 $0x0;
	[sflag:s21] =	ssyncadd.s32 @!p1 $0xFFFFFE00  }
0xa3: {  	v1 =	vld [tilespmem:s24+$0xFE0]  }
0xa4: {  	v4 =	vld [tilespmem:s24+$0x1000]  }
0xa5: {  	v5 =	vld [tilespmem:s24+$0xFF0]  }
0xa6: {  	v7 =	vld [tilespmem:s24+$0xFA0]  }
0xa7: {  	v8 =	vld [tilespmem:s24+$0xFC0]  }
0xa8: {  	v9 =	vld [tilespmem:s24+$0xFB0]  }
0xa9: {  	v10 =	vld [tilespmem:s24+$0xFD0]  }
0xaa: {  	v11 =	vld [tilespmem:s24+$0x1010]  }
0xab: {  	s22 =	simm.s32 $0x80  }
0xac: {  	v3 =	vld [tilespmem:s22+$0xFE0]  }
0xad: {  	v6 =	vld [tilespmem:s22+$0x1000]  }
0xae: {  	v2 =	vld [tilespmem:s22+$0xFF0];
	v12 =	vadd.bf16 v4, v1;
	v13 =	vadd.bf16 v8, v7  }
0xaf: {  	v7 =	vimm.f32 $0.0e+00;
	v1 =	vld [tilespmem:s22+$0xFA0];
	v10 =	vadd.bf16 v10, v9;
	v8 =	vadd.bf16 v11, v5  }
0xb0: {  	v4 =	vld [tilespmem:s22+$0xFC0];
	v9 =	vunpack.i.u.bf16.f32 v12;
	v11 =	vunpack.i.l.bf16.f32 v12;
	v12 =	vunpack.i.u.bf16.f32 v13  }
0xb1: {  	v5 =	vld [tilespmem:s22+$0xFB0];
	v14 =	vunpack.i.l.bf16.f32 v13;
	v13 =	vunpack.i.u.bf16.f32 v10;
	v16 =	vunpack.i.l.bf16.f32 v10  }
0xb2: {  	s23 =	simm.s32 $0x400;
	s21 =	sshll.u32 s20, $0xA;
	v10 =	vld [tilespmem:s22+$0xFD0];
	v14 =	vadd.f32 v14, v7;
	v15 =	vadd.f32 v12, v7;
	v12 =	vimm.f32 $0.0e+00  }
.LBB2_9:
0xb3: {  	p3 =	sne.s32 s23, $0x3000;
	v17 =	vld [tilespmem:s22+$0x1010];
	s22 =	sshra.s32 s23, $0x2;
	v7 =	vadd.f32 v16, v7;
	v12 =	vadd.f32 v13, v12;
	v13 =	vunpack.i.u.bf16.f32 v8;
	v16 =	vmovc v2  }
0xb4: {  	v2 =	vunpack.i.l.bf16.f32 v8;
	v18 =	vld [tilespmem:s22+$0xFE0];
	v14 =	vadd.f32 v11, v14;
	v15 =	vadd.f32 v9, v15  }
0xb5: {  	v19 =	vld [tilespmem:s22+$0x1000];
	v7 =	vadd.f32 v2, v7;
	v12 =	vadd.f32 v13, v12  }
.Ltmp3:
0xb6: {  	v21 =	vadd.bf16 v6, v3;
	v2 =	vld [tilespmem:s22+$0xFF0];
	(pc) =	sbr.rel @p3 .LBB2_9-.Ltmp3, $4  }
0xb7: {  	v22 =	vadd.bf16 v4, v1;
	v1 =	vld [tilespmem:s22+$0xFA0];
	v20 =	vadd.bf16 v10, v5  }
0xb8: {  	v9 =	vunpack.i.u.bf16.f32 v21;
	v11 =	vunpack.i.l.bf16.f32 v21;
	v4 =	vld [tilespmem:s22+$0xFC0];
	v8 =	vadd.bf16 v17, v16  }
0xb9: {  	v21 =	vunpack.i.l.bf16.f32 v22;
	v17 =	vunpack.i.u.bf16.f32 v22;
	v5 =	vld [tilespmem:s22+$0xFB0];
	v13 =	vunpack.i.u.bf16.f32 v20;
	v3 =	vmovc v18  }
0xba: {  	s23 =	sadd.s32 $0x200, s23;
	v14 =	vadd.f32 v21, v14;
	v16 =	vunpack.i.l.bf16.f32 v20;
	v15 =	vadd.f32 v17, v15;
	v10 =	vld [tilespmem:s22+$0xFD0];
	v6 =	vmovc v19  }
0xbb: {  	v7 =	vadd.f32 v16, v7;
	v12 =	vadd.f32 v13, v12  }
0xbc: {  	v17 =	vld [tilespmem:s22+$0x1010];
	v13 =	vunpack.i.l.bf16.f32 v8;
	v3 =	vadd.bf16 v6, v3;
	v11 =	vadd.f32 v11, v14  }
0xbd: {  	v8 =	vunpack.i.u.bf16.f32 v8;
	v9 =	vadd.f32 v9, v15;
	v1 =	vadd.bf16 v4, v1  }
0xbe: {  	v7 =	vadd.f32 v13, v7;
	v4 =	vadd.f32 v8, v12  }
0xbf: {  	v8 =	vunpack.i.u.bf16.f32 v3;
	v5 =	vadd.bf16 v10, v5;
	v6 =	vunpack.i.l.bf16.f32 v1  }
0xc0: {  	v3 =	vunpack.i.l.bf16.f32 v3;
	v1 =	vunpack.i.u.bf16.f32 v1;
	v6 =	vadd.f32 v6, v11  }
0xc1: {  	v2 =	vadd.bf16 v17, v2;
	v1 =	vadd.f32 v1, v9;
	v10 =	vunpack.i.l.bf16.f32 v5  }
0xc2: {  	v5 =	vunpack.i.u.bf16.f32 v5;
	v7 =	vadd.f32 v10, v7;
	v3 =	vadd.f32 v3, v6  }
0xc3: {  	v4 =	vadd.f32 v5, v4;
	v5 =	vunpack.i.l.bf16.f32 v2;
	v1 =	vadd.f32 v8, v1  }
0xc4: {  	v2 =	vunpack.i.u.bf16.f32 v2;
	v5 =	vadd.f32 v5, v7;
	[tilespmem:$0xD7A0] =	vst v3  }
0xc5: {  	v2 =	vadd.f32 v2, v4;
	[tilespmem:$0xD7B0] =	vst v1  }
0xc6: {  	[tilespmem:$0xD7C0] =	vst v5  }
0xc7: {  	s24 =	simm.s32 $0x0;
	[tilespmem:$0xD7D0] =	vst v2  }
0xc8: {  	v1 =	vld [tilespmem:s24+$0x1C60]  }
0xc9: {  	v4 =	vld [tilespmem:s24+$0x1C80]  }
0xca: {  	v5 =	vld [tilespmem:s24+$0x1C70]  }
0xcb: {  	v7 =	vld [tilespmem:s24+$0x1C20]  }
0xcc: {  	v8 =	vld [tilespmem:s24+$0x1C40]  }
0xcd: {  	v9 =	vld [tilespmem:s24+$0x1C30]  }
0xce: {  	v10 =	vld [tilespmem:s24+$0x1C50]  }
0xcf: {  	v11 =	vld [tilespmem:s24+$0x1C90]  }
0xd0: {  	s22 =	simm.s32 $0x80  }
0xd1: {  	v3 =	vld [tilespmem:s22+$0x1C60]  }
0xd2: {  	v6 =	vld [tilespmem:s22+$0x1C80]  }
0xd3: {  	v2 =	vld [tilespmem:s22+$0x1C70];
	v12 =	vadd.bf16 v4, v1;
	v13 =	vadd.bf16 v8, v7  }
0xd4: {  	v7 =	vimm.f32 $0.0e+00;
	v1 =	vld [tilespmem:s22+$0x1C20];
	v9 =	vadd.bf16 v10, v9;
	v8 =	vadd.bf16 v11, v5  }
0xd5: {  	v4 =	vld [tilespmem:s22+$0x1C40];
	v10 =	vunpack.i.u.bf16.f32 v12;
	v11 =	vunpack.i.l.bf16.f32 v12;
	v12 =	vunpack.i.u.bf16.f32 v13  }
0xd6: {  	v5 =	vld [tilespmem:s22+$0x1C30];
	v14 =	vunpack.i.l.bf16.f32 v13;
	v13 =	vunpack.i.u.bf16.f32 v9;
	v16 =	vunpack.i.l.bf16.f32 v9  }
0xd7: {  	s23 =	simm.s32 $0x400;
	v9 =	vld [tilespmem:s22+$0x1C50];
	v14 =	vadd.f32 v14, v7;
	v15 =	vadd.f32 v12, v7;
	v12 =	vimm.f32 $0.0e+00  }
.LBB2_11:
0xd8: {  	p3 =	sne.s32 s23, $0x3000;
	v17 =	vld [tilespmem:s22+$0x1C90];
	s22 =	sshra.s32 s23, $0x2;
	v7 =	vadd.f32 v16, v7;
	v12 =	vadd.f32 v13, v12;
	v13 =	vunpack.i.u.bf16.f32 v8;
	v16 =	vmovc v2  }
0xd9: {  	v2 =	vunpack.i.l.bf16.f32 v8;
	v18 =	vld [tilespmem:s22+$0x1C60];
	v14 =	vadd.f32 v11, v14;
	v15 =	vadd.f32 v10, v15  }
0xda: {  	v19 =	vld [tilespmem:s22+$0x1C80];
	v7 =	vadd.f32 v2, v7;
	v12 =	vadd.f32 v13, v12  }
.Ltmp4:
0xdb: {  	v21 =	vadd.bf16 v6, v3;
	v2 =	vld [tilespmem:s22+$0x1C70];
	(pc) =	sbr.rel @p3 .LBB2_11-.Ltmp4, $4  }
0xdc: {  	v22 =	vadd.bf16 v4, v1;
	v1 =	vld [tilespmem:s22+$0x1C20];
	v20 =	vadd.bf16 v9, v5  }
0xdd: {  	v10 =	vunpack.i.u.bf16.f32 v21;
	v11 =	vunpack.i.l.bf16.f32 v21;
	v4 =	vld [tilespmem:s22+$0x1C40];
	v8 =	vadd.bf16 v17, v16  }
0xde: {  	v21 =	vunpack.i.l.bf16.f32 v22;
	v17 =	vunpack.i.u.bf16.f32 v22;
	v5 =	vld [tilespmem:s22+$0x1C30];
	v13 =	vunpack.i.u.bf16.f32 v20;
	v3 =	vmovc v18  }
0xdf: {  	s23 =	sadd.s32 $0x200, s23;
	v14 =	vadd.f32 v21, v14;
	v16 =	vunpack.i.l.bf16.f32 v20;
	v15 =	vadd.f32 v17, v15;
	v9 =	vld [tilespmem:s22+$0x1C50];
	v6 =	vmovc v19  }
0xe0: {  	v7 =	vadd.f32 v16, v7;
	v12 =	vadd.f32 v13, v12  }
0xe1: {  	v17 =	vld [tilespmem:s22+$0x1C90];
	v13 =	vunpack.i.l.bf16.f32 v8;
	v3 =	vadd.bf16 v6, v3;
	v11 =	vadd.f32 v11, v14  }
0xe2: {  	v8 =	vunpack.i.u.bf16.f32 v8;
	v10 =	vadd.f32 v10, v15;
	v1 =	vadd.bf16 v4, v1  }
0xe3: {  	v7 =	vadd.f32 v13, v7;
	v4 =	vadd.f32 v8, v12  }
0xe4: {  	v8 =	vunpack.i.u.bf16.f32 v3;
	v5 =	vadd.bf16 v9, v5;
	v6 =	vunpack.i.l.bf16.f32 v1  }
0xe5: {  	v3 =	vunpack.i.l.bf16.f32 v3;
	v1 =	vunpack.i.u.bf16.f32 v1;
	v6 =	vadd.f32 v6, v11  }
0xe6: {  	v2 =	vadd.bf16 v17, v2;
	v1 =	vadd.f32 v1, v10;
	v9 =	vunpack.i.l.bf16.f32 v5  }
0xe7: {  	v5 =	vunpack.i.u.bf16.f32 v5;
	v7 =	vadd.f32 v9, v7;
	v3 =	vadd.f32 v3, v6  }
0xe8: {  	v4 =	vadd.f32 v5, v4;
	v5 =	vunpack.i.l.bf16.f32 v2;
	v1 =	vadd.f32 v8, v1  }
0xe9: {  	v2 =	vunpack.i.u.bf16.f32 v2;
	v5 =	vadd.f32 v5, v7;
	[tilespmem:$0xD7E0] =	vst v3  }
0xea: {  	v2 =	vadd.f32 v2, v4;
	[tilespmem:$0xD7F0] =	vst v1  }
0xeb: {  	[tilespmem:$0xD800] =	vst v5  }
0xec: {  	s24 =	simm.s32 $0x0;
	[tilespmem:$0xD810] =	vst v2  }
0xed: {  	v1 =	vld [tilespmem:s24+$0x28E0]  }
0xee: {  	v4 =	vld [tilespmem:s24+$0x2900]  }
0xef: {  	v5 =	vld [tilespmem:s24+$0x28F0]  }
0xf0: {  	v7 =	vld [tilespmem:s24+$0x28A0]  }
0xf1: {  	v8 =	vld [tilespmem:s24+$0x28C0]  }
0xf2: {  	v9 =	vld [tilespmem:s24+$0x28B0]  }
0xf3: {  	v10 =	vld [tilespmem:s24+$0x28D0]  }
0xf4: {  	v11 =	vld [tilespmem:s24+$0x2910]  }
0xf5: {  	s22 =	simm.s32 $0x80  }
0xf6: {  	v3 =	vld [tilespmem:s22+$0x28E0]  }
0xf7: {  	v6 =	vld [tilespmem:s22+$0x2900]  }
0xf8: {  	v2 =	vld [tilespmem:s22+$0x28F0];
	v12 =	vadd.bf16 v4, v1;
	v13 =	vadd.bf16 v8, v7  }
0xf9: {  	v7 =	vimm.f32 $0.0e+00;
	v1 =	vld [tilespmem:s22+$0x28A0];
	v9 =	vadd.bf16 v10, v9;
	v8 =	vadd.bf16 v11, v5  }
0xfa: {  	v4 =	vld [tilespmem:s22+$0x28C0];
	v10 =	vunpack.i.u.bf16.f32 v12;
	v11 =	vunpack.i.l.bf16.f32 v12;
	v12 =	vunpack.i.u.bf16.f32 v13  }
0xfb: {  	v5 =	vld [tilespmem:s22+$0x28B0];
	v14 =	vunpack.i.l.bf16.f32 v13;
	v13 =	vunpack.i.u.bf16.f32 v9;
	v16 =	vunpack.i.l.bf16.f32 v9  }
0xfc: {  	s23 =	simm.s32 $0x400;
	v9 =	vld [tilespmem:s22+$0x28D0];
	v14 =	vadd.f32 v14, v7;
	v15 =	vadd.f32 v12, v7;
	v12 =	vimm.f32 $0.0e+00  }
.LBB2_13:
0xfd: {  	p3 =	sne.s32 s23, $0x3000;
	v17 =	vld [tilespmem:s22+$0x2910];
	s22 =	sshra.s32 s23, $0x2;
	v7 =	vadd.f32 v16, v7;
	v12 =	vadd.f32 v13, v12;
	v13 =	vunpack.i.u.bf16.f32 v8;
	v16 =	vmovc v2  }
0xfe: {  	v2 =	vunpack.i.l.bf16.f32 v8;
	v18 =	vld [tilespmem:s22+$0x28E0];
	v14 =	vadd.f32 v11, v14;
	v15 =	vadd.f32 v10, v15  }
0xff: {  	v19 =	vld [tilespmem:s22+$0x2900];
	v7 =	vadd.f32 v2, v7;
	v12 =	vadd.f32 v13, v12  }
.Ltmp5:
0x100: {  	v21 =	vadd.bf16 v6, v3;
	v2 =	vld [tilespmem:s22+$0x28F0];
	(pc) =	sbr.rel @p3 .LBB2_13-.Ltmp5, $4  }
0x101: {  	v22 =	vadd.bf16 v4, v1;
	v1 =	vld [tilespmem:s22+$0x28A0];
	v20 =	vadd.bf16 v9, v5  }
0x102: {  	v10 =	vunpack.i.u.bf16.f32 v21;
	v11 =	vunpack.i.l.bf16.f32 v21;
	v4 =	vld [tilespmem:s22+$0x28C0];
	v8 =	vadd.bf16 v17, v16  }
0x103: {  	v21 =	vunpack.i.l.bf16.f32 v22;
	v17 =	vunpack.i.u.bf16.f32 v22;
	v5 =	vld [tilespmem:s22+$0x28B0];
	v13 =	vunpack.i.u.bf16.f32 v20;
	v3 =	vmovc v18  }
0x104: {  	s23 =	sadd.s32 $0x200, s23;
	v14 =	vadd.f32 v21, v14;
	v16 =	vunpack.i.l.bf16.f32 v20;
	v15 =	vadd.f32 v17, v15;
	v9 =	vld [tilespmem:s22+$0x28D0];
	v6 =	vmovc v19  }
0x105: {  	v7 =	vadd.f32 v16, v7;
	v12 =	vadd.f32 v13, v12  }
0x106: {  	v17 =	vld [tilespmem:s22+$0x2910];
	v13 =	vunpack.i.l.bf16.f32 v8;
	v3 =	vadd.bf16 v6, v3;
	v11 =	vadd.f32 v11, v14  }
0x107: {  	v8 =	vunpack.i.u.bf16.f32 v8;
	v10 =	vadd.f32 v10, v15;
	v1 =	vadd.bf16 v4, v1  }
0x108: {  	v7 =	vadd.f32 v13, v7;
	v4 =	vadd.f32 v8, v12  }
0x109: {  	v8 =	vunpack.i.u.bf16.f32 v3;
	v5 =	vadd.bf16 v9, v5;
	v6 =	vunpack.i.l.bf16.f32 v1  }
0x10a: {  	v3 =	vunpack.i.l.bf16.f32 v3;
	v1 =	vunpack.i.u.bf16.f32 v1;
	v6 =	vadd.f32 v6, v11  }
0x10b: {  	v2 =	vadd.bf16 v17, v2;
	v1 =	vadd.f32 v1, v10;
	v9 =	vunpack.i.l.bf16.f32 v5  }
0x10c: {  	v5 =	vunpack.i.u.bf16.f32 v5;
	v7 =	vadd.f32 v9, v7;
	v3 =	vadd.f32 v3, v6  }
0x10d: {  	v4 =	vadd.f32 v5, v4;
	v5 =	vunpack.i.l.bf16.f32 v2;
	v1 =	vadd.f32 v8, v1  }
0x10e: {  	v2 =	vunpack.i.u.bf16.f32 v2;
	v5 =	vadd.f32 v5, v7;
	[tilespmem:$0xD820] =	vst v3  }
0x10f: {  	v2 =	vadd.f32 v2, v4;
	[tilespmem:$0xD830] =	vst v1  }
0x110: {  	[tilespmem:$0xD840] =	vst v5  }
0x111: {  	s24 =	simm.s32 $0x0;
	[tilespmem:$0xD850] =	vst v2  }
0x112: {  	v1 =	vld [tilespmem:s24+$0x3560]  }
0x113: {  	v4 =	vld [tilespmem:s24+$0x3580]  }
0x114: {  	v5 =	vld [tilespmem:s24+$0x3570]  }
0x115: {  	v7 =	vld [tilespmem:s24+$0x3520]  }
0x116: {  	v8 =	vld [tilespmem:s24+$0x3540]  }
0x117: {  	v9 =	vld [tilespmem:s24+$0x3530]  }
0x118: {  	v10 =	vld [tilespmem:s24+$0x3550]  }
0x119: {  	v11 =	vld [tilespmem:s24+$0x3590]  }
0x11a: {  	s22 =	simm.s32 $0x80  }
0x11b: {  	v3 =	vld [tilespmem:s22+$0x3560]  }
0x11c: {  	v6 =	vld [tilespmem:s22+$0x3580]  }
0x11d: {  	v2 =	vld [tilespmem:s22+$0x3570];
	v12 =	vadd.bf16 v4, v1;
	v13 =	vadd.bf16 v8, v7  }
0x11e: {  	v7 =	vimm.f32 $0.0e+00;
	v1 =	vld [tilespmem:s22+$0x3520];
	v9 =	vadd.bf16 v10, v9;
	v8 =	vadd.bf16 v11, v5  }
0x11f: {  	v4 =	vld [tilespmem:s22+$0x3540];
	v10 =	vunpack.i.u.bf16.f32 v12;
	v11 =	vunpack.i.l.bf16.f32 v12;
	v12 =	vunpack.i.u.bf16.f32 v13  }
0x120: {  	v5 =	vld [tilespmem:s22+$0x3530];
	v14 =	vunpack.i.l.bf16.f32 v13;
	v13 =	vunpack.i.u.bf16.f32 v9;
	v16 =	vunpack.i.l.bf16.f32 v9  }
0x121: {  	s23 =	simm.s32 $0x400;
	v9 =	vld [tilespmem:s22+$0x3550];
	v14 =	vadd.f32 v14, v7;
	v15 =	vadd.f32 v12, v7;
	v12 =	vimm.f32 $0.0e+00  }
.LBB2_15:
0x122: {  	p3 =	sne.s32 s23, $0x3000;
	v17 =	vld [tilespmem:s22+$0x3590];
	s22 =	sshra.s32 s23, $0x2;
	v7 =	vadd.f32 v16, v7;
	v12 =	vadd.f32 v13, v12;
	v13 =	vunpack.i.u.bf16.f32 v8;
	v16 =	vmovc v2  }
0x123: {  	v2 =	vunpack.i.l.bf16.f32 v8;
	v18 =	vld [tilespmem:s22+$0x3560];
	v14 =	vadd.f32 v11, v14;
	v15 =	vadd.f32 v10, v15  }
0x124: {  	v19 =	vld [tilespmem:s22+$0x3580];
	v7 =	vadd.f32 v2, v7;
	v12 =	vadd.f32 v13, v12  }
.Ltmp6:
0x125: {  	v21 =	vadd.bf16 v6, v3;
	v2 =	vld [tilespmem:s22+$0x3570];
	(pc) =	sbr.rel @p3 .LBB2_15-.Ltmp6, $4  }
0x126: {  	v22 =	vadd.bf16 v4, v1;
	v1 =	vld [tilespmem:s22+$0x3520];
	v20 =	vadd.bf16 v9, v5  }
0x127: {  	v10 =	vunpack.i.u.bf16.f32 v21;
	v11 =	vunpack.i.l.bf16.f32 v21;
	v4 =	vld [tilespmem:s22+$0x3540];
	v8 =	vadd.bf16 v17, v16  }
0x128: {  	v21 =	vunpack.i.l.bf16.f32 v22;
	v17 =	vunpack.i.u.bf16.f32 v22;
	v5 =	vld [tilespmem:s22+$0x3530];
	v13 =	vunpack.i.u.bf16.f32 v20;
	v3 =	vmovc v18  }
0x129: {  	s23 =	sadd.s32 $0x200, s23;
	v14 =	vadd.f32 v21, v14;
	v16 =	vunpack.i.l.bf16.f32 v20;
	v15 =	vadd.f32 v17, v15;
	v9 =	vld [tilespmem:s22+$0x3550];
	v6 =	vmovc v19  }
0x12a: {  	v7 =	vadd.f32 v16, v7;
	v12 =	vadd.f32 v13, v12  }
0x12b: {  	v17 =	vld [tilespmem:s22+$0x3590];
	v13 =	vunpack.i.l.bf16.f32 v8;
	v3 =	vadd.bf16 v6, v3;
	v11 =	vadd.f32 v11, v14  }
0x12c: {  	v8 =	vunpack.i.u.bf16.f32 v8;
	v10 =	vadd.f32 v10, v15;
	v1 =	vadd.bf16 v4, v1  }
0x12d: {  	v7 =	vadd.f32 v13, v7;
	v4 =	vadd.f32 v8, v12  }
0x12e: {  	v8 =	vunpack.i.u.bf16.f32 v3;
	v5 =	vadd.bf16 v9, v5;
	v6 =	vunpack.i.l.bf16.f32 v1  }
0x12f: {  	v3 =	vunpack.i.l.bf16.f32 v3;
	v1 =	vunpack.i.u.bf16.f32 v1;
	v6 =	vadd.f32 v6, v11  }
0x130: {  	v2 =	vadd.bf16 v17, v2;
	v1 =	vadd.f32 v1, v10;
	v9 =	vunpack.i.l.bf16.f32 v5  }
0x131: {  	v5 =	vunpack.i.u.bf16.f32 v5;
	v7 =	vadd.f32 v9, v7;
	v3 =	vadd.f32 v3, v6  }
0x132: {  	v4 =	vadd.f32 v5, v4;
	v5 =	vunpack.i.l.bf16.f32 v2;
	v1 =	vadd.f32 v8, v1  }
0x133: {  	v2 =	vunpack.i.u.bf16.f32 v2;
	v5 =	vadd.f32 v5, v7;
	[tilespmem:$0xD860] =	vst v3  }
0x134: {  	v2 =	vadd.f32 v2, v4;
	[tilespmem:$0xD870] =	vst v1  }
0x135: {  	[tilespmem:$0xD880] =	vst v5  }
0x136: {  	s24 =	simm.s32 $0x0;
	[tilespmem:$0xD890] =	vst v2  }
0x137: {  	v1 =	vld [tilespmem:s24+$0x41E0]  }
0x138: {  	v4 =	vld [tilespmem:s24+$0x4200]  }
0x139: {  	v5 =	vld [tilespmem:s24+$0x41F0]  }
0x13a: {  	v7 =	vld [tilespmem:s24+$0x41A0]  }
0x13b: {  	v8 =	vld [tilespmem:s24+$0x41C0]  }
0x13c: {  	v9 =	vld [tilespmem:s24+$0x41B0]  }
0x13d: {  	v10 =	vld [tilespmem:s24+$0x41D0]  }
0x13e: {  	v11 =	vld [tilespmem:s24+$0x4210]  }
0x13f: {  	s22 =	simm.s32 $0x80  }
0x140: {  	v3 =	vld [tilespmem:s22+$0x41E0]  }
0x141: {  	v6 =	vld [tilespmem:s22+$0x4200]  }
0x142: {  	v2 =	vld [tilespmem:s22+$0x41F0];
	v12 =	vadd.bf16 v4, v1;
	v13 =	vadd.bf16 v8, v7  }
0x143: {  	v7 =	vimm.f32 $0.0e+00;
	v1 =	vld [tilespmem:s22+$0x41A0];
	v9 =	vadd.bf16 v10, v9;
	v8 =	vadd.bf16 v11, v5  }
0x144: {  	v4 =	vld [tilespmem:s22+$0x41C0];
	v10 =	vunpack.i.u.bf16.f32 v12;
	v11 =	vunpack.i.l.bf16.f32 v12;
	v12 =	vunpack.i.u.bf16.f32 v13  }
0x145: {  	v5 =	vld [tilespmem:s22+$0x41B0];
	v14 =	vunpack.i.l.bf16.f32 v13;
	v13 =	vunpack.i.u.bf16.f32 v9;
	v16 =	vunpack.i.l.bf16.f32 v9  }
0x146: {  	s23 =	simm.s32 $0x400;
	v9 =	vld [tilespmem:s22+$0x41D0];
	v14 =	vadd.f32 v14, v7;
	v15 =	vadd.f32 v12, v7;
	v12 =	vimm.f32 $0.0e+00  }
.LBB2_17:
0x147: {  	p3 =	sne.s32 s23, $0x3000;
	v17 =	vld [tilespmem:s22+$0x4210];
	s22 =	sshra.s32 s23, $0x2;
	v7 =	vadd.f32 v16, v7;
	v12 =	vadd.f32 v13, v12;
	v13 =	vunpack.i.u.bf16.f32 v8;
	v16 =	vmovc v2  }
0x148: {  	v2 =	vunpack.i.l.bf16.f32 v8;
	v18 =	vld [tilespmem:s22+$0x41E0];
	v14 =	vadd.f32 v11, v14;
	v15 =	vadd.f32 v10, v15  }
0x149: {  	v19 =	vld [tilespmem:s22+$0x4200];
	v7 =	vadd.f32 v2, v7;
	v12 =	vadd.f32 v13, v12  }
.Ltmp7:
0x14a: {  	v21 =	vadd.bf16 v6, v3;
	v2 =	vld [tilespmem:s22+$0x41F0];
	(pc) =	sbr.rel @p3 .LBB2_17-.Ltmp7, $4  }
0x14b: {  	v22 =	vadd.bf16 v4, v1;
	v1 =	vld [tilespmem:s22+$0x41A0];
	v20 =	vadd.bf16 v9, v5  }
0x14c: {  	v10 =	vunpack.i.u.bf16.f32 v21;
	v11 =	vunpack.i.l.bf16.f32 v21;
	v4 =	vld [tilespmem:s22+$0x41C0];
	v8 =	vadd.bf16 v17, v16  }
0x14d: {  	v21 =	vunpack.i.l.bf16.f32 v22;
	v17 =	vunpack.i.u.bf16.f32 v22;
	v5 =	vld [tilespmem:s22+$0x41B0];
	v13 =	vunpack.i.u.bf16.f32 v20;
	v3 =	vmovc v18  }
0x14e: {  	s23 =	sadd.s32 $0x200, s23;
	v14 =	vadd.f32 v21, v14;
	v16 =	vunpack.i.l.bf16.f32 v20;
	v15 =	vadd.f32 v17, v15;
	v9 =	vld [tilespmem:s22+$0x41D0];
	v6 =	vmovc v19  }
0x14f: {  	v7 =	vadd.f32 v16, v7;
	v12 =	vadd.f32 v13, v12  }
0x150: {  	v17 =	vld [tilespmem:s22+$0x4210];
	v13 =	vunpack.i.l.bf16.f32 v8;
	v3 =	vadd.bf16 v6, v3;
	v11 =	vadd.f32 v11, v14  }
0x151: {  	v8 =	vunpack.i.u.bf16.f32 v8;
	v10 =	vadd.f32 v10, v15;
	v1 =	vadd.bf16 v4, v1  }
0x152: {  	v7 =	vadd.f32 v13, v7;
	v4 =	vadd.f32 v8, v12  }
0x153: {  	v8 =	vunpack.i.u.bf16.f32 v3;
	v5 =	vadd.bf16 v9, v5;
	v6 =	vunpack.i.l.bf16.f32 v1  }
0x154: {  	v3 =	vunpack.i.l.bf16.f32 v3;
	v1 =	vunpack.i.u.bf16.f32 v1;
	v6 =	vadd.f32 v6, v11  }
0x155: {  	v2 =	vadd.bf16 v17, v2;
	v1 =	vadd.f32 v1, v10;
	v9 =	vunpack.i.l.bf16.f32 v5  }
0x156: {  	v5 =	vunpack.i.u.bf16.f32 v5;
	v7 =	vadd.f32 v9, v7;
	v3 =	vadd.f32 v3, v6  }
0x157: {  	v4 =	vadd.f32 v5, v4;
	v5 =	vunpack.i.l.bf16.f32 v2;
	v1 =	vadd.f32 v8, v1  }
0x158: {  	v2 =	vunpack.i.u.bf16.f32 v2;
	v5 =	vadd.f32 v5, v7;
	[tilespmem:$0xD8A0] =	vst v3  }
0x159: {  	v2 =	vadd.f32 v2, v4;
	[tilespmem:$0xD8B0] =	vst v1  }
0x15a: {  	[tilespmem:$0xD8C0] =	vst v5  }
0x15b: {  	s24 =	simm.s32 $0x0;
	[tilespmem:$0xD8D0] =	vst v2  }
0x15c: {  	v1 =	vld [tilespmem:s24+$0x4E60]  }
0x15d: {  	v4 =	vld [tilespmem:s24+$0x4E80]  }
0x15e: {  	v5 =	vld [tilespmem:s24+$0x4E70]  }
0x15f: {  	v7 =	vld [tilespmem:s24+$0x4E20]  }
0x160: {  	v8 =	vld [tilespmem:s24+$0x4E40]  }
0x161: {  	v9 =	vld [tilespmem:s24+$0x4E30]  }
0x162: {  	v10 =	vld [tilespmem:s24+$0x4E50]  }
0x163: {  	v11 =	vld [tilespmem:s24+$0x4E90]  }
0x164: {  	s22 =	simm.s32 $0x80  }
0x165: {  	v3 =	vld [tilespmem:s22+$0x4E60]  }
0x166: {  	v6 =	vld [tilespmem:s22+$0x4E80]  }
0x167: {  	v2 =	vld [tilespmem:s22+$0x4E70];
	v12 =	vadd.bf16 v4, v1;
	v13 =	vadd.bf16 v8, v7  }
0x168: {  	v7 =	vimm.f32 $0.0e+00;
	v1 =	vld [tilespmem:s22+$0x4E20];
	v9 =	vadd.bf16 v10, v9;
	v8 =	vadd.bf16 v11, v5  }
0x169: {  	v4 =	vld [tilespmem:s22+$0x4E40];
	v10 =	vunpack.i.u.bf16.f32 v12;
	v11 =	vunpack.i.l.bf16.f32 v12;
	v12 =	vunpack.i.u.bf16.f32 v13  }
0x16a: {  	v5 =	vld [tilespmem:s22+$0x4E30];
	v14 =	vunpack.i.l.bf16.f32 v13;
	v13 =	vunpack.i.u.bf16.f32 v9;
	v16 =	vunpack.i.l.bf16.f32 v9  }
0x16b: {  	s23 =	simm.s32 $0x400;
	v9 =	vld [tilespmem:s22+$0x4E50];
	v14 =	vadd.f32 v14, v7;
	v15 =	vadd.f32 v12, v7;
	v12 =	vimm.f32 $0.0e+00  }
.LBB2_19:
0x16c: {  	p3 =	sne.s32 s23, $0x3000;
	v17 =	vld [tilespmem:s22+$0x4E90];
	s22 =	sshra.s32 s23, $0x2;
	v7 =	vadd.f32 v16, v7;
	v12 =	vadd.f32 v13, v12;
	v13 =	vunpack.i.u.bf16.f32 v8;
	v16 =	vmovc v2  }
0x16d: {  	v2 =	vunpack.i.l.bf16.f32 v8;
	v18 =	vld [tilespmem:s22+$0x4E60];
	v14 =	vadd.f32 v11, v14;
	v15 =	vadd.f32 v10, v15  }
0x16e: {  	v19 =	vld [tilespmem:s22+$0x4E80];
	v7 =	vadd.f32 v2, v7;
	v12 =	vadd.f32 v13, v12  }
.Ltmp8:
0x16f: {  	v21 =	vadd.bf16 v6, v3;
	v2 =	vld [tilespmem:s22+$0x4E70];
	(pc) =	sbr.rel @p3 .LBB2_19-.Ltmp8, $4  }
0x170: {  	v22 =	vadd.bf16 v4, v1;
	v1 =	vld [tilespmem:s22+$0x4E20];
	v20 =	vadd.bf16 v9, v5  }
0x171: {  	v10 =	vunpack.i.u.bf16.f32 v21;
	v11 =	vunpack.i.l.bf16.f32 v21;
	v4 =	vld [tilespmem:s22+$0x4E40];
	v8 =	vadd.bf16 v17, v16  }
0x172: {  	v21 =	vunpack.i.l.bf16.f32 v22;
	v17 =	vunpack.i.u.bf16.f32 v22;
	v5 =	vld [tilespmem:s22+$0x4E30];
	v13 =	vunpack.i.u.bf16.f32 v20;
	v3 =	vmovc v18  }
0x173: {  	s23 =	sadd.s32 $0x200, s23;
	v14 =	vadd.f32 v21, v14;
	v16 =	vunpack.i.l.bf16.f32 v20;
	v15 =	vadd.f32 v17, v15;
	v9 =	vld [tilespmem:s22+$0x4E50];
	v6 =	vmovc v19  }
0x174: {  	v7 =	vadd.f32 v16, v7;
	v12 =	vadd.f32 v13, v12  }
0x175: {  	v17 =	vld [tilespmem:s22+$0x4E90];
	v13 =	vunpack.i.l.bf16.f32 v8;
	v3 =	vadd.bf16 v6, v3;
	v11 =	vadd.f32 v11, v14  }
0x176: {  	v8 =	vunpack.i.u.bf16.f32 v8;
	v10 =	vadd.f32 v10, v15;
	v1 =	vadd.bf16 v4, v1  }
0x177: {  	v7 =	vadd.f32 v13, v7;
	v4 =	vadd.f32 v8, v12  }
0x178: {  	v8 =	vunpack.i.u.bf16.f32 v3;
	v5 =	vadd.bf16 v9, v5;
	v6 =	vunpack.i.l.bf16.f32 v1  }
0x179: {  	v3 =	vunpack.i.l.bf16.f32 v3;
	v1 =	vunpack.i.u.bf16.f32 v1;
	v6 =	vadd.f32 v6, v11  }
0x17a: {  	v2 =	vadd.bf16 v17, v2;
	v1 =	vadd.f32 v1, v10;
	v9 =	vunpack.i.l.bf16.f32 v5  }
0x17b: {  	v5 =	vunpack.i.u.bf16.f32 v5;
	v7 =	vadd.f32 v9, v7;
	v3 =	vadd.f32 v3, v6  }
0x17c: {  	v4 =	vadd.f32 v5, v4;
	v5 =	vunpack.i.l.bf16.f32 v2;
	v1 =	vadd.f32 v8, v1  }
0x17d: {  	v2 =	vunpack.i.u.bf16.f32 v2;
	v5 =	vadd.f32 v5, v7;
	[tilespmem:$0xD8E0] =	vst v3  }
0x17e: {  	v2 =	vadd.f32 v2, v4;
	[tilespmem:$0xD8F0] =	vst v1  }
0x17f: {  	[tilespmem:$0xD900] =	vst v5  }
0x180: {  	s24 =	simm.s32 $0x0;
	[tilespmem:$0xD910] =	vst v2  }
0x181: {  	v1 =	vld [tilespmem:s24+$0x5AE0]  }
0x182: {  	v4 =	vld [tilespmem:s24+$0x5B00]  }
0x183: {  	v5 =	vld [tilespmem:s24+$0x5AF0]  }
0x184: {  	v7 =	vld [tilespmem:s24+$0x5AA0]  }
0x185: {  	v8 =	vld [tilespmem:s24+$0x5AC0]  }
0x186: {  	v9 =	vld [tilespmem:s24+$0x5AB0]  }
0x187: {  	v10 =	vld [tilespmem:s24+$0x5AD0]  }
0x188: {  	v11 =	vld [tilespmem:s24+$0x5B10]  }
0x189: {  	s22 =	simm.s32 $0x80  }
0x18a: {  	v3 =	vld [tilespmem:s22+$0x5AE0]  }
0x18b: {  	v6 =	vld [tilespmem:s22+$0x5B00]  }
0x18c: {  	v2 =	vld [tilespmem:s22+$0x5AF0];
	v12 =	vadd.bf16 v4, v1;
	v13 =	vadd.bf16 v8, v7  }
0x18d: {  	v7 =	vimm.f32 $0.0e+00;
	v1 =	vld [tilespmem:s22+$0x5AA0];
	v9 =	vadd.bf16 v10, v9;
	v8 =	vadd.bf16 v11, v5  }
0x18e: {  	v4 =	vld [tilespmem:s22+$0x5AC0];
	v10 =	vunpack.i.u.bf16.f32 v12;
	v11 =	vunpack.i.l.bf16.f32 v12;
	v12 =	vunpack.i.u.bf16.f32 v13  }
0x18f: {  	v5 =	vld [tilespmem:s22+$0x5AB0];
	v14 =	vunpack.i.l.bf16.f32 v13;
	v13 =	vunpack.i.u.bf16.f32 v9;
	v16 =	vunpack.i.l.bf16.f32 v9  }
0x190: {  	s23 =	simm.s32 $0x400;
	v9 =	vld [tilespmem:s22+$0x5AD0];
	v14 =	vadd.f32 v14, v7;
	v15 =	vadd.f32 v12, v7;
	v12 =	vimm.f32 $0.0e+00  }
.LBB2_21:
0x191: {  	p3 =	sne.s32 s23, $0x3000;
	v17 =	vld [tilespmem:s22+$0x5B10];
	s22 =	sshra.s32 s23, $0x2;
	v7 =	vadd.f32 v16, v7;
	v12 =	vadd.f32 v13, v12;
	v13 =	vunpack.i.u.bf16.f32 v8;
	v16 =	vmovc v2  }
0x192: {  	v2 =	vunpack.i.l.bf16.f32 v8;
	v18 =	vld [tilespmem:s22+$0x5AE0];
	v14 =	vadd.f32 v11, v14;
	v15 =	vadd.f32 v10, v15  }
0x193: {  	v19 =	vld [tilespmem:s22+$0x5B00];
	v7 =	vadd.f32 v2, v7;
	v12 =	vadd.f32 v13, v12  }
.Ltmp9:
0x194: {  	v21 =	vadd.bf16 v6, v3;
	v2 =	vld [tilespmem:s22+$0x5AF0];
	(pc) =	sbr.rel @p3 .LBB2_21-.Ltmp9, $4  }
0x195: {  	v22 =	vadd.bf16 v4, v1;
	v1 =	vld [tilespmem:s22+$0x5AA0];
	v20 =	vadd.bf16 v9, v5  }
0x196: {  	v10 =	vunpack.i.u.bf16.f32 v21;
	v11 =	vunpack.i.l.bf16.f32 v21;
	v4 =	vld [tilespmem:s22+$0x5AC0];
	v8 =	vadd.bf16 v17, v16  }
0x197: {  	v21 =	vunpack.i.l.bf16.f32 v22;
	v17 =	vunpack.i.u.bf16.f32 v22;
	v5 =	vld [tilespmem:s22+$0x5AB0];
	v13 =	vunpack.i.u.bf16.f32 v20;
	v3 =	vmovc v18  }
0x198: {  	s23 =	sadd.s32 $0x200, s23;
	v14 =	vadd.f32 v21, v14;
	v16 =	vunpack.i.l.bf16.f32 v20;
	v15 =	vadd.f32 v17, v15;
	v9 =	vld [tilespmem:s22+$0x5AD0];
	v6 =	vmovc v19  }
0x199: {  	v7 =	vadd.f32 v16, v7;
	v12 =	vadd.f32 v13, v12  }
0x19a: {  	v17 =	vld [tilespmem:s22+$0x5B10];
	v13 =	vunpack.i.l.bf16.f32 v8;
	v3 =	vadd.bf16 v6, v3;
	v11 =	vadd.f32 v11, v14  }
0x19b: {  	v8 =	vunpack.i.u.bf16.f32 v8;
	v10 =	vadd.f32 v10, v15;
	v1 =	vadd.bf16 v4, v1  }
0x19c: {  	v7 =	vadd.f32 v13, v7;
	v4 =	vadd.f32 v8, v12  }
0x19d: {  	v8 =	vunpack.i.u.bf16.f32 v3;
	v5 =	vadd.bf16 v9, v5;
	v6 =	vunpack.i.l.bf16.f32 v1  }
0x19e: {  	v3 =	vunpack.i.l.bf16.f32 v3;
	v1 =	vunpack.i.u.bf16.f32 v1;
	v6 =	vadd.f32 v6, v11  }
0x19f: {  	v2 =	vadd.bf16 v17, v2;
	v1 =	vadd.f32 v1, v10;
	v9 =	vunpack.i.l.bf16.f32 v5  }
0x1a0: {  	v5 =	vunpack.i.u.bf16.f32 v5;
	v7 =	vadd.f32 v9, v7;
	v3 =	vadd.f32 v3, v6  }
0x1a1: {  	v4 =	vadd.f32 v5, v4;
	v5 =	vunpack.i.l.bf16.f32 v2;
	v1 =	vadd.f32 v8, v1  }
0x1a2: {  	v2 =	vunpack.i.u.bf16.f32 v2;
	v5 =	vadd.f32 v5, v7;
	[tilespmem:$0xD920] =	vst v3  }
0x1a3: {  	v2 =	vadd.f32 v2, v4;
	[tilespmem:$0xD930] =	vst v1  }
0x1a4: {  	[tilespmem:$0xD940] =	vst v5  }
0x1a5: {  	s24 =	simm.s32 $0x0;
	[tilespmem:$0xD950] =	vst v2  }
0x1a6: {  	v1 =	vld [tilespmem:s24+$0x6760]  }
0x1a7: {  	v4 =	vld [tilespmem:s24+$0x6780]  }
0x1a8: {  	v5 =	vld [tilespmem:s24+$0x6770]  }
0x1a9: {  	v7 =	vld [tilespmem:s24+$0x6720]  }
0x1aa: {  	v8 =	vld [tilespmem:s24+$0x6740]  }
0x1ab: {  	v9 =	vld [tilespmem:s24+$0x6730]  }
0x1ac: {  	v10 =	vld [tilespmem:s24+$0x6750]  }
0x1ad: {  	v11 =	vld [tilespmem:s24+$0x6790]  }
0x1ae: {  	s22 =	simm.s32 $0x80  }
0x1af: {  	v3 =	vld [tilespmem:s22+$0x6760]  }
0x1b0: {  	v6 =	vld [tilespmem:s22+$0x6780]  }
0x1b1: {  	v2 =	vld [tilespmem:s22+$0x6770];
	v12 =	vadd.bf16 v4, v1;
	v13 =	vadd.bf16 v8, v7  }
0x1b2: {  	v7 =	vimm.f32 $0.0e+00;
	v1 =	vld [tilespmem:s22+$0x6720];
	v9 =	vadd.bf16 v10, v9;
	v8 =	vadd.bf16 v11, v5  }
0x1b3: {  	v4 =	vld [tilespmem:s22+$0x6740];
	v10 =	vunpack.i.u.bf16.f32 v12;
	v11 =	vunpack.i.l.bf16.f32 v12;
	v12 =	vunpack.i.u.bf16.f32 v13  }
0x1b4: {  	v5 =	vld [tilespmem:s22+$0x6730];
	v14 =	vunpack.i.l.bf16.f32 v13;
	v13 =	vunpack.i.u.bf16.f32 v9;
	v16 =	vunpack.i.l.bf16.f32 v9  }
0x1b5: {  	s23 =	simm.s32 $0x400;
	v9 =	vld [tilespmem:s22+$0x6750];
	v14 =	vadd.f32 v14, v7;
	v15 =	vadd.f32 v12, v7;
	v12 =	vimm.f32 $0.0e+00  }
.LBB2_23:
0x1b6: {  	p3 =	sne.s32 s23, $0x3000;
	v17 =	vld [tilespmem:s22+$0x6790];
	s22 =	sshra.s32 s23, $0x2;
	v7 =	vadd.f32 v16, v7;
	v12 =	vadd.f32 v13, v12;
	v13 =	vunpack.i.u.bf16.f32 v8;
	v16 =	vmovc v2  }
0x1b7: {  	v2 =	vunpack.i.l.bf16.f32 v8;
	v18 =	vld [tilespmem:s22+$0x6760];
	v14 =	vadd.f32 v11, v14;
	v15 =	vadd.f32 v10, v15  }
0x1b8: {  	v19 =	vld [tilespmem:s22+$0x6780];
	v7 =	vadd.f32 v2, v7;
	v12 =	vadd.f32 v13, v12  }
.Ltmp10:
0x1b9: {  	v21 =	vadd.bf16 v6, v3;
	v2 =	vld [tilespmem:s22+$0x6770];
	(pc) =	sbr.rel @p3 .LBB2_23-.Ltmp10, $4  }
0x1ba: {  	v22 =	vadd.bf16 v4, v1;
	v1 =	vld [tilespmem:s22+$0x6720];
	v20 =	vadd.bf16 v9, v5  }
0x1bb: {  	v10 =	vunpack.i.u.bf16.f32 v21;
	v11 =	vunpack.i.l.bf16.f32 v21;
	v4 =	vld [tilespmem:s22+$0x6740];
	v8 =	vadd.bf16 v17, v16  }
0x1bc: {  	v21 =	vunpack.i.l.bf16.f32 v22;
	v17 =	vunpack.i.u.bf16.f32 v22;
	v5 =	vld [tilespmem:s22+$0x6730];
	v13 =	vunpack.i.u.bf16.f32 v20;
	v3 =	vmovc v18  }
0x1bd: {  	s23 =	sadd.s32 $0x200, s23;
	v14 =	vadd.f32 v21, v14;
	v16 =	vunpack.i.l.bf16.f32 v20;
	v15 =	vadd.f32 v17, v15;
	v9 =	vld [tilespmem:s22+$0x6750];
	v6 =	vmovc v19  }
0x1be: {  	v7 =	vadd.f32 v16, v7;
	v12 =	vadd.f32 v13, v12  }
0x1bf: {  	v17 =	vld [tilespmem:s22+$0x6790];
	v58 =	vunpack.i.l.bf16.f32 v8;
	v3 =	vadd.bf16 v6, v3;
	v11 =	vadd.f32 v11, v14  }
0x1c0: {  	v59 =	vunpack.i.u.bf16.f32 v8;
	v10 =	vadd.f32 v10, v15;
	v1 =	vadd.bf16 v4, v1  }
0x1c1: {  	v7 =	vadd.f32 v58, v7;
	v60 =	vadd.f32 v59, v12  }
0x1c2: {  	v62 =	vunpack.i.u.bf16.f32 v3;
	v5 =	vadd.bf16 v9, v5;
	v61 =	vunpack.i.l.bf16.f32 v1  }
0x1c3: {  	v3 =	vunpack.i.l.bf16.f32 v3;
	v1 =	vunpack.i.u.bf16.f32 v1;
	v6 =	vadd.f32 v61, v11  }
0x1c4: {  	v2 =	vadd.bf16 v17, v2;
	v1 =	vadd.f32 v1, v10;
	v9 =	vunpack.i.l.bf16.f32 v5  }
0x1c5: {  	v5 =	vunpack.i.u.bf16.f32 v5;
	v7 =	vadd.f32 v9, v7;
	v3 =	vadd.f32 v3, v6  }
0x1c6: {  	v4 =	vadd.f32 v5, v60;
	v63 =	vunpack.i.l.bf16.f32 v2;
	v1 =	vadd.f32 v62, v1  }
.Ltmp11:
0x1c7: {  	v2 =	vunpack.i.u.bf16.f32 v2;
	v5 =	vadd.f32 v63, v7;
	[tilespmem:$0xD960] =	vst v3;
	(pc) =	sbr.rel @p2 .LBB2_28-.Ltmp11, $4  }
0x1c8: {  	s24 =	sadd.s32 s8, s21;
	v2 =	vadd.f32 v2, v4;
	[tilespmem:$0xD970] =	vst v1  }
0x1c9: {  	s22 =	sshrl.u32 s24, $0x3;
	[tilespmem:$0xD980] =	vst v5  }
0x1ca: {  	s22 =	sadd.s32 s1, s22;
	[tilespmem:$0xD990] =	vst v2  }
0x1cb: {  	[hbm4b:s22+s3] =	stream.linear.scatter [tilespmem:s17], [sflag:$0x5], $0x200, $0x38;
	[tilespmem:$0x129C0] =	vst v63  }
0x1cc: {  	_ =	swait.ge [sflag:s14], $0x320  }
0x1cd: {  	[sflag:s14] =	ssyncset.done $0x0  }
0x1ce: {  	s22 =	simm.s32 $0x0;
	[sflag:s14] =	ssyncadd.s32 $0xFFFFFCE0  }
0x1cf: {  	v1 =	vld [tilespmem:s22+$0x0];
	_ =	sdelay $0x4  }
0x1d0: {  	s23 =	simm.s32 $0x10;
	v1 =	vadd.f32 $5.000000000e+01, v1  }
0x1d1: {  	v2 =	vld [tilespmem:s23+$0x0]  }
0x1d2: {  	v1 =	vtrunc.f32 v1  }
0x1d3: {  	v3 =	vcvt.f32.s32 v1;
	v1 =	vld [tilespmem:s22+$0xC80];
	_ =	sdelay $0x1  }
0x1d4: {  	s24 =	simm.s32 $0x80;
	vm0 =	vgt.s32 v3, $0x0  }
.LBB2_26:
0x1d5: {  	s25 =	sshra.s32 s24, $0x2;
	p2 =	sne.s32 s24, $0xC40;
	s24 =	sadd.s32 $0x40, s24;
	v4 =	vadd.f32 $5.000000000e+01, v2;
	v3 =	vnsel vm0, $0x0, v3  }
.Ltmp12:
0x1d6: {  	v2 =	vld [tilespmem:s25+$0x0];
	v3 =	vmin.u32 v3, $0x63;
	(pc) =	sbr.rel @p2 .LBB2_26-.Ltmp12, $3  }
0x1d7: {  	v4 =	vtrunc.f32 v4;
	v5 =	vadd.s32 v1, v3  }
0x1d8: {  	v3 =	vcvt.f32.s32 v4;
	v1 =	vld [tilespmem:s23+$0xC80];
	[tilespmem:s22+$0x640] =	vst v5;
	s22 =	smov.u32 s23;
	s23 =	smov.u32 s25;
	_ =	sdelay $0x1  }
0x1d9: {  	vm0 =	vgt.s32 v3, $0x0  }
0x1da: {  	v2 =	vadd.f32 $5.000000000e+01, v2;
	_ =	sdelay $0x1  }
0x1db: {  	v2 =	vtrunc.f32 v2  }
0x1dc: {  	v4 =	vld [tilespmem:s23+$0xC80];
	v2 =	vcvt.f32.s32 v2;
	_ =	sdelay $0x1  }
0x1dd: {  	v3 =	vnsel vm0, $0x0, v3;
	vm15 =	vgt.s32 v2, $0x0  }
0x1de: {  	v3 =	vmin.u32 v3, $0x63;
	v2 =	vnsel vm15, $0x0, v2  }
0x1df: {  	v1 =	vadd.s32 v1, v3;
	v2 =	vmin.u32 v2, $0x63  }
0x1e0: {  	[tilespmem:s22+$0x640] =	vst v1;
	v1 =	vadd.s32 v4, v2  }
0x1e1: {  	s24 =	simm.s32 $0x640;
	s25 =	simm.s32 $0xFA0;
	[tilespmem:s23+$0x640] =	vst v1  }
0x1e2: {  	[tilespmem:s25], [sflag:$0x1] =	stream.indirect.gather [spmem:s2], $0x20, s24, s15, $0xb8;
	[tilespmem:$0x129C0] =	vst v63  }
0x1e3: {  	s24 =	simm.s32 $0x690;
	s25 =	simm.s32 $0x19A0  }
0x1e4: {  	[tilespmem:s25], [sflag:$0x1] =	stream.indirect.gather [spmem:s2], $0x20, s24, s15, $0xb8;
	[tilespmem:$0x129C0] =	vst v63  }
0x1e5: {  	s24 =	simm.s32 $0x6E0;
	s25 =	simm.s32 $0x23A0  }
0x1e6: {  	[tilespmem:s25], [sflag:$0x1] =	stream.indirect.gather [spmem:s2], $0x20, s24, s15, $0xb8;
	[tilespmem:$0x129C0] =	vst v63  }
0x1e7: {  	s24 =	simm.s32 $0x730;
	s25 =	simm.s32 $0x2DA0  }
0x1e8: {  	[tilespmem:s25], [sflag:$0x1] =	stream.indirect.gather [spmem:s2], $0x20, s24, s15, $0xb8;
	[tilespmem:$0x129C0] =	vst v63  }
0x1e9: {  	s24 =	simm.s32 $0x780;
	s25 =	simm.s32 $0x37A0  }
0x1ea: {  	[tilespmem:s25], [sflag:$0x1] =	stream.indirect.gather [spmem:s2], $0x20, s24, s15, $0xb8;
	[tilespmem:$0x129C0] =	vst v63  }
0x1eb: {  	s24 =	simm.s32 $0x7D0;
	s25 =	simm.s32 $0x41A0  }
0x1ec: {  	[tilespmem:s25], [sflag:$0x1] =	stream.indirect.gather [spmem:s2], $0x20, s24, s15, $0xb8;
	[tilespmem:$0x129C0] =	vst v63  }
0x1ed: {  	s24 =	simm.s32 $0x820;
	s25 =	simm.s32 $0x4BA0  }
0x1ee: {  	[tilespmem:s25], [sflag:$0x1] =	stream.indirect.gather [spmem:s2], $0x20, s24, s15, $0xb8;
	[tilespmem:$0x129C0] =	vst v63  }
0x1ef: {  	s24 =	simm.s32 $0x870;
	s25 =	simm.s32 $0x55A0  }
0x1f0: {  	[tilespmem:s25], [sflag:$0x1] =	stream.indirect.gather [spmem:s2], $0x20, s24, s15, $0xb8;
	[tilespmem:$0x129C0] =	vst v63  }
0x1f1: {  	s24 =	simm.s32 $0x8C0;
	s25 =	simm.s32 $0x5FA0  }
0x1f2: {  	[tilespmem:s25], [sflag:$0x1] =	stream.indirect.gather [spmem:s2], $0x20, s24, s15, $0xb8;
	[tilespmem:$0x129C0] =	vst v63  }
0x1f3: {  	s23 =	sshll.u32 s20, $0x4;
	s24 =	rddreg [dreg:$0x7]  }
0x1f4: {  	s22 =	sadd.s32 s23, s24  }
0x1f5: {  	s25 =	simm.s32 $0x910;
	s24 =	simm.s32 $0x69A0;
	s22 =	smul.u32 $0x64, s22  }
0x1f6: {  	[tilespmem:s24], [sflag:$0x1] =	stream.indirect.gather [spmem:s2], $0x20, s25, s15, $0xb8;
	[tilespmem:$0x129C0] =	vst v63  }
0x1f7: {  	s22 =	sshrl.u32 s22, $0x3  }
0x1f8: {  	s25 =	simm.s32 $0x320;
	s22 =	sadd.s32 s4, s22  }
0x1f9: {  	[tilespmem:s25], [sflag:$0x4] =	stream.linear.gather [hbm4b:s22+s3], $0x320, $0x38;
	[tilespmem:$0x129C0] =	vst v63  }
0x1fa: {  	s25 =	simm.s32 $0x960  }
.LBB2_28:
0x1fb: {  	_ =	swait.ge [sflag:s18], $0xA00  }
0x1fc: {  	[sflag:s18] =	ssyncset.done $0x0  }
0x1fd: {  	[sflag:s18] =	ssyncadd.s32 $0xFFFFF600  }
0x1fe: {  	_ =	swait.ge [sflag:s18], $0xA00  }
0x1ff: {  	[sflag:s18] =	ssyncset.done $0x0  }
0x200: {  	[sflag:s18] =	ssyncadd.s32 $0xFFFFF600  }
0x201: {  	_ =	swait.ge [sflag:s18], $0xA00  }
0x202: {  	[sflag:s18] =	ssyncset.done $0x0  }
0x203: {  	[sflag:s18] =	ssyncadd.s32 $0xFFFFF600  }
0x204: {  	_ =	swait.ge [sflag:s18], $0xA00  }
0x205: {  	[sflag:s18] =	ssyncset.done $0x0  }
0x206: {  	[sflag:s18] =	ssyncadd.s32 $0xFFFFF600  }
0x207: {  	_ =	swait.ge [sflag:s18], $0xA00  }
0x208: {  	[sflag:s18] =	ssyncset.done $0x0  }
0x209: {  	[sflag:s18] =	ssyncadd.s32 $0xFFFFF600  }
0x20a: {  	_ =	swait.ge [sflag:s18], $0xA00  }
0x20b: {  	[sflag:s18] =	ssyncset.done $0x0  }
0x20c: {  	[sflag:s18] =	ssyncadd.s32 $0xFFFFF600  }
0x20d: {  	_ =	swait.ge [sflag:s18], $0xA00  }
0x20e: {  	[sflag:s18] =	ssyncset.done $0x0  }
0x20f: {  	[sflag:s18] =	ssyncadd.s32 $0xFFFFF600  }
0x210: {  	_ =	swait.ge [sflag:s18], $0xA00  }
0x211: {  	[sflag:s18] =	ssyncset.done $0x0  }
0x212: {  	[sflag:s18] =	ssyncadd.s32 $0xFFFFF600  }
0x213: {  	_ =	swait.ge [sflag:s18], $0xA00  }
0x214: {  	[sflag:s18] =	ssyncset.done $0x0  }
0x215: {  	[sflag:s18] =	ssyncadd.s32 $0xFFFFF600  }
0x216: {  	_ =	swait.ge [sflag:s18], $0xA00  }
0x217: {  	[sflag:s18] =	ssyncset.done $0x0  }
0x218: {  	s22 =	simm.s32 @!p1 $0x6;
	[sflag:s18] =	ssyncadd.s32 $0xFFFFF600  }
0x219: {  	_ =	swait.ge @!p1 [sflag:s22], $0x200  }
0x21a: {  	[sflag:s22] =	ssyncset.done @!p1 $0x0  }
0x21b: {  	s24 =	simm.s32 $0x0;
	[sflag:s22] =	ssyncadd.s32 @!p1 $0xFFFFFE00  }
0x21c: {  	v1 =	vld [tilespmem:s24+$0x73E0]  }
0x21d: {  	v4 =	vld [tilespmem:s24+$0x7400]  }
0x21e: {  	v5 =	vld [tilespmem:s24+$0x73F0]  }
0x21f: {  	v7 =	vld [tilespmem:s24+$0x73A0]  }
0x220: {  	v8 =	vld [tilespmem:s24+$0x73C0]  }
0x221: {  	v9 =	vld [tilespmem:s24+$0x73B0]  }
0x222: {  	v10 =	vld [tilespmem:s24+$0x73D0]  }
0x223: {  	v11 =	vld [tilespmem:s24+$0x7410]  }
0x224: {  	s22 =	simm.s32 $0x80  }
0x225: {  	v3 =	vld [tilespmem:s22+$0x73E0]  }
0x226: {  	v6 =	vld [tilespmem:s22+$0x7400]  }
0x227: {  	v2 =	vld [tilespmem:s22+$0x73F0];
	v12 =	vadd.bf16 v4, v1;
	v13 =	vadd.bf16 v8, v7  }
0x228: {  	v7 =	vimm.f32 $0.0e+00;
	v1 =	vld [tilespmem:s22+$0x73A0];
	v9 =	vadd.bf16 v10, v9;
	v8 =	vadd.bf16 v11, v5  }
0x229: {  	v4 =	vld [tilespmem:s22+$0x73C0];
	v10 =	vunpack.i.u.bf16.f32 v12;
	v11 =	vunpack.i.l.bf16.f32 v12;
	v12 =	vunpack.i.u.bf16.f32 v13  }
0x22a: {  	v5 =	vld [tilespmem:s22+$0x73B0];
	v14 =	vunpack.i.l.bf16.f32 v13;
	v13 =	vunpack.i.u.bf16.f32 v9;
	v16 =	vunpack.i.l.bf16.f32 v9  }
0x22b: {  	s23 =	simm.s32 $0x400;
	v9 =	vld [tilespmem:s22+$0x73D0];
	v14 =	vadd.f32 v14, v7;
	v15 =	vadd.f32 v12, v7;
	v12 =	vimm.f32 $0.0e+00  }
.LBB2_29:
0x22c: {  	p1 =	sne.s32 s23, $0x3000;
	v17 =	vld [tilespmem:s22+$0x7410];
	s22 =	sshra.s32 s23, $0x2;
	v7 =	vadd.f32 v16, v7;
	v12 =	vadd.f32 v13, v12;
	v13 =	vunpack.i.u.bf16.f32 v8;
	v16 =	vmovc v2  }
0x22d: {  	v2 =	vunpack.i.l.bf16.f32 v8;
	v18 =	vld [tilespmem:s22+$0x73E0];
	v14 =	vadd.f32 v11, v14;
	v15 =	vadd.f32 v10, v15  }
0x22e: {  	v19 =	vld [tilespmem:s22+$0x7400];
	v7 =	vadd.f32 v2, v7;
	v12 =	vadd.f32 v13, v12  }
.Ltmp13:
0x22f: {  	v21 =	vadd.bf16 v6, v3;
	v2 =	vld [tilespmem:s22+$0x73F0];
	(pc) =	sbr.rel @p1 .LBB2_29-.Ltmp13, $4  }
0x230: {  	v22 =	vadd.bf16 v4, v1;
	v1 =	vld [tilespmem:s22+$0x73A0];
	v20 =	vadd.bf16 v9, v5  }
0x231: {  	v10 =	vunpack.i.u.bf16.f32 v21;
	v11 =	vunpack.i.l.bf16.f32 v21;
	v4 =	vld [tilespmem:s22+$0x73C0];
	v8 =	vadd.bf16 v17, v16  }
0x232: {  	v21 =	vunpack.i.l.bf16.f32 v22;
	v17 =	vunpack.i.u.bf16.f32 v22;
	v5 =	vld [tilespmem:s22+$0x73B0];
	v13 =	vunpack.i.u.bf16.f32 v20;
	v3 =	vmovc v18  }
0x233: {  	s23 =	sadd.s32 $0x200, s23;
	v14 =	vadd.f32 v21, v14;
	v16 =	vunpack.i.l.bf16.f32 v20;
	v15 =	vadd.f32 v17, v15;
	v9 =	vld [tilespmem:s22+$0x73D0];
	v6 =	vmovc v19  }
0x234: {  	v7 =	vadd.f32 v16, v7;
	v12 =	vadd.f32 v13, v12  }
0x235: {  	v17 =	vld [tilespmem:s22+$0x7410];
	v13 =	vunpack.i.l.bf16.f32 v8;
	v3 =	vadd.bf16 v6, v3;
	v11 =	vadd.f32 v11, v14  }
0x236: {  	v8 =	vunpack.i.u.bf16.f32 v8;
	v10 =	vadd.f32 v10, v15;
	v1 =	vadd.bf16 v4, v1  }
0x237: {  	v7 =	vadd.f32 v13, v7;
	v4 =	vadd.f32 v8, v12  }
0x238: {  	v8 =	vunpack.i.u.bf16.f32 v3;
	v5 =	vadd.bf16 v9, v5;
	v6 =	vunpack.i.l.bf16.f32 v1  }
0x239: {  	v3 =	vunpack.i.l.bf16.f32 v3;
	v1 =	vunpack.i.u.bf16.f32 v1;
	v6 =	vadd.f32 v6, v11  }
0x23a: {  	v2 =	vadd.bf16 v17, v2;
	v1 =	vadd.f32 v1, v10;
	v9 =	vunpack.i.l.bf16.f32 v5  }
0x23b: {  	v5 =	vunpack.i.u.bf16.f32 v5;
	v7 =	vadd.f32 v9, v7;
	v3 =	vadd.f32 v3, v6  }
0x23c: {  	v4 =	vadd.f32 v5, v4;
	v5 =	vunpack.i.l.bf16.f32 v2;
	v1 =	vadd.f32 v8, v1  }
0x23d: {  	v2 =	vunpack.i.u.bf16.f32 v2;
	v5 =	vadd.f32 v5, v7;
	[tilespmem:$0xD9A0] =	vst v3  }
0x23e: {  	v2 =	vadd.f32 v2, v4;
	[tilespmem:$0xD9B0] =	vst v1  }
0x23f: {  	[tilespmem:$0xD9C0] =	vst v5  }
0x240: {  	s24 =	simm.s32 $0x0;
	[tilespmem:$0xD9D0] =	vst v2  }
0x241: {  	v1 =	vld [tilespmem:s24+$0x8060]  }
0x242: {  	v4 =	vld [tilespmem:s24+$0x8080]  }
0x243: {  	v5 =	vld [tilespmem:s24+$0x8070]  }
0x244: {  	v7 =	vld [tilespmem:s24+$0x8020]  }
0x245: {  	v8 =	vld [tilespmem:s24+$0x8040]  }
0x246: {  	v9 =	vld [tilespmem:s24+$0x8030]  }
0x247: {  	v10 =	vld [tilespmem:s24+$0x8050]  }
0x248: {  	v11 =	vld [tilespmem:s24+$0x8090]  }
0x249: {  	s22 =	simm.s32 $0x80  }
0x24a: {  	v3 =	vld [tilespmem:s22+$0x8060]  }
0x24b: {  	v6 =	vld [tilespmem:s22+$0x8080]  }
0x24c: {  	v2 =	vld [tilespmem:s22+$0x8070];
	v12 =	vadd.bf16 v4, v1;
	v13 =	vadd.bf16 v8, v7  }
0x24d: {  	v7 =	vimm.f32 $0.0e+00;
	v1 =	vld [tilespmem:s22+$0x8020];
	v9 =	vadd.bf16 v10, v9;
	v8 =	vadd.bf16 v11, v5  }
0x24e: {  	v4 =	vld [tilespmem:s22+$0x8040];
	v10 =	vunpack.i.u.bf16.f32 v12;
	v11 =	vunpack.i.l.bf16.f32 v12;
	v12 =	vunpack.i.u.bf16.f32 v13  }
0x24f: {  	v5 =	vld [tilespmem:s22+$0x8030];
	v14 =	vunpack.i.l.bf16.f32 v13;
	v13 =	vunpack.i.u.bf16.f32 v9;
	v16 =	vunpack.i.l.bf16.f32 v9  }
0x250: {  	s23 =	simm.s32 $0x400;
	v9 =	vld [tilespmem:s22+$0x8050];
	v14 =	vadd.f32 v14, v7;
	v15 =	vadd.f32 v12, v7;
	v12 =	vimm.f32 $0.0e+00  }
.LBB2_31:
0x251: {  	p1 =	sne.s32 s23, $0x3000;
	v17 =	vld [tilespmem:s22+$0x8090];
	s22 =	sshra.s32 s23, $0x2;
	v7 =	vadd.f32 v16, v7;
	v12 =	vadd.f32 v13, v12;
	v13 =	vunpack.i.u.bf16.f32 v8;
	v16 =	vmovc v2  }
0x252: {  	v2 =	vunpack.i.l.bf16.f32 v8;
	v18 =	vld [tilespmem:s22+$0x8060];
	v14 =	vadd.f32 v11, v14;
	v15 =	vadd.f32 v10, v15  }
0x253: {  	v19 =	vld [tilespmem:s22+$0x8080];
	v7 =	vadd.f32 v2, v7;
	v12 =	vadd.f32 v13, v12  }
.Ltmp14:
0x254: {  	v21 =	vadd.bf16 v6, v3;
	v2 =	vld [tilespmem:s22+$0x8070];
	(pc) =	sbr.rel @p1 .LBB2_31-.Ltmp14, $4  }
0x255: {  	v22 =	vadd.bf16 v4, v1;
	v1 =	vld [tilespmem:s22+$0x8020];
	v20 =	vadd.bf16 v9, v5  }
0x256: {  	v10 =	vunpack.i.u.bf16.f32 v21;
	v11 =	vunpack.i.l.bf16.f32 v21;
	v4 =	vld [tilespmem:s22+$0x8040];
	v8 =	vadd.bf16 v17, v16  }
0x257: {  	v21 =	vunpack.i.l.bf16.f32 v22;
	v17 =	vunpack.i.u.bf16.f32 v22;
	v5 =	vld [tilespmem:s22+$0x8030];
	v13 =	vunpack.i.u.bf16.f32 v20;
	v3 =	vmovc v18  }
0x258: {  	s23 =	sadd.s32 $0x200, s23;
	v14 =	vadd.f32 v21, v14;
	v16 =	vunpack.i.l.bf16.f32 v20;
	v15 =	vadd.f32 v17, v15;
	v9 =	vld [tilespmem:s22+$0x8050];
	v6 =	vmovc v19  }
0x259: {  	v7 =	vadd.f32 v16, v7;
	v12 =	vadd.f32 v13, v12  }
0x25a: {  	v17 =	vld [tilespmem:s22+$0x8090];
	v13 =	vunpack.i.l.bf16.f32 v8;
	v3 =	vadd.bf16 v6, v3;
	v11 =	vadd.f32 v11, v14  }
0x25b: {  	v8 =	vunpack.i.u.bf16.f32 v8;
	v10 =	vadd.f32 v10, v15;
	v1 =	vadd.bf16 v4, v1  }
0x25c: {  	v7 =	vadd.f32 v13, v7;
	v4 =	vadd.f32 v8, v12  }
0x25d: {  	v8 =	vunpack.i.u.bf16.f32 v3;
	v5 =	vadd.bf16 v9, v5;
	v6 =	vunpack.i.l.bf16.f32 v1  }
0x25e: {  	v3 =	vunpack.i.l.bf16.f32 v3;
	v1 =	vunpack.i.u.bf16.f32 v1;
	v6 =	vadd.f32 v6, v11  }
0x25f: {  	v2 =	vadd.bf16 v17, v2;
	v1 =	vadd.f32 v1, v10;
	v9 =	vunpack.i.l.bf16.f32 v5  }
0x260: {  	v5 =	vunpack.i.u.bf16.f32 v5;
	v7 =	vadd.f32 v9, v7;
	v3 =	vadd.f32 v3, v6  }
0x261: {  	v4 =	vadd.f32 v5, v4;
	v5 =	vunpack.i.l.bf16.f32 v2;
	v1 =	vadd.f32 v8, v1  }
0x262: {  	v2 =	vunpack.i.u.bf16.f32 v2;
	v5 =	vadd.f32 v5, v7;
	[tilespmem:$0xD9E0] =	vst v3  }
0x263: {  	v2 =	vadd.f32 v2, v4;
	[tilespmem:$0xD9F0] =	vst v1  }
0x264: {  	[tilespmem:$0xDA00] =	vst v5  }
0x265: {  	s24 =	simm.s32 $0x0;
	[tilespmem:$0xDA10] =	vst v2  }
0x266: {  	v1 =	vld [tilespmem:s24+$0x8CE0]  }
0x267: {  	v4 =	vld [tilespmem:s24+$0x8D00]  }
0x268: {  	v5 =	vld [tilespmem:s24+$0x8CF0]  }
0x269: {  	v7 =	vld [tilespmem:s24+$0x8CA0]  }
0x26a: {  	v8 =	vld [tilespmem:s24+$0x8CC0]  }
0x26b: {  	v9 =	vld [tilespmem:s24+$0x8CB0]  }
0x26c: {  	v10 =	vld [tilespmem:s24+$0x8CD0]  }
0x26d: {  	v11 =	vld [tilespmem:s24+$0x8D10]  }
0x26e: {  	s22 =	simm.s32 $0x80  }
0x26f: {  	v3 =	vld [tilespmem:s22+$0x8CE0]  }
0x270: {  	v6 =	vld [tilespmem:s22+$0x8D00]  }
0x271: {  	v2 =	vld [tilespmem:s22+$0x8CF0];
	v12 =	vadd.bf16 v4, v1;
	v13 =	vadd.bf16 v8, v7  }
0x272: {  	v7 =	vimm.f32 $0.0e+00;
	v1 =	vld [tilespmem:s22+$0x8CA0];
	v9 =	vadd.bf16 v10, v9;
	v8 =	vadd.bf16 v11, v5  }
0x273: {  	v4 =	vld [tilespmem:s22+$0x8CC0];
	v10 =	vunpack.i.u.bf16.f32 v12;
	v11 =	vunpack.i.l.bf16.f32 v12;
	v12 =	vunpack.i.u.bf16.f32 v13  }
0x274: {  	v5 =	vld [tilespmem:s22+$0x8CB0];
	v14 =	vunpack.i.l.bf16.f32 v13;
	v13 =	vunpack.i.u.bf16.f32 v9;
	v16 =	vunpack.i.l.bf16.f32 v9  }
0x275: {  	s23 =	simm.s32 $0x400;
	v9 =	vld [tilespmem:s22+$0x8CD0];
	v14 =	vadd.f32 v14, v7;
	v15 =	vadd.f32 v12, v7;
	v12 =	vimm.f32 $0.0e+00  }
.LBB2_33:
0x276: {  	p1 =	sne.s32 s23, $0x3000;
	v17 =	vld [tilespmem:s22+$0x8D10];
	s22 =	sshra.s32 s23, $0x2;
	v7 =	vadd.f32 v16, v7;
	v12 =	vadd.f32 v13, v12;
	v13 =	vunpack.i.u.bf16.f32 v8;
	v16 =	vmovc v2  }
0x277: {  	v2 =	vunpack.i.l.bf16.f32 v8;
	v18 =	vld [tilespmem:s22+$0x8CE0];
	v14 =	vadd.f32 v11, v14;
	v15 =	vadd.f32 v10, v15  }
0x278: {  	v19 =	vld [tilespmem:s22+$0x8D00];
	v7 =	vadd.f32 v2, v7;
	v12 =	vadd.f32 v13, v12  }
.Ltmp15:
0x279: {  	v21 =	vadd.bf16 v6, v3;
	v2 =	vld [tilespmem:s22+$0x8CF0];
	(pc) =	sbr.rel @p1 .LBB2_33-.Ltmp15, $4  }
0x27a: {  	v22 =	vadd.bf16 v4, v1;
	v1 =	vld [tilespmem:s22+$0x8CA0];
	v20 =	vadd.bf16 v9, v5  }
0x27b: {  	v10 =	vunpack.i.u.bf16.f32 v21;
	v11 =	vunpack.i.l.bf16.f32 v21;
	v4 =	vld [tilespmem:s22+$0x8CC0];
	v8 =	vadd.bf16 v17, v16  }
0x27c: {  	v21 =	vunpack.i.l.bf16.f32 v22;
	v17 =	vunpack.i.u.bf16.f32 v22;
	v5 =	vld [tilespmem:s22+$0x8CB0];
	v13 =	vunpack.i.u.bf16.f32 v20;
	v3 =	vmovc v18  }
0x27d: {  	s23 =	sadd.s32 $0x200, s23;
	v14 =	vadd.f32 v21, v14;
	v16 =	vunpack.i.l.bf16.f32 v20;
	v15 =	vadd.f32 v17, v15;
	v9 =	vld [tilespmem:s22+$0x8CD0];
	v6 =	vmovc v19  }
0x27e: {  	v7 =	vadd.f32 v16, v7;
	v12 =	vadd.f32 v13, v12  }
0x27f: {  	v17 =	vld [tilespmem:s22+$0x8D10];
	v13 =	vunpack.i.l.bf16.f32 v8;
	v3 =	vadd.bf16 v6, v3;
	v11 =	vadd.f32 v11, v14  }
0x280: {  	v8 =	vunpack.i.u.bf16.f32 v8;
	v10 =	vadd.f32 v10, v15;
	v1 =	vadd.bf16 v4, v1  }
0x281: {  	v7 =	vadd.f32 v13, v7;
	v4 =	vadd.f32 v8, v12  }
0x282: {  	v8 =	vunpack.i.u.bf16.f32 v3;
	v5 =	vadd.bf16 v9, v5;
	v6 =	vunpack.i.l.bf16.f32 v1  }
0x283: {  	v3 =	vunpack.i.l.bf16.f32 v3;
	v1 =	vunpack.i.u.bf16.f32 v1;
	v6 =	vadd.f32 v6, v11  }
0x284: {  	v2 =	vadd.bf16 v17, v2;
	v1 =	vadd.f32 v1, v10;
	v9 =	vunpack.i.l.bf16.f32 v5  }
0x285: {  	v5 =	vunpack.i.u.bf16.f32 v5;
	v7 =	vadd.f32 v9, v7;
	v3 =	vadd.f32 v3, v6  }
0x286: {  	v4 =	vadd.f32 v5, v4;
	v5 =	vunpack.i.l.bf16.f32 v2;
	v1 =	vadd.f32 v8, v1  }
0x287: {  	v2 =	vunpack.i.u.bf16.f32 v2;
	v5 =	vadd.f32 v5, v7;
	[tilespmem:$0xDA20] =	vst v3  }
0x288: {  	v2 =	vadd.f32 v2, v4;
	[tilespmem:$0xDA30] =	vst v1  }
0x289: {  	[tilespmem:$0xDA40] =	vst v5  }
0x28a: {  	s24 =	simm.s32 $0x0;
	[tilespmem:$0xDA50] =	vst v2  }
0x28b: {  	v1 =	vld [tilespmem:s24+$0x9960]  }
0x28c: {  	v4 =	vld [tilespmem:s24+$0x9980]  }
0x28d: {  	v5 =	vld [tilespmem:s24+$0x9970]  }
0x28e: {  	v7 =	vld [tilespmem:s24+$0x9920]  }
0x28f: {  	v8 =	vld [tilespmem:s24+$0x9940]  }
0x290: {  	v9 =	vld [tilespmem:s24+$0x9930]  }
0x291: {  	v10 =	vld [tilespmem:s24+$0x9950]  }
0x292: {  	v11 =	vld [tilespmem:s24+$0x9990]  }
0x293: {  	s22 =	simm.s32 $0x80  }
0x294: {  	v3 =	vld [tilespmem:s22+$0x9960]  }
0x295: {  	v6 =	vld [tilespmem:s22+$0x9980]  }
0x296: {  	v2 =	vld [tilespmem:s22+$0x9970];
	v12 =	vadd.bf16 v4, v1;
	v13 =	vadd.bf16 v8, v7  }
0x297: {  	v7 =	vimm.f32 $0.0e+00;
	v1 =	vld [tilespmem:s22+$0x9920];
	v9 =	vadd.bf16 v10, v9;
	v8 =	vadd.bf16 v11, v5  }
0x298: {  	v4 =	vld [tilespmem:s22+$0x9940];
	v10 =	vunpack.i.u.bf16.f32 v12;
	v11 =	vunpack.i.l.bf16.f32 v12;
	v12 =	vunpack.i.u.bf16.f32 v13  }
0x299: {  	v5 =	vld [tilespmem:s22+$0x9930];
	v14 =	vunpack.i.l.bf16.f32 v13;
	v13 =	vunpack.i.u.bf16.f32 v9;
	v16 =	vunpack.i.l.bf16.f32 v9  }
0x29a: {  	s23 =	simm.s32 $0x400;
	v9 =	vld [tilespmem:s22+$0x9950];
	v14 =	vadd.f32 v14, v7;
	v15 =	vadd.f32 v12, v7;
	v12 =	vimm.f32 $0.0e+00  }
.LBB2_35:
0x29b: {  	p1 =	sne.s32 s23, $0x3000;
	v17 =	vld [tilespmem:s22+$0x9990];
	s22 =	sshra.s32 s23, $0x2;
	v7 =	vadd.f32 v16, v7;
	v12 =	vadd.f32 v13, v12;
	v13 =	vunpack.i.u.bf16.f32 v8;
	v16 =	vmovc v2  }
0x29c: {  	v2 =	vunpack.i.l.bf16.f32 v8;
	v18 =	vld [tilespmem:s22+$0x9960];
	v14 =	vadd.f32 v11, v14;
	v15 =	vadd.f32 v10, v15  }
0x29d: {  	v19 =	vld [tilespmem:s22+$0x9980];
	v7 =	vadd.f32 v2, v7;
	v12 =	vadd.f32 v13, v12  }
.Ltmp16:
0x29e: {  	v21 =	vadd.bf16 v6, v3;
	v2 =	vld [tilespmem:s22+$0x9970];
	(pc) =	sbr.rel @p1 .LBB2_35-.Ltmp16, $4  }
0x29f: {  	v22 =	vadd.bf16 v4, v1;
	v1 =	vld [tilespmem:s22+$0x9920];
	v20 =	vadd.bf16 v9, v5  }
0x2a0: {  	v10 =	vunpack.i.u.bf16.f32 v21;
	v11 =	vunpack.i.l.bf16.f32 v21;
	v4 =	vld [tilespmem:s22+$0x9940];
	v8 =	vadd.bf16 v17, v16  }
0x2a1: {  	v21 =	vunpack.i.l.bf16.f32 v22;
	v17 =	vunpack.i.u.bf16.f32 v22;
	v5 =	vld [tilespmem:s22+$0x9930];
	v13 =	vunpack.i.u.bf16.f32 v20;
	v3 =	vmovc v18  }
0x2a2: {  	s23 =	sadd.s32 $0x200, s23;
	v14 =	vadd.f32 v21, v14;
	v16 =	vunpack.i.l.bf16.f32 v20;
	v15 =	vadd.f32 v17, v15;
	v9 =	vld [tilespmem:s22+$0x9950];
	v6 =	vmovc v19  }
0x2a3: {  	v7 =	vadd.f32 v16, v7;
	v12 =	vadd.f32 v13, v12  }
0x2a4: {  	v17 =	vld [tilespmem:s22+$0x9990];
	v13 =	vunpack.i.l.bf16.f32 v8;
	v3 =	vadd.bf16 v6, v3;
	v11 =	vadd.f32 v11, v14  }
0x2a5: {  	v8 =	vunpack.i.u.bf16.f32 v8;
	v10 =	vadd.f32 v10, v15;
	v1 =	vadd.bf16 v4, v1  }
0x2a6: {  	v7 =	vadd.f32 v13, v7;
	v4 =	vadd.f32 v8, v12  }
0x2a7: {  	v8 =	vunpack.i.u.bf16.f32 v3;
	v5 =	vadd.bf16 v9, v5;
	v6 =	vunpack.i.l.bf16.f32 v1  }
0x2a8: {  	v3 =	vunpack.i.l.bf16.f32 v3;
	v1 =	vunpack.i.u.bf16.f32 v1;
	v6 =	vadd.f32 v6, v11  }
0x2a9: {  	v2 =	vadd.bf16 v17, v2;
	v1 =	vadd.f32 v1, v10;
	v9 =	vunpack.i.l.bf16.f32 v5  }
0x2aa: {  	v5 =	vunpack.i.u.bf16.f32 v5;
	v7 =	vadd.f32 v9, v7;
	v3 =	vadd.f32 v3, v6  }
0x2ab: {  	v4 =	vadd.f32 v5, v4;
	v5 =	vunpack.i.l.bf16.f32 v2;
	v1 =	vadd.f32 v8, v1  }
0x2ac: {  	v2 =	vunpack.i.u.bf16.f32 v2;
	v5 =	vadd.f32 v5, v7;
	[tilespmem:$0xDA60] =	vst v3  }
0x2ad: {  	v2 =	vadd.f32 v2, v4;
	[tilespmem:$0xDA70] =	vst v1  }
0x2ae: {  	[tilespmem:$0xDA80] =	vst v5  }
0x2af: {  	s24 =	simm.s32 $0x0;
	[tilespmem:$0xDA90] =	vst v2  }
0x2b0: {  	v1 =	vld [tilespmem:s24+$0xA5E0]  }
0x2b1: {  	v4 =	vld [tilespmem:s24+$0xA600]  }
0x2b2: {  	v5 =	vld [tilespmem:s24+$0xA5F0]  }
0x2b3: {  	v7 =	vld [tilespmem:s24+$0xA5A0]  }
0x2b4: {  	v8 =	vld [tilespmem:s24+$0xA5C0]  }
0x2b5: {  	v9 =	vld [tilespmem:s24+$0xA5B0]  }
0x2b6: {  	v10 =	vld [tilespmem:s24+$0xA5D0]  }
0x2b7: {  	v11 =	vld [tilespmem:s24+$0xA610]  }
0x2b8: {  	s22 =	simm.s32 $0x80  }
0x2b9: {  	v3 =	vld [tilespmem:s22+$0xA5E0]  }
0x2ba: {  	v6 =	vld [tilespmem:s22+$0xA600]  }
0x2bb: {  	v2 =	vld [tilespmem:s22+$0xA5F0];
	v12 =	vadd.bf16 v4, v1;
	v13 =	vadd.bf16 v8, v7  }
0x2bc: {  	v7 =	vimm.f32 $0.0e+00;
	v1 =	vld [tilespmem:s22+$0xA5A0];
	v9 =	vadd.bf16 v10, v9;
	v8 =	vadd.bf16 v11, v5  }
0x2bd: {  	v4 =	vld [tilespmem:s22+$0xA5C0];
	v10 =	vunpack.i.u.bf16.f32 v12;
	v11 =	vunpack.i.l.bf16.f32 v12;
	v12 =	vunpack.i.u.bf16.f32 v13  }
0x2be: {  	v5 =	vld [tilespmem:s22+$0xA5B0];
	v14 =	vunpack.i.l.bf16.f32 v13;
	v13 =	vunpack.i.u.bf16.f32 v9;
	v16 =	vunpack.i.l.bf16.f32 v9  }
0x2bf: {  	s23 =	simm.s32 $0x400;
	v9 =	vld [tilespmem:s22+$0xA5D0];
	v14 =	vadd.f32 v14, v7;
	v15 =	vadd.f32 v12, v7;
	v12 =	vimm.f32 $0.0e+00  }
.LBB2_37:
0x2c0: {  	p1 =	sne.s32 s23, $0x3000;
	v17 =	vld [tilespmem:s22+$0xA610];
	s22 =	sshra.s32 s23, $0x2;
	v7 =	vadd.f32 v16, v7;
	v12 =	vadd.f32 v13, v12;
	v13 =	vunpack.i.u.bf16.f32 v8;
	v16 =	vmovc v2  }
0x2c1: {  	v2 =	vunpack.i.l.bf16.f32 v8;
	v18 =	vld [tilespmem:s22+$0xA5E0];
	v14 =	vadd.f32 v11, v14;
	v15 =	vadd.f32 v10, v15  }
0x2c2: {  	v19 =	vld [tilespmem:s22+$0xA600];
	v7 =	vadd.f32 v2, v7;
	v12 =	vadd.f32 v13, v12  }
.Ltmp17:
0x2c3: {  	v21 =	vadd.bf16 v6, v3;
	v2 =	vld [tilespmem:s22+$0xA5F0];
	(pc) =	sbr.rel @p1 .LBB2_37-.Ltmp17, $4  }
0x2c4: {  	v22 =	vadd.bf16 v4, v1;
	v1 =	vld [tilespmem:s22+$0xA5A0];
	v20 =	vadd.bf16 v9, v5  }
0x2c5: {  	v10 =	vunpack.i.u.bf16.f32 v21;
	v11 =	vunpack.i.l.bf16.f32 v21;
	v4 =	vld [tilespmem:s22+$0xA5C0];
	v8 =	vadd.bf16 v17, v16  }
0x2c6: {  	v21 =	vunpack.i.l.bf16.f32 v22;
	v17 =	vunpack.i.u.bf16.f32 v22;
	v5 =	vld [tilespmem:s22+$0xA5B0];
	v13 =	vunpack.i.u.bf16.f32 v20;
	v3 =	vmovc v18  }
0x2c7: {  	s23 =	sadd.s32 $0x200, s23;
	v14 =	vadd.f32 v21, v14;
	v16 =	vunpack.i.l.bf16.f32 v20;
	v15 =	vadd.f32 v17, v15;
	v9 =	vld [tilespmem:s22+$0xA5D0];
	v6 =	vmovc v19  }
0x2c8: {  	v7 =	vadd.f32 v16, v7;
	v12 =	vadd.f32 v13, v12  }
0x2c9: {  	v17 =	vld [tilespmem:s22+$0xA610];
	v13 =	vunpack.i.l.bf16.f32 v8;
	v3 =	vadd.bf16 v6, v3;
	v11 =	vadd.f32 v11, v14  }
0x2ca: {  	v8 =	vunpack.i.u.bf16.f32 v8;
	v10 =	vadd.f32 v10, v15;
	v1 =	vadd.bf16 v4, v1  }
0x2cb: {  	v7 =	vadd.f32 v13, v7;
	v4 =	vadd.f32 v8, v12  }
0x2cc: {  	v8 =	vunpack.i.u.bf16.f32 v3;
	v5 =	vadd.bf16 v9, v5;
	v6 =	vunpack.i.l.bf16.f32 v1  }
0x2cd: {  	v3 =	vunpack.i.l.bf16.f32 v3;
	v1 =	vunpack.i.u.bf16.f32 v1;
	v6 =	vadd.f32 v6, v11  }
0x2ce: {  	v2 =	vadd.bf16 v17, v2;
	v1 =	vadd.f32 v1, v10;
	v9 =	vunpack.i.l.bf16.f32 v5  }
0x2cf: {  	v5 =	vunpack.i.u.bf16.f32 v5;
	v7 =	vadd.f32 v9, v7;
	v3 =	vadd.f32 v3, v6  }
0x2d0: {  	v4 =	vadd.f32 v5, v4;
	v5 =	vunpack.i.l.bf16.f32 v2;
	v1 =	vadd.f32 v8, v1  }
0x2d1: {  	v2 =	vunpack.i.u.bf16.f32 v2;
	v5 =	vadd.f32 v5, v7;
	[tilespmem:$0xDAA0] =	vst v3  }
0x2d2: {  	v2 =	vadd.f32 v2, v4;
	[tilespmem:$0xDAB0] =	vst v1  }
0x2d3: {  	[tilespmem:$0xDAC0] =	vst v5  }
0x2d4: {  	s24 =	simm.s32 $0x0;
	[tilespmem:$0xDAD0] =	vst v2  }
0x2d5: {  	v1 =	vld [tilespmem:s24+$0xB260]  }
0x2d6: {  	v4 =	vld [tilespmem:s24+$0xB280]  }
0x2d7: {  	v5 =	vld [tilespmem:s24+$0xB270]  }
0x2d8: {  	v7 =	vld [tilespmem:s24+$0xB220]  }
0x2d9: {  	v8 =	vld [tilespmem:s24+$0xB240]  }
0x2da: {  	v9 =	vld [tilespmem:s24+$0xB230]  }
0x2db: {  	v10 =	vld [tilespmem:s24+$0xB250]  }
0x2dc: {  	v11 =	vld [tilespmem:s24+$0xB290]  }
0x2dd: {  	s22 =	simm.s32 $0x80  }
0x2de: {  	v3 =	vld [tilespmem:s22+$0xB260]  }
0x2df: {  	v6 =	vld [tilespmem:s22+$0xB280]  }
0x2e0: {  	v2 =	vld [tilespmem:s22+$0xB270];
	v12 =	vadd.bf16 v4, v1;
	v13 =	vadd.bf16 v8, v7  }
0x2e1: {  	v7 =	vimm.f32 $0.0e+00;
	v1 =	vld [tilespmem:s22+$0xB220];
	v9 =	vadd.bf16 v10, v9;
	v8 =	vadd.bf16 v11, v5  }
0x2e2: {  	v4 =	vld [tilespmem:s22+$0xB240];
	v10 =	vunpack.i.u.bf16.f32 v12;
	v11 =	vunpack.i.l.bf16.f32 v12;
	v12 =	vunpack.i.u.bf16.f32 v13  }
0x2e3: {  	v5 =	vld [tilespmem:s22+$0xB230];
	v14 =	vunpack.i.l.bf16.f32 v13;
	v13 =	vunpack.i.u.bf16.f32 v9;
	v16 =	vunpack.i.l.bf16.f32 v9  }
0x2e4: {  	s23 =	simm.s32 $0x400;
	v9 =	vld [tilespmem:s22+$0xB250];
	v14 =	vadd.f32 v14, v7;
	v15 =	vadd.f32 v12, v7;
	v12 =	vimm.f32 $0.0e+00  }
.LBB2_39:
0x2e5: {  	p1 =	sne.s32 s23, $0x3000;
	v17 =	vld [tilespmem:s22+$0xB290];
	s22 =	sshra.s32 s23, $0x2;
	v7 =	vadd.f32 v16, v7;
	v12 =	vadd.f32 v13, v12;
	v13 =	vunpack.i.u.bf16.f32 v8;
	v16 =	vmovc v2  }
0x2e6: {  	v2 =	vunpack.i.l.bf16.f32 v8;
	v18 =	vld [tilespmem:s22+$0xB260];
	v14 =	vadd.f32 v11, v14;
	v15 =	vadd.f32 v10, v15  }
0x2e7: {  	v19 =	vld [tilespmem:s22+$0xB280];
	v7 =	vadd.f32 v2, v7;
	v12 =	vadd.f32 v13, v12  }
.Ltmp18:
0x2e8: {  	v21 =	vadd.bf16 v6, v3;
	v2 =	vld [tilespmem:s22+$0xB270];
	(pc) =	sbr.rel @p1 .LBB2_39-.Ltmp18, $4  }
0x2e9: {  	v22 =	vadd.bf16 v4, v1;
	v1 =	vld [tilespmem:s22+$0xB220];
	v20 =	vadd.bf16 v9, v5  }
0x2ea: {  	v10 =	vunpack.i.u.bf16.f32 v21;
	v11 =	vunpack.i.l.bf16.f32 v21;
	v4 =	vld [tilespmem:s22+$0xB240];
	v8 =	vadd.bf16 v17, v16  }
0x2eb: {  	v21 =	vunpack.i.l.bf16.f32 v22;
	v17 =	vunpack.i.u.bf16.f32 v22;
	v5 =	vld [tilespmem:s22+$0xB230];
	v13 =	vunpack.i.u.bf16.f32 v20;
	v3 =	vmovc v18  }
0x2ec: {  	s23 =	sadd.s32 $0x200, s23;
	v14 =	vadd.f32 v21, v14;
	v16 =	vunpack.i.l.bf16.f32 v20;
	v15 =	vadd.f32 v17, v15;
	v9 =	vld [tilespmem:s22+$0xB250];
	v6 =	vmovc v19  }
0x2ed: {  	v7 =	vadd.f32 v16, v7;
	v12 =	vadd.f32 v13, v12  }
0x2ee: {  	v17 =	vld [tilespmem:s22+$0xB290];
	v13 =	vunpack.i.l.bf16.f32 v8;
	v3 =	vadd.bf16 v6, v3;
	v11 =	vadd.f32 v11, v14  }
0x2ef: {  	v8 =	vunpack.i.u.bf16.f32 v8;
	v10 =	vadd.f32 v10, v15;
	v1 =	vadd.bf16 v4, v1  }
0x2f0: {  	v7 =	vadd.f32 v13, v7;
	v4 =	vadd.f32 v8, v12  }
0x2f1: {  	v8 =	vunpack.i.u.bf16.f32 v3;
	v5 =	vadd.bf16 v9, v5;
	v6 =	vunpack.i.l.bf16.f32 v1  }
0x2f2: {  	v3 =	vunpack.i.l.bf16.f32 v3;
	v1 =	vunpack.i.u.bf16.f32 v1;
	v6 =	vadd.f32 v6, v11  }
0x2f3: {  	v2 =	vadd.bf16 v17, v2;
	v1 =	vadd.f32 v1, v10;
	v9 =	vunpack.i.l.bf16.f32 v5  }
0x2f4: {  	v5 =	vunpack.i.u.bf16.f32 v5;
	v7 =	vadd.f32 v9, v7;
	v3 =	vadd.f32 v3, v6  }
0x2f5: {  	v4 =	vadd.f32 v5, v4;
	v5 =	vunpack.i.l.bf16.f32 v2;
	v1 =	vadd.f32 v8, v1  }
0x2f6: {  	v2 =	vunpack.i.u.bf16.f32 v2;
	v5 =	vadd.f32 v5, v7;
	[tilespmem:$0xDAE0] =	vst v3  }
0x2f7: {  	v2 =	vadd.f32 v2, v4;
	[tilespmem:$0xDAF0] =	vst v1  }
0x2f8: {  	[tilespmem:$0xDB00] =	vst v5  }
0x2f9: {  	s24 =	simm.s32 $0x0;
	[tilespmem:$0xDB10] =	vst v2  }
0x2fa: {  	v1 =	vld [tilespmem:s24+$0xBEE0]  }
0x2fb: {  	v4 =	vld [tilespmem:s24+$0xBF00]  }
0x2fc: {  	v5 =	vld [tilespmem:s24+$0xBEF0]  }
0x2fd: {  	v7 =	vld [tilespmem:s24+$0xBEA0]  }
0x2fe: {  	v8 =	vld [tilespmem:s24+$0xBEC0]  }
0x2ff: {  	v9 =	vld [tilespmem:s24+$0xBEB0]  }
0x300: {  	v10 =	vld [tilespmem:s24+$0xBED0]  }
0x301: {  	v11 =	vld [tilespmem:s24+$0xBF10]  }
0x302: {  	s22 =	simm.s32 $0x80  }
0x303: {  	v3 =	vld [tilespmem:s22+$0xBEE0]  }
0x304: {  	v6 =	vld [tilespmem:s22+$0xBF00]  }
0x305: {  	v2 =	vld [tilespmem:s22+$0xBEF0];
	v12 =	vadd.bf16 v4, v1;
	v13 =	vadd.bf16 v8, v7  }
0x306: {  	v7 =	vimm.f32 $0.0e+00;
	v1 =	vld [tilespmem:s22+$0xBEA0];
	v9 =	vadd.bf16 v10, v9;
	v8 =	vadd.bf16 v11, v5  }
0x307: {  	v4 =	vld [tilespmem:s22+$0xBEC0];
	v10 =	vunpack.i.u.bf16.f32 v12;
	v11 =	vunpack.i.l.bf16.f32 v12;
	v12 =	vunpack.i.u.bf16.f32 v13  }
0x308: {  	v5 =	vld [tilespmem:s22+$0xBEB0];
	v14 =	vunpack.i.l.bf16.f32 v13;
	v13 =	vunpack.i.u.bf16.f32 v9;
	v16 =	vunpack.i.l.bf16.f32 v9  }
0x309: {  	s23 =	simm.s32 $0x400;
	v9 =	vld [tilespmem:s22+$0xBED0];
	v14 =	vadd.f32 v14, v7;
	v15 =	vadd.f32 v12, v7;
	v12 =	vimm.f32 $0.0e+00  }
.LBB2_41:
0x30a: {  	p1 =	sne.s32 s23, $0x3000;
	v17 =	vld [tilespmem:s22+$0xBF10];
	s22 =	sshra.s32 s23, $0x2;
	v7 =	vadd.f32 v16, v7;
	v12 =	vadd.f32 v13, v12;
	v13 =	vunpack.i.u.bf16.f32 v8;
	v16 =	vmovc v2  }
0x30b: {  	v2 =	vunpack.i.l.bf16.f32 v8;
	v18 =	vld [tilespmem:s22+$0xBEE0];
	v14 =	vadd.f32 v11, v14;
	v15 =	vadd.f32 v10, v15  }
0x30c: {  	v19 =	vld [tilespmem:s22+$0xBF00];
	v7 =	vadd.f32 v2, v7;
	v12 =	vadd.f32 v13, v12  }
.Ltmp19:
0x30d: {  	v21 =	vadd.bf16 v6, v3;
	v2 =	vld [tilespmem:s22+$0xBEF0];
	(pc) =	sbr.rel @p1 .LBB2_41-.Ltmp19, $4  }
0x30e: {  	v22 =	vadd.bf16 v4, v1;
	v1 =	vld [tilespmem:s22+$0xBEA0];
	v20 =	vadd.bf16 v9, v5  }
0x30f: {  	v10 =	vunpack.i.u.bf16.f32 v21;
	v11 =	vunpack.i.l.bf16.f32 v21;
	v4 =	vld [tilespmem:s22+$0xBEC0];
	v8 =	vadd.bf16 v17, v16  }
0x310: {  	v21 =	vunpack.i.l.bf16.f32 v22;
	v17 =	vunpack.i.u.bf16.f32 v22;
	v5 =	vld [tilespmem:s22+$0xBEB0];
	v13 =	vunpack.i.u.bf16.f32 v20;
	v3 =	vmovc v18  }
0x311: {  	s23 =	sadd.s32 $0x200, s23;
	v14 =	vadd.f32 v21, v14;
	v16 =	vunpack.i.l.bf16.f32 v20;
	v15 =	vadd.f32 v17, v15;
	v9 =	vld [tilespmem:s22+$0xBED0];
	v6 =	vmovc v19  }
0x312: {  	v7 =	vadd.f32 v16, v7;
	v12 =	vadd.f32 v13, v12  }
0x313: {  	v17 =	vld [tilespmem:s22+$0xBF10];
	v13 =	vunpack.i.l.bf16.f32 v8;
	v3 =	vadd.bf16 v6, v3;
	v11 =	vadd.f32 v11, v14  }
0x314: {  	v8 =	vunpack.i.u.bf16.f32 v8;
	v10 =	vadd.f32 v10, v15;
	v1 =	vadd.bf16 v4, v1  }
0x315: {  	v7 =	vadd.f32 v13, v7;
	v4 =	vadd.f32 v8, v12  }
0x316: {  	v8 =	vunpack.i.u.bf16.f32 v3;
	v5 =	vadd.bf16 v9, v5;
	v6 =	vunpack.i.l.bf16.f32 v1  }
0x317: {  	v3 =	vunpack.i.l.bf16.f32 v3;
	v1 =	vunpack.i.u.bf16.f32 v1;
	v6 =	vadd.f32 v6, v11  }
0x318: {  	v2 =	vadd.bf16 v17, v2;
	v1 =	vadd.f32 v1, v10;
	v9 =	vunpack.i.l.bf16.f32 v5  }
0x319: {  	v5 =	vunpack.i.u.bf16.f32 v5;
	v7 =	vadd.f32 v9, v7;
	v3 =	vadd.f32 v3, v6  }
0x31a: {  	v4 =	vadd.f32 v5, v4;
	v5 =	vunpack.i.l.bf16.f32 v2;
	v1 =	vadd.f32 v8, v1  }
0x31b: {  	v2 =	vunpack.i.u.bf16.f32 v2;
	v5 =	vadd.f32 v5, v7;
	[tilespmem:$0xDB20] =	vst v3  }
0x31c: {  	v2 =	vadd.f32 v2, v4;
	[tilespmem:$0xDB30] =	vst v1  }
0x31d: {  	[tilespmem:$0xDB40] =	vst v5  }
0x31e: {  	s24 =	simm.s32 $0x0;
	[tilespmem:$0xDB50] =	vst v2  }
0x31f: {  	v1 =	vld [tilespmem:s24+$0xCB60]  }
0x320: {  	v4 =	vld [tilespmem:s24+$0xCB80]  }
0x321: {  	v5 =	vld [tilespmem:s24+$0xCB70]  }
0x322: {  	v7 =	vld [tilespmem:s24+$0xCB20]  }
0x323: {  	v8 =	vld [tilespmem:s24+$0xCB40]  }
0x324: {  	v9 =	vld [tilespmem:s24+$0xCB30]  }
0x325: {  	v10 =	vld [tilespmem:s24+$0xCB50]  }
0x326: {  	v11 =	vld [tilespmem:s24+$0xCB90]  }
0x327: {  	s22 =	simm.s32 $0x80  }
0x328: {  	v3 =	vld [tilespmem:s22+$0xCB60]  }
0x329: {  	v6 =	vld [tilespmem:s22+$0xCB80]  }
0x32a: {  	v2 =	vld [tilespmem:s22+$0xCB70];
	v12 =	vadd.bf16 v4, v1;
	v13 =	vadd.bf16 v8, v7  }
0x32b: {  	v7 =	vimm.f32 $0.0e+00;
	v1 =	vld [tilespmem:s22+$0xCB20];
	v9 =	vadd.bf16 v10, v9;
	v8 =	vadd.bf16 v11, v5  }
0x32c: {  	v4 =	vld [tilespmem:s22+$0xCB40];
	v10 =	vunpack.i.u.bf16.f32 v12;
	v11 =	vunpack.i.l.bf16.f32 v12;
	v12 =	vunpack.i.u.bf16.f32 v13  }
0x32d: {  	v5 =	vld [tilespmem:s22+$0xCB30];
	v14 =	vunpack.i.l.bf16.f32 v13;
	v13 =	vunpack.i.u.bf16.f32 v9;
	v16 =	vunpack.i.l.bf16.f32 v9  }
0x32e: {  	s23 =	simm.s32 $0x400;
	v9 =	vld [tilespmem:s22+$0xCB50];
	v14 =	vadd.f32 v14, v7;
	v15 =	vadd.f32 v12, v7;
	v12 =	vimm.f32 $0.0e+00  }
.LBB2_43:
0x32f: {  	p1 =	sne.s32 s23, $0x3000;
	v17 =	vld [tilespmem:s22+$0xCB90];
	s22 =	sshra.s32 s23, $0x2;
	v7 =	vadd.f32 v16, v7;
	v12 =	vadd.f32 v13, v12;
	v13 =	vunpack.i.u.bf16.f32 v8;
	v16 =	vmovc v2  }
0x330: {  	v2 =	vunpack.i.l.bf16.f32 v8;
	v18 =	vld [tilespmem:s22+$0xCB60];
	v14 =	vadd.f32 v11, v14;
	v15 =	vadd.f32 v10, v15  }
0x331: {  	v19 =	vld [tilespmem:s22+$0xCB80];
	v7 =	vadd.f32 v2, v7;
	v12 =	vadd.f32 v13, v12  }
.Ltmp20:
0x332: {  	v21 =	vadd.bf16 v6, v3;
	v2 =	vld [tilespmem:s22+$0xCB70];
	(pc) =	sbr.rel @p1 .LBB2_43-.Ltmp20, $4  }
0x333: {  	v22 =	vadd.bf16 v4, v1;
	v1 =	vld [tilespmem:s22+$0xCB20];
	v20 =	vadd.bf16 v9, v5  }
0x334: {  	v10 =	vunpack.i.u.bf16.f32 v21;
	v11 =	vunpack.i.l.bf16.f32 v21;
	v4 =	vld [tilespmem:s22+$0xCB40];
	v8 =	vadd.bf16 v17, v16  }
0x335: {  	v21 =	vunpack.i.l.bf16.f32 v22;
	v17 =	vunpack.i.u.bf16.f32 v22;
	v5 =	vld [tilespmem:s22+$0xCB30];
	v13 =	vunpack.i.u.bf16.f32 v20;
	v3 =	vmovc v18  }
0x336: {  	s23 =	sadd.s32 $0x200, s23;
	v14 =	vadd.f32 v21, v14;
	v16 =	vunpack.i.l.bf16.f32 v20;
	v15 =	vadd.f32 v17, v15;
	v9 =	vld [tilespmem:s22+$0xCB50];
	v6 =	vmovc v19  }
0x337: {  	v7 =	vadd.f32 v16, v7;
	v12 =	vadd.f32 v13, v12  }
0x338: {  	v17 =	vld [tilespmem:s22+$0xCB90];
	v58 =	vunpack.i.l.bf16.f32 v8;
	v3 =	vadd.bf16 v6, v3;
	v11 =	vadd.f32 v11, v14  }
0x339: {  	v59 =	vunpack.i.u.bf16.f32 v8;
	v10 =	vadd.f32 v10, v15;
	v1 =	vadd.bf16 v4, v1  }
0x33a: {  	v7 =	vadd.f32 v58, v7;
	v60 =	vadd.f32 v59, v12  }
0x33b: {  	v62 =	vunpack.i.u.bf16.f32 v3;
	v5 =	vadd.bf16 v9, v5;
	v61 =	vunpack.i.l.bf16.f32 v1  }
0x33c: {  	v3 =	vunpack.i.l.bf16.f32 v3;
	v1 =	vunpack.i.u.bf16.f32 v1;
	v6 =	vadd.f32 v61, v11  }
0x33d: {  	v2 =	vadd.bf16 v17, v2;
	v1 =	vadd.f32 v1, v10;
	v9 =	vunpack.i.l.bf16.f32 v5  }
0x33e: {  	s20 =	sadd.s32 $0x1, s20;
	v5 =	vunpack.i.u.bf16.f32 v5;
	v7 =	vadd.f32 v9, v7;
	v3 =	vadd.f32 v3, v6  }
0x33f: {  	p1 =	sne.s32 s20, $0x64;
	v4 =	vadd.f32 v5, v60;
	v63 =	vunpack.i.l.bf16.f32 v2;
	v1 =	vadd.f32 v62, v1  }
.Ltmp21:
0x340: {  	v2 =	vunpack.i.u.bf16.f32 v2;
	v5 =	vadd.f32 v63, v7;
	[tilespmem:$0xDB60] =	vst v3;
	(pc) =	sbr.rel @p1 .LBB2_6-.Ltmp21, $4  }
0x341: {  	s21 =	sadd.s32 s21, s11;
	v2 =	vadd.f32 v2, v4;
	[tilespmem:$0xDB70] =	vst v1  }
0x342: {  	s21 =	sshrl.u32 s21, $0x3;
	[tilespmem:$0xDB80] =	vst v5  }
0x343: {  	s21 =	sadd.s32 s1, s21;
	[tilespmem:$0xDB90] =	vst v2  }
0x344: {  	[hbm4b:s21+s3] =	stream.linear.scatter [tilespmem:s19], [sflag:$0x6], $0x200, $0x38;
	[tilespmem:$0x129C0] =	vst v63  }
0x345: {  	s20 =	simm.s32 $0x5  }
0x346: {  	_ =	swait.ge [sflag:s20], $0x200  }
0x347: {  	[sflag:s20] =	ssyncset.done $0x0  }
0x348: {  	s21 =	simm.s32 $0x6;
	[sflag:s20] =	ssyncadd.s32 $0xFFFFFE00  }
0x349: {  	_ =	swait.ge [sflag:s21], $0x200  }
0x34a: {  	s22 =	rddreg [dreg:$0xa]  }
0x34b: {  	s24 =	rddreg [dreg:$0x8];
	s22 =	sadd.s32 $0x1, s22  }
0x34c: {  	p1 =	sne.s32 s22, s24  }
.Ltmp22:
0x34d: {  	_ = 	snop;
	(pc) =	sbr.rel @p1 .LBB2_1-.Ltmp22, $3  }
0x34e: {  	_ =	sdelay $0x1  }
0x34f: {  	[sflag:s21] =	ssyncset.done $0x0  }
0x350: {  	[sflag:s21] =	ssyncadd.s32 $0xFFFFFE00  }
0x351: {  	_ =	sfence.sel $0x180000  }
0x352: {  	[bflag:$0x0] =	sbarrier.arrive $0xFFFF  }
0x353: {  	_ =	strace $0x90000047  }
0x354: {  	[bflag:$0x2] =	sbarrier.arrive $0xFFFF  }
0x355: {  	s0 =	rddreg [dreg:$0x3]  }
0x356: {  	s0 =	sadd.s32 @!p0 $0x100000, s0  }
0x357: {  	[sflag:s0] =	ssyncadd.tile.s32 @!p0 $0x1;
	_ =	shalt  }
.Lfunc_end2:
_tile_overlayer_lowered:
.L_overlay_start_2:
0x358: {  	(tag) =	ssettag $0x2  }
0x359: {  	s0 =	rddreg [dreg:$0x0];
	s2 =	stileid.u32  }
0x35a: {  	s1 =	rddreg [dreg:$0x1];
	p0 =	sne.s32 s2, $0x0  }
0x35b: {  	s3 =	rddreg [dreg:$0x2];
	[bflag:$0x3] =	sbarrier.arrive $0xFFFF;
	s2 =	simm.s32 @!p0 $0x1C07  }
0x35c: {  	[timem:s3], [sflag:s2] =	dma.local @!p0 [hbm:s0], s1  }
0x35d: {  	s0 =	simm.s32 @!p0 $0x7  }
0x35e: {  	_ =	swait.ge @!p0 [sflag:s0], s1  }
0x35f: {  	s1 =	ssub.s32 @!p0 $0x0, s1;
	[sflag:s0] =	ssyncset.done @!p0 $0x0  }
0x360: {  	[sflag:s0] =	ssyncadd.s32 @!p0 s1  }
0x361: {  	[bflag:$0x3] =	sbarrier.arrive $0xFFFF  }
0x362: {  	_ =	shalt  }

</sc_bundles>
